<compile_context>
chip_gen: v7x
topology: tpu7x:2x2x1
jax: 0.10.2.dev20260603
libtpu: 0.0.44.dev20260713+nightly
codegen_flags: <defaults>
</compile_context>

<pallas_src>
import functools

import jax
import jax.numpy as jnp
from jax import lax
from jax.experimental import pallas as pl
from jax.experimental.pallas import tpu as pltpu
from jax.experimental.pallas import tpu_sc as plsc

N = 10000
C = 128
NC = 2
NS = 16
ZR = 48
RPT = 624
TAIL = N - NS * RPT
K = 80



def _mm_pm_body(x_ref, w_ref, op_ref, on_ref):
    a = jnp.dot(x_ref[...], w_ref[...], preferred_element_type=jnp.float32)
    op_ref[...] = a
    on_ref[...] = -a


def _sig_mm_body(x_ref, w_ref, o_ref):
    s = jax.nn.sigmoid(x_ref[...])
    o_ref[...] = jnp.dot(s, w_ref[...], preferred_element_type=jnp.float32)


def _sum_mm_sig_body(a_ref, b_ref, w_ref, o_ref):
    o_ref[...] = jax.nn.sigmoid(
        jnp.dot(a_ref[...] + b_ref[...], w_ref[...],
                preferred_element_type=jnp.float32))


def _final_body(a_ref, b_ref, w_ref, p_ref, n_ref, o_ref):
    o_ref[...] = jax.nn.sigmoid(
        jnp.dot(a_ref[...] + b_ref[...], w_ref[...],
                preferred_element_type=jnp.float32)
        + p_ref[...] - n_ref[...])


def _row_spec(blk):
    return pl.BlockSpec((blk, C), lambda i: (i, 0))


def _w_spec():
    return pl.BlockSpec((C, C), lambda i: (0, 0))


def _tc_pm(x, w, blk):
    rows = x.shape[0]
    return pl.pallas_call(
        _mm_pm_body,
        grid=(rows // blk,),
        in_specs=[_row_spec(blk), _w_spec()],
        out_specs=[_row_spec(blk), _row_spec(blk)],
        out_shape=[jax.ShapeDtypeStruct((rows, C), jnp.float32)] * 2,
    )(x, w)


def _tc_sig_mm(x, w, blk):
    rows = x.shape[0]
    return pl.pallas_call(
        _sig_mm_body,
        grid=(rows // blk,),
        in_specs=[_row_spec(blk), _w_spec()],
        out_specs=_row_spec(blk),
        out_shape=jax.ShapeDtypeStruct((rows, C), jnp.float32),
    )(x, w)


def _tc_sum_mm_sig(a, b, w, blk):
    rows = a.shape[0]
    return pl.pallas_call(
        _sum_mm_sig_body,
        grid=(rows // blk,),
        in_specs=[_row_spec(blk), _row_spec(blk), _w_spec()],
        out_specs=_row_spec(blk),
        out_shape=jax.ShapeDtypeStruct((rows, C), jnp.float32),
    )(a, b, w)


def _tc_final(a, b, w, p, n, blk):
    rows = a.shape[0]
    return pl.pallas_call(
        _final_body,
        grid=(rows // blk,),
        in_specs=[_row_spec(blk), _row_spec(blk), _w_spec(),
                  _row_spec(blk), _row_spec(blk)],
        out_specs=_row_spec(blk),
        out_shape=jax.ShapeDtypeStruct((rows, C), jnp.float32),
    )(a, b, w, p, n)



def _zero_acc_slice(acc, zbuf, tid, sem):

    def zb(i, _):
        zbuf[i // (C // 16), pl.ds((i % (C // 16)) * 16, 16)] = (
            jnp.zeros((16,), jnp.float32))
        return 0

    lax.fori_loop(0, ZR * (C // 16), zb, 0)

    def zcopy(i, _):
        pltpu.async_copy(zbuf, acc.at[pl.ds(tid * RPT + i * ZR, ZR)], sem)
        return 0

    lax.fori_loop(0, RPT // ZR, zcopy, 0)

    def zdrain(i, _):
        pltpu.make_async_copy(zbuf, acc.at[pl.ds(tid * RPT + i * ZR, ZR)],
                              sem).wait()
        return 0

    lax.fori_loop(0, RPT // ZR, zdrain, 0)

    @pl.when(tid == NS - 1)
    def _():
        pltpu.sync_copy(zbuf.at[pl.ds(0, TAIL)], acc.at[pl.ds(NS * RPT, TAIL)])


def _acc_writeback(acc, out_hbm, tid):
    pltpu.sync_copy(acc.at[pl.ds(tid * RPT, RPT)],
                    out_hbm.at[pl.ds(tid * RPT, RPT)])

    @pl.when(tid == NS - 1)
    def _():
        pltpu.sync_copy(acc.at[pl.ds(NS * RPT, TAIL)],
                        out_hbm.at[pl.ds(NS * RPT, TAIL)])


def _ring_scatter(read_src_fn, didx_hbm, acc, rows0, rows1, didx0, didx1,
                  semg0, semg1, semi0, semi1, nch, base_t):

    def issue_read(i, rows, semg):
        pltpu.async_copy(read_src_fn(i), rows, semg)

    def wait_read(i, rows, semg):
        pltpu.make_async_copy(read_src_fn(i), rows, semg).wait()

    def issue_didx(i, didx, semi):
        pltpu.async_copy(didx_hbm.at[pl.ds(base_t + i * K, K)], didx, semi)

    def wait_didx(i, didx, semi):
        pltpu.make_async_copy(didx_hbm.at[pl.ds(base_t + i * K, K)], didx,
                              semi).wait()

    issue_didx(0, didx0, semi0)
    issue_read(0, rows0, semg0)

    def body(g, _):
        i0 = 2 * g
        i1 = i0 + 1
        issue_didx(i1, didx1, semi1)
        issue_read(i1, rows1, semg1)
        wait_read(i0, rows0, semg0)
        wait_didx(i0, didx0, semi0)
        pltpu.sync_copy(rows0, acc.at[didx0], add=True)

        @pl.when(i1 + 1 < nch)
        def _():
            issue_didx(i1 + 1, didx0, semi0)
            issue_read(i1 + 1, rows0, semg0)

        wait_read(i1, rows1, semg1)
        wait_didx(i1, didx1, semi1)
        pltpu.sync_copy(rows1, acc.at[didx1], add=True)
        return 0

    lax.fori_loop(0, nch // 2, body, 0)
    if nch % 2 == 1:
        i = nch - 1
        wait_read(i, rows0, semg0)
        wait_didx(i, didx0, semi0)
        pltpu.sync_copy(rows0, acc.at[didx0], add=True)


def _gather_diff_range(pos_hbm, neg_hbm, iv_hbm, iu_hbm, out_hbm, iall,
                       rows0, rows1, semg0, semg1, sema0, sema1, semw0,
                       semw1, base_t, ept):
    nch = ept // K
    pltpu.sync_copy(iv_hbm.at[pl.ds(base_t, ept)], iall.at[pl.ds(0, ept)])
    pltpu.sync_copy(iu_hbm.at[pl.ds(base_t, ept)], iall.at[pl.ds(ept, ept)])

    def g1_src(i):
        return pos_hbm.at[iall.at[pl.ds(i * K, K)]]

    def g2_src(i):
        return neg_hbm.at[iall.at[pl.ds(ept + i * K, K)]]

    def out_dst(i):
        return out_hbm.at[pl.ds(base_t + i * K, K)]

    pltpu.async_copy(g1_src(0), rows0, semg0)

    def body(g, _):
        i0 = 2 * g
        i1 = i0 + 1
        pltpu.make_async_copy(g1_src(i0), rows0, semg0).wait()
        pltpu.async_copy(g2_src(i0), rows0, sema0, add=True)

        @pl.when(g > 0)
        def _():
            pltpu.make_async_copy(rows1, out_dst(i1 - 2), semw1).wait()

        pltpu.async_copy(g1_src(i1), rows1, semg1)
        pltpu.make_async_copy(g2_src(i0), rows0, sema0).wait()
        pltpu.async_copy(rows0, out_dst(i0), semw0)
        pltpu.make_async_copy(g1_src(i1), rows1, semg1).wait()
        pltpu.async_copy(g2_src(i1), rows1, sema1, add=True)

        @pl.when(i1 + 1 < nch)
        def _():
            pltpu.make_async_copy(rows0, out_dst(i0), semw0).wait()
            pltpu.async_copy(g1_src(i1 + 1), rows0, semg0)

        pltpu.make_async_copy(g2_src(i1), rows1, sema1).wait()
        pltpu.async_copy(rows1, out_dst(i1), semw1)
        return 0

    lax.fori_loop(0, nch // 2, body, 0)
    if nch % 2 == 1:
        i = nch - 1
        pltpu.make_async_copy(g1_src(i), rows0, semg0).wait()
        pltpu.async_copy(g2_src(i), rows0, sema0, add=True)
        pltpu.make_async_copy(g2_src(i), rows0, sema0).wait()
        pltpu.async_copy(rows0, out_dst(i), semw0)
        pltpu.make_async_copy(rows0, out_dst(i), semw0).wait()
        pltpu.make_async_copy(rows1, out_dst(i - 1), semw1).wait()
    else:
        pltpu.make_async_copy(rows0, out_dst(nch - 2), semw0).wait()
        pltpu.make_async_copy(rows1, out_dst(nch - 1), semw1).wait()



def _sc_adj(table, adj_src, adj_dst):
    EA = adj_src.shape[0]
    ept = EA // (NC * NS)
    mesh = plsc.VectorSubcoreMesh(core_axis_name="c", subcore_axis_name="s")

    @functools.partial(
        pl.kernel,
        out_type=[jax.ShapeDtypeStruct((N, C), jnp.float32),
                  jax.ShapeDtypeStruct((N, C), jnp.float32)],
        mesh=mesh,
        scratch_types=[
            pltpu.VMEM_SHARED((N, C), jnp.float32),
            pltpu.VMEM((ept,), jnp.int32),
            pltpu.VMEM((K, C), jnp.float32),
            pltpu.VMEM((K, C), jnp.float32),
            pltpu.VMEM((K,), jnp.int32),
            pltpu.VMEM((K,), jnp.int32),
            pltpu.VMEM((ZR, C), jnp.float32),
            [pltpu.SemaphoreType.DMA] * 5,
        ],
    )
    def k(t_hbm, asrc_hbm, adst_hbm, p0_hbm, p1_hbm, acc, iall, rows0,
          rows1, didx0, didx1, zbuf, sems):
        cid = lax.axis_index("c")
        tid = lax.axis_index("s")
        nch = ept // K
        base_t = (cid * NS + tid) * ept
        ia = pltpu.async_copy(asrc_hbm.at[pl.ds(base_t, ept)],
                              iall.at[pl.ds(0, ept)], sems[0])
        _zero_acc_slice(acc, zbuf, tid, sems[4])
        ia.wait()
        plsc.subcore_barrier()

        def read_src(i):
            return t_hbm.at[iall.at[pl.ds(i * K, K)]]

        _ring_scatter(read_src, adst_hbm, acc, rows0, rows1, didx0, didx1,
                      sems[0], sems[1], sems[2], sems[3], nch, base_t)
        plsc.subcore_barrier()

        @pl.when(cid == 0)
        def _():
            _acc_writeback(acc, p0_hbm, tid)

        @pl.when(cid == 1)
        def _():
            _acc_writeback(acc, p1_hbm, tid)

    return k(table, adj_src, adj_dst)


def _sc_gdiff(xw2, xw2n, inc_v, inc_u):
    EI = inc_v.shape[0]
    e0 = 5040
    e1 = 4960
    split = NS * e0
    assert NS * (e0 + e1) == EI
    mesh = plsc.VectorSubcoreMesh(core_axis_name="c", subcore_axis_name="s")

    @functools.partial(
        pl.kernel,
        out_type=jax.ShapeDtypeStruct((EI, C), jnp.float32),
        mesh=mesh,
        scratch_types=[
            pltpu.VMEM((2 * e0,), jnp.int32),
            pltpu.VMEM((K, C), jnp.float32),
            pltpu.VMEM((K, C), jnp.float32),
            [pltpu.SemaphoreType.DMA] * 6,
        ],
    )
    def k(xw2_hbm, xw2n_hbm, iv_hbm, iu_hbm, epre_hbm, iall, rows0, rows1,
          sems):
        cid = lax.axis_index("c")
        tid = lax.axis_index("s")

        @pl.when(cid == 0)
        def _():
            _gather_diff_range(xw2_hbm, xw2n_hbm, iv_hbm, iu_hbm, epre_hbm,
                               iall, rows0, rows1, sems[0], sems[1], sems[2],
                               sems[3], sems[4], sems[5], tid * e0, e0)

        @pl.when(cid == 1)
        def _():
            _gather_diff_range(xw2_hbm, xw2n_hbm, iv_hbm, iu_hbm, epre_hbm,
                               iall, rows0, rows1, sems[0], sems[1], sems[2],
                               sems[3], sems[4], sems[5], split + tid * e1,
                               e1)

    return k(xw2, xw2n, inc_v, inc_u)


def _sc_inc_scatter(ew, inc_v, inc_u):
    EI = inc_v.shape[0]
    ept = EI // NS
    mesh = plsc.VectorSubcoreMesh(core_axis_name="c", subcore_axis_name="s")

    @functools.partial(
        pl.kernel,
        out_type=[jax.ShapeDtypeStruct((N, C), jnp.float32),
                  jax.ShapeDtypeStruct((N, C), jnp.float32)],
        mesh=mesh,
        scratch_types=[
            pltpu.VMEM_SHARED((N, C), jnp.float32),
            pltpu.VMEM((K, C), jnp.float32),
            pltpu.VMEM((K, C), jnp.float32),
            pltpu.VMEM((K,), jnp.int32),
            pltpu.VMEM((K,), jnp.int32),
            pltpu.VMEM((ZR, C), jnp.float32),
            [pltpu.SemaphoreType.DMA] * 5,
        ],
    )
    def k(ew_hbm, iv_hbm, iu_hbm, e2p_hbm, e2n_hbm, acc, rows0, rows1,
          didx0, didx1, zbuf, sems):
        cid = lax.axis_index("c")
        tid = lax.axis_index("s")
        nch = ept // K
        base_t = tid * ept
        _zero_acc_slice(acc, zbuf, tid, sems[4])
        plsc.subcore_barrier()

        def read_src(i):
            return ew_hbm.at[pl.ds(base_t + i * K, K)]

        @pl.when(cid == 0)
        def _():
            _ring_scatter(read_src, iv_hbm, acc, rows0, rows1, didx0, didx1,
                          sems[0], sems[1], sems[2], sems[3], nch, base_t)

        @pl.when(cid == 1)
        def _():
            _ring_scatter(read_src, iu_hbm, acc, rows0, rows1, didx0, didx1,
                          sems[0], sems[1], sems[2], sems[3], nch, base_t)

        plsc.subcore_barrier()

        @pl.when(cid == 0)
        def _():
            _acc_writeback(acc, e2p_hbm, tid)

        @pl.when(cid == 1)
        def _():
            _acc_writeback(acc, e2n_hbm, tid)

    return k(ew, inc_v, inc_u)



def kernel(x, adj_src, adj_dst, inc_u, inc_v, W1, W2, W3, W4):
    xw2, xw2n = _tc_pm(x, W2, blk=1000)
    gxp0, gxp1 = _sc_adj(x, adj_src, adj_dst)
    e_pre = _sc_gdiff(xw2, xw2n, inc_v, inc_u)
    n1 = _tc_sum_mm_sig(gxp0, gxp1, W1, blk=1000)
    ew = _tc_sig_mm(e_pre, W4, blk=2000)
    gnp0, gnp1 = _sc_adj(n1, adj_src, adj_dst)
    e2p, e2n = _sc_inc_scatter(ew, inc_v, inc_u)
    return _tc_final(gnp0, gnp1, W3, e2p, e2n, blk=1000)

# --- scband reference (transcript-rebuilt; emitter-appended) ---
"""Pipeline reference for scband-hsnlayer-88553635709623 (READ-ONLY COPY).

The authoritative reference and input builder live on the scoring server;
editing this copy changes nothing except your own understanding.
"""

import jax, jax.numpy as jnp
import numpy as np

N = 10000
E_ADJ = 320000
E_INC = 160000
C = 128

def setup_inputs(seed: int = 0):
    key = jax.random.key(seed)
    ks = jax.random.split(key, 9)
    x = jax.random.normal(ks[0], (N, C), dtype=jnp.float32)
    adj_src = jax.random.randint(ks[1], (E_ADJ,), 0, N, dtype=jnp.int32)
    adj_dst = jax.random.randint(ks[2], (E_ADJ,), 0, N, dtype=jnp.int32)
    inc_u = jax.random.randint(ks[3], (E_INC,), 0, N, dtype=jnp.int32)
    inc_v = jax.random.randint(ks[4], (E_INC,), 0, N, dtype=jnp.int32)
    scale = 1.0 / np.sqrt(C)
    W1 = jax.random.normal(ks[5], (C, C), dtype=jnp.float32) * scale
    W2 = jax.random.normal(ks[6], (C, C), dtype=jnp.float32) * scale
    W3 = jax.random.normal(ks[7], (C, C), dtype=jnp.float32) * scale
    W4 = jax.random.normal(ks[8], (C, C), dtype=jnp.float32) * scale
    return {"x": x, "adj_src": adj_src, "adj_dst": adj_dst, "inc_u": inc_u, "inc_v": inc_v, "W1": W1, "W2": W2, "W3": W3, "W4": W4}

def reference(x, adj_src, adj_dst, inc_u, inc_v, W1, W2, W3, W4):
    # Conv(neighborhood, W): y = neighborhood @ (x @ W), optional sigmoid update
    def spmm_adj(h):
        # A_0 @ h : gather rows at adj_src, scatter-add at adj_dst
        return jax.ops.segment_sum(jnp.take(h, adj_src, axis=0), adj_dst, num_segments=N)
    # level 1: nodes -> nodes (sigmoid)
    x_nodes_level1 = jax.nn.sigmoid(spmm_adj(x @ W1))
    # level 1: nodes -> edges via B_1^T (sigmoid); row e = h[v_e] - h[u_e]
    xw2 = x @ W2
    x_edges_level1 = jax.nn.sigmoid(jnp.take(xw2, inc_v, axis=0) - jnp.take(xw2, inc_u, axis=0))
    # level 2: nodes -> nodes (no update)
    x_nodes_level2 = spmm_adj(x_nodes_level1 @ W3)
    # level 2: edges -> nodes via B_1 (no update); scatter +at v, -at u
    ew = x_edges_level1 @ W4
    x_edges_level2 = jax.ops.segment_sum(ew, inc_v, num_segments=N) - jax.ops.segment_sum(ew, inc_u, num_segments=N)
    # aggregation on nodes: sum then sigmoid
    return jax.nn.sigmoid(x_nodes_level2 + x_edges_level2)

if __name__ == "__main__":
    import jax
    _d = setup_inputs()
    print(jax.jit(kernel)(*tuple(_d.values())))

</pallas_src>

<mosaic_0001>
#map = affine_map<(d0, d1) -> (0, 0)>
#map1 = affine_map<(d0, d1) -> (0)>
module attributes {stable_mosaic.version = 14 : i64} {
  func.func @k(%arg0: i32, %arg1: i32, %arg2: memref<10000x128xf32, #tpu.memory_space<hbm>>, %arg3: memref<10000x128xf32, #tpu.memory_space<hbm>>, %arg4: memref<160000xi32, #tpu.memory_space<hbm>>, %arg5: memref<160000xi32, #tpu.memory_space<hbm>>, %arg6: memref<160000x128xf32, #tpu.memory_space<hbm>>, %arg7: memref<10080xi32, #tpu.memory_space<vmem>>, %arg8: memref<80x128xf32, #tpu.memory_space<vmem>>, %arg9: memref<80x128xf32, #tpu.memory_space<vmem>>, %arg10: memref<!tpu.dma_semaphore, #tpu.memory_space<semaphore_mem>>, %arg11: memref<!tpu.dma_semaphore, #tpu.memory_space<semaphore_mem>>, %arg12: memref<!tpu.dma_semaphore, #tpu.memory_space<semaphore_mem>>, %arg13: memref<!tpu.dma_semaphore, #tpu.memory_space<semaphore_mem>>, %arg14: memref<!tpu.dma_semaphore, #tpu.memory_space<semaphore_mem>>, %arg15: memref<!tpu.dma_semaphore, #tpu.memory_space<semaphore_mem>>) attributes {dimension_semantics = [#tpu.dimension_semantics<core_parallel>, #tpu.dimension_semantics<subcore_parallel>], iteration_bounds = array<i64: 2, 16>, scalar_prefetch = 0 : i64, scratch_operands = 9 : i64, tpu.core_type = #tpu.core_type<sc_vector_subcore>, window_params = [{transform_indices = #map}, {transform_indices = #map}, {transform_indices = #map1}, {transform_indices = #map1}, {transform_indices = #map}]} {
    %eq3A = arith.constant 0 : i32
    %eq3A_0 = arith.cmpi eq, %arg0, %eq3A : i32
    %convert_element_type3A = arith.extui %eq3A_0 : i1 to i32
    %cond3A = arith.constant 0 : i32
    %cond3A_1 = arith.cmpi ne, %convert_element_type3A, %cond3A : i32
    scf.if %cond3A_1 {
      %mul3A = arith.constant 5040 : i32
      %mul3A_7 = arith.muli %arg1, %mul3A : i32
      "tpu.region"() ({
        %run_scoped3A = tpu.sem_alloc : memref<!tpu.dma_semaphore, #tpu.memory_space<semaphore_mem>>
        %dma_start3A_49 = arith.constant 0 : i32
        %dma_start3A_50 = tpu.memref_slice %arg7[%dma_start3A_49] : memref<10080xi32, #tpu.memory_space<vmem>> -> memref<5040xi32, #tpu.memory_space<vmem>>
        %dma_start3A_51 = tpu.memref_slice %arg4[%mul3A_7] : memref<160000xi32, #tpu.memory_space<hbm>> -> memref<5040xi32, #tpu.memory_space<hbm>>
        %dma_start3A_52 = arith.constant 0 : i32
        %dma_start3A_53 = tpu.memref_slice %arg7[%dma_start3A_52] : memref<10080xi32, #tpu.memory_space<vmem>> -> memref<5040xi32, #tpu.memory_space<vmem>>
        %dma_start3A_54 = tpu.memref_slice %arg4[%mul3A_7] : memref<160000xi32, #tpu.memory_space<hbm>> -> memref<5040xi32, #tpu.memory_space<hbm>>
        tpu.enqueue_dma source(%dma_start3A_54 : memref<5040xi32, #tpu.memory_space<hbm>>) target(%dma_start3A_53 : memref<5040xi32, #tpu.memory_space<vmem>>) target_semaphore(%run_scoped3A : memref<!tpu.dma_semaphore, #tpu.memory_space<semaphore_mem>>)
        %dma_wait3A_55 = arith.constant 0 : i32
        %dma_wait3A_56 = tpu.memref_slice %arg7[%dma_wait3A_55] : memref<10080xi32, #tpu.memory_space<vmem>> -> memref<5040xi32, #tpu.memory_space<vmem>>
        %dma_wait3A_57 = tpu.memref_slice %arg4[%mul3A_7] : memref<160000xi32, #tpu.memory_space<hbm>> -> memref<5040xi32, #tpu.memory_space<hbm>>
        %dma_wait3A_58 = arith.constant 0 : i32
        %dma_wait3A_59 = tpu.memref_slice %arg7[%dma_wait3A_58] : memref<10080xi32, #tpu.memory_space<vmem>> -> memref<5040xi32, #tpu.memory_space<vmem>>
        %dma_wait3A_60 = tpu.memref_slice %arg4[%mul3A_7] : memref<160000xi32, #tpu.memory_space<hbm>> -> memref<5040xi32, #tpu.memory_space<hbm>>
        tpu.wait_dma2 semaphore(%run_scoped3A : memref<!tpu.dma_semaphore, #tpu.memory_space<semaphore_mem>>) src(%dma_wait3A_60 : memref<5040xi32, #tpu.memory_space<hbm>>) dst(%dma_wait3A_59 : memref<5040xi32, #tpu.memory_space<vmem>>)
        tpu.yield
      }) : () -> ()
      "tpu.region"() ({
        %run_scoped3A = tpu.sem_alloc : memref<!tpu.dma_semaphore, #tpu.memory_space<semaphore_mem>>
        %dma_start3A_49 = arith.constant 5040 : i32
        %dma_start3A_50 = tpu.memref_slice %arg7[%dma_start3A_49] : memref<10080xi32, #tpu.memory_space<vmem>> -> memref<5040xi32, #tpu.memory_space<vmem>>
        %dma_start3A_51 = tpu.memref_slice %arg5[%mul3A_7] : memref<160000xi32, #tpu.memory_space<hbm>> -> memref<5040xi32, #tpu.memory_space<hbm>>
        %dma_start3A_52 = arith.constant 5040 : i32
        %dma_start3A_53 = tpu.memref_slice %arg7[%dma_start3A_52] : memref<10080xi32, #tpu.memory_space<vmem>> -> memref<5040xi32, #tpu.memory_space<vmem>>
        %dma_start3A_54 = tpu.memref_slice %arg5[%mul3A_7] : memref<160000xi32, #tpu.memory_space<hbm>> -> memref<5040xi32, #tpu.memory_space<hbm>>
        tpu.enqueue_dma source(%dma_start3A_54 : memref<5040xi32, #tpu.memory_space<hbm>>) target(%dma_start3A_53 : memref<5040xi32, #tpu.memory_space<vmem>>) target_semaphore(%run_scoped3A : memref<!tpu.dma_semaphore, #tpu.memory_space<semaphore_mem>>)
        %dma_wait3A_55 = arith.constant 5040 : i32
        %dma_wait3A_56 = tpu.memref_slice %arg7[%dma_wait3A_55] : memref<10080xi32, #tpu.memory_space<vmem>> -> memref<5040xi32, #tpu.memory_space<vmem>>
        %dma_wait3A_57 = tpu.memref_slice %arg5[%mul3A_7] : memref<160000xi32, #tpu.memory_space<hbm>> -> memref<5040xi32, #tpu.memory_space<hbm>>
        %dma_wait3A_58 = arith.constant 5040 : i32
        %dma_wait3A_59 = tpu.memref_slice %arg7[%dma_wait3A_58] : memref<10080xi32, #tpu.memory_space<vmem>> -> memref<5040xi32, #tpu.memory_space<vmem>>
        %dma_wait3A_60 = tpu.memref_slice %arg5[%mul3A_7] : memref<160000xi32, #tpu.memory_space<hbm>> -> memref<5040xi32, #tpu.memory_space<hbm>>
        tpu.wait_dma2 semaphore(%run_scoped3A : memref<!tpu.dma_semaphore, #tpu.memory_space<semaphore_mem>>) src(%dma_wait3A_60 : memref<5040xi32, #tpu.memory_space<hbm>>) dst(%dma_wait3A_59 : memref<5040xi32, #tpu.memory_space<vmem>>)
        tpu.yield
      }) : () -> ()
      %dma_start3A = arith.constant 0 : i32
      %dma_start3A_8 = tpu.memref_slice %arg7[%dma_start3A] : memref<10080xi32, #tpu.memory_space<vmem>> -> memref<80xi32, #tpu.memory_space<vmem>>
      %dma_start3A_9 = arith.constant 0 : i32
      %dma_start3A_10 = arith.constant 0 : i32
      %dma_start3A_11 = tpu.memref_slice %arg2[%dma_start3A_9, %dma_start3A_10] : memref<10000x128xf32, #tpu.memory_space<hbm>> -> memref<10000x128xf32, #tpu.memory_space<hbm>>
      tpu.enqueue_indirect_dma source(%dma_start3A_11 : memref<10000x128xf32, #tpu.memory_space<hbm>>) target(%arg8 : memref<80x128xf32, #tpu.memory_space<vmem>>) offsets(%dma_start3A_8 : memref<80xi32, #tpu.memory_space<vmem>>) semaphore(%arg10 : memref<!tpu.dma_semaphore, #tpu.memory_space<semaphore_mem>>)
      %scan3A = arith.constant 0 : i32
      %scan3A_12 = arith.constant 0 : i32
      %scan3A_13 = arith.constant 31 : i32
      %scan3A_14 = arith.addi %scan3A_12, %scan3A_13 : i32
      %scan3A_15 = arith.constant 1 : i32
      %scan3A_16 = scf.for %scan3A_49 = %scan3A_12 to %scan3A_14 step %scan3A_15 iter_args(%scan3A_50 = %scan3A) -> (i32)  : i32 {
        %mul3A_51 = arith.constant 2 : i32
        %mul3A_52 = arith.muli %mul3A_51, %scan3A_49 : i32
        %add3A_53 = arith.constant 1 : i32
        %add3A_54 = arith.addi %mul3A_52, %add3A_53 : i32
        %mul3A_55 = arith.constant 80 : i32
        %mul3A_56 = arith.muli %mul3A_52, %mul3A_55 : i32
        %dma_wait3A_57 = tpu.memref_slice %arg7[%mul3A_56] : memref<10080xi32, #tpu.memory_space<vmem>> -> memref<80xi32, #tpu.memory_space<vmem>>
        %dma_wait3A_58 = arith.constant 0 : i32
        %dma_wait3A_59 = arith.constant 0 : i32
        %dma_wait3A_60 = tpu.memref_slice %arg2[%dma_wait3A_58, %dma_wait3A_59] : memref<10000x128xf32, #tpu.memory_space<hbm>> -> memref<10000x128xf32, #tpu.memory_space<hbm>>
        tpu.wait_indirect_dma semaphore(%arg10 : memref<!tpu.dma_semaphore, #tpu.memory_space<semaphore_mem>>) src(%dma_wait3A_60 : memref<10000x128xf32, #tpu.memory_space<hbm>>) dst(%arg8 : memref<80x128xf32, #tpu.memory_space<vmem>>)
        %mul3A_61 = arith.constant 80 : i32
        %mul3A_62 = arith.muli %mul3A_52, %mul3A_61 : i32
        %add3A_63 = arith.constant 5040 : i32
        %add3A_64 = arith.addi %add3A_63, %mul3A_62 : i32
        %dma_start3A_65 = tpu.memref_slice %arg7[%add3A_64] : memref<10080xi32, #tpu.memory_space<vmem>> -> memref<80xi32, #tpu.memory_space<vmem>>
        %dma_start3A_66 = arith.constant 0 : i32
        %dma_start3A_67 = arith.constant 0 : i32
        %dma_start3A_68 = tpu.memref_slice %arg3[%dma_start3A_66, %dma_start3A_67] : memref<10000x128xf32, #tpu.memory_space<hbm>> -> memref<10000x128xf32, #tpu.memory_space<hbm>>
        tpu.enqueue_indirect_dma source(%dma_start3A_68 : memref<10000x128xf32, #tpu.memory_space<hbm>>) target(%arg8 : memref<80x128xf32, #tpu.memory_space<vmem>>) offsets(%dma_start3A_65 : memref<80xi32, #tpu.memory_space<vmem>>) semaphore(%arg12 : memref<!tpu.dma_semaphore, #tpu.memory_space<semaphore_mem>>) {add = true}
        %gt3A = arith.constant 0 : i32
        %gt3A_69 = arith.cmpi sgt, %scan3A_49, %gt3A : i32
        %convert_element_type3A_70 = arith.extui %gt3A_69 : i1 to i32
        %cond3A_71 = arith.constant 0 : i32
        %cond3A_72 = arith.cmpi ne, %convert_element_type3A_70, %cond3A_71 : i32
        scf.if %cond3A_72 {
          %sub3A = arith.constant 2 : i32
          %sub3A_130 = arith.subi %add3A_54, %sub3A : i32
          %mul3A_131 = arith.constant 80 : i32
          %mul3A_132 = arith.muli %sub3A_130, %mul3A_131 : i32
          %add3A_133 = arith.addi %mul3A_7, %mul3A_132 : i32
          %dma_wait3A_134 = arith.constant 0 : i32
          %dma_wait3A_135 = tpu.memref_slice %arg6[%add3A_133, %dma_wait3A_134] : memref<160000x128xf32, #tpu.memory_space<hbm>> -> memref<80x128xf32, #tpu.memory_space<hbm>>
          %dma_wait3A_136 = arith.constant 0 : i32
          %dma_wait3A_137 = tpu.memref_slice %arg6[%add3A_133, %dma_wait3A_136] : memref<160000x128xf32, #tpu.memory_space<hbm>> -> memref<80x128xf32, #tpu.memory_space<hbm>>
          tpu.wait_dma2 semaphore(%arg15 : memref<!tpu.dma_semaphore, #tpu.memory_space<semaphore_mem>>) src(%arg9 : memref<80x128xf32, #tpu.memory_space<vmem>>) dst(%dma_wait3A_137 : memref<80x128xf32, #tpu.memory_space<hbm>>)
        } else {
        }
        %mul3A_73 = arith.constant 80 : i32
        %mul3A_74 = arith.muli %add3A_54, %mul3A_73 : i32
        %dma_start3A_75 = tpu.memref_slice %arg7[%mul3A_74] : memref<10080xi32, #tpu.memory_space<vmem>> -> memref<80xi32, #tpu.memory_space<vmem>>
        %dma_start3A_76 = arith.constant 0 : i32
        %dma_start3A_77 = arith.constant 0 : i32
        %dma_start3A_78 = tpu.memref_slice %arg2[%dma_start3A_76, %dma_start3A_77] : memref<10000x128xf32, #tpu.memory_space<hbm>> -> memref<10000x128xf32, #tpu.memory_space<hbm>>
        tpu.enqueue_indirect_dma source(%dma_start3A_78 : memref<10000x128xf32, #tpu.memory_space<hbm>>) target(%arg9 : memref<80x128xf32, #tpu.memory_space<vmem>>) offsets(%dma_start3A_75 : memref<80xi32, #tpu.memory_space<vmem>>) semaphore(%arg11 : memref<!tpu.dma_semaphore, #tpu.memory_space<semaphore_mem>>)
        %mul3A_79 = arith.constant 80 : i32
        %mul3A_80 = arith.muli %mul3A_52, %mul3A_79 : i32
        %add3A_81 = arith.constant 5040 : i32
        %add3A_82 = arith.addi %add3A_81, %mul3A_80 : i32
        %dma_wait3A_83 = tpu.memref_slice %arg7[%add3A_82] : memref<10080xi32, #tpu.memory_space<vmem>> -> memref<80xi32, #tpu.memory_space<vmem>>
        %dma_wait3A_84 = arith.constant 0 : i32
        %dma_wait3A_85 = arith.constant 0 : i32
        %dma_wait3A_86 = tpu.memref_slice %arg3[%dma_wait3A_84, %dma_wait3A_85] : memref<10000x128xf32, #tpu.memory_space<hbm>> -> memref<10000x128xf32, #tpu.memory_space<hbm>>
        tpu.wait_indirect_dma semaphore(%arg12 : memref<!tpu.dma_semaphore, #tpu.memory_space<semaphore_mem>>) src(%dma_wait3A_86 : memref<10000x128xf32, #tpu.memory_space<hbm>>) dst(%arg8 : memref<80x128xf32, #tpu.memory_space<vmem>>)
        %mul3A_87 = arith.constant 80 : i32
        %mul3A_88 = arith.muli %mul3A_52, %mul3A_87 : i32
        %add3A_89 = arith.addi %mul3A_7, %mul3A_88 : i32
        %dma_start3A_90 = arith.constant 0 : i32
        %dma_start3A_91 = tpu.memref_slice %arg6[%add3A_89, %dma_start3A_90] : memref<160000x128xf32, #tpu.memory_space<hbm>> -> memref<80x128xf32, #tpu.memory_space<hbm>>
        %dma_start3A_92 = arith.constant 0 : i32
        %dma_start3A_93 = tpu.memref_slice %arg6[%add3A_89, %dma_start3A_92] : memref<160000x128xf32, #tpu.memory_space<hbm>> -> memref<80x128xf32, #tpu.memory_space<hbm>>
        tpu.enqueue_dma source(%arg8 : memref<80x128xf32, #tpu.memory_space<vmem>>) target(%dma_start3A_93 : memref<80x128xf32, #tpu.memory_space<hbm>>) target_semaphore(%arg14 : memref<!tpu.dma_semaphore, #tpu.memory_space<semaphore_mem>>)
        %mul3A_94 = arith.constant 80 : i32
        %mul3A_95 = arith.muli %add3A_54, %mul3A_94 : i32
        %dma_wait3A_96 = tpu.memref_slice %arg7[%mul3A_95] : memref<10080xi32, #tpu.memory_space<vmem>> -> memref<80xi32, #tpu.memory_space<vmem>>
        %dma_wait3A_97 = arith.constant 0 : i32
        %dma_wait3A_98 = arith.constant 0 : i32
        %dma_wait3A_99 = tpu.memref_slice %arg2[%dma_wait3A_97, %dma_wait3A_98] : memref<10000x128xf32, #tpu.memory_space<hbm>> -> memref<10000x128xf32, #tpu.memory_space<hbm>>
        tpu.wait_indirect_dma semaphore(%arg11 : memref<!tpu.dma_semaphore, #tpu.memory_space<semaphore_mem>>) src(%dma_wait3A_99 : memref<10000x128xf32, #tpu.memory_space<hbm>>) dst(%arg9 : memref<80x128xf32, #tpu.memory_space<vmem>>)
        %mul3A_100 = arith.constant 80 : i32
        %mul3A_101 = arith.muli %add3A_54, %mul3A_100 : i32
        %add3A_102 = arith.constant 5040 : i32
        %add3A_103 = arith.addi %add3A_102, %mul3A_101 : i32
        %dma_start3A_104 = tpu.memref_slice %arg7[%add3A_103] : memref<10080xi32, #tpu.memory_space<vmem>> -> memref<80xi32, #tpu.memory_space<vmem>>
        %dma_start3A_105 = arith.constant 0 : i32
        %dma_start3A_106 = arith.constant 0 : i32
        %dma_start3A_107 = tpu.memref_slice %arg3[%dma_start3A_105, %dma_start3A_106] : memref<10000x128xf32, #tpu.memory_space<hbm>> -> memref<10000x128xf32, #tpu.memory_space<hbm>>
        tpu.enqueue_indirect_dma source(%dma_start3A_107 : memref<10000x128xf32, #tpu.memory_space<hbm>>) target(%arg9 : memref<80x128xf32, #tpu.memory_space<vmem>>) offsets(%dma_start3A_104 : memref<80xi32, #tpu.memory_space<vmem>>) semaphore(%arg13 : memref<!tpu.dma_semaphore, #tpu.memory_space<semaphore_mem>>) {add = true}
        %add3A_108 = arith.constant 1 : i32
        %add3A_109 = arith.addi %add3A_54, %add3A_108 : i32
        %lt3A = arith.constant 63 : i32
        %lt3A_110 = arith.cmpi slt, %add3A_109, %lt3A : i32
        %convert_element_type3A_111 = arith.extui %lt3A_110 : i1 to i32
        %cond3A_112 = arith.constant 0 : i32
        %cond3A_113 = arith.cmpi ne, %convert_element_type3A_111, %cond3A_112 : i32
        scf.if %cond3A_113 {
          %mul3A_130 = arith.constant 80 : i32
          %mul3A_131 = arith.muli %mul3A_52, %mul3A_130 : i32
          %add3A_132 = arith.addi %mul3A_7, %mul3A_131 : i32
          %dma_wait3A_133 = arith.constant 0 : i32
          %dma_wait3A_134 = tpu.memref_slice %arg6[%add3A_132, %dma_wait3A_133] : memref<160000x128xf32, #tpu.memory_space<hbm>> -> memref<80x128xf32, #tpu.memory_space<hbm>>
          %dma_wait3A_135 = arith.constant 0 : i32
          %dma_wait3A_136 = tpu.memref_slice %arg6[%add3A_132, %dma_wait3A_135] : memref<160000x128xf32, #tpu.memory_space<hbm>> -> memref<80x128xf32, #tpu.memory_space<hbm>>
          tpu.wait_dma2 semaphore(%arg14 : memref<!tpu.dma_semaphore, #tpu.memory_space<semaphore_mem>>) src(%arg8 : memref<80x128xf32, #tpu.memory_space<vmem>>) dst(%dma_wait3A_136 : memref<80x128xf32, #tpu.memory_space<hbm>>)
          %add3A_137 = arith.constant 1 : i32
          %add3A_138 = arith.addi %add3A_54, %add3A_137 : i32
          %mul3A_139 = arith.constant 80 : i32
          %mul3A_140 = arith.muli %add3A_138, %mul3A_139 : i32
          %dma_start3A_141 = tpu.memref_slice %arg7[%mul3A_140] : memref<10080xi32, #tpu.memory_space<vmem>> -> memref<80xi32, #tpu.memory_space<vmem>>
          %dma_start3A_142 = arith.constant 0 : i32
          %dma_start3A_143 = arith.constant 0 : i32
          %dma_start3A_144 = tpu.memref_slice %arg2[%dma_start3A_142, %dma_start3A_143] : memref<10000x128xf32, #tpu.memory_space<hbm>> -> memref<10000x128xf32, #tpu.memory_space<hbm>>
          tpu.enqueue_indirect_dma source(%dma_start3A_144 : memref<10000x128xf32, #tpu.memory_space<hbm>>) target(%arg8 : memref<80x128xf32, #tpu.memory_space<vmem>>) offsets(%dma_start3A_141 : memref<80xi32, #tpu.memory_space<vmem>>) semaphore(%arg10 : memref<!tpu.dma_semaphore, #tpu.memory_space<semaphore_mem>>)
        } else {
        }
        %mul3A_114 = arith.constant 80 : i32
        %mul3A_115 = arith.muli %add3A_54, %mul3A_114 : i32
        %add3A_116 = arith.constant 5040 : i32
        %add3A_117 = arith.addi %add3A_116, %mul3A_115 : i32
        %dma_wait3A_118 = tpu.memref_slice %arg7[%add3A_117] : memref<10080xi32, #tpu.memory_space<vmem>> -> memref<80xi32, #tpu.memory_space<vmem>>
        %dma_wait3A_119 = arith.constant 0 : i32
        %dma_wait3A_120 = arith.constant 0 : i32
        %dma_wait3A_121 = tpu.memref_slice %arg3[%dma_wait3A_119, %dma_wait3A_120] : memref<10000x128xf32, #tpu.memory_space<hbm>> -> memref<10000x128xf32, #tpu.memory_space<hbm>>
        tpu.wait_indirect_dma semaphore(%arg13 : memref<!tpu.dma_semaphore, #tpu.memory_space<semaphore_mem>>) src(%dma_wait3A_121 : memref<10000x128xf32, #tpu.memory_space<hbm>>) dst(%arg9 : memref<80x128xf32, #tpu.memory_space<vmem>>)
        %mul3A_122 = arith.constant 80 : i32
        %mul3A_123 = arith.muli %add3A_54, %mul3A_122 : i32
        %add3A_124 = arith.addi %mul3A_7, %mul3A_123 : i32
        %dma_start3A_125 = arith.constant 0 : i32
        %dma_start3A_126 = tpu.memref_slice %arg6[%add3A_124, %dma_start3A_125] : memref<160000x128xf32, #tpu.memory_space<hbm>> -> memref<80x128xf32, #tpu.memory_space<hbm>>
        %dma_start3A_127 = arith.constant 0 : i32
        %dma_start3A_128 = tpu.memref_slice %arg6[%add3A_124, %dma_start3A_127] : memref<160000x128xf32, #tpu.memory_space<hbm>> -> memref<80x128xf32, #tpu.memory_space<hbm>>
        tpu.enqueue_dma source(%arg9 : memref<80x128xf32, #tpu.memory_space<vmem>>) target(%dma_start3A_128 : memref<80x128xf32, #tpu.memory_space<hbm>>) target_semaphore(%arg15 : memref<!tpu.dma_semaphore, #tpu.memory_space<semaphore_mem>>)
        %scan3A_129 = arith.constant 0 : i32
        scf.yield %scan3A_129 : i32
      }
      %scan3A_17 = arith.constant 31 : i32
      %dma_wait3A = arith.constant 4960 : i32
      %dma_wait3A_18 = tpu.memref_slice %arg7[%dma_wait3A] : memref<10080xi32, #tpu.memory_space<vmem>> -> memref<80xi32, #tpu.memory_space<vmem>>
      %dma_wait3A_19 = arith.constant 0 : i32
      %dma_wait3A_20 = arith.constant 0 : i32
      %dma_wait3A_21 = tpu.memref_slice %arg2[%dma_wait3A_19, %dma_wait3A_20] : memref<10000x128xf32, #tpu.memory_space<hbm>> -> memref<10000x128xf32, #tpu.memory_space<hbm>>
      tpu.wait_indirect_dma semaphore(%arg10 : memref<!tpu.dma_semaphore, #tpu.memory_space<semaphore_mem>>) src(%dma_wait3A_21 : memref<10000x128xf32, #tpu.memory_space<hbm>>) dst(%arg8 : memref<80x128xf32, #tpu.memory_space<vmem>>)
      %dma_start3A_22 = arith.constant 10000 : i32
      %dma_start3A_23 = tpu.memref_slice %arg7[%dma_start3A_22] : memref<10080xi32, #tpu.memory_space<vmem>> -> memref<80xi32, #tpu.memory_space<vmem>>
      %dma_start3A_24 = arith.constant 0 : i32
      %dma_start3A_25 = arith.constant 0 : i32
      %dma_start3A_26 = tpu.memref_slice %arg3[%dma_start3A_24, %dma_start3A_25] : memref<10000x128xf32, #tpu.memory_space<hbm>> -> memref<10000x128xf32, #tpu.memory_space<hbm>>
      tpu.enqueue_indirect_dma source(%dma_start3A_26 : memref<10000x128xf32, #tpu.memory_space<hbm>>) target(%arg8 : memref<80x128xf32, #tpu.memory_space<vmem>>) offsets(%dma_start3A_23 : memref<80xi32, #tpu.memory_space<vmem>>) semaphore(%arg12 : memref<!tpu.dma_semaphore, #tpu.memory_space<semaphore_mem>>) {add = true}
      %dma_wait3A_27 = arith.constant 10000 : i32
      %dma_wait3A_28 = tpu.memref_slice %arg7[%dma_wait3A_27] : memref<10080xi32, #tpu.memory_space<vmem>> -> memref<80xi32, #tpu.memory_space<vmem>>
      %dma_wait3A_29 = arith.constant 0 : i32
      %dma_wait3A_30 = arith.constant 0 : i32
      %dma_wait3A_31 = tpu.memref_slice %arg3[%dma_wait3A_29, %dma_wait3A_30] : memref<10000x128xf32, #tpu.memory_space<hbm>> -> memref<10000x128xf32, #tpu.memory_space<hbm>>
      tpu.wait_indirect_dma semaphore(%arg12 : memref<!tpu.dma_semaphore, #tpu.memory_space<semaphore_mem>>) src(%dma_wait3A_31 : memref<10000x128xf32, #tpu.memory_space<hbm>>) dst(%arg8 : memref<80x128xf32, #tpu.memory_space<vmem>>)
      %add3A = arith.constant 4960 : i32
      %add3A_32 = arith.addi %mul3A_7, %add3A : i32
      %dma_start3A_33 = arith.constant 0 : i32
      %dma_start3A_34 = tpu.memref_slice %arg6[%add3A_32, %dma_start3A_33] : memref<160000x128xf32, #tpu.memory_space<hbm>> -> memref<80x128xf32, #tpu.memory_space<hbm>>
      %dma_start3A_35 = arith.constant 0 : i32
      %dma_start3A_36 = tpu.memref_slice %arg6[%add3A_32, %dma_start3A_35] : memref<160000x128xf32, #tpu.memory_space<hbm>> -> memref<80x128xf32, #tpu.memory_space<hbm>>
      tpu.enqueue_dma source(%arg8 : memref<80x128xf32, #tpu.memory_space<vmem>>) target(%dma_start3A_36 : memref<80x128xf32, #tpu.memory_space<hbm>>) target_semaphore(%arg14 : memref<!tpu.dma_semaphore, #tpu.memory_space<semaphore_mem>>)
      %add3A_37 = arith.constant 4960 : i32
      %add3A_38 = arith.addi %mul3A_7, %add3A_37 : i32
      %dma_wait3A_39 = arith.constant 0 : i32
      %dma_wait3A_40 = tpu.memref_slice %arg6[%add3A_38, %dma_wait3A_39] : memref<160000x128xf32, #tpu.memory_space<hbm>> -> memref<80x128xf32, #tpu.memory_space<hbm>>
      %dma_wait3A_41 = arith.constant 0 : i32
      %dma_wait3A_42 = tpu.memref_slice %arg6[%add3A_38, %dma_wait3A_41] : memref<160000x128xf32, #tpu.memory_space<hbm>> -> memref<80x128xf32, #tpu.memory_space<hbm>>
      tpu.wait_dma2 semaphore(%arg14 : memref<!tpu.dma_semaphore, #tpu.memory_space<semaphore_mem>>) src(%arg8 : memref<80x128xf32, #tpu.memory_space<vmem>>) dst(%dma_wait3A_42 : memref<80x128xf32, #tpu.memory_space<hbm>>)
      %add3A_43 = arith.constant 4880 : i32
      %add3A_44 = arith.addi %mul3A_7, %add3A_43 : i32
      %dma_wait3A_45 = arith.constant 0 : i32
      %dma_wait3A_46 = tpu.memref_slice %arg6[%add3A_44, %dma_wait3A_45] : memref<160000x128xf32, #tpu.memory_space<hbm>> -> memref<80x128xf32, #tpu.memory_space<hbm>>
      %dma_wait3A_47 = arith.constant 0 : i32
      %dma_wait3A_48 = tpu.memref_slice %arg6[%add3A_44, %dma_wait3A_47] : memref<160000x128xf32, #tpu.memory_space<hbm>> -> memref<80x128xf32, #tpu.memory_space<hbm>>
      tpu.wait_dma2 semaphore(%arg15 : memref<!tpu.dma_semaphore, #tpu.memory_space<semaphore_mem>>) src(%arg9 : memref<80x128xf32, #tpu.memory_space<vmem>>) dst(%dma_wait3A_48 : memref<80x128xf32, #tpu.memory_space<hbm>>)
    } else {
    }
    %eq3A_2 = arith.constant 1 : i32
    %eq3A_3 = arith.cmpi eq, %arg0, %eq3A_2 : i32
    %convert_element_type3A_4 = arith.extui %eq3A_3 : i1 to i32
    %cond3A_5 = arith.constant 0 : i32
    %cond3A_6 = arith.cmpi ne, %convert_element_type3A_4, %cond3A_5 : i32
    scf.if %cond3A_6 {
      %mul3A = arith.constant 4960 : i32
      %mul3A_7 = arith.muli %arg1, %mul3A : i32
      %add3A = arith.constant 80640 : i32
      %add3A_8 = arith.addi %add3A, %mul3A_7 : i32
      "tpu.region"() ({
        %run_scoped3A = tpu.sem_alloc : memref<!tpu.dma_semaphore, #tpu.memory_space<semaphore_mem>>
        %dma_start3A_30 = arith.constant 0 : i32
        %dma_start3A_31 = tpu.memref_slice %arg7[%dma_start3A_30] : memref<10080xi32, #tpu.memory_space<vmem>> -> memref<4960xi32, #tpu.memory_space<vmem>>
        %dma_start3A_32 = tpu.memref_slice %arg4[%add3A_8] : memref<160000xi32, #tpu.memory_space<hbm>> -> memref<4960xi32, #tpu.memory_space<hbm>>
        %dma_start3A_33 = arith.constant 0 : i32
        %dma_start3A_34 = tpu.memref_slice %arg7[%dma_start3A_33] : memref<10080xi32, #tpu.memory_space<vmem>> -> memref<4960xi32, #tpu.memory_space<vmem>>
        %dma_start3A_35 = tpu.memref_slice %arg4[%add3A_8] : memref<160000xi32, #tpu.memory_space<hbm>> -> memref<4960xi32, #tpu.memory_space<hbm>>
        tpu.enqueue_dma source(%dma_start3A_35 : memref<4960xi32, #tpu.memory_space<hbm>>) target(%dma_start3A_34 : memref<4960xi32, #tpu.memory_space<vmem>>) target_semaphore(%run_scoped3A : memref<!tpu.dma_semaphore, #tpu.memory_space<semaphore_mem>>)
        %dma_wait3A_36 = arith.constant 0 : i32
        %dma_wait3A_37 = tpu.memref_slice %arg7[%dma_wait3A_36] : memref<10080xi32, #tpu.memory_space<vmem>> -> memref<4960xi32, #tpu.memory_space<vmem>>
        %dma_wait3A_38 = tpu.memref_slice %arg4[%add3A_8] : memref<160000xi32, #tpu.memory_space<hbm>> -> memref<4960xi32, #tpu.memory_space<hbm>>
        %dma_wait3A_39 = arith.constant 0 : i32
        %dma_wait3A_40 = tpu.memref_slice %arg7[%dma_wait3A_39] : memref<10080xi32, #tpu.memory_space<vmem>> -> memref<4960xi32, #tpu.memory_space<vmem>>
        %dma_wait3A_41 = tpu.memref_slice %arg4[%add3A_8] : memref<160000xi32, #tpu.memory_space<hbm>> -> memref<4960xi32, #tpu.memory_space<hbm>>
        tpu.wait_dma2 semaphore(%run_scoped3A : memref<!tpu.dma_semaphore, #tpu.memory_space<semaphore_mem>>) src(%dma_wait3A_41 : memref<4960xi32, #tpu.memory_space<hbm>>) dst(%dma_wait3A_40 : memref<4960xi32, #tpu.memory_space<vmem>>)
        tpu.yield
      }) : () -> ()
      "tpu.region"() ({
        %run_scoped3A = tpu.sem_alloc : memref<!tpu.dma_semaphore, #tpu.memory_space<semaphore_mem>>
        %dma_start3A_30 = arith.constant 4960 : i32
        %dma_start3A_31 = tpu.memref_slice %arg7[%dma_start3A_30] : memref<10080xi32, #tpu.memory_space<vmem>> -> memref<4960xi32, #tpu.memory_space<vmem>>
        %dma_start3A_32 = tpu.memref_slice %arg5[%add3A_8] : memref<160000xi32, #tpu.memory_space<hbm>> -> memref<4960xi32, #tpu.memory_space<hbm>>
        %dma_start3A_33 = arith.constant 4960 : i32
        %dma_start3A_34 = tpu.memref_slice %arg7[%dma_start3A_33] : memref<10080xi32, #tpu.memory_space<vmem>> -> memref<4960xi32, #tpu.memory_space<vmem>>
        %dma_start3A_35 = tpu.memref_slice %arg5[%add3A_8] : memref<160000xi32, #tpu.memory_space<hbm>> -> memref<4960xi32, #tpu.memory_space<hbm>>
        tpu.enqueue_dma source(%dma_start3A_35 : memref<4960xi32, #tpu.memory_space<hbm>>) target(%dma_start3A_34 : memref<4960xi32, #tpu.memory_space<vmem>>) target_semaphore(%run_scoped3A : memref<!tpu.dma_semaphore, #tpu.memory_space<semaphore_mem>>)
        %dma_wait3A_36 = arith.constant 4960 : i32
        %dma_wait3A_37 = tpu.memref_slice %arg7[%dma_wait3A_36] : memref<10080xi32, #tpu.memory_space<vmem>> -> memref<4960xi32, #tpu.memory_space<vmem>>
        %dma_wait3A_38 = tpu.memref_slice %arg5[%add3A_8] : memref<160000xi32, #tpu.memory_space<hbm>> -> memref<4960xi32, #tpu.memory_space<hbm>>
        %dma_wait3A_39 = arith.constant 4960 : i32
        %dma_wait3A_40 = tpu.memref_slice %arg7[%dma_wait3A_39] : memref<10080xi32, #tpu.memory_space<vmem>> -> memref<4960xi32, #tpu.memory_space<vmem>>
        %dma_wait3A_41 = tpu.memref_slice %arg5[%add3A_8] : memref<160000xi32, #tpu.memory_space<hbm>> -> memref<4960xi32, #tpu.memory_space<hbm>>
        tpu.wait_dma2 semaphore(%run_scoped3A : memref<!tpu.dma_semaphore, #tpu.memory_space<semaphore_mem>>) src(%dma_wait3A_41 : memref<4960xi32, #tpu.memory_space<hbm>>) dst(%dma_wait3A_40 : memref<4960xi32, #tpu.memory_space<vmem>>)
        tpu.yield
      }) : () -> ()
      %dma_start3A = arith.constant 0 : i32
      %dma_start3A_9 = tpu.memref_slice %arg7[%dma_start3A] : memref<10080xi32, #tpu.memory_space<vmem>> -> memref<80xi32, #tpu.memory_space<vmem>>
      %dma_start3A_10 = arith.constant 0 : i32
      %dma_start3A_11 = arith.constant 0 : i32
      %dma_start3A_12 = tpu.memref_slice %arg2[%dma_start3A_10, %dma_start3A_11] : memref<10000x128xf32, #tpu.memory_space<hbm>> -> memref<10000x128xf32, #tpu.memory_space<hbm>>
      tpu.enqueue_indirect_dma source(%dma_start3A_12 : memref<10000x128xf32, #tpu.memory_space<hbm>>) target(%arg8 : memref<80x128xf32, #tpu.memory_space<vmem>>) offsets(%dma_start3A_9 : memref<80xi32, #tpu.memory_space<vmem>>) semaphore(%arg10 : memref<!tpu.dma_semaphore, #tpu.memory_space<semaphore_mem>>)
      %scan3A = arith.constant 0 : i32
      %scan3A_13 = arith.constant 0 : i32
      %scan3A_14 = arith.constant 31 : i32
      %scan3A_15 = arith.addi %scan3A_13, %scan3A_14 : i32
      %scan3A_16 = arith.constant 1 : i32
      %scan3A_17 = scf.for %scan3A_30 = %scan3A_13 to %scan3A_15 step %scan3A_16 iter_args(%scan3A_31 = %scan3A) -> (i32)  : i32 {
        %mul3A_32 = arith.constant 2 : i32
        %mul3A_33 = arith.muli %mul3A_32, %scan3A_30 : i32
        %add3A_34 = arith.constant 1 : i32
        %add3A_35 = arith.addi %mul3A_33, %add3A_34 : i32
        %mul3A_36 = arith.constant 80 : i32
        %mul3A_37 = arith.muli %mul3A_33, %mul3A_36 : i32
        %dma_wait3A_38 = tpu.memref_slice %arg7[%mul3A_37] : memref<10080xi32, #tpu.memory_space<vmem>> -> memref<80xi32, #tpu.memory_space<vmem>>
        %dma_wait3A_39 = arith.constant 0 : i32
        %dma_wait3A_40 = arith.constant 0 : i32
        %dma_wait3A_41 = tpu.memref_slice %arg2[%dma_wait3A_39, %dma_wait3A_40] : memref<10000x128xf32, #tpu.memory_space<hbm>> -> memref<10000x128xf32, #tpu.memory_space<hbm>>
        tpu.wait_indirect_dma semaphore(%arg10 : memref<!tpu.dma_semaphore, #tpu.memory_space<semaphore_mem>>) src(%dma_wait3A_41 : memref<10000x128xf32, #tpu.memory_space<hbm>>) dst(%arg8 : memref<80x128xf32, #tpu.memory_space<vmem>>)
        %mul3A_42 = arith.constant 80 : i32
        %mul3A_43 = arith.muli %mul3A_33, %mul3A_42 : i32
        %add3A_44 = arith.constant 4960 : i32
        %add3A_45 = arith.addi %add3A_44, %mul3A_43 : i32
        %dma_start3A_46 = tpu.memref_slice %arg7[%add3A_45] : memref<10080xi32, #tpu.memory_space<vmem>> -> memref<80xi32, #tpu.memory_space<vmem>>
        %dma_start3A_47 = arith.constant 0 : i32
        %dma_start3A_48 = arith.constant 0 : i32
        %dma_start3A_49 = tpu.memref_slice %arg3[%dma_start3A_47, %dma_start3A_48] : memref<10000x128xf32, #tpu.memory_space<hbm>> -> memref<10000x128xf32, #tpu.memory_space<hbm>>
        tpu.enqueue_indirect_dma source(%dma_start3A_49 : memref<10000x128xf32, #tpu.memory_space<hbm>>) target(%arg8 : memref<80x128xf32, #tpu.memory_space<vmem>>) offsets(%dma_start3A_46 : memref<80xi32, #tpu.memory_space<vmem>>) semaphore(%arg12 : memref<!tpu.dma_semaphore, #tpu.memory_space<semaphore_mem>>) {add = true}
        %gt3A = arith.constant 0 : i32
        %gt3A_50 = arith.cmpi sgt, %scan3A_30, %gt3A : i32
        %convert_element_type3A_51 = arith.extui %gt3A_50 : i1 to i32
        %cond3A_52 = arith.constant 0 : i32
        %cond3A_53 = arith.cmpi ne, %convert_element_type3A_51, %cond3A_52 : i32
        scf.if %cond3A_53 {
          %sub3A = arith.constant 2 : i32
          %sub3A_111 = arith.subi %add3A_35, %sub3A : i32
          %mul3A_112 = arith.constant 80 : i32
          %mul3A_113 = arith.muli %sub3A_111, %mul3A_112 : i32
          %add3A_114 = arith.addi %add3A_8, %mul3A_113 : i32
          %dma_wait3A_115 = arith.constant 0 : i32
          %dma_wait3A_116 = tpu.memref_slice %arg6[%add3A_114, %dma_wait3A_115] : memref<160000x128xf32, #tpu.memory_space<hbm>> -> memref<80x128xf32, #tpu.memory_space<hbm>>
          %dma_wait3A_117 = arith.constant 0 : i32
          %dma_wait3A_118 = tpu.memref_slice %arg6[%add3A_114, %dma_wait3A_117] : memref<160000x128xf32, #tpu.memory_space<hbm>> -> memref<80x128xf32, #tpu.memory_space<hbm>>
          tpu.wait_dma2 semaphore(%arg15 : memref<!tpu.dma_semaphore, #tpu.memory_space<semaphore_mem>>) src(%arg9 : memref<80x128xf32, #tpu.memory_space<vmem>>) dst(%dma_wait3A_118 : memref<80x128xf32, #tpu.memory_space<hbm>>)
        } else {
        }
        %mul3A_54 = arith.constant 80 : i32
        %mul3A_55 = arith.muli %add3A_35, %mul3A_54 : i32
        %dma_start3A_56 = tpu.memref_slice %arg7[%mul3A_55] : memref<10080xi32, #tpu.memory_space<vmem>> -> memref<80xi32, #tpu.memory_space<vmem>>
        %dma_start3A_57 = arith.constant 0 : i32
        %dma_start3A_58 = arith.constant 0 : i32
        %dma_start3A_59 = tpu.memref_slice %arg2[%dma_start3A_57, %dma_start3A_58] : memref<10000x128xf32, #tpu.memory_space<hbm>> -> memref<10000x128xf32, #tpu.memory_space<hbm>>
        tpu.enqueue_indirect_dma source(%dma_start3A_59 : memref<10000x128xf32, #tpu.memory_space<hbm>>) target(%arg9 : memref<80x128xf32, #tpu.memory_space<vmem>>) offsets(%dma_start3A_56 : memref<80xi32, #tpu.memory_space<vmem>>) semaphore(%arg11 : memref<!tpu.dma_semaphore, #tpu.memory_space<semaphore_mem>>)
        %mul3A_60 = arith.constant 80 : i32
        %mul3A_61 = arith.muli %mul3A_33, %mul3A_60 : i32
        %add3A_62 = arith.constant 4960 : i32
        %add3A_63 = arith.addi %add3A_62, %mul3A_61 : i32
        %dma_wait3A_64 = tpu.memref_slice %arg7[%add3A_63] : memref<10080xi32, #tpu.memory_space<vmem>> -> memref<80xi32, #tpu.memory_space<vmem>>
        %dma_wait3A_65 = arith.constant 0 : i32
        %dma_wait3A_66 = arith.constant 0 : i32
        %dma_wait3A_67 = tpu.memref_slice %arg3[%dma_wait3A_65, %dma_wait3A_66] : memref<10000x128xf32, #tpu.memory_space<hbm>> -> memref<10000x128xf32, #tpu.memory_space<hbm>>
        tpu.wait_indirect_dma semaphore(%arg12 : memref<!tpu.dma_semaphore, #tpu.memory_space<semaphore_mem>>) src(%dma_wait3A_67 : memref<10000x128xf32, #tpu.memory_space<hbm>>) dst(%arg8 : memref<80x128xf32, #tpu.memory_space<vmem>>)
        %mul3A_68 = arith.constant 80 : i32
        %mul3A_69 = arith.muli %mul3A_33, %mul3A_68 : i32
        %add3A_70 = arith.addi %add3A_8, %mul3A_69 : i32
        %dma_start3A_71 = arith.constant 0 : i32
        %dma_start3A_72 = tpu.memref_slice %arg6[%add3A_70, %dma_start3A_71] : memref<160000x128xf32, #tpu.memory_space<hbm>> -> memref<80x128xf32, #tpu.memory_space<hbm>>
        %dma_start3A_73 = arith.constant 0 : i32
        %dma_start3A_74 = tpu.memref_slice %arg6[%add3A_70, %dma_start3A_73] : memref<160000x128xf32, #tpu.memory_space<hbm>> -> memref<80x128xf32, #tpu.memory_space<hbm>>
        tpu.enqueue_dma source(%arg8 : memref<80x128xf32, #tpu.memory_space<vmem>>) target(%dma_start3A_74 : memref<80x128xf32, #tpu.memory_space<hbm>>) target_semaphore(%arg14 : memref<!tpu.dma_semaphore, #tpu.memory_space<semaphore_mem>>)
        %mul3A_75 = arith.constant 80 : i32
        %mul3A_76 = arith.muli %add3A_35, %mul3A_75 : i32
        %dma_wait3A_77 = tpu.memref_slice %arg7[%mul3A_76] : memref<10080xi32, #tpu.memory_space<vmem>> -> memref<80xi32, #tpu.memory_space<vmem>>
        %dma_wait3A_78 = arith.constant 0 : i32
        %dma_wait3A_79 = arith.constant 0 : i32
        %dma_wait3A_80 = tpu.memref_slice %arg2[%dma_wait3A_78, %dma_wait3A_79] : memref<10000x128xf32, #tpu.memory_space<hbm>> -> memref<10000x128xf32, #tpu.memory_space<hbm>>
        tpu.wait_indirect_dma semaphore(%arg11 : memref<!tpu.dma_semaphore, #tpu.memory_space<semaphore_mem>>) src(%dma_wait3A_80 : memref<10000x128xf32, #tpu.memory_space<hbm>>) dst(%arg9 : memref<80x128xf32, #tpu.memory_space<vmem>>)
        %mul3A_81 = arith.constant 80 : i32
        %mul3A_82 = arith.muli %add3A_35, %mul3A_81 : i32
        %add3A_83 = arith.constant 4960 : i32
        %add3A_84 = arith.addi %add3A_83, %mul3A_82 : i32
        %dma_start3A_85 = tpu.memref_slice %arg7[%add3A_84] : memref<10080xi32, #tpu.memory_space<vmem>> -> memref<80xi32, #tpu.memory_space<vmem>>
        %dma_start3A_86 = arith.constant 0 : i32
        %dma_start3A_87 = arith.constant 0 : i32
        %dma_start3A_88 = tpu.memref_slice %arg3[%dma_start3A_86, %dma_start3A_87] : memref<10000x128xf32, #tpu.memory_space<hbm>> -> memref<10000x128xf32, #tpu.memory_space<hbm>>
        tpu.enqueue_indirect_dma source(%dma_start3A_88 : memref<10000x128xf32, #tpu.memory_space<hbm>>) target(%arg9 : memref<80x128xf32, #tpu.memory_space<vmem>>) offsets(%dma_start3A_85 : memref<80xi32, #tpu.memory_space<vmem>>) semaphore(%arg13 : memref<!tpu.dma_semaphore, #tpu.memory_space<semaphore_mem>>) {add = true}
        %add3A_89 = arith.constant 1 : i32
        %add3A_90 = arith.addi %add3A_35, %add3A_89 : i32
        %lt3A = arith.constant 62 : i32
        %lt3A_91 = arith.cmpi slt, %add3A_90, %lt3A : i32
        %convert_element_type3A_92 = arith.extui %lt3A_91 : i1 to i32
        %cond3A_93 = arith.constant 0 : i32
        %cond3A_94 = arith.cmpi ne, %convert_element_type3A_92, %cond3A_93 : i32
        scf.if %cond3A_94 {
          %mul3A_111 = arith.constant 80 : i32
          %mul3A_112 = arith.muli %mul3A_33, %mul3A_111 : i32
          %add3A_113 = arith.addi %add3A_8, %mul3A_112 : i32
          %dma_wait3A_114 = arith.constant 0 : i32
          %dma_wait3A_115 = tpu.memref_slice %arg6[%add3A_113, %dma_wait3A_114] : memref<160000x128xf32, #tpu.memory_space<hbm>> -> memref<80x128xf32, #tpu.memory_space<hbm>>
          %dma_wait3A_116 = arith.constant 0 : i32
          %dma_wait3A_117 = tpu.memref_slice %arg6[%add3A_113, %dma_wait3A_116] : memref<160000x128xf32, #tpu.memory_space<hbm>> -> memref<80x128xf32, #tpu.memory_space<hbm>>
          tpu.wait_dma2 semaphore(%arg14 : memref<!tpu.dma_semaphore, #tpu.memory_space<semaphore_mem>>) src(%arg8 : memref<80x128xf32, #tpu.memory_space<vmem>>) dst(%dma_wait3A_117 : memref<80x128xf32, #tpu.memory_space<hbm>>)
          %add3A_118 = arith.constant 1 : i32
          %add3A_119 = arith.addi %add3A_35, %add3A_118 : i32
          %mul3A_120 = arith.constant 80 : i32
          %mul3A_121 = arith.muli %add3A_119, %mul3A_120 : i32
          %dma_start3A_122 = tpu.memref_slice %arg7[%mul3A_121] : memref<10080xi32, #tpu.memory_space<vmem>> -> memref<80xi32, #tpu.memory_space<vmem>>
          %dma_start3A_123 = arith.constant 0 : i32
          %dma_start3A_124 = arith.constant 0 : i32
          %dma_start3A_125 = tpu.memref_slice %arg2[%dma_start3A_123, %dma_start3A_124] : memref<10000x128xf32, #tpu.memory_space<hbm>> -> memref<10000x128xf32, #tpu.memory_space<hbm>>
          tpu.enqueue_indirect_dma source(%dma_start3A_125 : memref<10000x128xf32, #tpu.memory_space<hbm>>) target(%arg8 : memref<80x128xf32, #tpu.memory_space<vmem>>) offsets(%dma_start3A_122 : memref<80xi32, #tpu.memory_space<vmem>>) semaphore(%arg10 : memref<!tpu.dma_semaphore, #tpu.memory_space<semaphore_mem>>)
        } else {
        }
        %mul3A_95 = arith.constant 80 : i32
        %mul3A_96 = arith.muli %add3A_35, %mul3A_95 : i32
        %add3A_97 = arith.constant 4960 : i32
        %add3A_98 = arith.addi %add3A_97, %mul3A_96 : i32
        %dma_wait3A_99 = tpu.memref_slice %arg7[%add3A_98] : memref<10080xi32, #tpu.memory_space<vmem>> -> memref<80xi32, #tpu.memory_space<vmem>>
        %dma_wait3A_100 = arith.constant 0 : i32
        %dma_wait3A_101 = arith.constant 0 : i32
        %dma_wait3A_102 = tpu.memref_slice %arg3[%dma_wait3A_100, %dma_wait3A_101] : memref<10000x128xf32, #tpu.memory_space<hbm>> -> memref<10000x128xf32, #tpu.memory_space<hbm>>
        tpu.wait_indirect_dma semaphore(%arg13 : memref<!tpu.dma_semaphore, #tpu.memory_space<semaphore_mem>>) src(%dma_wait3A_102 : memref<10000x128xf32, #tpu.memory_space<hbm>>) dst(%arg9 : memref<80x128xf32, #tpu.memory_space<vmem>>)
        %mul3A_103 = arith.constant 80 : i32
        %mul3A_104 = arith.muli %add3A_35, %mul3A_103 : i32
        %add3A_105 = arith.addi %add3A_8, %mul3A_104 : i32
        %dma_start3A_106 = arith.constant 0 : i32
        %dma_start3A_107 = tpu.memref_slice %arg6[%add3A_105, %dma_start3A_106] : memref<160000x128xf32, #tpu.memory_space<hbm>> -> memref<80x128xf32, #tpu.memory_space<hbm>>
        %dma_start3A_108 = arith.constant 0 : i32
        %dma_start3A_109 = tpu.memref_slice %arg6[%add3A_105, %dma_start3A_108] : memref<160000x128xf32, #tpu.memory_space<hbm>> -> memref<80x128xf32, #tpu.memory_space<hbm>>
        tpu.enqueue_dma source(%arg9 : memref<80x128xf32, #tpu.memory_space<vmem>>) target(%dma_start3A_109 : memref<80x128xf32, #tpu.memory_space<hbm>>) target_semaphore(%arg15 : memref<!tpu.dma_semaphore, #tpu.memory_space<semaphore_mem>>)
        %scan3A_110 = arith.constant 0 : i32
        scf.yield %scan3A_110 : i32
      }
      %scan3A_18 = arith.constant 31 : i32
      %add3A_19 = arith.constant 4800 : i32
      %add3A_20 = arith.addi %add3A_8, %add3A_19 : i32
      %dma_wait3A = arith.constant 0 : i32
      %dma_wait3A_21 = tpu.memref_slice %arg6[%add3A_20, %dma_wait3A] : memref<160000x128xf32, #tpu.memory_space<hbm>> -> memref<80x128xf32, #tpu.memory_space<hbm>>
      %dma_wait3A_22 = arith.constant 0 : i32
      %dma_wait3A_23 = tpu.memref_slice %arg6[%add3A_20, %dma_wait3A_22] : memref<160000x128xf32, #tpu.memory_space<hbm>> -> memref<80x128xf32, #tpu.memory_space<hbm>>
      tpu.wait_dma2 semaphore(%arg14 : memref<!tpu.dma_semaphore, #tpu.memory_space<semaphore_mem>>) src(%arg8 : memref<80x128xf32, #tpu.memory_space<vmem>>) dst(%dma_wait3A_23 : memref<80x128xf32, #tpu.memory_space<hbm>>)
      %add3A_24 = arith.constant 4880 : i32
      %add3A_25 = arith.addi %add3A_8, %add3A_24 : i32
      %dma_wait3A_26 = arith.constant 0 : i32
      %dma_wait3A_27 = tpu.memref_slice %arg6[%add3A_25, %dma_wait3A_26] : memref<160000x128xf32, #tpu.memory_space<hbm>> -> memref<80x128xf32, #tpu.memory_space<hbm>>
      %dma_wait3A_28 = arith.constant 0 : i32
      %dma_wait3A_29 = tpu.memref_slice %arg6[%add3A_25, %dma_wait3A_28] : memref<160000x128xf32, #tpu.memory_space<hbm>> -> memref<80x128xf32, #tpu.memory_space<hbm>>
      tpu.wait_dma2 semaphore(%arg15 : memref<!tpu.dma_semaphore, #tpu.memory_space<semaphore_mem>>) src(%arg9 : memref<80x128xf32, #tpu.memory_space<vmem>>) dst(%dma_wait3A_29 : memref<80x128xf32, #tpu.memory_space<hbm>>)
    } else {
    }
    return
  }
}

#map = affine_map<(d0, d1) -> (0, 0)>
#map1 = affine_map<(d0, d1) -> (0)>
module attributes {stable_mosaic.version = 14 : i64} {
  func.func @k(%arg0: i32, %arg1: i32, %arg2: memref<160000x128xf32, #tpu.memory_space<hbm>>, %arg3: memref<160000xi32, #tpu.memory_space<hbm>>, %arg4: memref<160000xi32, #tpu.memory_space<hbm>>, %arg5: memref<10000x128xf32, #tpu.memory_space<hbm>>, %arg6: memref<10000x128xf32, #tpu.memory_space<hbm>>, %arg7: memref<10000x128xf32, #tpu.memory_space<vmem_shared>>, %arg8: memref<80x128xf32, #tpu.memory_space<vmem>>, %arg9: memref<80x128xf32, #tpu.memory_space<vmem>>, %arg10: memref<80xi32, #tpu.memory_space<vmem>>, %arg11: memref<80xi32, #tpu.memory_space<vmem>>, %arg12: memref<48x128xf32, #tpu.memory_space<vmem>>, %arg13: memref<!tpu.dma_semaphore, #tpu.memory_space<semaphore_mem>>, %arg14: memref<!tpu.dma_semaphore, #tpu.memory_space<semaphore_mem>>, %arg15: memref<!tpu.dma_semaphore, #tpu.memory_space<semaphore_mem>>, %arg16: memref<!tpu.dma_semaphore, #tpu.memory_space<semaphore_mem>>, %arg17: memref<!tpu.dma_semaphore, #tpu.memory_space<semaphore_mem>>) attributes {dimension_semantics = [#tpu.dimension_semantics<core_parallel>, #tpu.dimension_semantics<subcore_parallel>], iteration_bounds = array<i64: 2, 16>, scalar_prefetch = 0 : i64, scratch_operands = 11 : i64, tpu.core_type = #tpu.core_type<sc_vector_subcore>, window_params = [{transform_indices = #map}, {transform_indices = #map1}, {transform_indices = #map1}, {transform_indices = #map}, {transform_indices = #map}]} {
    %mul3A = arith.constant 10000 : i32
    %mul3A_0 = arith.muli %arg1, %mul3A : i32
    %scan3A = arith.constant 0 : i32
    %scan3A_1 = arith.constant 0 : i32
    %scan3A_2 = arith.constant 384 : i32
    %scan3A_3 = arith.addi %scan3A_1, %scan3A_2 : i32
    %scan3A_4 = arith.constant 1 : i32
    %scan3A_5 = scf.for %scan3A_44 = %scan3A_1 to %scan3A_3 step %scan3A_4 iter_args(%scan3A_45 = %scan3A) -> (i32)  : i32 {
      %broadcast_in_dim3A = arith.constant 0.000000e+00 : f32
      %broadcast_in_dim3A_46 = vector.broadcast %broadcast_in_dim3A : f32 to vector<16xf32>
      %jit3A = arith.constant 8 : i32
      %div3A = arith.divsi %scan3A_44, %jit3A : i32
      %sign3A = arith.constant 0 : i32
      %sign3A_47 = arith.cmpi sgt, %scan3A_44, %sign3A : i32
      %sign3A_48 = arith.extui %sign3A_47 : i1 to i32
      %sign3A_49 = arith.constant 0 : i32
      %sign3A_50 = arith.cmpi slt, %scan3A_44, %sign3A_49 : i32
      %sign3A_51 = arith.extui %sign3A_50 : i1 to i32
      %sign3A_52 = arith.subi %sign3A_48, %sign3A_51 : i32
      %sign3A_53 = arith.constant 0 : i32
      %sign3A_54 = arith.cmpi sgt, %jit3A, %sign3A_53 : i32
      %sign3A_55 = arith.extui %sign3A_54 : i1 to i32
      %sign3A_56 = arith.constant 0 : i32
      %sign3A_57 = arith.cmpi slt, %jit3A, %sign3A_56 : i32
      %sign3A_58 = arith.extui %sign3A_57 : i1 to i32
      %sign3A_59 = arith.subi %sign3A_55, %sign3A_58 : i32
      %ne3A = arith.cmpi ne, %sign3A_52, %sign3A_59 : i32
      %rem3A = arith.remsi %scan3A_44, %jit3A : i32
      %ne3A_60 = arith.constant 0 : i32
      %ne3A_61 = arith.cmpi ne, %rem3A, %ne3A_60 : i32
      %and3A = arith.andi %ne3A, %ne3A_61 : i1
      %sub3A = arith.constant 1 : i32
      %sub3A_62 = arith.subi %div3A, %sub3A : i32
      %select_n3A = arith.select %and3A, %sub3A_62, %div3A : i32
      %jit3A_63 = arith.constant 8 : i32
      %eq3A_64 = arith.constant 0 : i32
      %eq3A_65 = arith.cmpi eq, %jit3A_63, %eq3A_64 : i32
      %jit3A_66 = arith.constant 1 : i32
      %select_n3A_67 = arith.select %eq3A_65, %jit3A_66, %jit3A_63 : i32
      %rem3A_68 = arith.remsi %scan3A_44, %select_n3A_67 : i32
      %ne3A_69 = arith.constant 0 : i32
      %ne3A_70 = arith.cmpi ne, %rem3A_68, %ne3A_69 : i32
      %lt3A = arith.constant 0 : i32
      %lt3A_71 = arith.cmpi slt, %rem3A_68, %lt3A : i32
      %lt3A_72 = arith.constant 0 : i32
      %lt3A_73 = arith.cmpi slt, %select_n3A_67, %lt3A_72 : i32
      %ne3A_74 = arith.xori %lt3A_71, %lt3A_73 : i1
      %and3A_75 = arith.andi %ne3A_74, %ne3A_70 : i1
      %add3A = arith.addi %rem3A_68, %select_n3A_67 : i32
      %select_n3A_76 = arith.select %and3A_75, %add3A, %rem3A_68 : i32
      %mul3A_77 = arith.constant 16 : i32
      %mul3A_78 = arith.muli %select_n3A_76, %mul3A_77 : i32
      %swap3A = arith.index_cast %select_n3A : i32 to index
      %swap3A_79 = arith.index_cast %mul3A_78 : i32 to index
      %swap3A_80 = tpu.vector_load %arg12[%swap3A, %swap3A_79] {strides = array<i32>} : memref<48x128xf32, #tpu.memory_space<vmem>>, vector<1x16xf32>,
      %swap3A_81 = vector.shape_cast %swap3A_80 : vector<1x16xf32> to vector<16xf32>
      %swap3A_82 = vector.shape_cast %broadcast_in_dim3A_46 : vector<16xf32> to vector<1x16xf32>
      tpu.vector_store %arg12[%swap3A, %swap3A_79], %swap3A_82 {strides = array<i32>} : memref<48x128xf32, #tpu.memory_space<vmem>>, vector<1x16xf32>,
      %scan3A_83 = arith.constant 0 : i32
      scf.yield %scan3A_83 : i32
    }
    %scan3A_6 = arith.constant 384 : i32
    %scan3A_7 = arith.constant 0 : i32
    %scan3A_8 = arith.constant 0 : i32
    %scan3A_9 = arith.constant 13 : i32
    %scan3A_10 = arith.addi %scan3A_8, %scan3A_9 : i32
    %scan3A_11 = arith.constant 1 : i32
    %scan3A_12 = scf.for %scan3A_44 = %scan3A_8 to %scan3A_10 step %scan3A_11 iter_args(%scan3A_45 = %scan3A_7) -> (i32)  : i32 {
      %mul3A_46 = arith.constant 624 : i32
      %mul3A_47 = arith.muli %arg1, %mul3A_46 : i32
      %mul3A_48 = arith.constant 48 : i32
      %mul3A_49 = arith.muli %scan3A_44, %mul3A_48 : i32
      %add3A = arith.addi %mul3A_47, %mul3A_49 : i32
      %dma_start3A = arith.constant 0 : i32
      %dma_start3A_50 = tpu.memref_slice %arg7[%add3A, %dma_start3A] : memref<10000x128xf32, #tpu.memory_space<vmem_shared>> -> memref<48x128xf32, #tpu.memory_space<vmem_shared>>
      %dma_start3A_51 = arith.constant 0 : i32
      %dma_start3A_52 = tpu.memref_slice %arg7[%add3A, %dma_start3A_51] : memref<10000x128xf32, #tpu.memory_space<vmem_shared>> -> memref<48x128xf32, #tpu.memory_space<vmem_shared>>
      tpu.enqueue_dma source(%arg12 : memref<48x128xf32, #tpu.memory_space<vmem>>) target(%dma_start3A_52 : memref<48x128xf32, #tpu.memory_space<vmem_shared>>) target_semaphore(%arg17 : memref<!tpu.dma_semaphore, #tpu.memory_space<semaphore_mem>>)
      %scan3A_53 = arith.constant 0 : i32
      scf.yield %scan3A_53 : i32
    }
    %scan3A_13 = arith.constant 13 : i32
    %scan3A_14 = arith.constant 0 : i32
    %scan3A_15 = arith.constant 0 : i32
    %scan3A_16 = arith.constant 13 : i32
    %scan3A_17 = arith.addi %scan3A_15, %scan3A_16 : i32
    %scan3A_18 = arith.constant 1 : i32
    %scan3A_19 = scf.for %scan3A_44 = %scan3A_15 to %scan3A_17 step %scan3A_18 iter_args(%scan3A_45 = %scan3A_14) -> (i32)  : i32 {
      %mul3A_46 = arith.constant 624 : i32
      %mul3A_47 = arith.muli %arg1, %mul3A_46 : i32
      %mul3A_48 = arith.constant 48 : i32
      %mul3A_49 = arith.muli %scan3A_44, %mul3A_48 : i32
      %add3A = arith.addi %mul3A_47, %mul3A_49 : i32
      %dma_wait3A = arith.constant 0 : i32
      %dma_wait3A_50 = tpu.memref_slice %arg7[%add3A, %dma_wait3A] : memref<10000x128xf32, #tpu.memory_space<vmem_shared>> -> memref<48x128xf32, #tpu.memory_space<vmem_shared>>
      %dma_wait3A_51 = arith.constant 0 : i32
      %dma_wait3A_52 = tpu.memref_slice %arg7[%add3A, %dma_wait3A_51] : memref<10000x128xf32, #tpu.memory_space<vmem_shared>> -> memref<48x128xf32, #tpu.memory_space<vmem_shared>>
      tpu.wait_dma2 semaphore(%arg17 : memref<!tpu.dma_semaphore, #tpu.memory_space<semaphore_mem>>) src(%arg12 : memref<48x128xf32, #tpu.memory_space<vmem>>) dst(%dma_wait3A_52 : memref<48x128xf32, #tpu.memory_space<vmem_shared>>)
      %scan3A_53 = arith.constant 0 : i32
      scf.yield %scan3A_53 : i32
    }
    %scan3A_20 = arith.constant 13 : i32
    %eq3A = arith.constant 15 : i32
    %eq3A_21 = arith.cmpi eq, %arg1, %eq3A : i32
    %convert_element_type3A = arith.extui %eq3A_21 : i1 to i32
    %cond3A = arith.constant 0 : i32
    %cond3A_22 = arith.cmpi ne, %convert_element_type3A, %cond3A : i32
    scf.if %cond3A_22 {
      "tpu.region"() ({
        %run_scoped3A = tpu.sem_alloc : memref<!tpu.dma_semaphore, #tpu.memory_space<semaphore_mem>>
        %dma_start3A = arith.constant 0 : i32
        %dma_start3A_44 = arith.constant 0 : i32
        %dma_start3A_45 = tpu.memref_slice %arg12[%dma_start3A, %dma_start3A_44] : memref<48x128xf32, #tpu.memory_space<vmem>> -> memref<16x128xf32, #tpu.memory_space<vmem>>
        %dma_start3A_46 = arith.constant 9984 : i32
        %dma_start3A_47 = arith.constant 0 : i32
        %dma_start3A_48 = tpu.memref_slice %arg7[%dma_start3A_46, %dma_start3A_47] : memref<10000x128xf32, #tpu.memory_space<vmem_shared>> -> memref<16x128xf32, #tpu.memory_space<vmem_shared>>
        %dma_start3A_49 = arith.constant 9984 : i32
        %dma_start3A_50 = arith.constant 0 : i32
        %dma_start3A_51 = tpu.memref_slice %arg7[%dma_start3A_49, %dma_start3A_50] : memref<10000x128xf32, #tpu.memory_space<vmem_shared>> -> memref<16x128xf32, #tpu.memory_space<vmem_shared>>
        %dma_start3A_52 = arith.constant 0 : i32
        %dma_start3A_53 = arith.constant 0 : i32
        %dma_start3A_54 = tpu.memref_slice %arg12[%dma_start3A_52, %dma_start3A_53] : memref<48x128xf32, #tpu.memory_space<vmem>> -> memref<16x128xf32, #tpu.memory_space<vmem>>
        tpu.enqueue_dma source(%dma_start3A_54 : memref<16x128xf32, #tpu.memory_space<vmem>>) target(%dma_start3A_51 : memref<16x128xf32, #tpu.memory_space<vmem_shared>>) target_semaphore(%run_scoped3A : memref<!tpu.dma_semaphore, #tpu.memory_space<semaphore_mem>>)
        %dma_wait3A = arith.constant 0 : i32
        %dma_wait3A_55 = arith.constant 0 : i32
        %dma_wait3A_56 = tpu.memref_slice %arg12[%dma_wait3A, %dma_wait3A_55] : memref<48x128xf32, #tpu.memory_space<vmem>> -> memref<16x128xf32, #tpu.memory_space<vmem>>
        %dma_wait3A_57 = arith.constant 9984 : i32
        %dma_wait3A_58 = arith.constant 0 : i32
        %dma_wait3A_59 = tpu.memref_slice %arg7[%dma_wait3A_57, %dma_wait3A_58] : memref<10000x128xf32, #tpu.memory_space<vmem_shared>> -> memref<16x128xf32, #tpu.memory_space<vmem_shared>>
        %dma_wait3A_60 = arith.constant 9984 : i32
        %dma_wait3A_61 = arith.constant 0 : i32
        %dma_wait3A_62 = tpu.memref_slice %arg7[%dma_wait3A_60, %dma_wait3A_61] : memref<10000x128xf32, #tpu.memory_space<vmem_shared>> -> memref<16x128xf32, #tpu.memory_space<vmem_shared>>
        %dma_wait3A_63 = arith.constant 0 : i32
        %dma_wait3A_64 = arith.constant 0 : i32
        %dma_wait3A_65 = tpu.memref_slice %arg12[%dma_wait3A_63, %dma_wait3A_64] : memref<48x128xf32, #tpu.memory_space<vmem>> -> memref<16x128xf32, #tpu.memory_space<vmem>>
        tpu.wait_dma2 semaphore(%run_scoped3A : memref<!tpu.dma_semaphore, #tpu.memory_space<semaphore_mem>>) src(%dma_wait3A_65 : memref<16x128xf32, #tpu.memory_space<vmem>>) dst(%dma_wait3A_62 : memref<16x128xf32, #tpu.memory_space<vmem_shared>>)
        tpu.yield
      }) : () -> ()
    } else {
    }
    %barrier3A = arith.constant 0 : index
    tpu.barrier barrier_id(%barrier3A)
    %eq3A_23 = arith.constant 0 : i32
    %eq3A_24 = arith.cmpi eq, %arg0, %eq3A_23 : i32
    %convert_element_type3A_25 = arith.extui %eq3A_24 : i1 to i32
    %cond3A_26 = arith.constant 0 : i32
    %cond3A_27 = arith.cmpi ne, %convert_element_type3A_25, %cond3A_26 : i32
    scf.if %cond3A_27 {
      %add3A = arith.constant 0 : i32
      %add3A_44 = arith.addi %mul3A_0, %add3A : i32
      %dma_start3A = tpu.memref_slice %arg3[%add3A_44] : memref<160000xi32, #tpu.memory_space<hbm>> -> memref<80xi32, #tpu.memory_space<hbm>>
      %dma_start3A_45 = tpu.memref_slice %arg3[%add3A_44] : memref<160000xi32, #tpu.memory_space<hbm>> -> memref<80xi32, #tpu.memory_space<hbm>>
      tpu.enqueue_dma source(%dma_start3A_45 : memref<80xi32, #tpu.memory_space<hbm>>) target(%arg10 : memref<80xi32, #tpu.memory_space<vmem>>) target_semaphore(%arg15 : memref<!tpu.dma_semaphore, #tpu.memory_space<semaphore_mem>>)
      %add3A_46 = arith.constant 0 : i32
      %add3A_47 = arith.addi %mul3A_0, %add3A_46 : i32
      %dma_start3A_48 = arith.constant 0 : i32
      %dma_start3A_49 = tpu.memref_slice %arg2[%add3A_47, %dma_start3A_48] : memref<160000x128xf32, #tpu.memory_space<hbm>> -> memref<80x128xf32, #tpu.memory_space<hbm>>
      %dma_start3A_50 = arith.constant 0 : i32
      %dma_start3A_51 = tpu.memref_slice %arg2[%add3A_47, %dma_start3A_50] : memref<160000x128xf32, #tpu.memory_space<hbm>> -> memref<80x128xf32, #tpu.memory_space<hbm>>
      tpu.enqueue_dma source(%dma_start3A_51 : memref<80x128xf32, #tpu.memory_space<hbm>>) target(%arg8 : memref<80x128xf32, #tpu.memory_space<vmem>>) target_semaphore(%arg13 : memref<!tpu.dma_semaphore, #tpu.memory_space<semaphore_mem>>)
      %scan3A_52 = arith.constant 0 : i32
      %scan3A_53 = arith.constant 0 : i32
      %scan3A_54 = arith.constant 62 : i32
      %scan3A_55 = arith.addi %scan3A_53, %scan3A_54 : i32
      %scan3A_56 = arith.constant 1 : i32
      %scan3A_57 = scf.for %scan3A_68 = %scan3A_53 to %scan3A_55 step %scan3A_56 iter_args(%scan3A_69 = %scan3A_52) -> (i32)  : i32 {
        %mul3A_70 = arith.constant 2 : i32
        %mul3A_71 = arith.muli %mul3A_70, %scan3A_68 : i32
        %add3A_72 = arith.constant 1 : i32
        %add3A_73 = arith.addi %mul3A_71, %add3A_72 : i32
        %mul3A_74 = arith.constant 80 : i32
        %mul3A_75 = arith.muli %add3A_73, %mul3A_74 : i32
        %add3A_76 = arith.addi %mul3A_0, %mul3A_75 : i32
        %dma_start3A_77 = tpu.memref_slice %arg3[%add3A_76] : memref<160000xi32, #tpu.memory_space<hbm>> -> memref<80xi32, #tpu.memory_space<hbm>>
        %dma_start3A_78 = tpu.memref_slice %arg3[%add3A_76] : memref<160000xi32, #tpu.memory_space<hbm>> -> memref<80xi32, #tpu.memory_space<hbm>>
        tpu.enqueue_dma source(%dma_start3A_78 : memref<80xi32, #tpu.memory_space<hbm>>) target(%arg11 : memref<80xi32, #tpu.memory_space<vmem>>) target_semaphore(%arg16 : memref<!tpu.dma_semaphore, #tpu.memory_space<semaphore_mem>>)
        %mul3A_79 = arith.constant 80 : i32
        %mul3A_80 = arith.muli %add3A_73, %mul3A_79 : i32
        %add3A_81 = arith.addi %mul3A_0, %mul3A_80 : i32
        %dma_start3A_82 = arith.constant 0 : i32
        %dma_start3A_83 = tpu.memref_slice %arg2[%add3A_81, %dma_start3A_82] : memref<160000x128xf32, #tpu.memory_space<hbm>> -> memref<80x128xf32, #tpu.memory_space<hbm>>
        %dma_start3A_84 = arith.constant 0 : i32
        %dma_start3A_85 = tpu.memref_slice %arg2[%add3A_81, %dma_start3A_84] : memref<160000x128xf32, #tpu.memory_space<hbm>> -> memref<80x128xf32, #tpu.memory_space<hbm>>
        tpu.enqueue_dma source(%dma_start3A_85 : memref<80x128xf32, #tpu.memory_space<hbm>>) target(%arg9 : memref<80x128xf32, #tpu.memory_space<vmem>>) target_semaphore(%arg14 : memref<!tpu.dma_semaphore, #tpu.memory_space<semaphore_mem>>)
        %mul3A_86 = arith.constant 80 : i32
        %mul3A_87 = arith.muli %mul3A_71, %mul3A_86 : i32
        %add3A_88 = arith.addi %mul3A_0, %mul3A_87 : i32
        %dma_wait3A_89 = arith.constant 0 : i32
        %dma_wait3A_90 = tpu.memref_slice %arg2[%add3A_88, %dma_wait3A_89] : memref<160000x128xf32, #tpu.memory_space<hbm>> -> memref<80x128xf32, #tpu.memory_space<hbm>>
        %dma_wait3A_91 = arith.constant 0 : i32
        %dma_wait3A_92 = tpu.memref_slice %arg2[%add3A_88, %dma_wait3A_91] : memref<160000x128xf32, #tpu.memory_space<hbm>> -> memref<80x128xf32, #tpu.memory_space<hbm>>
        tpu.wait_dma2 semaphore(%arg13 : memref<!tpu.dma_semaphore, #tpu.memory_space<semaphore_mem>>) src(%dma_wait3A_92 : memref<80x128xf32, #tpu.memory_space<hbm>>) dst(%arg8 : memref<80x128xf32, #tpu.memory_space<vmem>>)
        %mul3A_93 = arith.constant 80 : i32
        %mul3A_94 = arith.muli %mul3A_71, %mul3A_93 : i32
        %add3A_95 = arith.addi %mul3A_0, %mul3A_94 : i32
        %dma_wait3A_96 = tpu.memref_slice %arg3[%add3A_95] : memref<160000xi32, #tpu.memory_space<hbm>> -> memref<80xi32, #tpu.memory_space<hbm>>
        %dma_wait3A_97 = tpu.memref_slice %arg3[%add3A_95] : memref<160000xi32, #tpu.memory_space<hbm>> -> memref<80xi32, #tpu.memory_space<hbm>>
        tpu.wait_dma2 semaphore(%arg15 : memref<!tpu.dma_semaphore, #tpu.memory_space<semaphore_mem>>) src(%dma_wait3A_97 : memref<80xi32, #tpu.memory_space<hbm>>) dst(%arg10 : memref<80xi32, #tpu.memory_space<vmem>>)
        "tpu.region"() ({
          %run_scoped3A = tpu.sem_alloc : memref<!tpu.dma_semaphore, #tpu.memory_space<semaphore_mem>>
          %dma_start3A_117 = arith.constant 0 : i32
          %dma_start3A_118 = arith.constant 0 : i32
          %dma_start3A_119 = tpu.memref_slice %arg7[%dma_start3A_117, %dma_start3A_118] : memref<10000x128xf32, #tpu.memory_space<vmem_shared>> -> memref<10000x128xf32, #tpu.memory_space<vmem_shared>>
          tpu.enqueue_indirect_dma source(%arg8 : memref<80x128xf32, #tpu.memory_space<vmem>>) target(%dma_start3A_119 : memref<10000x128xf32, #tpu.memory_space<vmem_shared>>) offsets(%arg10 : memref<80xi32, #tpu.memory_space<vmem>>) semaphore(%run_scoped3A : memref<!tpu.dma_semaphore, #tpu.memory_space<semaphore_mem>>) {add = true}
          %dma_wait3A_120 = arith.constant 0 : i32
          %dma_wait3A_121 = arith.constant 0 : i32
          %dma_wait3A_122 = tpu.memref_slice %arg7[%dma_wait3A_120, %dma_wait3A_121] : memref<10000x128xf32, #tpu.memory_space<vmem_shared>> -> memref<10000x128xf32, #tpu.memory_space<vmem_shared>>
          tpu.wait_indirect_dma semaphore(%run_scoped3A : memref<!tpu.dma_semaphore, #tpu.memory_space<semaphore_mem>>) src(%arg8 : memref<80x128xf32, #tpu.memory_space<vmem>>) dst(%dma_wait3A_122 : memref<10000x128xf32, #tpu.memory_space<vmem_shared>>)
          tpu.yield
        }) : () -> ()
        %add3A_98 = arith.constant 1 : i32
        %add3A_99 = arith.addi %add3A_73, %add3A_98 : i32
        %lt3A = arith.constant 125 : i32
        %lt3A_100 = arith.cmpi slt, %add3A_99, %lt3A : i32
        %convert_element_type3A_101 = arith.extui %lt3A_100 : i1 to i32
        %cond3A_102 = arith.constant 0 : i32
        %cond3A_103 = arith.cmpi ne, %convert_element_type3A_101, %cond3A_102 : i32
        scf.if %cond3A_103 {
          %add3A_117 = arith.constant 1 : i32
          %add3A_118 = arith.addi %add3A_73, %add3A_117 : i32
          %mul3A_119 = arith.constant 80 : i32
          %mul3A_120 = arith.muli %add3A_118, %mul3A_119 : i32
          %add3A_121 = arith.addi %mul3A_0, %mul3A_120 : i32
          %dma_start3A_122 = tpu.memref_slice %arg3[%add3A_121] : memref<160000xi32, #tpu.memory_space<hbm>> -> memref<80xi32, #tpu.memory_space<hbm>>
          %dma_start3A_123 = tpu.memref_slice %arg3[%add3A_121] : memref<160000xi32, #tpu.memory_space<hbm>> -> memref<80xi32, #tpu.memory_space<hbm>>
          tpu.enqueue_dma source(%dma_start3A_123 : memref<80xi32, #tpu.memory_space<hbm>>) target(%arg10 : memref<80xi32, #tpu.memory_space<vmem>>) target_semaphore(%arg15 : memref<!tpu.dma_semaphore, #tpu.memory_space<semaphore_mem>>)
          %add3A_124 = arith.constant 1 : i32
          %add3A_125 = arith.addi %add3A_73, %add3A_124 : i32
          %mul3A_126 = arith.constant 80 : i32
          %mul3A_127 = arith.muli %add3A_125, %mul3A_126 : i32
          %add3A_128 = arith.addi %mul3A_0, %mul3A_127 : i32
          %dma_start3A_129 = arith.constant 0 : i32
          %dma_start3A_130 = tpu.memref_slice %arg2[%add3A_128, %dma_start3A_129] : memref<160000x128xf32, #tpu.memory_space<hbm>> -> memref<80x128xf32, #tpu.memory_space<hbm>>
          %dma_start3A_131 = arith.constant 0 : i32
          %dma_start3A_132 = tpu.memref_slice %arg2[%add3A_128, %dma_start3A_131] : memref<160000x128xf32, #tpu.memory_space<hbm>> -> memref<80x128xf32, #tpu.memory_space<hbm>>
          tpu.enqueue_dma source(%dma_start3A_132 : memref<80x128xf32, #tpu.memory_space<hbm>>) target(%arg8 : memref<80x128xf32, #tpu.memory_space<vmem>>) target_semaphore(%arg13 : memref<!tpu.dma_semaphore, #tpu.memory_space<semaphore_mem>>)
        } else {
        }
        %mul3A_104 = arith.constant 80 : i32
        %mul3A_105 = arith.muli %add3A_73, %mul3A_104 : i32
        %add3A_106 = arith.addi %mul3A_0, %mul3A_105 : i32
        %dma_wait3A_107 = arith.constant 0 : i32
        %dma_wait3A_108 = tpu.memref_slice %arg2[%add3A_106, %dma_wait3A_107] : memref<160000x128xf32, #tpu.memory_space<hbm>> -> memref<80x128xf32, #tpu.memory_space<hbm>>
        %dma_wait3A_109 = arith.constant 0 : i32
        %dma_wait3A_110 = tpu.memref_slice %arg2[%add3A_106, %dma_wait3A_109] : memref<160000x128xf32, #tpu.memory_space<hbm>> -> memref<80x128xf32, #tpu.memory_space<hbm>>
        tpu.wait_dma2 semaphore(%arg14 : memref<!tpu.dma_semaphore, #tpu.memory_space<semaphore_mem>>) src(%dma_wait3A_110 : memref<80x128xf32, #tpu.memory_space<hbm>>) dst(%arg9 : memref<80x128xf32, #tpu.memory_space<vmem>>)
        %mul3A_111 = arith.constant 80 : i32
        %mul3A_112 = arith.muli %add3A_73, %mul3A_111 : i32
        %add3A_113 = arith.addi %mul3A_0, %mul3A_112 : i32
        %dma_wait3A_114 = tpu.memref_slice %arg3[%add3A_113] : memref<160000xi32, #tpu.memory_space<hbm>> -> memref<80xi32, #tpu.memory_space<hbm>>
        %dma_wait3A_115 = tpu.memref_slice %arg3[%add3A_113] : memref<160000xi32, #tpu.memory_space<hbm>> -> memref<80xi32, #tpu.memory_space<hbm>>
        tpu.wait_dma2 semaphore(%arg16 : memref<!tpu.dma_semaphore, #tpu.memory_space<semaphore_mem>>) src(%dma_wait3A_115 : memref<80xi32, #tpu.memory_space<hbm>>) dst(%arg11 : memref<80xi32, #tpu.memory_space<vmem>>)
        "tpu.region"() ({
          %run_scoped3A = tpu.sem_alloc : memref<!tpu.dma_semaphore, #tpu.memory_space<semaphore_mem>>
          %dma_start3A_117 = arith.constant 0 : i32
          %dma_start3A_118 = arith.constant 0 : i32
          %dma_start3A_119 = tpu.memref_slice %arg7[%dma_start3A_117, %dma_start3A_118] : memref<10000x128xf32, #tpu.memory_space<vmem_shared>> -> memref<10000x128xf32, #tpu.memory_space<vmem_shared>>
          tpu.enqueue_indirect_dma source(%arg9 : memref<80x128xf32, #tpu.memory_space<vmem>>) target(%dma_start3A_119 : memref<10000x128xf32, #tpu.memory_space<vmem_shared>>) offsets(%arg11 : memref<80xi32, #tpu.memory_space<vmem>>) semaphore(%run_scoped3A : memref<!tpu.dma_semaphore, #tpu.memory_space<semaphore_mem>>) {add = true}
          %dma_wait3A_120 = arith.constant 0 : i32
          %dma_wait3A_121 = arith.constant 0 : i32
          %dma_wait3A_122 = tpu.memref_slice %arg7[%dma_wait3A_120, %dma_wait3A_121] : memref<10000x128xf32, #tpu.memory_space<vmem_shared>> -> memref<10000x128xf32, #tpu.memory_space<vmem_shared>>
          tpu.wait_indirect_dma semaphore(%run_scoped3A : memref<!tpu.dma_semaphore, #tpu.memory_space<semaphore_mem>>) src(%arg9 : memref<80x128xf32, #tpu.memory_space<vmem>>) dst(%dma_wait3A_122 : memref<10000x128xf32, #tpu.memory_space<vmem_shared>>)
          tpu.yield
        }) : () -> ()
        %scan3A_116 = arith.constant 0 : i32
        scf.yield %scan3A_116 : i32
      }
      %scan3A_58 = arith.constant 62 : i32
      %add3A_59 = arith.constant 9920 : i32
      %add3A_60 = arith.addi %mul3A_0, %add3A_59 : i32
      %dma_wait3A = arith.constant 0 : i32
      %dma_wait3A_61 = tpu.memref_slice %arg2[%add3A_60, %dma_wait3A] : memref<160000x128xf32, #tpu.memory_space<hbm>> -> memref<80x128xf32, #tpu.memory_space<hbm>>
      %dma_wait3A_62 = arith.constant 0 : i32
      %dma_wait3A_63 = tpu.memref_slice %arg2[%add3A_60, %dma_wait3A_62] : memref<160000x128xf32, #tpu.memory_space<hbm>> -> memref<80x128xf32, #tpu.memory_space<hbm>>
      tpu.wait_dma2 semaphore(%arg13 : memref<!tpu.dma_semaphore, #tpu.memory_space<semaphore_mem>>) src(%dma_wait3A_63 : memref<80x128xf32, #tpu.memory_space<hbm>>) dst(%arg8 : memref<80x128xf32, #tpu.memory_space<vmem>>)
      %add3A_64 = arith.constant 9920 : i32
      %add3A_65 = arith.addi %mul3A_0, %add3A_64 : i32
      %dma_wait3A_66 = tpu.memref_slice %arg3[%add3A_65] : memref<160000xi32, #tpu.memory_space<hbm>> -> memref<80xi32, #tpu.memory_space<hbm>>
      %dma_wait3A_67 = tpu.memref_slice %arg3[%add3A_65] : memref<160000xi32, #tpu.memory_space<hbm>> -> memref<80xi32, #tpu.memory_space<hbm>>
      tpu.wait_dma2 semaphore(%arg15 : memref<!tpu.dma_semaphore, #tpu.memory_space<semaphore_mem>>) src(%dma_wait3A_67 : memref<80xi32, #tpu.memory_space<hbm>>) dst(%arg10 : memref<80xi32, #tpu.memory_space<vmem>>)
      "tpu.region"() ({
        %run_scoped3A = tpu.sem_alloc : memref<!tpu.dma_semaphore, #tpu.memory_space<semaphore_mem>>
        %dma_start3A_68 = arith.constant 0 : i32
        %dma_start3A_69 = arith.constant 0 : i32
        %dma_start3A_70 = tpu.memref_slice %arg7[%dma_start3A_68, %dma_start3A_69] : memref<10000x128xf32, #tpu.memory_space<vmem_shared>> -> memref<10000x128xf32, #tpu.memory_space<vmem_shared>>
        tpu.enqueue_indirect_dma source(%arg8 : memref<80x128xf32, #tpu.memory_space<vmem>>) target(%dma_start3A_70 : memref<10000x128xf32, #tpu.memory_space<vmem_shared>>) offsets(%arg10 : memref<80xi32, #tpu.memory_space<vmem>>) semaphore(%run_scoped3A : memref<!tpu.dma_semaphore, #tpu.memory_space<semaphore_mem>>) {add = true}
        %dma_wait3A_71 = arith.constant 0 : i32
        %dma_wait3A_72 = arith.constant 0 : i32
        %dma_wait3A_73 = tpu.memref_slice %arg7[%dma_wait3A_71, %dma_wait3A_72] : memref<10000x128xf32, #tpu.memory_space<vmem_shared>> -> memref<10000x128xf32, #tpu.memory_space<vmem_shared>>
        tpu.wait_indirect_dma semaphore(%run_scoped3A : memref<!tpu.dma_semaphore, #tpu.memory_space<semaphore_mem>>) src(%arg8 : memref<80x128xf32, #tpu.memory_space<vmem>>) dst(%dma_wait3A_73 : memref<10000x128xf32, #tpu.memory_space<vmem_shared>>)
        tpu.yield
      }) : () -> ()
    } else {
    }
    %eq3A_28 = arith.constant 1 : i32
    %eq3A_29 = arith.cmpi eq, %arg0, %eq3A_28 : i32
    %convert_element_type3A_30 = arith.extui %eq3A_29 : i1 to i32
    %cond3A_31 = arith.constant 0 : i32
    %cond3A_32 = arith.cmpi ne, %convert_element_type3A_30, %cond3A_31 : i32
    scf.if %cond3A_32 {
      %add3A = arith.constant 0 : i32
      %add3A_44 = arith.addi %mul3A_0, %add3A : i32
      %dma_start3A = tpu.memref_slice %arg4[%add3A_44] : memref<160000xi32, #tpu.memory_space<hbm>> -> memref<80xi32, #tpu.memory_space<hbm>>
      %dma_start3A_45 = tpu.memref_slice %arg4[%add3A_44] : memref<160000xi32, #tpu.memory_space<hbm>> -> memref<80xi32, #tpu.memory_space<hbm>>
      tpu.enqueue_dma source(%dma_start3A_45 : memref<80xi32, #tpu.memory_space<hbm>>) target(%arg10 : memref<80xi32, #tpu.memory_space<vmem>>) target_semaphore(%arg15 : memref<!tpu.dma_semaphore, #tpu.memory_space<semaphore_mem>>)
      %add3A_46 = arith.constant 0 : i32
      %add3A_47 = arith.addi %mul3A_0, %add3A_46 : i32
      %dma_start3A_48 = arith.constant 0 : i32
      %dma_start3A_49 = tpu.memref_slice %arg2[%add3A_47, %dma_start3A_48] : memref<160000x128xf32, #tpu.memory_space<hbm>> -> memref<80x128xf32, #tpu.memory_space<hbm>>
      %dma_start3A_50 = arith.constant 0 : i32
      %dma_start3A_51 = tpu.memref_slice %arg2[%add3A_47, %dma_start3A_50] : memref<160000x128xf32, #tpu.memory_space<hbm>> -> memref<80x128xf32, #tpu.memory_space<hbm>>
      tpu.enqueue_dma source(%dma_start3A_51 : memref<80x128xf32, #tpu.memory_space<hbm>>) target(%arg8 : memref<80x128xf32, #tpu.memory_space<vmem>>) target_semaphore(%arg13 : memref<!tpu.dma_semaphore, #tpu.memory_space<semaphore_mem>>)
      %scan3A_52 = arith.constant 0 : i32
      %scan3A_53 = arith.constant 0 : i32
      %scan3A_54 = arith.constant 62 : i32
      %scan3A_55 = arith.addi %scan3A_53, %scan3A_54 : i32
      %scan3A_56 = arith.constant 1 : i32
      %scan3A_57 = scf.for %scan3A_68 = %scan3A_53 to %scan3A_55 step %scan3A_56 iter_args(%scan3A_69 = %scan3A_52) -> (i32)  : i32 {
        %mul3A_70 = arith.constant 2 : i32
        %mul3A_71 = arith.muli %mul3A_70, %scan3A_68 : i32
        %add3A_72 = arith.constant 1 : i32
        %add3A_73 = arith.addi %mul3A_71, %add3A_72 : i32
        %mul3A_74 = arith.constant 80 : i32
        %mul3A_75 = arith.muli %add3A_73, %mul3A_74 : i32
        %add3A_76 = arith.addi %mul3A_0, %mul3A_75 : i32
        %dma_start3A_77 = tpu.memref_slice %arg4[%add3A_76] : memref<160000xi32, #tpu.memory_space<hbm>> -> memref<80xi32, #tpu.memory_space<hbm>>
        %dma_start3A_78 = tpu.memref_slice %arg4[%add3A_76] : memref<160000xi32, #tpu.memory_space<hbm>> -> memref<80xi32, #tpu.memory_space<hbm>>
        tpu.enqueue_dma source(%dma_start3A_78 : memref<80xi32, #tpu.memory_space<hbm>>) target(%arg11 : memref<80xi32, #tpu.memory_space<vmem>>) target_semaphore(%arg16 : memref<!tpu.dma_semaphore, #tpu.memory_space<semaphore_mem>>)
        %mul3A_79 = arith.constant 80 : i32
        %mul3A_80 = arith.muli %add3A_73, %mul3A_79 : i32
        %add3A_81 = arith.addi %mul3A_0, %mul3A_80 : i32
        %dma_start3A_82 = arith.constant 0 : i32
        %dma_start3A_83 = tpu.memref_slice %arg2[%add3A_81, %dma_start3A_82] : memref<160000x128xf32, #tpu.memory_space<hbm>> -> memref<80x128xf32, #tpu.memory_space<hbm>>
        %dma_start3A_84 = arith.constant 0 : i32
        %dma_start3A_85 = tpu.memref_slice %arg2[%add3A_81, %dma_start3A_84] : memref<160000x128xf32, #tpu.memory_space<hbm>> -> memref<80x128xf32, #tpu.memory_space<hbm>>
        tpu.enqueue_dma source(%dma_start3A_85 : memref<80x128xf32, #tpu.memory_space<hbm>>) target(%arg9 : memref<80x128xf32, #tpu.memory_space<vmem>>) target_semaphore(%arg14 : memref<!tpu.dma_semaphore, #tpu.memory_space<semaphore_mem>>)
        %mul3A_86 = arith.constant 80 : i32
        %mul3A_87 = arith.muli %mul3A_71, %mul3A_86 : i32
        %add3A_88 = arith.addi %mul3A_0, %mul3A_87 : i32
        %dma_wait3A_89 = arith.constant 0 : i32
        %dma_wait3A_90 = tpu.memref_slice %arg2[%add3A_88, %dma_wait3A_89] : memref<160000x128xf32, #tpu.memory_space<hbm>> -> memref<80x128xf32, #tpu.memory_space<hbm>>
        %dma_wait3A_91 = arith.constant 0 : i32
        %dma_wait3A_92 = tpu.memref_slice %arg2[%add3A_88, %dma_wait3A_91] : memref<160000x128xf32, #tpu.memory_space<hbm>> -> memref<80x128xf32, #tpu.memory_space<hbm>>
        tpu.wait_dma2 semaphore(%arg13 : memref<!tpu.dma_semaphore, #tpu.memory_space<semaphore_mem>>) src(%dma_wait3A_92 : memref<80x128xf32, #tpu.memory_space<hbm>>) dst(%arg8 : memref<80x128xf32, #tpu.memory_space<vmem>>)
        %mul3A_93 = arith.constant 80 : i32
        %mul3A_94 = arith.muli %mul3A_71, %mul3A_93 : i32
        %add3A_95 = arith.addi %mul3A_0, %mul3A_94 : i32
        %dma_wait3A_96 = tpu.memref_slice %arg4[%add3A_95] : memref<160000xi32, #tpu.memory_space<hbm>> -> memref<80xi32, #tpu.memory_space<hbm>>
        %dma_wait3A_97 = tpu.memref_slice %arg4[%add3A_95] : memref<160000xi32, #tpu.memory_space<hbm>> -> memref<80xi32, #tpu.memory_space<hbm>>
        tpu.wait_dma2 semaphore(%arg15 : memref<!tpu.dma_semaphore, #tpu.memory_space<semaphore_mem>>) src(%dma_wait3A_97 : memref<80xi32, #tpu.memory_space<hbm>>) dst(%arg10 : memref<80xi32, #tpu.memory_space<vmem>>)
        "tpu.region"() ({
          %run_scoped3A = tpu.sem_alloc : memref<!tpu.dma_semaphore, #tpu.memory_space<semaphore_mem>>
          %dma_start3A_117 = arith.constant 0 : i32
          %dma_start3A_118 = arith.constant 0 : i32
          %dma_start3A_119 = tpu.memref_slice %arg7[%dma_start3A_117, %dma_start3A_118] : memref<10000x128xf32, #tpu.memory_space<vmem_shared>> -> memref<10000x128xf32, #tpu.memory_space<vmem_shared>>
          tpu.enqueue_indirect_dma source(%arg8 : memref<80x128xf32, #tpu.memory_space<vmem>>) target(%dma_start3A_119 : memref<10000x128xf32, #tpu.memory_space<vmem_shared>>) offsets(%arg10 : memref<80xi32, #tpu.memory_space<vmem>>) semaphore(%run_scoped3A : memref<!tpu.dma_semaphore, #tpu.memory_space<semaphore_mem>>) {add = true}
          %dma_wait3A_120 = arith.constant 0 : i32
          %dma_wait3A_121 = arith.constant 0 : i32
          %dma_wait3A_122 = tpu.memref_slice %arg7[%dma_wait3A_120, %dma_wait3A_121] : memref<10000x128xf32, #tpu.memory_space<vmem_shared>> -> memref<10000x128xf32, #tpu.memory_space<vmem_shared>>
          tpu.wait_indirect_dma semaphore(%run_scoped3A : memref<!tpu.dma_semaphore, #tpu.memory_space<semaphore_mem>>) src(%arg8 : memref<80x128xf32, #tpu.memory_space<vmem>>) dst(%dma_wait3A_122 : memref<10000x128xf32, #tpu.memory_space<vmem_shared>>)
          tpu.yield
        }) : () -> ()
        %add3A_98 = arith.constant 1 : i32
        %add3A_99 = arith.addi %add3A_73, %add3A_98 : i32
        %lt3A = arith.constant 125 : i32
        %lt3A_100 = arith.cmpi slt, %add3A_99, %lt3A : i32
        %convert_element_type3A_101 = arith.extui %lt3A_100 : i1 to i32
        %cond3A_102 = arith.constant 0 : i32
        %cond3A_103 = arith.cmpi ne, %convert_element_type3A_101, %cond3A_102 : i32
        scf.if %cond3A_103 {
          %add3A_117 = arith.constant 1 : i32
          %add3A_118 = arith.addi %add3A_73, %add3A_117 : i32
          %mul3A_119 = arith.constant 80 : i32
          %mul3A_120 = arith.muli %add3A_118, %mul3A_119 : i32
          %add3A_121 = arith.addi %mul3A_0, %mul3A_120 : i32
          %dma_start3A_122 = tpu.memref_slice %arg4[%add3A_121] : memref<160000xi32, #tpu.memory_space<hbm>> -> memref<80xi32, #tpu.memory_space<hbm>>
          %dma_start3A_123 = tpu.memref_slice %arg4[%add3A_121] : memref<160000xi32, #tpu.memory_space<hbm>> -> memref<80xi32, #tpu.memory_space<hbm>>
          tpu.enqueue_dma source(%dma_start3A_123 : memref<80xi32, #tpu.memory_space<hbm>>) target(%arg10 : memref<80xi32, #tpu.memory_space<vmem>>) target_semaphore(%arg15 : memref<!tpu.dma_semaphore, #tpu.memory_space<semaphore_mem>>)
          %add3A_124 = arith.constant 1 : i32
          %add3A_125 = arith.addi %add3A_73, %add3A_124 : i32
          %mul3A_126 = arith.constant 80 : i32
          %mul3A_127 = arith.muli %add3A_125, %mul3A_126 : i32
          %add3A_128 = arith.addi %mul3A_0, %mul3A_127 : i32
          %dma_start3A_129 = arith.constant 0 : i32
          %dma_start3A_130 = tpu.memref_slice %arg2[%add3A_128, %dma_start3A_129] : memref<160000x128xf32, #tpu.memory_space<hbm>> -> memref<80x128xf32, #tpu.memory_space<hbm>>
          %dma_start3A_131 = arith.constant 0 : i32
          %dma_start3A_132 = tpu.memref_slice %arg2[%add3A_128, %dma_start3A_131] : memref<160000x128xf32, #tpu.memory_space<hbm>> -> memref<80x128xf32, #tpu.memory_space<hbm>>
          tpu.enqueue_dma source(%dma_start3A_132 : memref<80x128xf32, #tpu.memory_space<hbm>>) target(%arg8 : memref<80x128xf32, #tpu.memory_space<vmem>>) target_semaphore(%arg13 : memref<!tpu.dma_semaphore, #tpu.memory_space<semaphore_mem>>)
        } else {
        }
        %mul3A_104 = arith.constant 80 : i32
        %mul3A_105 = arith.muli %add3A_73, %mul3A_104 : i32
        %add3A_106 = arith.addi %mul3A_0, %mul3A_105 : i32
        %dma_wait3A_107 = arith.constant 0 : i32
        %dma_wait3A_108 = tpu.memref_slice %arg2[%add3A_106, %dma_wait3A_107] : memref<160000x128xf32, #tpu.memory_space<hbm>> -> memref<80x128xf32, #tpu.memory_space<hbm>>
        %dma_wait3A_109 = arith.constant 0 : i32
        %dma_wait3A_110 = tpu.memref_slice %arg2[%add3A_106, %dma_wait3A_109] : memref<160000x128xf32, #tpu.memory_space<hbm>> -> memref<80x128xf32, #tpu.memory_space<hbm>>
        tpu.wait_dma2 semaphore(%arg14 : memref<!tpu.dma_semaphore, #tpu.memory_space<semaphore_mem>>) src(%dma_wait3A_110 : memref<80x128xf32, #tpu.memory_space<hbm>>) dst(%arg9 : memref<80x128xf32, #tpu.memory_space<vmem>>)
        %mul3A_111 = arith.constant 80 : i32
        %mul3A_112 = arith.muli %add3A_73, %mul3A_111 : i32
        %add3A_113 = arith.addi %mul3A_0, %mul3A_112 : i32
        %dma_wait3A_114 = tpu.memref_slice %arg4[%add3A_113] : memref<160000xi32, #tpu.memory_space<hbm>> -> memref<80xi32, #tpu.memory_space<hbm>>
        %dma_wait3A_115 = tpu.memref_slice %arg4[%add3A_113] : memref<160000xi32, #tpu.memory_space<hbm>> -> memref<80xi32, #tpu.memory_space<hbm>>
        tpu.wait_dma2 semaphore(%arg16 : memref<!tpu.dma_semaphore, #tpu.memory_space<semaphore_mem>>) src(%dma_wait3A_115 : memref<80xi32, #tpu.memory_space<hbm>>) dst(%arg11 : memref<80xi32, #tpu.memory_space<vmem>>)
        "tpu.region"() ({
          %run_scoped3A = tpu.sem_alloc : memref<!tpu.dma_semaphore, #tpu.memory_space<semaphore_mem>>
          %dma_start3A_117 = arith.constant 0 : i32
          %dma_start3A_118 = arith.constant 0 : i32
          %dma_start3A_119 = tpu.memref_slice %arg7[%dma_start3A_117, %dma_start3A_118] : memref<10000x128xf32, #tpu.memory_space<vmem_shared>> -> memref<10000x128xf32, #tpu.memory_space<vmem_shared>>
          tpu.enqueue_indirect_dma source(%arg9 : memref<80x128xf32, #tpu.memory_space<vmem>>) target(%dma_start3A_119 : memref<10000x128xf32, #tpu.memory_space<vmem_shared>>) offsets(%arg11 : memref<80xi32, #tpu.memory_space<vmem>>) semaphore(%run_scoped3A : memref<!tpu.dma_semaphore, #tpu.memory_space<semaphore_mem>>) {add = true}
          %dma_wait3A_120 = arith.constant 0 : i32
          %dma_wait3A_121 = arith.constant 0 : i32
          %dma_wait3A_122 = tpu.memref_slice %arg7[%dma_wait3A_120, %dma_wait3A_121] : memref<10000x128xf32, #tpu.memory_space<vmem_shared>> -> memref<10000x128xf32, #tpu.memory_space<vmem_shared>>
          tpu.wait_indirect_dma semaphore(%run_scoped3A : memref<!tpu.dma_semaphore, #tpu.memory_space<semaphore_mem>>) src(%arg9 : memref<80x128xf32, #tpu.memory_space<vmem>>) dst(%dma_wait3A_122 : memref<10000x128xf32, #tpu.memory_space<vmem_shared>>)
          tpu.yield
        }) : () -> ()
        %scan3A_116 = arith.constant 0 : i32
        scf.yield %scan3A_116 : i32
      }
      %scan3A_58 = arith.constant 62 : i32
      %add3A_59 = arith.constant 9920 : i32
      %add3A_60 = arith.addi %mul3A_0, %add3A_59 : i32
      %dma_wait3A = arith.constant 0 : i32
      %dma_wait3A_61 = tpu.memref_slice %arg2[%add3A_60, %dma_wait3A] : memref<160000x128xf32, #tpu.memory_space<hbm>> -> memref<80x128xf32, #tpu.memory_space<hbm>>
      %dma_wait3A_62 = arith.constant 0 : i32
      %dma_wait3A_63 = tpu.memref_slice %arg2[%add3A_60, %dma_wait3A_62] : memref<160000x128xf32, #tpu.memory_space<hbm>> -> memref<80x128xf32, #tpu.memory_space<hbm>>
      tpu.wait_dma2 semaphore(%arg13 : memref<!tpu.dma_semaphore, #tpu.memory_space<semaphore_mem>>) src(%dma_wait3A_63 : memref<80x128xf32, #tpu.memory_space<hbm>>) dst(%arg8 : memref<80x128xf32, #tpu.memory_space<vmem>>)
      %add3A_64 = arith.constant 9920 : i32
      %add3A_65 = arith.addi %mul3A_0, %add3A_64 : i32
      %dma_wait3A_66 = tpu.memref_slice %arg4[%add3A_65] : memref<160000xi32, #tpu.memory_space<hbm>> -> memref<80xi32, #tpu.memory_space<hbm>>
      %dma_wait3A_67 = tpu.memref_slice %arg4[%add3A_65] : memref<160000xi32, #tpu.memory_space<hbm>> -> memref<80xi32, #tpu.memory_space<hbm>>
      tpu.wait_dma2 semaphore(%arg15 : memref<!tpu.dma_semaphore, #tpu.memory_space<semaphore_mem>>) src(%dma_wait3A_67 : memref<80xi32, #tpu.memory_space<hbm>>) dst(%arg10 : memref<80xi32, #tpu.memory_space<vmem>>)
      "tpu.region"() ({
        %run_scoped3A = tpu.sem_alloc : memref<!tpu.dma_semaphore, #tpu.memory_space<semaphore_mem>>
        %dma_start3A_68 = arith.constant 0 : i32
        %dma_start3A_69 = arith.constant 0 : i32
        %dma_start3A_70 = tpu.memref_slice %arg7[%dma_start3A_68, %dma_start3A_69] : memref<10000x128xf32, #tpu.memory_space<vmem_shared>> -> memref<10000x128xf32, #tpu.memory_space<vmem_shared>>
        tpu.enqueue_indirect_dma source(%arg8 : memref<80x128xf32, #tpu.memory_space<vmem>>) target(%dma_start3A_70 : memref<10000x128xf32, #tpu.memory_space<vmem_shared>>) offsets(%arg10 : memref<80xi32, #tpu.memory_space<vmem>>) semaphore(%run_scoped3A : memref<!tpu.dma_semaphore, #tpu.memory_space<semaphore_mem>>) {add = true}
        %dma_wait3A_71 = arith.constant 0 : i32
        %dma_wait3A_72 = arith.constant 0 : i32
        %dma_wait3A_73 = tpu.memref_slice %arg7[%dma_wait3A_71, %dma_wait3A_72] : memref<10000x128xf32, #tpu.memory_space<vmem_shared>> -> memref<10000x128xf32, #tpu.memory_space<vmem_shared>>
        tpu.wait_indirect_dma semaphore(%run_scoped3A : memref<!tpu.dma_semaphore, #tpu.memory_space<semaphore_mem>>) src(%arg8 : memref<80x128xf32, #tpu.memory_space<vmem>>) dst(%dma_wait3A_73 : memref<10000x128xf32, #tpu.memory_space<vmem_shared>>)
        tpu.yield
      }) : () -> ()
    } else {
    }
    %barrier3A_33 = arith.constant 0 : index
    tpu.barrier barrier_id(%barrier3A_33)
    %eq3A_34 = arith.constant 0 : i32
    %eq3A_35 = arith.cmpi eq, %arg0, %eq3A_34 : i32
    %convert_element_type3A_36 = arith.extui %eq3A_35 : i1 to i32
    %cond3A_37 = arith.constant 0 : i32
    %cond3A_38 = arith.cmpi ne, %convert_element_type3A_36, %cond3A_37 : i32
    scf.if %cond3A_38 {
      %mul3A_44 = arith.constant 624 : i32
      %mul3A_45 = arith.muli %arg1, %mul3A_44 : i32
      %mul3A_46 = arith.constant 624 : i32
      %mul3A_47 = arith.muli %arg1, %mul3A_46 : i32
      "tpu.region"() ({
        %run_scoped3A = tpu.sem_alloc : memref<!tpu.dma_semaphore, #tpu.memory_space<semaphore_mem>>
        %dma_start3A = arith.constant 0 : i32
        %dma_start3A_53 = tpu.memref_slice %arg5[%mul3A_47, %dma_start3A] : memref<10000x128xf32, #tpu.memory_space<hbm>> -> memref<624x128xf32, #tpu.memory_space<hbm>>
        %dma_start3A_54 = arith.constant 0 : i32
        %dma_start3A_55 = tpu.memref_slice %arg7[%mul3A_45, %dma_start3A_54] : memref<10000x128xf32, #tpu.memory_space<vmem_shared>> -> memref<624x128xf32, #tpu.memory_space<vmem_shared>>
        tpu.enqueue_dma source(%dma_start3A_55 : memref<624x128xf32, #tpu.memory_space<vmem_shared>>) target(%dma_start3A_53 : memref<624x128xf32, #tpu.memory_space<hbm>>) target_semaphore(%run_scoped3A : memref<!tpu.dma_semaphore, #tpu.memory_space<semaphore_mem>>)
        %dma_wait3A = arith.constant 0 : i32
        %dma_wait3A_56 = tpu.memref_slice %arg5[%mul3A_47, %dma_wait3A] : memref<10000x128xf32, #tpu.memory_space<hbm>> -> memref<624x128xf32, #tpu.memory_space<hbm>>
        %dma_wait3A_57 = arith.constant 0 : i32
        %dma_wait3A_58 = tpu.memref_slice %arg7[%mul3A_45, %dma_wait3A_57] : memref<10000x128xf32, #tpu.memory_space<vmem_shared>> -> memref<624x128xf32, #tpu.memory_space<vmem_shared>>
        tpu.wait_dma2 semaphore(%run_scoped3A : memref<!tpu.dma_semaphore, #tpu.memory_space<semaphore_mem>>) src(%dma_wait3A_58 : memref<624x128xf32, #tpu.memory_space<vmem_shared>>) dst(%dma_wait3A_56 : memref<624x128xf32, #tpu.memory_space<hbm>>)
        tpu.yield
      }) : () -> ()
      %eq3A_48 = arith.constant 15 : i32
      %eq3A_49 = arith.cmpi eq, %arg1, %eq3A_48 : i32
      %convert_element_type3A_50 = arith.extui %eq3A_49 : i1 to i32
      %cond3A_51 = arith.constant 0 : i32
      %cond3A_52 = arith.cmpi ne, %convert_element_type3A_50, %cond3A_51 : i32
      scf.if %cond3A_52 {
        "tpu.region"() ({
          %run_scoped3A = tpu.sem_alloc : memref<!tpu.dma_semaphore, #tpu.memory_space<semaphore_mem>>
          %dma_start3A = arith.constant 9984 : i32
          %dma_start3A_53 = arith.constant 0 : i32
          %dma_start3A_54 = tpu.memref_slice %arg5[%dma_start3A, %dma_start3A_53] : memref<10000x128xf32, #tpu.memory_space<hbm>> -> memref<16x128xf32, #tpu.memory_space<hbm>>
          %dma_start3A_55 = arith.constant 9984 : i32
          %dma_start3A_56 = arith.constant 0 : i32
          %dma_start3A_57 = tpu.memref_slice %arg7[%dma_start3A_55, %dma_start3A_56] : memref<10000x128xf32, #tpu.memory_space<vmem_shared>> -> memref<16x128xf32, #tpu.memory_space<vmem_shared>>
          tpu.enqueue_dma source(%dma_start3A_57 : memref<16x128xf32, #tpu.memory_space<vmem_shared>>) target(%dma_start3A_54 : memref<16x128xf32, #tpu.memory_space<hbm>>) target_semaphore(%run_scoped3A : memref<!tpu.dma_semaphore, #tpu.memory_space<semaphore_mem>>)
          %dma_wait3A = arith.constant 9984 : i32
          %dma_wait3A_58 = arith.constant 0 : i32
          %dma_wait3A_59 = tpu.memref_slice %arg5[%dma_wait3A, %dma_wait3A_58] : memref<10000x128xf32, #tpu.memory_space<hbm>> -> memref<16x128xf32, #tpu.memory_space<hbm>>
          %dma_wait3A_60 = arith.constant 9984 : i32
          %dma_wait3A_61 = arith.constant 0 : i32
          %dma_wait3A_62 = tpu.memref_slice %arg7[%dma_wait3A_60, %dma_wait3A_61] : memref<10000x128xf32, #tpu.memory_space<vmem_shared>> -> memref<16x128xf32, #tpu.memory_space<vmem_shared>>
          tpu.wait_dma2 semaphore(%run_scoped3A : memref<!tpu.dma_semaphore, #tpu.memory_space<semaphore_mem>>) src(%dma_wait3A_62 : memref<16x128xf32, #tpu.memory_space<vmem_shared>>) dst(%dma_wait3A_59 : memref<16x128xf32, #tpu.memory_space<hbm>>)
          tpu.yield
        }) : () -> ()
      } else {
      }
    } else {
    }
    %eq3A_39 = arith.constant 1 : i32
    %eq3A_40 = arith.cmpi eq, %arg0, %eq3A_39 : i32
    %convert_element_type3A_41 = arith.extui %eq3A_40 : i1 to i32
    %cond3A_42 = arith.constant 0 : i32
    %cond3A_43 = arith.cmpi ne, %convert_element_type3A_41, %cond3A_42 : i32
    scf.if %cond3A_43 {
      %mul3A_44 = arith.constant 624 : i32
      %mul3A_45 = arith.muli %arg1, %mul3A_44 : i32
      %mul3A_46 = arith.constant 624 : i32
      %mul3A_47 = arith.muli %arg1, %mul3A_46 : i32
      "tpu.region"() ({
        %run_scoped3A = tpu.sem_alloc : memref<!tpu.dma_semaphore, #tpu.memory_space<semaphore_mem>>
        %dma_start3A = arith.constant 0 : i32
        %dma_start3A_53 = tpu.memref_slice %arg6[%mul3A_47, %dma_start3A] : memref<10000x128xf32, #tpu.memory_space<hbm>> -> memref<624x128xf32, #tpu.memory_space<hbm>>
        %dma_start3A_54 = arith.constant 0 : i32
        %dma_start3A_55 = tpu.memref_slice %arg7[%mul3A_45, %dma_start3A_54] : memref<10000x128xf32, #tpu.memory_space<vmem_shared>> -> memref<624x128xf32, #tpu.memory_space<vmem_shared>>
        tpu.enqueue_dma source(%dma_start3A_55 : memref<624x128xf32, #tpu.memory_space<vmem_shared>>) target(%dma_start3A_53 : memref<624x128xf32, #tpu.memory_space<hbm>>) target_semaphore(%run_scoped3A : memref<!tpu.dma_semaphore, #tpu.memory_space<semaphore_mem>>)
        %dma_wait3A = arith.constant 0 : i32
        %dma_wait3A_56 = tpu.memref_slice %arg6[%mul3A_47, %dma_wait3A] : memref<10000x128xf32, #tpu.memory_space<hbm>> -> memref<624x128xf32, #tpu.memory_space<hbm>>
        %dma_wait3A_57 = arith.constant 0 : i32
        %dma_wait3A_58 = tpu.memref_slice %arg7[%mul3A_45, %dma_wait3A_57] : memref<10000x128xf32, #tpu.memory_space<vmem_shared>> -> memref<624x128xf32, #tpu.memory_space<vmem_shared>>
        tpu.wait_dma2 semaphore(%run_scoped3A : memref<!tpu.dma_semaphore, #tpu.memory_space<semaphore_mem>>) src(%dma_wait3A_58 : memref<624x128xf32, #tpu.memory_space<vmem_shared>>) dst(%dma_wait3A_56 : memref<624x128xf32, #tpu.memory_space<hbm>>)
        tpu.yield
      }) : () -> ()
      %eq3A_48 = arith.constant 15 : i32
      %eq3A_49 = arith.cmpi eq, %arg1, %eq3A_48 : i32
      %convert_element_type3A_50 = arith.extui %eq3A_49 : i1 to i32
      %cond3A_51 = arith.constant 0 : i32
      %cond3A_52 = arith.cmpi ne, %convert_element_type3A_50, %cond3A_51 : i32
      scf.if %cond3A_52 {
        "tpu.region"() ({
          %run_scoped3A = tpu.sem_alloc : memref<!tpu.dma_semaphore, #tpu.memory_space<semaphore_mem>>
          %dma_start3A = arith.constant 9984 : i32
          %dma_start3A_53 = arith.constant 0 : i32
          %dma_start3A_54 = tpu.memref_slice %arg6[%dma_start3A, %dma_start3A_53] : memref<10000x128xf32, #tpu.memory_space<hbm>> -> memref<16x128xf32, #tpu.memory_space<hbm>>
          %dma_start3A_55 = arith.constant 9984 : i32
          %dma_start3A_56 = arith.constant 0 : i32
          %dma_start3A_57 = tpu.memref_slice %arg7[%dma_start3A_55, %dma_start3A_56] : memref<10000x128xf32, #tpu.memory_space<vmem_shared>> -> memref<16x128xf32, #tpu.memory_space<vmem_shared>>
          tpu.enqueue_dma source(%dma_start3A_57 : memref<16x128xf32, #tpu.memory_space<vmem_shared>>) target(%dma_start3A_54 : memref<16x128xf32, #tpu.memory_space<hbm>>) target_semaphore(%run_scoped3A : memref<!tpu.dma_semaphore, #tpu.memory_space<semaphore_mem>>)
          %dma_wait3A = arith.constant 9984 : i32
          %dma_wait3A_58 = arith.constant 0 : i32
          %dma_wait3A_59 = tpu.memref_slice %arg6[%dma_wait3A, %dma_wait3A_58] : memref<10000x128xf32, #tpu.memory_space<hbm>> -> memref<16x128xf32, #tpu.memory_space<hbm>>
          %dma_wait3A_60 = arith.constant 9984 : i32
          %dma_wait3A_61 = arith.constant 0 : i32
          %dma_wait3A_62 = tpu.memref_slice %arg7[%dma_wait3A_60, %dma_wait3A_61] : memref<10000x128xf32, #tpu.memory_space<vmem_shared>> -> memref<16x128xf32, #tpu.memory_space<vmem_shared>>
          tpu.wait_dma2 semaphore(%run_scoped3A : memref<!tpu.dma_semaphore, #tpu.memory_space<semaphore_mem>>) src(%dma_wait3A_62 : memref<16x128xf32, #tpu.memory_space<vmem_shared>>) dst(%dma_wait3A_59 : memref<16x128xf32, #tpu.memory_space<hbm>>)
          tpu.yield
        }) : () -> ()
      } else {
      }
    } else {
    }
    return
  }
}

#map = affine_map<(d0, d1) -> (0, 0)>
#map1 = affine_map<(d0, d1) -> (0)>
module attributes {stable_mosaic.version = 14 : i64} {
  func.func @k(%arg0: i32, %arg1: i32, %arg2: memref<10000x128xf32, #tpu.memory_space<hbm>>, %arg3: memref<320000xi32, #tpu.memory_space<hbm>>, %arg4: memref<320000xi32, #tpu.memory_space<hbm>>, %arg5: memref<10000x128xf32, #tpu.memory_space<hbm>>, %arg6: memref<10000x128xf32, #tpu.memory_space<hbm>>, %arg7: memref<10000x128xf32, #tpu.memory_space<vmem_shared>>, %arg8: memref<10000xi32, #tpu.memory_space<vmem>>, %arg9: memref<80x128xf32, #tpu.memory_space<vmem>>, %arg10: memref<80x128xf32, #tpu.memory_space<vmem>>, %arg11: memref<80xi32, #tpu.memory_space<vmem>>, %arg12: memref<80xi32, #tpu.memory_space<vmem>>, %arg13: memref<48x128xf32, #tpu.memory_space<vmem>>, %arg14: memref<!tpu.dma_semaphore, #tpu.memory_space<semaphore_mem>>, %arg15: memref<!tpu.dma_semaphore, #tpu.memory_space<semaphore_mem>>, %arg16: memref<!tpu.dma_semaphore, #tpu.memory_space<semaphore_mem>>, %arg17: memref<!tpu.dma_semaphore, #tpu.memory_space<semaphore_mem>>, %arg18: memref<!tpu.dma_semaphore, #tpu.memory_space<semaphore_mem>>) attributes {dimension_semantics = [#tpu.dimension_semantics<core_parallel>, #tpu.dimension_semantics<subcore_parallel>], iteration_bounds = array<i64: 2, 16>, scalar_prefetch = 0 : i64, scratch_operands = 12 : i64, tpu.core_type = #tpu.core_type<sc_vector_subcore>, window_params = [{transform_indices = #map}, {transform_indices = #map1}, {transform_indices = #map1}, {transform_indices = #map}, {transform_indices = #map}]} {
    %mul3A = arith.constant 16 : i32
    %mul3A_0 = arith.muli %arg0, %mul3A : i32
    %add3A = arith.addi %mul3A_0, %arg1 : i32
    %mul3A_1 = arith.constant 10000 : i32
    %mul3A_2 = arith.muli %add3A, %mul3A_1 : i32
    %dma_start3A = arith.constant 0 : i32
    %dma_start3A_3 = tpu.memref_slice %arg8[%dma_start3A] : memref<10000xi32, #tpu.memory_space<vmem>> -> memref<10000xi32, #tpu.memory_space<vmem>>
    %dma_start3A_4 = tpu.memref_slice %arg3[%mul3A_2] : memref<320000xi32, #tpu.memory_space<hbm>> -> memref<10000xi32, #tpu.memory_space<hbm>>
    %dma_start3A_5 = arith.constant 0 : i32
    %dma_start3A_6 = tpu.memref_slice %arg8[%dma_start3A_5] : memref<10000xi32, #tpu.memory_space<vmem>> -> memref<10000xi32, #tpu.memory_space<vmem>>
    %dma_start3A_7 = tpu.memref_slice %arg3[%mul3A_2] : memref<320000xi32, #tpu.memory_space<hbm>> -> memref<10000xi32, #tpu.memory_space<hbm>>
    tpu.enqueue_dma source(%dma_start3A_7 : memref<10000xi32, #tpu.memory_space<hbm>>) target(%dma_start3A_6 : memref<10000xi32, #tpu.memory_space<vmem>>) target_semaphore(%arg14 : memref<!tpu.dma_semaphore, #tpu.memory_space<semaphore_mem>>)
    %scan3A = arith.constant 0 : i32
    %scan3A_8 = arith.constant 0 : i32
    %scan3A_9 = arith.constant 384 : i32
    %scan3A_10 = arith.addi %scan3A_8, %scan3A_9 : i32
    %scan3A_11 = arith.constant 1 : i32
    %scan3A_12 = scf.for %scan3A_71 = %scan3A_8 to %scan3A_10 step %scan3A_11 iter_args(%scan3A_72 = %scan3A) -> (i32)  : i32 {
      %broadcast_in_dim3A = arith.constant 0.000000e+00 : f32
      %broadcast_in_dim3A_73 = vector.broadcast %broadcast_in_dim3A : f32 to vector<16xf32>
      %jit3A = arith.constant 8 : i32
      %div3A = arith.divsi %scan3A_71, %jit3A : i32
      %sign3A = arith.constant 0 : i32
      %sign3A_74 = arith.cmpi sgt, %scan3A_71, %sign3A : i32
      %sign3A_75 = arith.extui %sign3A_74 : i1 to i32
      %sign3A_76 = arith.constant 0 : i32
      %sign3A_77 = arith.cmpi slt, %scan3A_71, %sign3A_76 : i32
      %sign3A_78 = arith.extui %sign3A_77 : i1 to i32
      %sign3A_79 = arith.subi %sign3A_75, %sign3A_78 : i32
      %sign3A_80 = arith.constant 0 : i32
      %sign3A_81 = arith.cmpi sgt, %jit3A, %sign3A_80 : i32
      %sign3A_82 = arith.extui %sign3A_81 : i1 to i32
      %sign3A_83 = arith.constant 0 : i32
      %sign3A_84 = arith.cmpi slt, %jit3A, %sign3A_83 : i32
      %sign3A_85 = arith.extui %sign3A_84 : i1 to i32
      %sign3A_86 = arith.subi %sign3A_82, %sign3A_85 : i32
      %ne3A = arith.cmpi ne, %sign3A_79, %sign3A_86 : i32
      %rem3A = arith.remsi %scan3A_71, %jit3A : i32
      %ne3A_87 = arith.constant 0 : i32
      %ne3A_88 = arith.cmpi ne, %rem3A, %ne3A_87 : i32
      %and3A = arith.andi %ne3A, %ne3A_88 : i1
      %sub3A = arith.constant 1 : i32
      %sub3A_89 = arith.subi %div3A, %sub3A : i32
      %select_n3A = arith.select %and3A, %sub3A_89, %div3A : i32
      %jit3A_90 = arith.constant 8 : i32
      %eq3A_91 = arith.constant 0 : i32
      %eq3A_92 = arith.cmpi eq, %jit3A_90, %eq3A_91 : i32
      %jit3A_93 = arith.constant 1 : i32
      %select_n3A_94 = arith.select %eq3A_92, %jit3A_93, %jit3A_90 : i32
      %rem3A_95 = arith.remsi %scan3A_71, %select_n3A_94 : i32
      %ne3A_96 = arith.constant 0 : i32
      %ne3A_97 = arith.cmpi ne, %rem3A_95, %ne3A_96 : i32
      %lt3A = arith.constant 0 : i32
      %lt3A_98 = arith.cmpi slt, %rem3A_95, %lt3A : i32
      %lt3A_99 = arith.constant 0 : i32
      %lt3A_100 = arith.cmpi slt, %select_n3A_94, %lt3A_99 : i32
      %ne3A_101 = arith.xori %lt3A_98, %lt3A_100 : i1
      %and3A_102 = arith.andi %ne3A_101, %ne3A_97 : i1
      %add3A_103 = arith.addi %rem3A_95, %select_n3A_94 : i32
      %select_n3A_104 = arith.select %and3A_102, %add3A_103, %rem3A_95 : i32
      %mul3A_105 = arith.constant 16 : i32
      %mul3A_106 = arith.muli %select_n3A_104, %mul3A_105 : i32
      %swap3A = arith.index_cast %select_n3A : i32 to index
      %swap3A_107 = arith.index_cast %mul3A_106 : i32 to index
      %swap3A_108 = tpu.vector_load %arg13[%swap3A, %swap3A_107] {strides = array<i32>} : memref<48x128xf32, #tpu.memory_space<vmem>>, vector<1x16xf32>,
      %swap3A_109 = vector.shape_cast %swap3A_108 : vector<1x16xf32> to vector<16xf32>
      %swap3A_110 = vector.shape_cast %broadcast_in_dim3A_73 : vector<16xf32> to vector<1x16xf32>
      tpu.vector_store %arg13[%swap3A, %swap3A_107], %swap3A_110 {strides = array<i32>} : memref<48x128xf32, #tpu.memory_space<vmem>>, vector<1x16xf32>,
      %scan3A_111 = arith.constant 0 : i32
      scf.yield %scan3A_111 : i32
    }
    %scan3A_13 = arith.constant 384 : i32
    %scan3A_14 = arith.constant 0 : i32
    %scan3A_15 = arith.constant 0 : i32
    %scan3A_16 = arith.constant 13 : i32
    %scan3A_17 = arith.addi %scan3A_15, %scan3A_16 : i32
    %scan3A_18 = arith.constant 1 : i32
    %scan3A_19 = scf.for %scan3A_71 = %scan3A_15 to %scan3A_17 step %scan3A_18 iter_args(%scan3A_72 = %scan3A_14) -> (i32)  : i32 {
      %mul3A_73 = arith.constant 624 : i32
      %mul3A_74 = arith.muli %arg1, %mul3A_73 : i32
      %mul3A_75 = arith.constant 48 : i32
      %mul3A_76 = arith.muli %scan3A_71, %mul3A_75 : i32
      %add3A_77 = arith.addi %mul3A_74, %mul3A_76 : i32
      %dma_start3A_78 = arith.constant 0 : i32
      %dma_start3A_79 = tpu.memref_slice %arg7[%add3A_77, %dma_start3A_78] : memref<10000x128xf32, #tpu.memory_space<vmem_shared>> -> memref<48x128xf32, #tpu.memory_space<vmem_shared>>
      %dma_start3A_80 = arith.constant 0 : i32
      %dma_start3A_81 = tpu.memref_slice %arg7[%add3A_77, %dma_start3A_80] : memref<10000x128xf32, #tpu.memory_space<vmem_shared>> -> memref<48x128xf32, #tpu.memory_space<vmem_shared>>
      tpu.enqueue_dma source(%arg13 : memref<48x128xf32, #tpu.memory_space<vmem>>) target(%dma_start3A_81 : memref<48x128xf32, #tpu.memory_space<vmem_shared>>) target_semaphore(%arg18 : memref<!tpu.dma_semaphore, #tpu.memory_space<semaphore_mem>>)
      %scan3A_82 = arith.constant 0 : i32
      scf.yield %scan3A_82 : i32
    }
    %scan3A_20 = arith.constant 13 : i32
    %scan3A_21 = arith.constant 0 : i32
    %scan3A_22 = arith.constant 0 : i32
    %scan3A_23 = arith.constant 13 : i32
    %scan3A_24 = arith.addi %scan3A_22, %scan3A_23 : i32
    %scan3A_25 = arith.constant 1 : i32
    %scan3A_26 = scf.for %scan3A_71 = %scan3A_22 to %scan3A_24 step %scan3A_25 iter_args(%scan3A_72 = %scan3A_21) -> (i32)  : i32 {
      %mul3A_73 = arith.constant 624 : i32
      %mul3A_74 = arith.muli %arg1, %mul3A_73 : i32
      %mul3A_75 = arith.constant 48 : i32
      %mul3A_76 = arith.muli %scan3A_71, %mul3A_75 : i32
      %add3A_77 = arith.addi %mul3A_74, %mul3A_76 : i32
      %dma_wait3A_78 = arith.constant 0 : i32
      %dma_wait3A_79 = tpu.memref_slice %arg7[%add3A_77, %dma_wait3A_78] : memref<10000x128xf32, #tpu.memory_space<vmem_shared>> -> memref<48x128xf32, #tpu.memory_space<vmem_shared>>
      %dma_wait3A_80 = arith.constant 0 : i32
      %dma_wait3A_81 = tpu.memref_slice %arg7[%add3A_77, %dma_wait3A_80] : memref<10000x128xf32, #tpu.memory_space<vmem_shared>> -> memref<48x128xf32, #tpu.memory_space<vmem_shared>>
      tpu.wait_dma2 semaphore(%arg18 : memref<!tpu.dma_semaphore, #tpu.memory_space<semaphore_mem>>) src(%arg13 : memref<48x128xf32, #tpu.memory_space<vmem>>) dst(%dma_wait3A_81 : memref<48x128xf32, #tpu.memory_space<vmem_shared>>)
      %scan3A_82 = arith.constant 0 : i32
      scf.yield %scan3A_82 : i32
    }
    %scan3A_27 = arith.constant 13 : i32
    %eq3A = arith.constant 15 : i32
    %eq3A_28 = arith.cmpi eq, %arg1, %eq3A : i32
    %convert_element_type3A = arith.extui %eq3A_28 : i1 to i32
    %cond3A = arith.constant 0 : i32
    %cond3A_29 = arith.cmpi ne, %convert_element_type3A, %cond3A : i32
    scf.if %cond3A_29 {
      "tpu.region"() ({
        %run_scoped3A = tpu.sem_alloc : memref<!tpu.dma_semaphore, #tpu.memory_space<semaphore_mem>>
        %dma_start3A_71 = arith.constant 0 : i32
        %dma_start3A_72 = arith.constant 0 : i32
        %dma_start3A_73 = tpu.memref_slice %arg13[%dma_start3A_71, %dma_start3A_72] : memref<48x128xf32, #tpu.memory_space<vmem>> -> memref<16x128xf32, #tpu.memory_space<vmem>>
        %dma_start3A_74 = arith.constant 9984 : i32
        %dma_start3A_75 = arith.constant 0 : i32
        %dma_start3A_76 = tpu.memref_slice %arg7[%dma_start3A_74, %dma_start3A_75] : memref<10000x128xf32, #tpu.memory_space<vmem_shared>> -> memref<16x128xf32, #tpu.memory_space<vmem_shared>>
        %dma_start3A_77 = arith.constant 9984 : i32
        %dma_start3A_78 = arith.constant 0 : i32
        %dma_start3A_79 = tpu.memref_slice %arg7[%dma_start3A_77, %dma_start3A_78] : memref<10000x128xf32, #tpu.memory_space<vmem_shared>> -> memref<16x128xf32, #tpu.memory_space<vmem_shared>>
        %dma_start3A_80 = arith.constant 0 : i32
        %dma_start3A_81 = arith.constant 0 : i32
        %dma_start3A_82 = tpu.memref_slice %arg13[%dma_start3A_80, %dma_start3A_81] : memref<48x128xf32, #tpu.memory_space<vmem>> -> memref<16x128xf32, #tpu.memory_space<vmem>>
        tpu.enqueue_dma source(%dma_start3A_82 : memref<16x128xf32, #tpu.memory_space<vmem>>) target(%dma_start3A_79 : memref<16x128xf32, #tpu.memory_space<vmem_shared>>) target_semaphore(%run_scoped3A : memref<!tpu.dma_semaphore, #tpu.memory_space<semaphore_mem>>)
        %dma_wait3A_83 = arith.constant 0 : i32
        %dma_wait3A_84 = arith.constant 0 : i32
        %dma_wait3A_85 = tpu.memref_slice %arg13[%dma_wait3A_83, %dma_wait3A_84] : memref<48x128xf32, #tpu.memory_space<vmem>> -> memref<16x128xf32, #tpu.memory_space<vmem>>
        %dma_wait3A_86 = arith.constant 9984 : i32
        %dma_wait3A_87 = arith.constant 0 : i32
        %dma_wait3A_88 = tpu.memref_slice %arg7[%dma_wait3A_86, %dma_wait3A_87] : memref<10000x128xf32, #tpu.memory_space<vmem_shared>> -> memref<16x128xf32, #tpu.memory_space<vmem_shared>>
        %dma_wait3A_89 = arith.constant 9984 : i32
        %dma_wait3A_90 = arith.constant 0 : i32
        %dma_wait3A_91 = tpu.memref_slice %arg7[%dma_wait3A_89, %dma_wait3A_90] : memref<10000x128xf32, #tpu.memory_space<vmem_shared>> -> memref<16x128xf32, #tpu.memory_space<vmem_shared>>
        %dma_wait3A_92 = arith.constant 0 : i32
        %dma_wait3A_93 = arith.constant 0 : i32
        %dma_wait3A_94 = tpu.memref_slice %arg13[%dma_wait3A_92, %dma_wait3A_93] : memref<48x128xf32, #tpu.memory_space<vmem>> -> memref<16x128xf32, #tpu.memory_space<vmem>>
        tpu.wait_dma2 semaphore(%run_scoped3A : memref<!tpu.dma_semaphore, #tpu.memory_space<semaphore_mem>>) src(%dma_wait3A_94 : memref<16x128xf32, #tpu.memory_space<vmem>>) dst(%dma_wait3A_91 : memref<16x128xf32, #tpu.memory_space<vmem_shared>>)
        tpu.yield
      }) : () -> ()
    } else {
    }
    %dma_wait3A = arith.constant 0 : i32
    %dma_wait3A_30 = tpu.memref_slice %arg8[%dma_wait3A] : memref<10000xi32, #tpu.memory_space<vmem>> -> memref<10000xi32, #tpu.memory_space<vmem>>
    %dma_wait3A_31 = tpu.memref_slice %arg3[%mul3A_2] : memref<320000xi32, #tpu.memory_space<hbm>> -> memref<10000xi32, #tpu.memory_space<hbm>>
    %dma_wait3A_32 = arith.constant 0 : i32
    %dma_wait3A_33 = tpu.memref_slice %arg8[%dma_wait3A_32] : memref<10000xi32, #tpu.memory_space<vmem>> -> memref<10000xi32, #tpu.memory_space<vmem>>
    %dma_wait3A_34 = tpu.memref_slice %arg3[%mul3A_2] : memref<320000xi32, #tpu.memory_space<hbm>> -> memref<10000xi32, #tpu.memory_space<hbm>>
    tpu.wait_dma2 semaphore(%arg14 : memref<!tpu.dma_semaphore, #tpu.memory_space<semaphore_mem>>) src(%dma_wait3A_34 : memref<10000xi32, #tpu.memory_space<hbm>>) dst(%dma_wait3A_33 : memref<10000xi32, #tpu.memory_space<vmem>>)
    %barrier3A = arith.constant 0 : index
    tpu.barrier barrier_id(%barrier3A)
    %add3A_35 = arith.constant 0 : i32
    %add3A_36 = arith.addi %mul3A_2, %add3A_35 : i32
    %dma_start3A_37 = tpu.memref_slice %arg4[%add3A_36] : memref<320000xi32, #tpu.memory_space<hbm>> -> memref<80xi32, #tpu.memory_space<hbm>>
    %dma_start3A_38 = tpu.memref_slice %arg4[%add3A_36] : memref<320000xi32, #tpu.memory_space<hbm>> -> memref<80xi32, #tpu.memory_space<hbm>>
    tpu.enqueue_dma source(%dma_start3A_38 : memref<80xi32, #tpu.memory_space<hbm>>) target(%arg11 : memref<80xi32, #tpu.memory_space<vmem>>) target_semaphore(%arg16 : memref<!tpu.dma_semaphore, #tpu.memory_space<semaphore_mem>>)
    %dma_start3A_39 = arith.constant 0 : i32
    %dma_start3A_40 = tpu.memref_slice %arg8[%dma_start3A_39] : memref<10000xi32, #tpu.memory_space<vmem>> -> memref<80xi32, #tpu.memory_space<vmem>>
    %dma_start3A_41 = arith.constant 0 : i32
    %dma_start3A_42 = arith.constant 0 : i32
    %dma_start3A_43 = tpu.memref_slice %arg2[%dma_start3A_41, %dma_start3A_42] : memref<10000x128xf32, #tpu.memory_space<hbm>> -> memref<10000x128xf32, #tpu.memory_space<hbm>>
    tpu.enqueue_indirect_dma source(%dma_start3A_43 : memref<10000x128xf32, #tpu.memory_space<hbm>>) target(%arg9 : memref<80x128xf32, #tpu.memory_space<vmem>>) offsets(%dma_start3A_40 : memref<80xi32, #tpu.memory_space<vmem>>) semaphore(%arg14 : memref<!tpu.dma_semaphore, #tpu.memory_space<semaphore_mem>>)
    %scan3A_44 = arith.constant 0 : i32
    %scan3A_45 = arith.constant 0 : i32
    %scan3A_46 = arith.constant 62 : i32
    %scan3A_47 = arith.addi %scan3A_45, %scan3A_46 : i32
    %scan3A_48 = arith.constant 1 : i32
    %scan3A_49 = scf.for %scan3A_71 = %scan3A_45 to %scan3A_47 step %scan3A_48 iter_args(%scan3A_72 = %scan3A_44) -> (i32)  : i32 {
      %mul3A_73 = arith.constant 2 : i32
      %mul3A_74 = arith.muli %mul3A_73, %scan3A_71 : i32
      %add3A_75 = arith.constant 1 : i32
      %add3A_76 = arith.addi %mul3A_74, %add3A_75 : i32
      %mul3A_77 = arith.constant 80 : i32
      %mul3A_78 = arith.muli %add3A_76, %mul3A_77 : i32
      %add3A_79 = arith.addi %mul3A_2, %mul3A_78 : i32
      %dma_start3A_80 = tpu.memref_slice %arg4[%add3A_79] : memref<320000xi32, #tpu.memory_space<hbm>> -> memref<80xi32, #tpu.memory_space<hbm>>
      %dma_start3A_81 = tpu.memref_slice %arg4[%add3A_79] : memref<320000xi32, #tpu.memory_space<hbm>> -> memref<80xi32, #tpu.memory_space<hbm>>
      tpu.enqueue_dma source(%dma_start3A_81 : memref<80xi32, #tpu.memory_space<hbm>>) target(%arg12 : memref<80xi32, #tpu.memory_space<vmem>>) target_semaphore(%arg17 : memref<!tpu.dma_semaphore, #tpu.memory_space<semaphore_mem>>)
      %mul3A_82 = arith.constant 80 : i32
      %mul3A_83 = arith.muli %add3A_76, %mul3A_82 : i32
      %dma_start3A_84 = tpu.memref_slice %arg8[%mul3A_83] : memref<10000xi32, #tpu.memory_space<vmem>> -> memref<80xi32, #tpu.memory_space<vmem>>
      %dma_start3A_85 = arith.constant 0 : i32
      %dma_start3A_86 = arith.constant 0 : i32
      %dma_start3A_87 = tpu.memref_slice %arg2[%dma_start3A_85, %dma_start3A_86] : memref<10000x128xf32, #tpu.memory_space<hbm>> -> memref<10000x128xf32, #tpu.memory_space<hbm>>
      tpu.enqueue_indirect_dma source(%dma_start3A_87 : memref<10000x128xf32, #tpu.memory_space<hbm>>) target(%arg10 : memref<80x128xf32, #tpu.memory_space<vmem>>) offsets(%dma_start3A_84 : memref<80xi32, #tpu.memory_space<vmem>>) semaphore(%arg15 : memref<!tpu.dma_semaphore, #tpu.memory_space<semaphore_mem>>)
      %mul3A_88 = arith.constant 80 : i32
      %mul3A_89 = arith.muli %mul3A_74, %mul3A_88 : i32
      %dma_wait3A_90 = tpu.memref_slice %arg8[%mul3A_89] : memref<10000xi32, #tpu.memory_space<vmem>> -> memref<80xi32, #tpu.memory_space<vmem>>
      %dma_wait3A_91 = arith.constant 0 : i32
      %dma_wait3A_92 = arith.constant 0 : i32
      %dma_wait3A_93 = tpu.memref_slice %arg2[%dma_wait3A_91, %dma_wait3A_92] : memref<10000x128xf32, #tpu.memory_space<hbm>> -> memref<10000x128xf32, #tpu.memory_space<hbm>>
      tpu.wait_indirect_dma semaphore(%arg14 : memref<!tpu.dma_semaphore, #tpu.memory_space<semaphore_mem>>) src(%dma_wait3A_93 : memref<10000x128xf32, #tpu.memory_space<hbm>>) dst(%arg9 : memref<80x128xf32, #tpu.memory_space<vmem>>)
      %mul3A_94 = arith.constant 80 : i32
      %mul3A_95 = arith.muli %mul3A_74, %mul3A_94 : i32
      %add3A_96 = arith.addi %mul3A_2, %mul3A_95 : i32
      %dma_wait3A_97 = tpu.memref_slice %arg4[%add3A_96] : memref<320000xi32, #tpu.memory_space<hbm>> -> memref<80xi32, #tpu.memory_space<hbm>>
      %dma_wait3A_98 = tpu.memref_slice %arg4[%add3A_96] : memref<320000xi32, #tpu.memory_space<hbm>> -> memref<80xi32, #tpu.memory_space<hbm>>
      tpu.wait_dma2 semaphore(%arg16 : memref<!tpu.dma_semaphore, #tpu.memory_space<semaphore_mem>>) src(%dma_wait3A_98 : memref<80xi32, #tpu.memory_space<hbm>>) dst(%arg11 : memref<80xi32, #tpu.memory_space<vmem>>)
      "tpu.region"() ({
        %run_scoped3A = tpu.sem_alloc : memref<!tpu.dma_semaphore, #tpu.memory_space<semaphore_mem>>
        %dma_start3A_117 = arith.constant 0 : i32
        %dma_start3A_118 = arith.constant 0 : i32
        %dma_start3A_119 = tpu.memref_slice %arg7[%dma_start3A_117, %dma_start3A_118] : memref<10000x128xf32, #tpu.memory_space<vmem_shared>> -> memref<10000x128xf32, #tpu.memory_space<vmem_shared>>
        tpu.enqueue_indirect_dma source(%arg9 : memref<80x128xf32, #tpu.memory_space<vmem>>) target(%dma_start3A_119 : memref<10000x128xf32, #tpu.memory_space<vmem_shared>>) offsets(%arg11 : memref<80xi32, #tpu.memory_space<vmem>>) semaphore(%run_scoped3A : memref<!tpu.dma_semaphore, #tpu.memory_space<semaphore_mem>>) {add = true}
        %dma_wait3A_120 = arith.constant 0 : i32
        %dma_wait3A_121 = arith.constant 0 : i32
        %dma_wait3A_122 = tpu.memref_slice %arg7[%dma_wait3A_120, %dma_wait3A_121] : memref<10000x128xf32, #tpu.memory_space<vmem_shared>> -> memref<10000x128xf32, #tpu.memory_space<vmem_shared>>
        tpu.wait_indirect_dma semaphore(%run_scoped3A : memref<!tpu.dma_semaphore, #tpu.memory_space<semaphore_mem>>) src(%arg9 : memref<80x128xf32, #tpu.memory_space<vmem>>) dst(%dma_wait3A_122 : memref<10000x128xf32, #tpu.memory_space<vmem_shared>>)
        tpu.yield
      }) : () -> ()
      %add3A_99 = arith.constant 1 : i32
      %add3A_100 = arith.addi %add3A_76, %add3A_99 : i32
      %lt3A = arith.constant 125 : i32
      %lt3A_101 = arith.cmpi slt, %add3A_100, %lt3A : i32
      %convert_element_type3A_102 = arith.extui %lt3A_101 : i1 to i32
      %cond3A_103 = arith.constant 0 : i32
      %cond3A_104 = arith.cmpi ne, %convert_element_type3A_102, %cond3A_103 : i32
      scf.if %cond3A_104 {
        %add3A_117 = arith.constant 1 : i32
        %add3A_118 = arith.addi %add3A_76, %add3A_117 : i32
        %mul3A_119 = arith.constant 80 : i32
        %mul3A_120 = arith.muli %add3A_118, %mul3A_119 : i32
        %add3A_121 = arith.addi %mul3A_2, %mul3A_120 : i32
        %dma_start3A_122 = tpu.memref_slice %arg4[%add3A_121] : memref<320000xi32, #tpu.memory_space<hbm>> -> memref<80xi32, #tpu.memory_space<hbm>>
        %dma_start3A_123 = tpu.memref_slice %arg4[%add3A_121] : memref<320000xi32, #tpu.memory_space<hbm>> -> memref<80xi32, #tpu.memory_space<hbm>>
        tpu.enqueue_dma source(%dma_start3A_123 : memref<80xi32, #tpu.memory_space<hbm>>) target(%arg11 : memref<80xi32, #tpu.memory_space<vmem>>) target_semaphore(%arg16 : memref<!tpu.dma_semaphore, #tpu.memory_space<semaphore_mem>>)
        %add3A_124 = arith.constant 1 : i32
        %add3A_125 = arith.addi %add3A_76, %add3A_124 : i32
        %mul3A_126 = arith.constant 80 : i32
        %mul3A_127 = arith.muli %add3A_125, %mul3A_126 : i32
        %dma_start3A_128 = tpu.memref_slice %arg8[%mul3A_127] : memref<10000xi32, #tpu.memory_space<vmem>> -> memref<80xi32, #tpu.memory_space<vmem>>
        %dma_start3A_129 = arith.constant 0 : i32
        %dma_start3A_130 = arith.constant 0 : i32
        %dma_start3A_131 = tpu.memref_slice %arg2[%dma_start3A_129, %dma_start3A_130] : memref<10000x128xf32, #tpu.memory_space<hbm>> -> memref<10000x128xf32, #tpu.memory_space<hbm>>
        tpu.enqueue_indirect_dma source(%dma_start3A_131 : memref<10000x128xf32, #tpu.memory_space<hbm>>) target(%arg9 : memref<80x128xf32, #tpu.memory_space<vmem>>) offsets(%dma_start3A_128 : memref<80xi32, #tpu.memory_space<vmem>>) semaphore(%arg14 : memref<!tpu.dma_semaphore, #tpu.memory_space<semaphore_mem>>)
      } else {
      }
      %mul3A_105 = arith.constant 80 : i32
      %mul3A_106 = arith.muli %add3A_76, %mul3A_105 : i32
      %dma_wait3A_107 = tpu.memref_slice %arg8[%mul3A_106] : memref<10000xi32, #tpu.memory_space<vmem>> -> memref<80xi32, #tpu.memory_space<vmem>>
      %dma_wait3A_108 = arith.constant 0 : i32
      %dma_wait3A_109 = arith.constant 0 : i32
      %dma_wait3A_110 = tpu.memref_slice %arg2[%dma_wait3A_108, %dma_wait3A_109] : memref<10000x128xf32, #tpu.memory_space<hbm>> -> memref<10000x128xf32, #tpu.memory_space<hbm>>
      tpu.wait_indirect_dma semaphore(%arg15 : memref<!tpu.dma_semaphore, #tpu.memory_space<semaphore_mem>>) src(%dma_wait3A_110 : memref<10000x128xf32, #tpu.memory_space<hbm>>) dst(%arg10 : memref<80x128xf32, #tpu.memory_space<vmem>>)
      %mul3A_111 = arith.constant 80 : i32
      %mul3A_112 = arith.muli %add3A_76, %mul3A_111 : i32
      %add3A_113 = arith.addi %mul3A_2, %mul3A_112 : i32
      %dma_wait3A_114 = tpu.memref_slice %arg4[%add3A_113] : memref<320000xi32, #tpu.memory_space<hbm>> -> memref<80xi32, #tpu.memory_space<hbm>>
      %dma_wait3A_115 = tpu.memref_slice %arg4[%add3A_113] : memref<320000xi32, #tpu.memory_space<hbm>> -> memref<80xi32, #tpu.memory_space<hbm>>
      tpu.wait_dma2 semaphore(%arg17 : memref<!tpu.dma_semaphore, #tpu.memory_space<semaphore_mem>>) src(%dma_wait3A_115 : memref<80xi32, #tpu.memory_space<hbm>>) dst(%arg12 : memref<80xi32, #tpu.memory_space<vmem>>)
      "tpu.region"() ({
        %run_scoped3A = tpu.sem_alloc : memref<!tpu.dma_semaphore, #tpu.memory_space<semaphore_mem>>
        %dma_start3A_117 = arith.constant 0 : i32
        %dma_start3A_118 = arith.constant 0 : i32
        %dma_start3A_119 = tpu.memref_slice %arg7[%dma_start3A_117, %dma_start3A_118] : memref<10000x128xf32, #tpu.memory_space<vmem_shared>> -> memref<10000x128xf32, #tpu.memory_space<vmem_shared>>
        tpu.enqueue_indirect_dma source(%arg10 : memref<80x128xf32, #tpu.memory_space<vmem>>) target(%dma_start3A_119 : memref<10000x128xf32, #tpu.memory_space<vmem_shared>>) offsets(%arg12 : memref<80xi32, #tpu.memory_space<vmem>>) semaphore(%run_scoped3A : memref<!tpu.dma_semaphore, #tpu.memory_space<semaphore_mem>>) {add = true}
        %dma_wait3A_120 = arith.constant 0 : i32
        %dma_wait3A_121 = arith.constant 0 : i32
        %dma_wait3A_122 = tpu.memref_slice %arg7[%dma_wait3A_120, %dma_wait3A_121] : memref<10000x128xf32, #tpu.memory_space<vmem_shared>> -> memref<10000x128xf32, #tpu.memory_space<vmem_shared>>
        tpu.wait_indirect_dma semaphore(%run_scoped3A : memref<!tpu.dma_semaphore, #tpu.memory_space<semaphore_mem>>) src(%arg10 : memref<80x128xf32, #tpu.memory_space<vmem>>) dst(%dma_wait3A_122 : memref<10000x128xf32, #tpu.memory_space<vmem_shared>>)
        tpu.yield
      }) : () -> ()
      %scan3A_116 = arith.constant 0 : i32
      scf.yield %scan3A_116 : i32
    }
    %scan3A_50 = arith.constant 62 : i32
    %dma_wait3A_51 = arith.constant 9920 : i32
    %dma_wait3A_52 = tpu.memref_slice %arg8[%dma_wait3A_51] : memref<10000xi32, #tpu.memory_space<vmem>> -> memref<80xi32, #tpu.memory_space<vmem>>
    %dma_wait3A_53 = arith.constant 0 : i32
    %dma_wait3A_54 = arith.constant 0 : i32
    %dma_wait3A_55 = tpu.memref_slice %arg2[%dma_wait3A_53, %dma_wait3A_54] : memref<10000x128xf32, #tpu.memory_space<hbm>> -> memref<10000x128xf32, #tpu.memory_space<hbm>>
    tpu.wait_indirect_dma semaphore(%arg14 : memref<!tpu.dma_semaphore, #tpu.memory_space<semaphore_mem>>) src(%dma_wait3A_55 : memref<10000x128xf32, #tpu.memory_space<hbm>>) dst(%arg9 : memref<80x128xf32, #tpu.memory_space<vmem>>)
    %add3A_56 = arith.constant 9920 : i32
    %add3A_57 = arith.addi %mul3A_2, %add3A_56 : i32
    %dma_wait3A_58 = tpu.memref_slice %arg4[%add3A_57] : memref<320000xi32, #tpu.memory_space<hbm>> -> memref<80xi32, #tpu.memory_space<hbm>>
    %dma_wait3A_59 = tpu.memref_slice %arg4[%add3A_57] : memref<320000xi32, #tpu.memory_space<hbm>> -> memref<80xi32, #tpu.memory_space<hbm>>
    tpu.wait_dma2 semaphore(%arg16 : memref<!tpu.dma_semaphore, #tpu.memory_space<semaphore_mem>>) src(%dma_wait3A_59 : memref<80xi32, #tpu.memory_space<hbm>>) dst(%arg11 : memref<80xi32, #tpu.memory_space<vmem>>)
    "tpu.region"() ({
      %run_scoped3A = tpu.sem_alloc : memref<!tpu.dma_semaphore, #tpu.memory_space<semaphore_mem>>
      %dma_start3A_71 = arith.constant 0 : i32
      %dma_start3A_72 = arith.constant 0 : i32
      %dma_start3A_73 = tpu.memref_slice %arg7[%dma_start3A_71, %dma_start3A_72] : memref<10000x128xf32, #tpu.memory_space<vmem_shared>> -> memref<10000x128xf32, #tpu.memory_space<vmem_shared>>
      tpu.enqueue_indirect_dma source(%arg9 : memref<80x128xf32, #tpu.memory_space<vmem>>) target(%dma_start3A_73 : memref<10000x128xf32, #tpu.memory_space<vmem_shared>>) offsets(%arg11 : memref<80xi32, #tpu.memory_space<vmem>>) semaphore(%run_scoped3A : memref<!tpu.dma_semaphore, #tpu.memory_space<semaphore_mem>>) {add = true}
      %dma_wait3A_74 = arith.constant 0 : i32
      %dma_wait3A_75 = arith.constant 0 : i32
      %dma_wait3A_76 = tpu.memref_slice %arg7[%dma_wait3A_74, %dma_wait3A_75] : memref<10000x128xf32, #tpu.memory_space<vmem_shared>> -> memref<10000x128xf32, #tpu.memory_space<vmem_shared>>
      tpu.wait_indirect_dma semaphore(%run_scoped3A : memref<!tpu.dma_semaphore, #tpu.memory_space<semaphore_mem>>) src(%arg9 : memref<80x128xf32, #tpu.memory_space<vmem>>) dst(%dma_wait3A_76 : memref<10000x128xf32, #tpu.memory_space<vmem_shared>>)
      tpu.yield
    }) : () -> ()
    %barrier3A_60 = arith.constant 0 : index
    tpu.barrier barrier_id(%barrier3A_60)
    %eq3A_61 = arith.constant 0 : i32
    %eq3A_62 = arith.cmpi eq, %arg0, %eq3A_61 : i32
    %convert_element_type3A_63 = arith.extui %eq3A_62 : i1 to i32
    %cond3A_64 = arith.constant 0 : i32
    %cond3A_65 = arith.cmpi ne, %convert_element_type3A_63, %cond3A_64 : i32
    scf.if %cond3A_65 {
      %mul3A_71 = arith.constant 624 : i32
      %mul3A_72 = arith.muli %arg1, %mul3A_71 : i32
      %mul3A_73 = arith.constant 624 : i32
      %mul3A_74 = arith.muli %arg1, %mul3A_73 : i32
      "tpu.region"() ({
        %run_scoped3A = tpu.sem_alloc : memref<!tpu.dma_semaphore, #tpu.memory_space<semaphore_mem>>
        %dma_start3A_80 = arith.constant 0 : i32
        %dma_start3A_81 = tpu.memref_slice %arg5[%mul3A_74, %dma_start3A_80] : memref<10000x128xf32, #tpu.memory_space<hbm>> -> memref<624x128xf32, #tpu.memory_space<hbm>>
        %dma_start3A_82 = arith.constant 0 : i32
        %dma_start3A_83 = tpu.memref_slice %arg7[%mul3A_72, %dma_start3A_82] : memref<10000x128xf32, #tpu.memory_space<vmem_shared>> -> memref<624x128xf32, #tpu.memory_space<vmem_shared>>
        tpu.enqueue_dma source(%dma_start3A_83 : memref<624x128xf32, #tpu.memory_space<vmem_shared>>) target(%dma_start3A_81 : memref<624x128xf32, #tpu.memory_space<hbm>>) target_semaphore(%run_scoped3A : memref<!tpu.dma_semaphore, #tpu.memory_space<semaphore_mem>>)
        %dma_wait3A_84 = arith.constant 0 : i32
        %dma_wait3A_85 = tpu.memref_slice %arg5[%mul3A_74, %dma_wait3A_84] : memref<10000x128xf32, #tpu.memory_space<hbm>> -> memref<624x128xf32, #tpu.memory_space<hbm>>
        %dma_wait3A_86 = arith.constant 0 : i32
        %dma_wait3A_87 = tpu.memref_slice %arg7[%mul3A_72, %dma_wait3A_86] : memref<10000x128xf32, #tpu.memory_space<vmem_shared>> -> memref<624x128xf32, #tpu.memory_space<vmem_shared>>
        tpu.wait_dma2 semaphore(%run_scoped3A : memref<!tpu.dma_semaphore, #tpu.memory_space<semaphore_mem>>) src(%dma_wait3A_87 : memref<624x128xf32, #tpu.memory_space<vmem_shared>>) dst(%dma_wait3A_85 : memref<624x128xf32, #tpu.memory_space<hbm>>)
        tpu.yield
      }) : () -> ()
      %eq3A_75 = arith.constant 15 : i32
      %eq3A_76 = arith.cmpi eq, %arg1, %eq3A_75 : i32
      %convert_element_type3A_77 = arith.extui %eq3A_76 : i1 to i32
      %cond3A_78 = arith.constant 0 : i32
      %cond3A_79 = arith.cmpi ne, %convert_element_type3A_77, %cond3A_78 : i32
      scf.if %cond3A_79 {
        "tpu.region"() ({
          %run_scoped3A = tpu.sem_alloc : memref<!tpu.dma_semaphore, #tpu.memory_space<semaphore_mem>>
          %dma_start3A_80 = arith.constant 9984 : i32
          %dma_start3A_81 = arith.constant 0 : i32
          %dma_start3A_82 = tpu.memref_slice %arg5[%dma_start3A_80, %dma_start3A_81] : memref<10000x128xf32, #tpu.memory_space<hbm>> -> memref<16x128xf32, #tpu.memory_space<hbm>>
          %dma_start3A_83 = arith.constant 9984 : i32
          %dma_start3A_84 = arith.constant 0 : i32
          %dma_start3A_85 = tpu.memref_slice %arg7[%dma_start3A_83, %dma_start3A_84] : memref<10000x128xf32, #tpu.memory_space<vmem_shared>> -> memref<16x128xf32, #tpu.memory_space<vmem_shared>>
          tpu.enqueue_dma source(%dma_start3A_85 : memref<16x128xf32, #tpu.memory_space<vmem_shared>>) target(%dma_start3A_82 : memref<16x128xf32, #tpu.memory_space<hbm>>) target_semaphore(%run_scoped3A : memref<!tpu.dma_semaphore, #tpu.memory_space<semaphore_mem>>)
          %dma_wait3A_86 = arith.constant 9984 : i32
          %dma_wait3A_87 = arith.constant 0 : i32
          %dma_wait3A_88 = tpu.memref_slice %arg5[%dma_wait3A_86, %dma_wait3A_87] : memref<10000x128xf32, #tpu.memory_space<hbm>> -> memref<16x128xf32, #tpu.memory_space<hbm>>
          %dma_wait3A_89 = arith.constant 9984 : i32
          %dma_wait3A_90 = arith.constant 0 : i32
          %dma_wait3A_91 = tpu.memref_slice %arg7[%dma_wait3A_89, %dma_wait3A_90] : memref<10000x128xf32, #tpu.memory_space<vmem_shared>> -> memref<16x128xf32, #tpu.memory_space<vmem_shared>>
          tpu.wait_dma2 semaphore(%run_scoped3A : memref<!tpu.dma_semaphore, #tpu.memory_space<semaphore_mem>>) src(%dma_wait3A_91 : memref<16x128xf32, #tpu.memory_space<vmem_shared>>) dst(%dma_wait3A_88 : memref<16x128xf32, #tpu.memory_space<hbm>>)
          tpu.yield
        }) : () -> ()
      } else {
      }
    } else {
    }
    %eq3A_66 = arith.constant 1 : i32
    %eq3A_67 = arith.cmpi eq, %arg0, %eq3A_66 : i32
    %convert_element_type3A_68 = arith.extui %eq3A_67 : i1 to i32
    %cond3A_69 = arith.constant 0 : i32
    %cond3A_70 = arith.cmpi ne, %convert_element_type3A_68, %cond3A_69 : i32
    scf.if %cond3A_70 {
      %mul3A_71 = arith.constant 624 : i32
      %mul3A_72 = arith.muli %arg1, %mul3A_71 : i32
      %mul3A_73 = arith.constant 624 : i32
      %mul3A_74 = arith.muli %arg1, %mul3A_73 : i32
      "tpu.region"() ({
        %run_scoped3A = tpu.sem_alloc : memref<!tpu.dma_semaphore, #tpu.memory_space<semaphore_mem>>
        %dma_start3A_80 = arith.constant 0 : i32
        %dma_start3A_81 = tpu.memref_slice %arg6[%mul3A_74, %dma_start3A_80] : memref<10000x128xf32, #tpu.memory_space<hbm>> -> memref<624x128xf32, #tpu.memory_space<hbm>>
        %dma_start3A_82 = arith.constant 0 : i32
        %dma_start3A_83 = tpu.memref_slice %arg7[%mul3A_72, %dma_start3A_82] : memref<10000x128xf32, #tpu.memory_space<vmem_shared>> -> memref<624x128xf32, #tpu.memory_space<vmem_shared>>
        tpu.enqueue_dma source(%dma_start3A_83 : memref<624x128xf32, #tpu.memory_space<vmem_shared>>) target(%dma_start3A_81 : memref<624x128xf32, #tpu.memory_space<hbm>>) target_semaphore(%run_scoped3A : memref<!tpu.dma_semaphore, #tpu.memory_space<semaphore_mem>>)
        %dma_wait3A_84 = arith.constant 0 : i32
        %dma_wait3A_85 = tpu.memref_slice %arg6[%mul3A_74, %dma_wait3A_84] : memref<10000x128xf32, #tpu.memory_space<hbm>> -> memref<624x128xf32, #tpu.memory_space<hbm>>
        %dma_wait3A_86 = arith.constant 0 : i32
        %dma_wait3A_87 = tpu.memref_slice %arg7[%mul3A_72, %dma_wait3A_86] : memref<10000x128xf32, #tpu.memory_space<vmem_shared>> -> memref<624x128xf32, #tpu.memory_space<vmem_shared>>
        tpu.wait_dma2 semaphore(%run_scoped3A : memref<!tpu.dma_semaphore, #tpu.memory_space<semaphore_mem>>) src(%dma_wait3A_87 : memref<624x128xf32, #tpu.memory_space<vmem_shared>>) dst(%dma_wait3A_85 : memref<624x128xf32, #tpu.memory_space<hbm>>)
        tpu.yield
      }) : () -> ()
      %eq3A_75 = arith.constant 15 : i32
      %eq3A_76 = arith.cmpi eq, %arg1, %eq3A_75 : i32
      %convert_element_type3A_77 = arith.extui %eq3A_76 : i1 to i32
      %cond3A_78 = arith.constant 0 : i32
      %cond3A_79 = arith.cmpi ne, %convert_element_type3A_77, %cond3A_78 : i32
      scf.if %cond3A_79 {
        "tpu.region"() ({
          %run_scoped3A = tpu.sem_alloc : memref<!tpu.dma_semaphore, #tpu.memory_space<semaphore_mem>>
          %dma_start3A_80 = arith.constant 9984 : i32
          %dma_start3A_81 = arith.constant 0 : i32
          %dma_start3A_82 = tpu.memref_slice %arg6[%dma_start3A_80, %dma_start3A_81] : memref<10000x128xf32, #tpu.memory_space<hbm>> -> memref<16x128xf32, #tpu.memory_space<hbm>>
          %dma_start3A_83 = arith.constant 9984 : i32
          %dma_start3A_84 = arith.constant 0 : i32
          %dma_start3A_85 = tpu.memref_slice %arg7[%dma_start3A_83, %dma_start3A_84] : memref<10000x128xf32, #tpu.memory_space<vmem_shared>> -> memref<16x128xf32, #tpu.memory_space<vmem_shared>>
          tpu.enqueue_dma source(%dma_start3A_85 : memref<16x128xf32, #tpu.memory_space<vmem_shared>>) target(%dma_start3A_82 : memref<16x128xf32, #tpu.memory_space<hbm>>) target_semaphore(%run_scoped3A : memref<!tpu.dma_semaphore, #tpu.memory_space<semaphore_mem>>)
          %dma_wait3A_86 = arith.constant 9984 : i32
          %dma_wait3A_87 = arith.constant 0 : i32
          %dma_wait3A_88 = tpu.memref_slice %arg6[%dma_wait3A_86, %dma_wait3A_87] : memref<10000x128xf32, #tpu.memory_space<hbm>> -> memref<16x128xf32, #tpu.memory_space<hbm>>
          %dma_wait3A_89 = arith.constant 9984 : i32
          %dma_wait3A_90 = arith.constant 0 : i32
          %dma_wait3A_91 = tpu.memref_slice %arg7[%dma_wait3A_89, %dma_wait3A_90] : memref<10000x128xf32, #tpu.memory_space<vmem_shared>> -> memref<16x128xf32, #tpu.memory_space<vmem_shared>>
          tpu.wait_dma2 semaphore(%run_scoped3A : memref<!tpu.dma_semaphore, #tpu.memory_space<semaphore_mem>>) src(%dma_wait3A_91 : memref<16x128xf32, #tpu.memory_space<vmem_shared>>) dst(%dma_wait3A_88 : memref<16x128xf32, #tpu.memory_space<hbm>>)
          tpu.yield
        }) : () -> ()
      } else {
      }
    } else {
    }
    return
  }
}

#map = affine_map<(d0, d1) -> (0, 0)>
#map1 = affine_map<(d0, d1) -> (0)>
module attributes {stable_mosaic.version = 14 : i64} {
  func.func @k(%arg0: i32, %arg1: i32, %arg2: memref<10000x128xf32, #tpu.memory_space<hbm>>, %arg3: memref<320000xi32, #tpu.memory_space<hbm>>, %arg4: memref<320000xi32, #tpu.memory_space<hbm>>, %arg5: memref<10000x128xf32, #tpu.memory_space<hbm>>, %arg6: memref<10000x128xf32, #tpu.memory_space<hbm>>, %arg7: memref<10000x128xf32, #tpu.memory_space<vmem_shared>>, %arg8: memref<10000xi32, #tpu.memory_space<vmem>>, %arg9: memref<80x128xf32, #tpu.memory_space<vmem>>, %arg10: memref<80x128xf32, #tpu.memory_space<vmem>>, %arg11: memref<80xi32, #tpu.memory_space<vmem>>, %arg12: memref<80xi32, #tpu.memory_space<vmem>>, %arg13: memref<48x128xf32, #tpu.memory_space<vmem>>, %arg14: memref<!tpu.dma_semaphore, #tpu.memory_space<semaphore_mem>>, %arg15: memref<!tpu.dma_semaphore, #tpu.memory_space<semaphore_mem>>, %arg16: memref<!tpu.dma_semaphore, #tpu.memory_space<semaphore_mem>>, %arg17: memref<!tpu.dma_semaphore, #tpu.memory_space<semaphore_mem>>, %arg18: memref<!tpu.dma_semaphore, #tpu.memory_space<semaphore_mem>>) attributes {dimension_semantics = [#tpu.dimension_semantics<core_parallel>, #tpu.dimension_semantics<subcore_parallel>], iteration_bounds = array<i64: 2, 16>, scalar_prefetch = 0 : i64, scratch_operands = 12 : i64, tpu.core_type = #tpu.core_type<sc_vector_subcore>, window_params = [{transform_indices = #map}, {transform_indices = #map1}, {transform_indices = #map1}, {transform_indices = #map}, {transform_indices = #map}]} {
    %mul3A = arith.constant 16 : i32
    %mul3A_0 = arith.muli %arg0, %mul3A : i32
    %add3A = arith.addi %mul3A_0, %arg1 : i32
    %mul3A_1 = arith.constant 10000 : i32
    %mul3A_2 = arith.muli %add3A, %mul3A_1 : i32
    %dma_start3A = arith.constant 0 : i32
    %dma_start3A_3 = tpu.memref_slice %arg8[%dma_start3A] : memref<10000xi32, #tpu.memory_space<vmem>> -> memref<10000xi32, #tpu.memory_space<vmem>>
    %dma_start3A_4 = tpu.memref_slice %arg3[%mul3A_2] : memref<320000xi32, #tpu.memory_space<hbm>> -> memref<10000xi32, #tpu.memory_space<hbm>>
    %dma_start3A_5 = arith.constant 0 : i32
    %dma_start3A_6 = tpu.memref_slice %arg8[%dma_start3A_5] : memref<10000xi32, #tpu.memory_space<vmem>> -> memref<10000xi32, #tpu.memory_space<vmem>>
    %dma_start3A_7 = tpu.memref_slice %arg3[%mul3A_2] : memref<320000xi32, #tpu.memory_space<hbm>> -> memref<10000xi32, #tpu.memory_space<hbm>>
    tpu.enqueue_dma source(%dma_start3A_7 : memref<10000xi32, #tpu.memory_space<hbm>>) target(%dma_start3A_6 : memref<10000xi32, #tpu.memory_space<vmem>>) target_semaphore(%arg14 : memref<!tpu.dma_semaphore, #tpu.memory_space<semaphore_mem>>)
    %scan3A = arith.constant 0 : i32
    %scan3A_8 = arith.constant 0 : i32
    %scan3A_9 = arith.constant 384 : i32
    %scan3A_10 = arith.addi %scan3A_8, %scan3A_9 : i32
    %scan3A_11 = arith.constant 1 : i32
    %scan3A_12 = scf.for %scan3A_71 = %scan3A_8 to %scan3A_10 step %scan3A_11 iter_args(%scan3A_72 = %scan3A) -> (i32)  : i32 {
      %broadcast_in_dim3A = arith.constant 0.000000e+00 : f32
      %broadcast_in_dim3A_73 = vector.broadcast %broadcast_in_dim3A : f32 to vector<16xf32>
      %jit3A = arith.constant 8 : i32
      %div3A = arith.divsi %scan3A_71, %jit3A : i32
      %sign3A = arith.constant 0 : i32
      %sign3A_74 = arith.cmpi sgt, %scan3A_71, %sign3A : i32
      %sign3A_75 = arith.extui %sign3A_74 : i1 to i32
      %sign3A_76 = arith.constant 0 : i32
      %sign3A_77 = arith.cmpi slt, %scan3A_71, %sign3A_76 : i32
      %sign3A_78 = arith.extui %sign3A_77 : i1 to i32
      %sign3A_79 = arith.subi %sign3A_75, %sign3A_78 : i32
      %sign3A_80 = arith.constant 0 : i32
      %sign3A_81 = arith.cmpi sgt, %jit3A, %sign3A_80 : i32
      %sign3A_82 = arith.extui %sign3A_81 : i1 to i32
      %sign3A_83 = arith.constant 0 : i32
      %sign3A_84 = arith.cmpi slt, %jit3A, %sign3A_83 : i32
      %sign3A_85 = arith.extui %sign3A_84 : i1 to i32
      %sign3A_86 = arith.subi %sign3A_82, %sign3A_85 : i32
      %ne3A = arith.cmpi ne, %sign3A_79, %sign3A_86 : i32
      %rem3A = arith.remsi %scan3A_71, %jit3A : i32
      %ne3A_87 = arith.constant 0 : i32
      %ne3A_88 = arith.cmpi ne, %rem3A, %ne3A_87 : i32
      %and3A = arith.andi %ne3A, %ne3A_88 : i1
      %sub3A = arith.constant 1 : i32
      %sub3A_89 = arith.subi %div3A, %sub3A : i32
      %select_n3A = arith.select %and3A, %sub3A_89, %div3A : i32
      %jit3A_90 = arith.constant 8 : i32
      %eq3A_91 = arith.constant 0 : i32
      %eq3A_92 = arith.cmpi eq, %jit3A_90, %eq3A_91 : i32
      %jit3A_93 = arith.constant 1 : i32
      %select_n3A_94 = arith.select %eq3A_92, %jit3A_93, %jit3A_90 : i32
      %rem3A_95 = arith.remsi %scan3A_71, %select_n3A_94 : i32
      %ne3A_96 = arith.constant 0 : i32
      %ne3A_97 = arith.cmpi ne, %rem3A_95, %ne3A_96 : i32
      %lt3A = arith.constant 0 : i32
      %lt3A_98 = arith.cmpi slt, %rem3A_95, %lt3A : i32
      %lt3A_99 = arith.constant 0 : i32
      %lt3A_100 = arith.cmpi slt, %select_n3A_94, %lt3A_99 : i32
      %ne3A_101 = arith.xori %lt3A_98, %lt3A_100 : i1
      %and3A_102 = arith.andi %ne3A_101, %ne3A_97 : i1
      %add3A_103 = arith.addi %rem3A_95, %select_n3A_94 : i32
      %select_n3A_104 = arith.select %and3A_102, %add3A_103, %rem3A_95 : i32
      %mul3A_105 = arith.constant 16 : i32
      %mul3A_106 = arith.muli %select_n3A_104, %mul3A_105 : i32
      %swap3A = arith.index_cast %select_n3A : i32 to index
      %swap3A_107 = arith.index_cast %mul3A_106 : i32 to index
      %swap3A_108 = tpu.vector_load %arg13[%swap3A, %swap3A_107] {strides = array<i32>} : memref<48x128xf32, #tpu.memory_space<vmem>>, vector<1x16xf32>,
      %swap3A_109 = vector.shape_cast %swap3A_108 : vector<1x16xf32> to vector<16xf32>
      %swap3A_110 = vector.shape_cast %broadcast_in_dim3A_73 : vector<16xf32> to vector<1x16xf32>
      tpu.vector_store %arg13[%swap3A, %swap3A_107], %swap3A_110 {strides = array<i32>} : memref<48x128xf32, #tpu.memory_space<vmem>>, vector<1x16xf32>,
      %scan3A_111 = arith.constant 0 : i32
      scf.yield %scan3A_111 : i32
    }
    %scan3A_13 = arith.constant 384 : i32
    %scan3A_14 = arith.constant 0 : i32
    %scan3A_15 = arith.constant 0 : i32
    %scan3A_16 = arith.constant 13 : i32
    %scan3A_17 = arith.addi %scan3A_15, %scan3A_16 : i32
    %scan3A_18 = arith.constant 1 : i32
    %scan3A_19 = scf.for %scan3A_71 = %scan3A_15 to %scan3A_17 step %scan3A_18 iter_args(%scan3A_72 = %scan3A_14) -> (i32)  : i32 {
      %mul3A_73 = arith.constant 624 : i32
      %mul3A_74 = arith.muli %arg1, %mul3A_73 : i32
      %mul3A_75 = arith.constant 48 : i32
      %mul3A_76 = arith.muli %scan3A_71, %mul3A_75 : i32
      %add3A_77 = arith.addi %mul3A_74, %mul3A_76 : i32
      %dma_start3A_78 = arith.constant 0 : i32
      %dma_start3A_79 = tpu.memref_slice %arg7[%add3A_77, %dma_start3A_78] : memref<10000x128xf32, #tpu.memory_space<vmem_shared>> -> memref<48x128xf32, #tpu.memory_space<vmem_shared>>
      %dma_start3A_80 = arith.constant 0 : i32
      %dma_start3A_81 = tpu.memref_slice %arg7[%add3A_77, %dma_start3A_80] : memref<10000x128xf32, #tpu.memory_space<vmem_shared>> -> memref<48x128xf32, #tpu.memory_space<vmem_shared>>
      tpu.enqueue_dma source(%arg13 : memref<48x128xf32, #tpu.memory_space<vmem>>) target(%dma_start3A_81 : memref<48x128xf32, #tpu.memory_space<vmem_shared>>) target_semaphore(%arg18 : memref<!tpu.dma_semaphore, #tpu.memory_space<semaphore_mem>>)
      %scan3A_82 = arith.constant 0 : i32
      scf.yield %scan3A_82 : i32
    }
    %scan3A_20 = arith.constant 13 : i32
    %scan3A_21 = arith.constant 0 : i32
    %scan3A_22 = arith.constant 0 : i32
    %scan3A_23 = arith.constant 13 : i32
    %scan3A_24 = arith.addi %scan3A_22, %scan3A_23 : i32
    %scan3A_25 = arith.constant 1 : i32
    %scan3A_26 = scf.for %scan3A_71 = %scan3A_22 to %scan3A_24 step %scan3A_25 iter_args(%scan3A_72 = %scan3A_21) -> (i32)  : i32 {
      %mul3A_73 = arith.constant 624 : i32
      %mul3A_74 = arith.muli %arg1, %mul3A_73 : i32
      %mul3A_75 = arith.constant 48 : i32
      %mul3A_76 = arith.muli %scan3A_71, %mul3A_75 : i32
      %add3A_77 = arith.addi %mul3A_74, %mul3A_76 : i32
      %dma_wait3A_78 = arith.constant 0 : i32
      %dma_wait3A_79 = tpu.memref_slice %arg7[%add3A_77, %dma_wait3A_78] : memref<10000x128xf32, #tpu.memory_space<vmem_shared>> -> memref<48x128xf32, #tpu.memory_space<vmem_shared>>
      %dma_wait3A_80 = arith.constant 0 : i32
      %dma_wait3A_81 = tpu.memref_slice %arg7[%add3A_77, %dma_wait3A_80] : memref<10000x128xf32, #tpu.memory_space<vmem_shared>> -> memref<48x128xf32, #tpu.memory_space<vmem_shared>>
      tpu.wait_dma2 semaphore(%arg18 : memref<!tpu.dma_semaphore, #tpu.memory_space<semaphore_mem>>) src(%arg13 : memref<48x128xf32, #tpu.memory_space<vmem>>) dst(%dma_wait3A_81 : memref<48x128xf32, #tpu.memory_space<vmem_shared>>)
      %scan3A_82 = arith.constant 0 : i32
      scf.yield %scan3A_82 : i32
    }
    %scan3A_27 = arith.constant 13 : i32
    %eq3A = arith.constant 15 : i32
    %eq3A_28 = arith.cmpi eq, %arg1, %eq3A : i32
    %convert_element_type3A = arith.extui %eq3A_28 : i1 to i32
    %cond3A = arith.constant 0 : i32
    %cond3A_29 = arith.cmpi ne, %convert_element_type3A, %cond3A : i32
    scf.if %cond3A_29 {
      "tpu.region"() ({
        %run_scoped3A = tpu.sem_alloc : memref<!tpu.dma_semaphore, #tpu.memory_space<semaphore_mem>>
        %dma_start3A_71 = arith.constant 0 : i32
        %dma_start3A_72 = arith.constant 0 : i32
        %dma_start3A_73 = tpu.memref_slice %arg13[%dma_start3A_71, %dma_start3A_72] : memref<48x128xf32, #tpu.memory_space<vmem>> -> memref<16x128xf32, #tpu.memory_space<vmem>>
        %dma_start3A_74 = arith.constant 9984 : i32
        %dma_start3A_75 = arith.constant 0 : i32
        %dma_start3A_76 = tpu.memref_slice %arg7[%dma_start3A_74, %dma_start3A_75] : memref<10000x128xf32, #tpu.memory_space<vmem_shared>> -> memref<16x128xf32, #tpu.memory_space<vmem_shared>>
        %dma_start3A_77 = arith.constant 9984 : i32
        %dma_start3A_78 = arith.constant 0 : i32
        %dma_start3A_79 = tpu.memref_slice %arg7[%dma_start3A_77, %dma_start3A_78] : memref<10000x128xf32, #tpu.memory_space<vmem_shared>> -> memref<16x128xf32, #tpu.memory_space<vmem_shared>>
        %dma_start3A_80 = arith.constant 0 : i32
        %dma_start3A_81 = arith.constant 0 : i32
        %dma_start3A_82 = tpu.memref_slice %arg13[%dma_start3A_80, %dma_start3A_81] : memref<48x128xf32, #tpu.memory_space<vmem>> -> memref<16x128xf32, #tpu.memory_space<vmem>>
        tpu.enqueue_dma source(%dma_start3A_82 : memref<16x128xf32, #tpu.memory_space<vmem>>) target(%dma_start3A_79 : memref<16x128xf32, #tpu.memory_space<vmem_shared>>) target_semaphore(%run_scoped3A : memref<!tpu.dma_semaphore, #tpu.memory_space<semaphore_mem>>)
        %dma_wait3A_83 = arith.constant 0 : i32
        %dma_wait3A_84 = arith.constant 0 : i32
        %dma_wait3A_85 = tpu.memref_slice %arg13[%dma_wait3A_83, %dma_wait3A_84] : memref<48x128xf32, #tpu.memory_space<vmem>> -> memref<16x128xf32, #tpu.memory_space<vmem>>
        %dma_wait3A_86 = arith.constant 9984 : i32
        %dma_wait3A_87 = arith.constant 0 : i32
        %dma_wait3A_88 = tpu.memref_slice %arg7[%dma_wait3A_86, %dma_wait3A_87] : memref<10000x128xf32, #tpu.memory_space<vmem_shared>> -> memref<16x128xf32, #tpu.memory_space<vmem_shared>>
        %dma_wait3A_89 = arith.constant 9984 : i32
        %dma_wait3A_90 = arith.constant 0 : i32
        %dma_wait3A_91 = tpu.memref_slice %arg7[%dma_wait3A_89, %dma_wait3A_90] : memref<10000x128xf32, #tpu.memory_space<vmem_shared>> -> memref<16x128xf32, #tpu.memory_space<vmem_shared>>
        %dma_wait3A_92 = arith.constant 0 : i32
        %dma_wait3A_93 = arith.constant 0 : i32
        %dma_wait3A_94 = tpu.memref_slice %arg13[%dma_wait3A_92, %dma_wait3A_93] : memref<48x128xf32, #tpu.memory_space<vmem>> -> memref<16x128xf32, #tpu.memory_space<vmem>>
        tpu.wait_dma2 semaphore(%run_scoped3A : memref<!tpu.dma_semaphore, #tpu.memory_space<semaphore_mem>>) src(%dma_wait3A_94 : memref<16x128xf32, #tpu.memory_space<vmem>>) dst(%dma_wait3A_91 : memref<16x128xf32, #tpu.memory_space<vmem_shared>>)
        tpu.yield
      }) : () -> ()
    } else {
    }
    %dma_wait3A = arith.constant 0 : i32
    %dma_wait3A_30 = tpu.memref_slice %arg8[%dma_wait3A] : memref<10000xi32, #tpu.memory_space<vmem>> -> memref<10000xi32, #tpu.memory_space<vmem>>
    %dma_wait3A_31 = tpu.memref_slice %arg3[%mul3A_2] : memref<320000xi32, #tpu.memory_space<hbm>> -> memref<10000xi32, #tpu.memory_space<hbm>>
    %dma_wait3A_32 = arith.constant 0 : i32
    %dma_wait3A_33 = tpu.memref_slice %arg8[%dma_wait3A_32] : memref<10000xi32, #tpu.memory_space<vmem>> -> memref<10000xi32, #tpu.memory_space<vmem>>
    %dma_wait3A_34 = tpu.memref_slice %arg3[%mul3A_2] : memref<320000xi32, #tpu.memory_space<hbm>> -> memref<10000xi32, #tpu.memory_space<hbm>>
    tpu.wait_dma2 semaphore(%arg14 : memref<!tpu.dma_semaphore, #tpu.memory_space<semaphore_mem>>) src(%dma_wait3A_34 : memref<10000xi32, #tpu.memory_space<hbm>>) dst(%dma_wait3A_33 : memref<10000xi32, #tpu.memory_space<vmem>>)
    %barrier3A = arith.constant 0 : index
    tpu.barrier barrier_id(%barrier3A)
    %add3A_35 = arith.constant 0 : i32
    %add3A_36 = arith.addi %mul3A_2, %add3A_35 : i32
    %dma_start3A_37 = tpu.memref_slice %arg4[%add3A_36] : memref<320000xi32, #tpu.memory_space<hbm>> -> memref<80xi32, #tpu.memory_space<hbm>>
    %dma_start3A_38 = tpu.memref_slice %arg4[%add3A_36] : memref<320000xi32, #tpu.memory_space<hbm>> -> memref<80xi32, #tpu.memory_space<hbm>>
    tpu.enqueue_dma source(%dma_start3A_38 : memref<80xi32, #tpu.memory_space<hbm>>) target(%arg11 : memref<80xi32, #tpu.memory_space<vmem>>) target_semaphore(%arg16 : memref<!tpu.dma_semaphore, #tpu.memory_space<semaphore_mem>>)
    %dma_start3A_39 = arith.constant 0 : i32
    %dma_start3A_40 = tpu.memref_slice %arg8[%dma_start3A_39] : memref<10000xi32, #tpu.memory_space<vmem>> -> memref<80xi32, #tpu.memory_space<vmem>>
    %dma_start3A_41 = arith.constant 0 : i32
    %dma_start3A_42 = arith.constant 0 : i32
    %dma_start3A_43 = tpu.memref_slice %arg2[%dma_start3A_41, %dma_start3A_42] : memref<10000x128xf32, #tpu.memory_space<hbm>> -> memref<10000x128xf32, #tpu.memory_space<hbm>>
    tpu.enqueue_indirect_dma source(%dma_start3A_43 : memref<10000x128xf32, #tpu.memory_space<hbm>>) target(%arg9 : memref<80x128xf32, #tpu.memory_space<vmem>>) offsets(%dma_start3A_40 : memref<80xi32, #tpu.memory_space<vmem>>) semaphore(%arg14 : memref<!tpu.dma_semaphore, #tpu.memory_space<semaphore_mem>>)
    %scan3A_44 = arith.constant 0 : i32
    %scan3A_45 = arith.constant 0 : i32
    %scan3A_46 = arith.constant 62 : i32
    %scan3A_47 = arith.addi %scan3A_45, %scan3A_46 : i32
    %scan3A_48 = arith.constant 1 : i32
    %scan3A_49 = scf.for %scan3A_71 = %scan3A_45 to %scan3A_47 step %scan3A_48 iter_args(%scan3A_72 = %scan3A_44) -> (i32)  : i32 {
      %mul3A_73 = arith.constant 2 : i32
      %mul3A_74 = arith.muli %mul3A_73, %scan3A_71 : i32
      %add3A_75 = arith.constant 1 : i32
      %add3A_76 = arith.addi %mul3A_74, %add3A_75 : i32
      %mul3A_77 = arith.constant 80 : i32
      %mul3A_78 = arith.muli %add3A_76, %mul3A_77 : i32
      %add3A_79 = arith.addi %mul3A_2, %mul3A_78 : i32
      %dma_start3A_80 = tpu.memref_slice %arg4[%add3A_79] : memref<320000xi32, #tpu.memory_space<hbm>> -> memref<80xi32, #tpu.memory_space<hbm>>
      %dma_start3A_81 = tpu.memref_slice %arg4[%add3A_79] : memref<320000xi32, #tpu.memory_space<hbm>> -> memref<80xi32, #tpu.memory_space<hbm>>
      tpu.enqueue_dma source(%dma_start3A_81 : memref<80xi32, #tpu.memory_space<hbm>>) target(%arg12 : memref<80xi32, #tpu.memory_space<vmem>>) target_semaphore(%arg17 : memref<!tpu.dma_semaphore, #tpu.memory_space<semaphore_mem>>)
      %mul3A_82 = arith.constant 80 : i32
      %mul3A_83 = arith.muli %add3A_76, %mul3A_82 : i32
      %dma_start3A_84 = tpu.memref_slice %arg8[%mul3A_83] : memref<10000xi32, #tpu.memory_space<vmem>> -> memref<80xi32, #tpu.memory_space<vmem>>
      %dma_start3A_85 = arith.constant 0 : i32
      %dma_start3A_86 = arith.constant 0 : i32
      %dma_start3A_87 = tpu.memref_slice %arg2[%dma_start3A_85, %dma_start3A_86] : memref<10000x128xf32, #tpu.memory_space<hbm>> -> memref<10000x128xf32, #tpu.memory_space<hbm>>
      tpu.enqueue_indirect_dma source(%dma_start3A_87 : memref<10000x128xf32, #tpu.memory_space<hbm>>) target(%arg10 : memref<80x128xf32, #tpu.memory_space<vmem>>) offsets(%dma_start3A_84 : memref<80xi32, #tpu.memory_space<vmem>>) semaphore(%arg15 : memref<!tpu.dma_semaphore, #tpu.memory_space<semaphore_mem>>)
      %mul3A_88 = arith.constant 80 : i32
      %mul3A_89 = arith.muli %mul3A_74, %mul3A_88 : i32
      %dma_wait3A_90 = tpu.memref_slice %arg8[%mul3A_89] : memref<10000xi32, #tpu.memory_space<vmem>> -> memref<80xi32, #tpu.memory_space<vmem>>
      %dma_wait3A_91 = arith.constant 0 : i32
      %dma_wait3A_92 = arith.constant 0 : i32
      %dma_wait3A_93 = tpu.memref_slice %arg2[%dma_wait3A_91, %dma_wait3A_92] : memref<10000x128xf32, #tpu.memory_space<hbm>> -> memref<10000x128xf32, #tpu.memory_space<hbm>>
      tpu.wait_indirect_dma semaphore(%arg14 : memref<!tpu.dma_semaphore, #tpu.memory_space<semaphore_mem>>) src(%dma_wait3A_93 : memref<10000x128xf32, #tpu.memory_space<hbm>>) dst(%arg9 : memref<80x128xf32, #tpu.memory_space<vmem>>)
      %mul3A_94 = arith.constant 80 : i32
      %mul3A_95 = arith.muli %mul3A_74, %mul3A_94 : i32
      %add3A_96 = arith.addi %mul3A_2, %mul3A_95 : i32
      %dma_wait3A_97 = tpu.memref_slice %arg4[%add3A_96] : memref<320000xi32, #tpu.memory_space<hbm>> -> memref<80xi32, #tpu.memory_space<hbm>>
      %dma_wait3A_98 = tpu.memref_slice %arg4[%add3A_96] : memref<320000xi32, #tpu.memory_space<hbm>> -> memref<80xi32, #tpu.memory_space<hbm>>
      tpu.wait_dma2 semaphore(%arg16 : memref<!tpu.dma_semaphore, #tpu.memory_space<semaphore_mem>>) src(%dma_wait3A_98 : memref<80xi32, #tpu.memory_space<hbm>>) dst(%arg11 : memref<80xi32, #tpu.memory_space<vmem>>)
      "tpu.region"() ({
        %run_scoped3A = tpu.sem_alloc : memref<!tpu.dma_semaphore, #tpu.memory_space<semaphore_mem>>
        %dma_start3A_117 = arith.constant 0 : i32
        %dma_start3A_118 = arith.constant 0 : i32
        %dma_start3A_119 = tpu.memref_slice %arg7[%dma_start3A_117, %dma_start3A_118] : memref<10000x128xf32, #tpu.memory_space<vmem_shared>> -> memref<10000x128xf32, #tpu.memory_space<vmem_shared>>
        tpu.enqueue_indirect_dma source(%arg9 : memref<80x128xf32, #tpu.memory_space<vmem>>) target(%dma_start3A_119 : memref<10000x128xf32, #tpu.memory_space<vmem_shared>>) offsets(%arg11 : memref<80xi32, #tpu.memory_space<vmem>>) semaphore(%run_scoped3A : memref<!tpu.dma_semaphore, #tpu.memory_space<semaphore_mem>>) {add = true}
        %dma_wait3A_120 = arith.constant 0 : i32
        %dma_wait3A_121 = arith.constant 0 : i32
        %dma_wait3A_122 = tpu.memref_slice %arg7[%dma_wait3A_120, %dma_wait3A_121] : memref<10000x128xf32, #tpu.memory_space<vmem_shared>> -> memref<10000x128xf32, #tpu.memory_space<vmem_shared>>
        tpu.wait_indirect_dma semaphore(%run_scoped3A : memref<!tpu.dma_semaphore, #tpu.memory_space<semaphore_mem>>) src(%arg9 : memref<80x128xf32, #tpu.memory_space<vmem>>) dst(%dma_wait3A_122 : memref<10000x128xf32, #tpu.memory_space<vmem_shared>>)
        tpu.yield
      }) : () -> ()
      %add3A_99 = arith.constant 1 : i32
      %add3A_100 = arith.addi %add3A_76, %add3A_99 : i32
      %lt3A = arith.constant 125 : i32
      %lt3A_101 = arith.cmpi slt, %add3A_100, %lt3A : i32
      %convert_element_type3A_102 = arith.extui %lt3A_101 : i1 to i32
      %cond3A_103 = arith.constant 0 : i32
      %cond3A_104 = arith.cmpi ne, %convert_element_type3A_102, %cond3A_103 : i32
      scf.if %cond3A_104 {
        %add3A_117 = arith.constant 1 : i32
        %add3A_118 = arith.addi %add3A_76, %add3A_117 : i32
        %mul3A_119 = arith.constant 80 : i32
        %mul3A_120 = arith.muli %add3A_118, %mul3A_119 : i32
        %add3A_121 = arith.addi %mul3A_2, %mul3A_120 : i32
        %dma_start3A_122 = tpu.memref_slice %arg4[%add3A_121] : memref<320000xi32, #tpu.memory_space<hbm>> -> memref<80xi32, #tpu.memory_space<hbm>>
        %dma_start3A_123 = tpu.memref_slice %arg4[%add3A_121] : memref<320000xi32, #tpu.memory_space<hbm>> -> memref<80xi32, #tpu.memory_space<hbm>>
        tpu.enqueue_dma source(%dma_start3A_123 : memref<80xi32, #tpu.memory_space<hbm>>) target(%arg11 : memref<80xi32, #tpu.memory_space<vmem>>) target_semaphore(%arg16 : memref<!tpu.dma_semaphore, #tpu.memory_space<semaphore_mem>>)
        %add3A_124 = arith.constant 1 : i32
        %add3A_125 = arith.addi %add3A_76, %add3A_124 : i32
        %mul3A_126 = arith.constant 80 : i32
        %mul3A_127 = arith.muli %add3A_125, %mul3A_126 : i32
        %dma_start3A_128 = tpu.memref_slice %arg8[%mul3A_127] : memref<10000xi32, #tpu.memory_space<vmem>> -> memref<80xi32, #tpu.memory_space<vmem>>
        %dma_start3A_129 = arith.constant 0 : i32
        %dma_start3A_130 = arith.constant 0 : i32
        %dma_start3A_131 = tpu.memref_slice %arg2[%dma_start3A_129, %dma_start3A_130] : memref<10000x128xf32, #tpu.memory_space<hbm>> -> memref<10000x128xf32, #tpu.memory_space<hbm>>
        tpu.enqueue_indirect_dma source(%dma_start3A_131 : memref<10000x128xf32, #tpu.memory_space<hbm>>) target(%arg9 : memref<80x128xf32, #tpu.memory_space<vmem>>) offsets(%dma_start3A_128 : memref<80xi32, #tpu.memory_space<vmem>>) semaphore(%arg14 : memref<!tpu.dma_semaphore, #tpu.memory_space<semaphore_mem>>)
      } else {
      }
      %mul3A_105 = arith.constant 80 : i32
      %mul3A_106 = arith.muli %add3A_76, %mul3A_105 : i32
      %dma_wait3A_107 = tpu.memref_slice %arg8[%mul3A_106] : memref<10000xi32, #tpu.memory_space<vmem>> -> memref<80xi32, #tpu.memory_space<vmem>>
      %dma_wait3A_108 = arith.constant 0 : i32
      %dma_wait3A_109 = arith.constant 0 : i32
      %dma_wait3A_110 = tpu.memref_slice %arg2[%dma_wait3A_108, %dma_wait3A_109] : memref<10000x128xf32, #tpu.memory_space<hbm>> -> memref<10000x128xf32, #tpu.memory_space<hbm>>
      tpu.wait_indirect_dma semaphore(%arg15 : memref<!tpu.dma_semaphore, #tpu.memory_space<semaphore_mem>>) src(%dma_wait3A_110 : memref<10000x128xf32, #tpu.memory_space<hbm>>) dst(%arg10 : memref<80x128xf32, #tpu.memory_space<vmem>>)
      %mul3A_111 = arith.constant 80 : i32
      %mul3A_112 = arith.muli %add3A_76, %mul3A_111 : i32
      %add3A_113 = arith.addi %mul3A_2, %mul3A_112 : i32
      %dma_wait3A_114 = tpu.memref_slice %arg4[%add3A_113] : memref<320000xi32, #tpu.memory_space<hbm>> -> memref<80xi32, #tpu.memory_space<hbm>>
      %dma_wait3A_115 = tpu.memref_slice %arg4[%add3A_113] : memref<320000xi32, #tpu.memory_space<hbm>> -> memref<80xi32, #tpu.memory_space<hbm>>
      tpu.wait_dma2 semaphore(%arg17 : memref<!tpu.dma_semaphore, #tpu.memory_space<semaphore_mem>>) src(%dma_wait3A_115 : memref<80xi32, #tpu.memory_space<hbm>>) dst(%arg12 : memref<80xi32, #tpu.memory_space<vmem>>)
      "tpu.region"() ({
        %run_scoped3A = tpu.sem_alloc : memref<!tpu.dma_semaphore, #tpu.memory_space<semaphore_mem>>
        %dma_start3A_117 = arith.constant 0 : i32
        %dma_start3A_118 = arith.constant 0 : i32
        %dma_start3A_119 = tpu.memref_slice %arg7[%dma_start3A_117, %dma_start3A_118] : memref<10000x128xf32, #tpu.memory_space<vmem_shared>> -> memref<10000x128xf32, #tpu.memory_space<vmem_shared>>
        tpu.enqueue_indirect_dma source(%arg10 : memref<80x128xf32, #tpu.memory_space<vmem>>) target(%dma_start3A_119 : memref<10000x128xf32, #tpu.memory_space<vmem_shared>>) offsets(%arg12 : memref<80xi32, #tpu.memory_space<vmem>>) semaphore(%run_scoped3A : memref<!tpu.dma_semaphore, #tpu.memory_space<semaphore_mem>>) {add = true}
        %dma_wait3A_120 = arith.constant 0 : i32
        %dma_wait3A_121 = arith.constant 0 : i32
        %dma_wait3A_122 = tpu.memref_slice %arg7[%dma_wait3A_120, %dma_wait3A_121] : memref<10000x128xf32, #tpu.memory_space<vmem_shared>> -> memref<10000x128xf32, #tpu.memory_space<vmem_shared>>
        tpu.wait_indirect_dma semaphore(%run_scoped3A : memref<!tpu.dma_semaphore, #tpu.memory_space<semaphore_mem>>) src(%arg10 : memref<80x128xf32, #tpu.memory_space<vmem>>) dst(%dma_wait3A_122 : memref<10000x128xf32, #tpu.memory_space<vmem_shared>>)
        tpu.yield
      }) : () -> ()
      %scan3A_116 = arith.constant 0 : i32
      scf.yield %scan3A_116 : i32
    }
    %scan3A_50 = arith.constant 62 : i32
    %dma_wait3A_51 = arith.constant 9920 : i32
    %dma_wait3A_52 = tpu.memref_slice %arg8[%dma_wait3A_51] : memref<10000xi32, #tpu.memory_space<vmem>> -> memref<80xi32, #tpu.memory_space<vmem>>
    %dma_wait3A_53 = arith.constant 0 : i32
    %dma_wait3A_54 = arith.constant 0 : i32
    %dma_wait3A_55 = tpu.memref_slice %arg2[%dma_wait3A_53, %dma_wait3A_54] : memref<10000x128xf32, #tpu.memory_space<hbm>> -> memref<10000x128xf32, #tpu.memory_space<hbm>>
    tpu.wait_indirect_dma semaphore(%arg14 : memref<!tpu.dma_semaphore, #tpu.memory_space<semaphore_mem>>) src(%dma_wait3A_55 : memref<10000x128xf32, #tpu.memory_space<hbm>>) dst(%arg9 : memref<80x128xf32, #tpu.memory_space<vmem>>)
    %add3A_56 = arith.constant 9920 : i32
    %add3A_57 = arith.addi %mul3A_2, %add3A_56 : i32
    %dma_wait3A_58 = tpu.memref_slice %arg4[%add3A_57] : memref<320000xi32, #tpu.memory_space<hbm>> -> memref<80xi32, #tpu.memory_space<hbm>>
    %dma_wait3A_59 = tpu.memref_slice %arg4[%add3A_57] : memref<320000xi32, #tpu.memory_space<hbm>> -> memref<80xi32, #tpu.memory_space<hbm>>
    tpu.wait_dma2 semaphore(%arg16 : memref<!tpu.dma_semaphore, #tpu.memory_space<semaphore_mem>>) src(%dma_wait3A_59 : memref<80xi32, #tpu.memory_space<hbm>>) dst(%arg11 : memref<80xi32, #tpu.memory_space<vmem>>)
    "tpu.region"() ({
      %run_scoped3A = tpu.sem_alloc : memref<!tpu.dma_semaphore, #tpu.memory_space<semaphore_mem>>
      %dma_start3A_71 = arith.constant 0 : i32
      %dma_start3A_72 = arith.constant 0 : i32
      %dma_start3A_73 = tpu.memref_slice %arg7[%dma_start3A_71, %dma_start3A_72] : memref<10000x128xf32, #tpu.memory_space<vmem_shared>> -> memref<10000x128xf32, #tpu.memory_space<vmem_shared>>
      tpu.enqueue_indirect_dma source(%arg9 : memref<80x128xf32, #tpu.memory_space<vmem>>) target(%dma_start3A_73 : memref<10000x128xf32, #tpu.memory_space<vmem_shared>>) offsets(%arg11 : memref<80xi32, #tpu.memory_space<vmem>>) semaphore(%run_scoped3A : memref<!tpu.dma_semaphore, #tpu.memory_space<semaphore_mem>>) {add = true}
      %dma_wait3A_74 = arith.constant 0 : i32
      %dma_wait3A_75 = arith.constant 0 : i32
      %dma_wait3A_76 = tpu.memref_slice %arg7[%dma_wait3A_74, %dma_wait3A_75] : memref<10000x128xf32, #tpu.memory_space<vmem_shared>> -> memref<10000x128xf32, #tpu.memory_space<vmem_shared>>
      tpu.wait_indirect_dma semaphore(%run_scoped3A : memref<!tpu.dma_semaphore, #tpu.memory_space<semaphore_mem>>) src(%arg9 : memref<80x128xf32, #tpu.memory_space<vmem>>) dst(%dma_wait3A_76 : memref<10000x128xf32, #tpu.memory_space<vmem_shared>>)
      tpu.yield
    }) : () -> ()
    %barrier3A_60 = arith.constant 0 : index
    tpu.barrier barrier_id(%barrier3A_60)
    %eq3A_61 = arith.constant 0 : i32
    %eq3A_62 = arith.cmpi eq, %arg0, %eq3A_61 : i32
    %convert_element_type3A_63 = arith.extui %eq3A_62 : i1 to i32
    %cond3A_64 = arith.constant 0 : i32
    %cond3A_65 = arith.cmpi ne, %convert_element_type3A_63, %cond3A_64 : i32
    scf.if %cond3A_65 {
      %mul3A_71 = arith.constant 624 : i32
      %mul3A_72 = arith.muli %arg1, %mul3A_71 : i32
      %mul3A_73 = arith.constant 624 : i32
      %mul3A_74 = arith.muli %arg1, %mul3A_73 : i32
      "tpu.region"() ({
        %run_scoped3A = tpu.sem_alloc : memref<!tpu.dma_semaphore, #tpu.memory_space<semaphore_mem>>
        %dma_start3A_80 = arith.constant 0 : i32
        %dma_start3A_81 = tpu.memref_slice %arg5[%mul3A_74, %dma_start3A_80] : memref<10000x128xf32, #tpu.memory_space<hbm>> -> memref<624x128xf32, #tpu.memory_space<hbm>>
        %dma_start3A_82 = arith.constant 0 : i32
        %dma_start3A_83 = tpu.memref_slice %arg7[%mul3A_72, %dma_start3A_82] : memref<10000x128xf32, #tpu.memory_space<vmem_shared>> -> memref<624x128xf32, #tpu.memory_space<vmem_shared>>
        tpu.enqueue_dma source(%dma_start3A_83 : memref<624x128xf32, #tpu.memory_space<vmem_shared>>) target(%dma_start3A_81 : memref<624x128xf32, #tpu.memory_space<hbm>>) target_semaphore(%run_scoped3A : memref<!tpu.dma_semaphore, #tpu.memory_space<semaphore_mem>>)
        %dma_wait3A_84 = arith.constant 0 : i32
        %dma_wait3A_85 = tpu.memref_slice %arg5[%mul3A_74, %dma_wait3A_84] : memref<10000x128xf32, #tpu.memory_space<hbm>> -> memref<624x128xf32, #tpu.memory_space<hbm>>
        %dma_wait3A_86 = arith.constant 0 : i32
        %dma_wait3A_87 = tpu.memref_slice %arg7[%mul3A_72, %dma_wait3A_86] : memref<10000x128xf32, #tpu.memory_space<vmem_shared>> -> memref<624x128xf32, #tpu.memory_space<vmem_shared>>
        tpu.wait_dma2 semaphore(%run_scoped3A : memref<!tpu.dma_semaphore, #tpu.memory_space<semaphore_mem>>) src(%dma_wait3A_87 : memref<624x128xf32, #tpu.memory_space<vmem_shared>>) dst(%dma_wait3A_85 : memref<624x128xf32, #tpu.memory_space<hbm>>)
        tpu.yield
      }) : () -> ()
      %eq3A_75 = arith.constant 15 : i32
      %eq3A_76 = arith.cmpi eq, %arg1, %eq3A_75 : i32
      %convert_element_type3A_77 = arith.extui %eq3A_76 : i1 to i32
      %cond3A_78 = arith.constant 0 : i32
      %cond3A_79 = arith.cmpi ne, %convert_element_type3A_77, %cond3A_78 : i32
      scf.if %cond3A_79 {
        "tpu.region"() ({
          %run_scoped3A = tpu.sem_alloc : memref<!tpu.dma_semaphore, #tpu.memory_space<semaphore_mem>>
          %dma_start3A_80 = arith.constant 9984 : i32
          %dma_start3A_81 = arith.constant 0 : i32
          %dma_start3A_82 = tpu.memref_slice %arg5[%dma_start3A_80, %dma_start3A_81] : memref<10000x128xf32, #tpu.memory_space<hbm>> -> memref<16x128xf32, #tpu.memory_space<hbm>>
          %dma_start3A_83 = arith.constant 9984 : i32
          %dma_start3A_84 = arith.constant 0 : i32
          %dma_start3A_85 = tpu.memref_slice %arg7[%dma_start3A_83, %dma_start3A_84] : memref<10000x128xf32, #tpu.memory_space<vmem_shared>> -> memref<16x128xf32, #tpu.memory_space<vmem_shared>>
          tpu.enqueue_dma source(%dma_start3A_85 : memref<16x128xf32, #tpu.memory_space<vmem_shared>>) target(%dma_start3A_82 : memref<16x128xf32, #tpu.memory_space<hbm>>) target_semaphore(%run_scoped3A : memref<!tpu.dma_semaphore, #tpu.memory_space<semaphore_mem>>)
          %dma_wait3A_86 = arith.constant 9984 : i32
          %dma_wait3A_87 = arith.constant 0 : i32
          %dma_wait3A_88 = tpu.memref_slice %arg5[%dma_wait3A_86, %dma_wait3A_87] : memref<10000x128xf32, #tpu.memory_space<hbm>> -> memref<16x128xf32, #tpu.memory_space<hbm>>
          %dma_wait3A_89 = arith.constant 9984 : i32
          %dma_wait3A_90 = arith.constant 0 : i32
          %dma_wait3A_91 = tpu.memref_slice %arg7[%dma_wait3A_89, %dma_wait3A_90] : memref<10000x128xf32, #tpu.memory_space<vmem_shared>> -> memref<16x128xf32, #tpu.memory_space<vmem_shared>>
          tpu.wait_dma2 semaphore(%run_scoped3A : memref<!tpu.dma_semaphore, #tpu.memory_space<semaphore_mem>>) src(%dma_wait3A_91 : memref<16x128xf32, #tpu.memory_space<vmem_shared>>) dst(%dma_wait3A_88 : memref<16x128xf32, #tpu.memory_space<hbm>>)
          tpu.yield
        }) : () -> ()
      } else {
      }
    } else {
    }
    %eq3A_66 = arith.constant 1 : i32
    %eq3A_67 = arith.cmpi eq, %arg0, %eq3A_66 : i32
    %convert_element_type3A_68 = arith.extui %eq3A_67 : i1 to i32
    %cond3A_69 = arith.constant 0 : i32
    %cond3A_70 = arith.cmpi ne, %convert_element_type3A_68, %cond3A_69 : i32
    scf.if %cond3A_70 {
      %mul3A_71 = arith.constant 624 : i32
      %mul3A_72 = arith.muli %arg1, %mul3A_71 : i32
      %mul3A_73 = arith.constant 624 : i32
      %mul3A_74 = arith.muli %arg1, %mul3A_73 : i32
      "tpu.region"() ({
        %run_scoped3A = tpu.sem_alloc : memref<!tpu.dma_semaphore, #tpu.memory_space<semaphore_mem>>
        %dma_start3A_80 = arith.constant 0 : i32
        %dma_start3A_81 = tpu.memref_slice %arg6[%mul3A_74, %dma_start3A_80] : memref<10000x128xf32, #tpu.memory_space<hbm>> -> memref<624x128xf32, #tpu.memory_space<hbm>>
        %dma_start3A_82 = arith.constant 0 : i32
        %dma_start3A_83 = tpu.memref_slice %arg7[%mul3A_72, %dma_start3A_82] : memref<10000x128xf32, #tpu.memory_space<vmem_shared>> -> memref<624x128xf32, #tpu.memory_space<vmem_shared>>
        tpu.enqueue_dma source(%dma_start3A_83 : memref<624x128xf32, #tpu.memory_space<vmem_shared>>) target(%dma_start3A_81 : memref<624x128xf32, #tpu.memory_space<hbm>>) target_semaphore(%run_scoped3A : memref<!tpu.dma_semaphore, #tpu.memory_space<semaphore_mem>>)
        %dma_wait3A_84 = arith.constant 0 : i32
        %dma_wait3A_85 = tpu.memref_slice %arg6[%mul3A_74, %dma_wait3A_84] : memref<10000x128xf32, #tpu.memory_space<hbm>> -> memref<624x128xf32, #tpu.memory_space<hbm>>
        %dma_wait3A_86 = arith.constant 0 : i32
        %dma_wait3A_87 = tpu.memref_slice %arg7[%mul3A_72, %dma_wait3A_86] : memref<10000x128xf32, #tpu.memory_space<vmem_shared>> -> memref<624x128xf32, #tpu.memory_space<vmem_shared>>
        tpu.wait_dma2 semaphore(%run_scoped3A : memref<!tpu.dma_semaphore, #tpu.memory_space<semaphore_mem>>) src(%dma_wait3A_87 : memref<624x128xf32, #tpu.memory_space<vmem_shared>>) dst(%dma_wait3A_85 : memref<624x128xf32, #tpu.memory_space<hbm>>)
        tpu.yield
      }) : () -> ()
      %eq3A_75 = arith.constant 15 : i32
      %eq3A_76 = arith.cmpi eq, %arg1, %eq3A_75 : i32
      %convert_element_type3A_77 = arith.extui %eq3A_76 : i1 to i32
      %cond3A_78 = arith.constant 0 : i32
      %cond3A_79 = arith.cmpi ne, %convert_element_type3A_77, %cond3A_78 : i32
      scf.if %cond3A_79 {
        "tpu.region"() ({
          %run_scoped3A = tpu.sem_alloc : memref<!tpu.dma_semaphore, #tpu.memory_space<semaphore_mem>>
          %dma_start3A_80 = arith.constant 9984 : i32
          %dma_start3A_81 = arith.constant 0 : i32
          %dma_start3A_82 = tpu.memref_slice %arg6[%dma_start3A_80, %dma_start3A_81] : memref<10000x128xf32, #tpu.memory_space<hbm>> -> memref<16x128xf32, #tpu.memory_space<hbm>>
          %dma_start3A_83 = arith.constant 9984 : i32
          %dma_start3A_84 = arith.constant 0 : i32
          %dma_start3A_85 = tpu.memref_slice %arg7[%dma_start3A_83, %dma_start3A_84] : memref<10000x128xf32, #tpu.memory_space<vmem_shared>> -> memref<16x128xf32, #tpu.memory_space<vmem_shared>>
          tpu.enqueue_dma source(%dma_start3A_85 : memref<16x128xf32, #tpu.memory_space<vmem_shared>>) target(%dma_start3A_82 : memref<16x128xf32, #tpu.memory_space<hbm>>) target_semaphore(%run_scoped3A : memref<!tpu.dma_semaphore, #tpu.memory_space<semaphore_mem>>)
          %dma_wait3A_86 = arith.constant 9984 : i32
          %dma_wait3A_87 = arith.constant 0 : i32
          %dma_wait3A_88 = tpu.memref_slice %arg6[%dma_wait3A_86, %dma_wait3A_87] : memref<10000x128xf32, #tpu.memory_space<hbm>> -> memref<16x128xf32, #tpu.memory_space<hbm>>
          %dma_wait3A_89 = arith.constant 9984 : i32
          %dma_wait3A_90 = arith.constant 0 : i32
          %dma_wait3A_91 = tpu.memref_slice %arg7[%dma_wait3A_89, %dma_wait3A_90] : memref<10000x128xf32, #tpu.memory_space<vmem_shared>> -> memref<16x128xf32, #tpu.memory_space<vmem_shared>>
          tpu.wait_dma2 semaphore(%run_scoped3A : memref<!tpu.dma_semaphore, #tpu.memory_space<semaphore_mem>>) src(%dma_wait3A_91 : memref<16x128xf32, #tpu.memory_space<vmem_shared>>) dst(%dma_wait3A_88 : memref<16x128xf32, #tpu.memory_space<hbm>>)
          tpu.yield
        }) : () -> ()
      } else {
      }
    } else {
    }
    return
  }
}

module attributes {stable_mosaic.version = 14 : i64} {
  func.func @_final_body(%arg0: i32, %arg1: memref<1000x128xf32, #tpu.memory_space<vmem>>, %arg2: memref<1000x128xf32, #tpu.memory_space<vmem>>, %arg3: memref<128x128xf32, #tpu.memory_space<vmem>>, %arg4: memref<1000x128xf32, #tpu.memory_space<vmem>>, %arg5: memref<1000x128xf32, #tpu.memory_space<vmem>>, %arg6: memref<1000x128xf32, #tpu.memory_space<vmem>>) attributes {dimension_semantics = [#tpu.dimension_semantics<arbitrary>], iteration_bounds = array<i64: 10>, scalar_prefetch = 0 : i64, scratch_operands = 0 : i64, tpu.core_type = #tpu.core_type<tc>, window_params = [{transform_indices = @transform_0, window_bounds = array<i64: 1000, 128>}, {transform_indices = @transform_1, window_bounds = array<i64: 1000, 128>}, {pipeline_mode = #tpu.pipeline_mode<synchronous>, transform_indices = @transform_2, window_bounds = array<i64: 128, 128>}, {transform_indices = @transform_3, window_bounds = array<i64: 1000, 128>}, {transform_indices = @transform_4, window_bounds = array<i64: 1000, 128>}, {transform_indices = @transform_5, window_bounds = array<i64: 1000, 128>}]} {
    %get3A = arith.constant 0 : index
    %get3A_0 = arith.constant 0 : index
    %get3A_1 = vector.load %arg1[%get3A, %get3A_0] : memref<1000x128xf32, #tpu.memory_space<vmem>>, vector<1000x128xf32>
    %get3A_2 = arith.constant 0 : index
    %get3A_3 = arith.constant 0 : index
    %get3A_4 = vector.load %arg2[%get3A_2, %get3A_3] : memref<1000x128xf32, #tpu.memory_space<vmem>>, vector<1000x128xf32>
    %add3A = arith.addf %get3A_1, %get3A_4 : vector<1000x128xf32>
    %get3A_5 = arith.constant 0 : index
    %get3A_6 = arith.constant 0 : index
    %get3A_7 = vector.load %arg3[%get3A_5, %get3A_6] : memref<128x128xf32, #tpu.memory_space<vmem>>, vector<128x128xf32>
    %dot_general3A = arith.constant dense<0.000000e+00> : vector<1000x128xf32>
    %dot_general3A_8 = tpu.matmul %add3A, %get3A_7, %dot_general3A {dimension_numbers = #tpu.dot_dimension_numbers<[1], [0], [0], [1], [0, 0, 1, 1], [], []>, transpose_lhs_hint = false} : vector<1000x128xf32>, vector<128x128xf32>, vector<1000x128xf32> -> vector<1000x128xf32>
    %get3A_9 = arith.constant 0 : index
    %get3A_10 = arith.constant 0 : index
    %get3A_11 = vector.load %arg4[%get3A_9, %get3A_10] : memref<1000x128xf32, #tpu.memory_space<vmem>>, vector<1000x128xf32>
    %add3A_12 = arith.addf %dot_general3A_8, %get3A_11 : vector<1000x128xf32>
    %get3A_13 = arith.constant 0 : index
    %get3A_14 = arith.constant 0 : index
    %get3A_15 = vector.load %arg5[%get3A_13, %get3A_14] : memref<1000x128xf32, #tpu.memory_space<vmem>>, vector<1000x128xf32>
    %sub3A = arith.subf %add3A_12, %get3A_15 : vector<1000x128xf32>
    %logistic3A = arith.negf %sub3A : vector<1000x128xf32>
    %logistic3A_16 = math.exp %logistic3A : vector<1000x128xf32>
    %logistic3A_17 = arith.constant 1.000000e+00 : f32
    %logistic3A_18 = vector.broadcast %logistic3A_17 : f32 to vector<1000x128xf32>
    %logistic3A_19 = arith.addf %logistic3A_18, %logistic3A_16 : vector<1000x128xf32>
    %logistic3A_20 = arith.divf %logistic3A_18, %logistic3A_19 : vector<1000x128xf32>
    %swap3A = arith.constant 0 : index
    %swap3A_21 = arith.constant 0 : index
    %swap3A_22 = vector.load %arg6[%swap3A, %swap3A_21] : memref<1000x128xf32, #tpu.memory_space<vmem>>, vector<1000x128xf32>
    tpu.vector_store %arg6[%swap3A, %swap3A_21], %logistic3A_20 {strides = array<i32>} : memref<1000x128xf32, #tpu.memory_space<vmem>>, vector<1000x128xf32>,
    return
  }
  func.func @transform_0(%arg0: i32) -> (i32, i32) {
    %c0_i32 = arith.constant 0 : i32
    %c0_i32_0 = arith.constant 0 : i32
    return %arg0, %c0_i32 : i32, i32
  }
  func.func @transform_1(%arg0: i32) -> (i32, i32) {
    %c0_i32 = arith.constant 0 : i32
    %c0_i32_0 = arith.constant 0 : i32
    return %arg0, %c0_i32 : i32, i32
  }
  func.func @transform_2(%arg0: i32) -> (i32, i32) {
    %c0_i32 = arith.constant 0 : i32
    %c0_i32_0 = arith.constant 0 : i32
    %c0_i32_1 = arith.constant 0 : i32
    return %c0_i32, %c0_i32_0 : i32, i32
  }
  func.func @transform_3(%arg0: i32) -> (i32, i32) {
    %c0_i32 = arith.constant 0 : i32
    %c0_i32_0 = arith.constant 0 : i32
    return %arg0, %c0_i32 : i32, i32
  }
  func.func @transform_4(%arg0: i32) -> (i32, i32) {
    %c0_i32 = arith.constant 0 : i32
    %c0_i32_0 = arith.constant 0 : i32
    return %arg0, %c0_i32 : i32, i32
  }
  func.func @transform_5(%arg0: i32) -> (i32, i32) {
    %c0_i32 = arith.constant 0 : i32
    %c0_i32_0 = arith.constant 0 : i32
    return %arg0, %c0_i32 : i32, i32
  }
}

module attributes {stable_mosaic.version = 14 : i64} {
  func.func @_mm_pm_body(%arg0: i32, %arg1: memref<1000x128xf32, #tpu.memory_space<vmem>>, %arg2: memref<128x128xf32, #tpu.memory_space<vmem>>, %arg3: memref<1000x128xf32, #tpu.memory_space<vmem>>, %arg4: memref<1000x128xf32, #tpu.memory_space<vmem>>) attributes {dimension_semantics = [#tpu.dimension_semantics<arbitrary>], iteration_bounds = array<i64: 10>, scalar_prefetch = 0 : i64, scratch_operands = 0 : i64, tpu.core_type = #tpu.core_type<tc>, window_params = [{transform_indices = @transform_0, window_bounds = array<i64: 1000, 128>}, {pipeline_mode = #tpu.pipeline_mode<synchronous>, transform_indices = @transform_1, window_bounds = array<i64: 128, 128>}, {transform_indices = @transform_2, window_bounds = array<i64: 1000, 128>}, {transform_indices = @transform_3, window_bounds = array<i64: 1000, 128>}]} {
    %get3A = arith.constant 0 : index
    %get3A_0 = arith.constant 0 : index
    %get3A_1 = vector.load %arg1[%get3A, %get3A_0] : memref<1000x128xf32, #tpu.memory_space<vmem>>, vector<1000x128xf32>
    %get3A_2 = arith.constant 0 : index
    %get3A_3 = arith.constant 0 : index
    %get3A_4 = vector.load %arg2[%get3A_2, %get3A_3] : memref<128x128xf32, #tpu.memory_space<vmem>>, vector<128x128xf32>
    %dot_general3A = arith.constant dense<0.000000e+00> : vector<1000x128xf32>
    %dot_general3A_5 = tpu.matmul %get3A_1, %get3A_4, %dot_general3A {dimension_numbers = #tpu.dot_dimension_numbers<[1], [0], [0], [1], [0, 0, 1, 1], [], []>, transpose_lhs_hint = false} : vector<1000x128xf32>, vector<128x128xf32>, vector<1000x128xf32> -> vector<1000x128xf32>
    %swap3A = arith.constant 0 : index
    %swap3A_6 = arith.constant 0 : index
    %swap3A_7 = vector.load %arg3[%swap3A, %swap3A_6] : memref<1000x128xf32, #tpu.memory_space<vmem>>, vector<1000x128xf32>
    tpu.vector_store %arg3[%swap3A, %swap3A_6], %dot_general3A_5 {strides = array<i32>} : memref<1000x128xf32, #tpu.memory_space<vmem>>, vector<1000x128xf32>,
    %neg3A = arith.constant 0.000000e+00 : f32
    %neg3A_8 = vector.broadcast %neg3A : f32 to vector<1000x128xf32>
    %neg3A_9 = arith.subf %neg3A_8, %dot_general3A_5 : vector<1000x128xf32>
    %swap3A_10 = arith.constant 0 : index
    %swap3A_11 = arith.constant 0 : index
    %swap3A_12 = vector.load %arg4[%swap3A_10, %swap3A_11] : memref<1000x128xf32, #tpu.memory_space<vmem>>, vector<1000x128xf32>
    tpu.vector_store %arg4[%swap3A_10, %swap3A_11], %neg3A_9 {strides = array<i32>} : memref<1000x128xf32, #tpu.memory_space<vmem>>, vector<1000x128xf32>,
    return
  }
  func.func @transform_0(%arg0: i32) -> (i32, i32) {
    %c0_i32 = arith.constant 0 : i32
    %c0_i32_0 = arith.constant 0 : i32
    return %arg0, %c0_i32 : i32, i32
  }
  func.func @transform_1(%arg0: i32) -> (i32, i32) {
    %c0_i32 = arith.constant 0 : i32
    %c0_i32_0 = arith.constant 0 : i32
    %c0_i32_1 = arith.constant 0 : i32
    return %c0_i32, %c0_i32_0 : i32, i32
  }
  func.func @transform_2(%arg0: i32) -> (i32, i32) {
    %c0_i32 = arith.constant 0 : i32
    %c0_i32_0 = arith.constant 0 : i32
    return %arg0, %c0_i32 : i32, i32
  }
  func.func @transform_3(%arg0: i32) -> (i32, i32) {
    %c0_i32 = arith.constant 0 : i32
    %c0_i32_0 = arith.constant 0 : i32
    return %arg0, %c0_i32 : i32, i32
  }
}

module attributes {stable_mosaic.version = 14 : i64} {
  func.func @_sum_mm_sig_body(%arg0: i32, %arg1: memref<1000x128xf32, #tpu.memory_space<vmem>>, %arg2: memref<1000x128xf32, #tpu.memory_space<vmem>>, %arg3: memref<128x128xf32, #tpu.memory_space<vmem>>, %arg4: memref<1000x128xf32, #tpu.memory_space<vmem>>) attributes {dimension_semantics = [#tpu.dimension_semantics<arbitrary>], iteration_bounds = array<i64: 10>, scalar_prefetch = 0 : i64, scratch_operands = 0 : i64, tpu.core_type = #tpu.core_type<tc>, window_params = [{transform_indices = @transform_0, window_bounds = array<i64: 1000, 128>}, {transform_indices = @transform_1, window_bounds = array<i64: 1000, 128>}, {pipeline_mode = #tpu.pipeline_mode<synchronous>, transform_indices = @transform_2, window_bounds = array<i64: 128, 128>}, {transform_indices = @transform_3, window_bounds = array<i64: 1000, 128>}]} {
    %get3A = arith.constant 0 : index
    %get3A_0 = arith.constant 0 : index
    %get3A_1 = vector.load %arg1[%get3A, %get3A_0] : memref<1000x128xf32, #tpu.memory_space<vmem>>, vector<1000x128xf32>
    %get3A_2 = arith.constant 0 : index
    %get3A_3 = arith.constant 0 : index
    %get3A_4 = vector.load %arg2[%get3A_2, %get3A_3] : memref<1000x128xf32, #tpu.memory_space<vmem>>, vector<1000x128xf32>
    %add3A = arith.addf %get3A_1, %get3A_4 : vector<1000x128xf32>
    %get3A_5 = arith.constant 0 : index
    %get3A_6 = arith.constant 0 : index
    %get3A_7 = vector.load %arg3[%get3A_5, %get3A_6] : memref<128x128xf32, #tpu.memory_space<vmem>>, vector<128x128xf32>
    %dot_general3A = arith.constant dense<0.000000e+00> : vector<1000x128xf32>
    %dot_general3A_8 = tpu.matmul %add3A, %get3A_7, %dot_general3A {dimension_numbers = #tpu.dot_dimension_numbers<[1], [0], [0], [1], [0, 0, 1, 1], [], []>, transpose_lhs_hint = false} : vector<1000x128xf32>, vector<128x128xf32>, vector<1000x128xf32> -> vector<1000x128xf32>
    %logistic3A = arith.negf %dot_general3A_8 : vector<1000x128xf32>
    %logistic3A_9 = math.exp %logistic3A : vector<1000x128xf32>
    %logistic3A_10 = arith.constant 1.000000e+00 : f32
    %logistic3A_11 = vector.broadcast %logistic3A_10 : f32 to vector<1000x128xf32>
    %logistic3A_12 = arith.addf %logistic3A_11, %logistic3A_9 : vector<1000x128xf32>
    %logistic3A_13 = arith.divf %logistic3A_11, %logistic3A_12 : vector<1000x128xf32>
    %swap3A = arith.constant 0 : index
    %swap3A_14 = arith.constant 0 : index
    %swap3A_15 = vector.load %arg4[%swap3A, %swap3A_14] : memref<1000x128xf32, #tpu.memory_space<vmem>>, vector<1000x128xf32>
    tpu.vector_store %arg4[%swap3A, %swap3A_14], %logistic3A_13 {strides = array<i32>} : memref<1000x128xf32, #tpu.memory_space<vmem>>, vector<1000x128xf32>,
    return
  }
  func.func @transform_0(%arg0: i32) -> (i32, i32) {
    %c0_i32 = arith.constant 0 : i32
    %c0_i32_0 = arith.constant 0 : i32
    return %arg0, %c0_i32 : i32, i32
  }
  func.func @transform_1(%arg0: i32) -> (i32, i32) {
    %c0_i32 = arith.constant 0 : i32
    %c0_i32_0 = arith.constant 0 : i32
    return %arg0, %c0_i32 : i32, i32
  }
  func.func @transform_2(%arg0: i32) -> (i32, i32) {
    %c0_i32 = arith.constant 0 : i32
    %c0_i32_0 = arith.constant 0 : i32
    %c0_i32_1 = arith.constant 0 : i32
    return %c0_i32, %c0_i32_0 : i32, i32
  }
  func.func @transform_3(%arg0: i32) -> (i32, i32) {
    %c0_i32 = arith.constant 0 : i32
    %c0_i32_0 = arith.constant 0 : i32
    return %arg0, %c0_i32 : i32, i32
  }
}

module attributes {stable_mosaic.version = 14 : i64} {
  func.func @_sig_mm_body(%arg0: i32, %arg1: memref<2000x128xf32, #tpu.memory_space<vmem>>, %arg2: memref<128x128xf32, #tpu.memory_space<vmem>>, %arg3: memref<2000x128xf32, #tpu.memory_space<vmem>>) attributes {dimension_semantics = [#tpu.dimension_semantics<arbitrary>], iteration_bounds = array<i64: 80>, scalar_prefetch = 0 : i64, scratch_operands = 0 : i64, tpu.core_type = #tpu.core_type<tc>, window_params = [{transform_indices = @transform_0, window_bounds = array<i64: 2000, 128>}, {pipeline_mode = #tpu.pipeline_mode<synchronous>, transform_indices = @transform_1, window_bounds = array<i64: 128, 128>}, {transform_indices = @transform_2, window_bounds = array<i64: 2000, 128>}]} {
    %get3A = arith.constant 0 : index
    %get3A_0 = arith.constant 0 : index
    %get3A_1 = vector.load %arg1[%get3A, %get3A_0] : memref<2000x128xf32, #tpu.memory_space<vmem>>, vector<2000x128xf32>
    %logistic3A = arith.negf %get3A_1 : vector<2000x128xf32>
    %logistic3A_2 = math.exp %logistic3A : vector<2000x128xf32>
    %logistic3A_3 = arith.constant 1.000000e+00 : f32
    %logistic3A_4 = vector.broadcast %logistic3A_3 : f32 to vector<2000x128xf32>
    %logistic3A_5 = arith.addf %logistic3A_4, %logistic3A_2 : vector<2000x128xf32>
    %logistic3A_6 = arith.divf %logistic3A_4, %logistic3A_5 : vector<2000x128xf32>
    %get3A_7 = arith.constant 0 : index
    %get3A_8 = arith.constant 0 : index
    %get3A_9 = vector.load %arg2[%get3A_7, %get3A_8] : memref<128x128xf32, #tpu.memory_space<vmem>>, vector<128x128xf32>
    %dot_general3A = arith.constant dense<0.000000e+00> : vector<2000x128xf32>
    %dot_general3A_10 = tpu.matmul %logistic3A_6, %get3A_9, %dot_general3A {dimension_numbers = #tpu.dot_dimension_numbers<[1], [0], [0], [1], [0, 0, 1, 1], [], []>, transpose_lhs_hint = false} : vector<2000x128xf32>, vector<128x128xf32>, vector<2000x128xf32> -> vector<2000x128xf32>
    %swap3A = arith.constant 0 : index
    %swap3A_11 = arith.constant 0 : index
    %swap3A_12 = vector.load %arg3[%swap3A, %swap3A_11] : memref<2000x128xf32, #tpu.memory_space<vmem>>, vector<2000x128xf32>
    tpu.vector_store %arg3[%swap3A, %swap3A_11], %dot_general3A_10 {strides = array<i32>} : memref<2000x128xf32, #tpu.memory_space<vmem>>, vector<2000x128xf32>,
    return
  }
  func.func @transform_0(%arg0: i32) -> (i32, i32) {
    %c0_i32 = arith.constant 0 : i32
    %c0_i32_0 = arith.constant 0 : i32
    return %arg0, %c0_i32 : i32, i32
  }
  func.func @transform_1(%arg0: i32) -> (i32, i32) {
    %c0_i32 = arith.constant 0 : i32
    %c0_i32_0 = arith.constant 0 : i32
    %c0_i32_1 = arith.constant 0 : i32
    return %c0_i32, %c0_i32_0 : i32, i32
  }
  func.func @transform_2(%arg0: i32) -> (i32, i32) {
    %c0_i32 = arith.constant 0 : i32
    %c0_i32_0 = arith.constant 0 : i32
    return %arg0, %c0_i32 : i32, i32
  }
}

</mosaic_0001>

<sc_bundles>
// kernel: kernel.10.cloned.1.call-start
scs
__scs_entry_jumppad:
0x0: {  	(pc) =	sbr.rel $0x88, $3  }
0x1: {  	(tag) =	ssettag $0x0;
	lr =	simm.s32 $0x1  }
0x2: {  	[smem:$0x3F98] =	sst lr;
	_ =	strace $0xD0000000  }
0x3: {  	_ = 	snop  }
0x4: {  	_ = 	snop  }
0x5: {  	_ = 	snop  }
0x6: {  	_ = 	snop  }
0x7: {  	_ = 	snop  }
__scs_overlays_trampoline_lowered:
0x8: {  	[smem:$0x3FA7] =	sst s0  }
0x9: {  	[smem:$0x3FA8] =	sst s1  }
0xa: {  	[smem:$0x3FA9] =	sst s2  }
0xb: {  	[smem:$0x3FAA] =	sst s3  }
0xc: {  	[smem:$0x3FAB] =	sst s4  }
0xd: {  	[smem:$0x3FAC] =	sst s5  }
0xe: {  	[smem:$0x3FAD] =	sst s6  }
0xf: {  	[smem:$0x3FAE] =	sst s7  }
0x10: {  	[smem:$0x3FAF] =	sst s8  }
0x11: {  	[smem:$0x3FB0] =	sst s9;
	s0 =	simm.s32 @!p0 $0x0  }
0x12: {  	s1 =	sld [smem:$0x3F96];
	s0 =	simm.s32 @p0 $0x1  }
0x13: {  	[smem:$0x3FB1] =	sst s0;
	s0 =	simm.s32 @!p1 $0x0  }
0x14: {  	s2 =	sld [smem:$0x3F95];
	s0 =	simm.s32 @p1 $0x1  }
0x15: {  	[smem:$0x3FB2] =	sst s0;
	s0 =	simm.s32 @!p2 $0x0  }
0x16: {  	s3 =	sld [smem:$0x3FDB];
	s0 =	simm.s32 @p2 $0x1  }
0x17: {  	s4 =	simm.s32 $0x1BF5;
	[smem:$0x3FB4] =	sst s0  }
0x18: {  	s0 =	sld [smem:$0x3F97];
	_ =	swait.ge [sflag:s4], $0x0  }
0x19: {  	s7 =	sld [smem:$0x3F98]  }
0x1a: {  	s8 =	sadd.s32 $0xFFFFE003, lr  }
0x1b: {  	s9 =	sadd.s32 $0xFFFFFEF7, lr;
	s5 =	simm.s32 $0xFFFFFFFF;
	p2 =	slt.u32 s8, $0xFFFFF086  }
0x1c: {  	p1 =	slt.u32 s9, $0xF7A;
	s5 =	simm.s32 @!p2 $0x0  }
0x1d: {  	s5 =	simm.s32 @p1 $0x1;
	p0 =	seq.s32 s7, s2  }
0x1e: {  	s7 =	smul.u32 @!p0 $0xF7A, s2;
	p2 =	seq.s32 @!p0 s5, $0x0  }
0x1f: {  	s9 =	smul.u32 $0xF7A, s1;
	s8 =	simm.s32 @!p0 $0x1BF5;
	p2 =	por !p2, p0  }
0x20: {  	[sflag:s8] =	ssyncset.s32 @!p0 $0xFFFFF086;
	s6 =	sadd.s32 @!p0 s3, s7;
	s7 =	simm.s32 @!p0 $0x108  }
0x21: {  	s3 =	sadd.s32 s3, s9;
	s6 =	sadd.s32 @!p0 $0x88, s6;
	s7 =	simm.s32 @p2 $0x1082  }
0x22: {  	[simem:s7], [sflag:s8] =	dma.local @!p0 [hbm:s6], $0xF7A  }
0x23: {  	s9 =	sor.u32 $0xD0000000, s2;
	s6 =	simm.s32 $0x108;
	_ =	swait.ge @!p0 [sflag:s8], $0x0  }
0x24: {  	s3 =	sadd.s32 $0x88, s3;
	s6 =	simm.s32 @!p1 $0x1082;
	[sflag:s4] =	ssyncset.s32 $0xFFFFF086  }
0x25: {  	[simem:s6], [sflag:s4] =	dma.local [hbm:s3], $0xF7A  }
0x26: {  	[smem:$0x3F98] =	sst s1;
	(tag) =	ssettag s2;
	_ =	strace s9  }
0x27: {  	s1 =	sld [smem:$0x3FA8]  }
0x28: {  	s2 =	sld [smem:$0x3FA9]  }
0x29: {  	s4 =	sld [smem:$0x3FAB]  }
0x2a: {  	p0 =	seq.s32 s5, $0x0;
	s5 =	sld [smem:$0x3FAC]  }
0x2b: {  	s6 =	sld [smem:$0x3FAD]  }
0x2c: {  	s7 =	sld [smem:$0x3FAE]  }
0x2d: {  	s3 =	simm.s32 $0x108;
	s8 =	sld [smem:$0x3FAF]  }
0x2e: {  	s3 =	simm.s32 @!p0 $0x1082;
	s9 =	sld [smem:$0x3FB0]  }
0x2f: {  	lr =	sadd.s32 s0, s3;
	s0 =	sld [smem:$0x3FA7]  }
0x30: {  	s3 =	sld [smem:$0x3FAA]  }
0x31: {  	[smem:$0x3FB3] =	sst s10  }
0x32: {  	s10 =	sld [smem:$0x3FB1];
	_ =	sdelay $0x3  }
0x33: {  	p0 =	seq.s32 s10, $0x1;
	s10 =	sld [smem:$0x3FB3];
	_ =	sdelay $0x3  }
0x34: {  	[smem:$0x3FB3] =	sst s10  }
0x35: {  	s10 =	sld [smem:$0x3FB2];
	_ =	sdelay $0x3  }
0x36: {  	p1 =	seq.s32 s10, $0x1;
	s10 =	sld [smem:$0x3FB3];
	_ =	sdelay $0x3  }
0x37: {  	[smem:$0x3FB3] =	sst s10  }
0x38: {  	s10 =	sld [smem:$0x3FB4]  }
0x39: {  	_ = 	snop;
	(pc) =	sbr.ind lr, $3  }
0x3a: {  	_ = 	snop  }
0x3b: {  	_ = 	snop  }
0x3c: {  	p2 =	seq.s32 s10, $0x1;
	s10 =	sld [smem:$0x3FB3]  }
0x3d: {  	_ =	shalt  }
0x3e: {  	_ =	shalt  }
0x3f: {  	_ =	shalt  }
0x40: {  	_ =	shalt  }
0x41: {  	_ =	shalt  }
0x42: {  	_ =	shalt  }
0x43: {  	_ =	shalt  }
0x44: {  	_ =	shalt  }
0x45: {  	_ =	shalt  }
0x46: {  	_ =	shalt  }
0x47: {  	_ =	shalt  }
0x48: {  	_ =	shalt  }
0x49: {  	_ =	shalt  }
0x4a: {  	_ =	shalt  }
0x4b: {  	_ =	shalt  }
0x4c: {  	_ =	shalt  }
0x4d: {  	_ =	shalt  }
0x4e: {  	_ =	shalt  }
0x4f: {  	_ =	shalt  }
0x50: {  	_ =	shalt  }
0x51: {  	_ =	shalt  }
0x52: {  	_ =	shalt  }
0x53: {  	_ =	shalt  }
0x54: {  	_ =	shalt  }
0x55: {  	_ =	shalt  }
0x56: {  	_ =	shalt  }
0x57: {  	_ =	shalt  }
0x58: {  	_ =	shalt  }
0x59: {  	_ =	shalt  }
0x5a: {  	_ =	shalt  }
0x5b: {  	_ =	shalt  }
0x5c: {  	_ =	shalt  }
0x5d: {  	_ =	shalt  }
0x5e: {  	_ =	shalt  }
0x5f: {  	_ =	shalt  }
0x60: {  	_ =	shalt  }
0x61: {  	_ =	shalt  }
0x62: {  	_ =	shalt  }
0x63: {  	_ =	shalt  }
0x64: {  	_ =	shalt  }
0x65: {  	_ =	shalt  }
0x66: {  	_ =	shalt  }
0x67: {  	_ =	shalt  }
0x68: {  	_ =	shalt  }
0x69: {  	_ =	shalt  }
0x6a: {  	_ =	shalt  }
0x6b: {  	_ =	shalt  }
0x6c: {  	_ =	shalt  }
0x6d: {  	_ =	shalt  }
0x6e: {  	_ =	shalt  }
0x6f: {  	_ =	shalt  }
0x70: {  	_ =	shalt  }
0x71: {  	_ =	shalt  }
0x72: {  	_ =	shalt  }
0x73: {  	_ =	shalt  }
0x74: {  	_ =	shalt  }
0x75: {  	_ =	shalt  }
0x76: {  	_ =	shalt  }
0x77: {  	_ =	shalt  }
0x78: {  	_ =	shalt  }
0x79: {  	_ =	shalt  }
0x7a: {  	_ =	shalt  }
0x7b: {  	_ =	shalt  }
0x7c: {  	_ =	shalt  }
0x7d: {  	_ =	shalt  }
0x7e: {  	_ =	shalt  }
0x7f: {  	_ =	shalt  }
0x80: {  	_ =	shalt  }
0x81: {  	_ =	shalt  }
0x82: {  	_ =	shalt  }
0x83: {  	_ =	shalt  }
0x84: {  	_ =	shalt  }
0x85: {  	_ =	shalt  }
0x86: {  	_ =	shalt  }
0x87: {  	_ =	shalt  }
.Lfunc_end0:
.L_simem_size_0:
called_computation_lowered:
.L_overlay_start_0:
0x88: {  	s2 =	sld [smem:$0x3FD9]  }
0x89: {  	s3 =	sld [smem:$0x3FFE];
	_ =	sdelay $0x1  }
0x8a: {  	s1 =	srdreg.scid  }
0x8b: {  	s0 =	sand.u32 $0x1, s1  }
0x8c: {  	s17 =	sshll.u32 s0, $0xA;
	s2 =	sadd.s32 s3, s2  }
0x8d: {  	s2 =	sadd.s32 s2, s17  }
0x8e: {  	[smem:$0x3FBF] =	sst s2  }
0x8f: {  	_ = 	snop  }
0x90: {  	s18 =	sld [smem:$0x3FC9]  }
0x91: {  	s4 =	sld [smem:$0x3FC8]  }
0x92: {  	s5 =	sld [smem:$0x3FC7];
	(tm) =	ssettm $0x1  }
0x93: {  	s19 =	sld [smem:$0x3FFB];
	_ =	sdelay $0x3  }
0x94: {  	_ =	strace s19  }
0x95: {  	s2 =	sld [smem:$0x3FFC];
	_ =	sdelay $0x3  }
0x96: {  	_ =	strace s2  }
0x97: {  	s2 =	sld [smem:$0x3FFD];
	_ =	sdelay $0x3  }
0x98: {  	_ =	strace s2  }
0x99: {  	_ =	strace $0x8FFFFFFF  }
0x9a: {  	s20 =	sld [smem:$0x3FDB];
	_ =	sdelay $0x1  }
0x9b: {  	s6 =	simm.s32 $_scs_section_size  }
0x9c: {  	s7 =	simm.s32 $_size__tile_overlayer_lowered;
	s8 =	simm.s32 $_tile_overlayer_lowered  }
0x9d: {  	s9 =	simm.s32 $0x1BFF;
	s21 =	sshll.u32 s8, $0x1;
	s6 =	sadd.s32 s6, s20  }
0x9e: {  	s22 =	simm.s32 $0x0;
	s7 =	sshll.u32 s7, $0x1;
	s8 =	sadd.s32 s21, s6  }
0x9f: {  	[timem:s22], [sflag:s9] =	dma.local [hbm:s8], s7  }
0xa0: {  	_ =	swait.ge [sflag:s9], s7  }
0xa1: {  	s7 =	ssub.s32 $0x0, s7;
	[sflag:s9] =	ssyncset.done $0x0  }
0xa2: {  	[sflag:s9] =	ssyncadd.s32 s7;
	_ =	sdelay $0x1  }
0xa3: {  	s23 =	simm.s32 $0x1B8B  }
0xa4: {  	_ =	swait.ge [sflag:s23], $0x1  }
0xa5: {  	[sflag:s23] =	ssyncset.done $0x0  }
0xa6: {  	[sflag:s23] =	ssyncadd.s32 $0xFFFFFFFF  }
0xa7: {  	s7 =	sld [smem:$0x0]  }
0xa8: {  	s8 =	sand.u32 $0xFFFFFFFE, s1  }
0xa9: {  	p0 =	sne.s32 s1, s8  }
0xaa: {  	s8 =	sshll.u32 @p0 s8, $0xE  }
0xab: {  	s8 =	sadd.s32 @p0 $0x11B8D, s8;
	s9 =	sshll.u32 @p0 s7, $0x11  }
0xac: {  	s8 =	sor.u32 @p0 s9, s8  }
0xad: {  	[sflag:s8] =	ssyncadd.remote.s32 @p0 $0x1;
	_ =	sdelay $0x1  }
0xae: {  	s8 =	simm.s32 @p0 $0x1B8D  }
0xaf: {  	_ =	swait.eq @p0 [sflag:s8], $0x1  }
0xb0: {  	[sflag:s8] =	ssyncadd.s32 @p0 $0xFFFFFFFF  }
0xb1: {  	s9 =	sshll.u32 @!p0 s1, $0xE  }
0xb2: {  	s9 =	sor.u32 @!p0 $0x4000, s9;
	s8 =	simm.s32 @!p0 $0x1B8D  }
0xb3: {  	s7 =	sshll.u32 @!p0 s7, $0x11;
	s9 =	sadd.s32 @!p0 $0x11B8D, s9;
	_ =	swait.eq @!p0 [sflag:s8], $0x1  }
0xb4: {  	s7 =	sor.u32 @!p0 s7, s9;
	[sflag:s8] =	ssyncadd.s32 @!p0 $0xFFFFFFFF  }
0xb5: {  	s25 =	simm.s32 $0x1B8E;
	s24 =	sld [smem:$0x3FFE];
	[sflag:s7] =	ssyncadd.remote.s32 @!p0 $0x1  }
0xb6: {  	s26 =	simm.s32 $execute0_lowered;
	[smem:$0x3FD2] =	sst s25  }
0xb7: {  	s8 =	sshll.u32 s26, $0x1;
	_ =	strace $0x80000049;
	[dreg:$0x1] =	wrdreg $0xFFFFFFFF  }
0xb8: {  	s28 =	simm.s32 $_size_execute0_lowered;
	s6 =	sadd.s32 s6, s8;
	[dreg:$0x0] =	wrdreg $0x0  }
0xb9: {  	s8 =	sshll.u32 s28, $0x1;
	[dreg:$0x2] =	wrdreg s6  }
0xba: {  	[dreg:$0x3] =	wrdreg s8  }
0xbb: {  	[dreg:$0x4] =	wrdreg $0xC0  }
0xbc: {  	_ =	task [dreg:s22], $0x5FFFF  }
0xbd: {  	[dreg:$0x1] =	wrdreg $0xFFFFFFFF  }
0xbe: {  	[dreg:$0x0] =	wrdreg $0x60  }
0xbf: {  	[dreg:$0x2] =	wrdreg s18  }
0xc0: {  	[dreg:$0x3] =	wrdreg s4  }
0xc1: {  	[dreg:$0x4] =	wrdreg s5  }
0xc2: {  	[dreg:$0x5] =	wrdreg s24  }
0xc3: {  	[dreg:$0x6] =	wrdreg $0x0  }
0xc4: {  	[dreg:$0x7] =	wrdreg $0x9  }
0xc5: {  	_ =	task.clear_ibuf [dreg:s22], $0x8FFFF;
	_ =	strace $0x90000049  }
0xc6: {  	s29 =	simm.s32 $0x9;
	_ =	strace $0x8000004B  }
0xc7: {  	_ =	swait.ge [sflag:s29], $0x1  }
0xc8: {  	[sflag:s29] =	ssyncadd.s32 $0xFFFFFFFF  }
0xc9: {  	_ =	strace $0x9000004B  }
0xca: {  	_ =	sfence  }
0xcb: {  	s30 =	sld [smem:$0x0];
	_ =	sdelay $0x2  }
0xcc: {  	s31 =	sshll.u32 s1, $0xD;
	s1 =	sshrl.u32 s1, $0x2  }
0xcd: {  	s4 =	sand.u32 $0x4000, s31;
	s1 =	sadd.s32 s1, s30  }
0xce: {  	s0 =	sor.u32 s4, s0;
	s1 =	sshll.u32 s1, $0x11  }
0xcf: {  	s0 =	sor.u32 s1, s0  }
0xd0: {  	s0 =	sadd.s32 $0x8F2B, s0  }
0xd1: {  	[sflag:s0] =	ssyncadd.remote.s32 $0x1  }
0xd2: {  	_ =	sfence.sel $0xFFFF  }
0xd3: {  	[dreg:$0x0] =	wrdreg $0xFFFFFFFF;
	(pc) =	sbr.abs _section_cstart, $3  }
0xd4: {  	[dreg:$0x1] =	wrdreg $0xFFFFFFFF  }
0xd5: {  	_ =	task.clear_ibuf [dreg:s22], $0x2FFFF;
	_ =	strace $0x9FFFFFFF  }
0xd6: {  	(tm) =	ssettm $0x7FFFFFFF  }
0xd7: {  	_ =	shalt  }
tec
execute0_lowered:
.L_overlay_start_1:
0x0: {  	(tag) =	ssettag $0x1  }
0x1: {  	s1 =	rddreg [dreg:$0x0]  }
0x2: {  	s0 =	rddreg [dreg:$0x1]  }
0x3: {  	s2 =	rddreg [dreg:$0x2]  }
0x4: {  	s4 =	rddreg [dreg:$0x3]  }
0x5: {  	s3 =	rddreg [dreg:$0x4]  }
0x6: {  	s5 =	srdreg.scid;
	s10 =	stileid.u32;
	s30 =	simm.s32 $0x13880  }
0x7: {  	s31 =	simm.s32 $0x1B100;
	s6 =	sand.u32 $0x1, s5;
	s25 =	smul.u32 $0x4E000, s10  }
0x8: {  	s5 =	simm.s32 $0x0;
	s12 =	sadd.s32 $0x29BC00, s4;
	s26 =	smul.u32 $0x2700, s10  }
0x9: {  	s13 =	sadd.s32 $0x2C2E00, s4;
	s9 =	sadd.s32 $0x138000, s3;
	s16 =	smul.u32 $0x2710, s10  }
0xa: {  	p1 =	sne.s32 s10, $0xF;
	p2 =	seq.s32 s10, $0xF;
	s7 =	sshll.u32 s6, $0x4  }
0xb: {  	[smem:$0x7FF] =	sst s5;
	s8 =	ssub.s32 $0x2, s6;
	p0 =	seq.s32 s6, $0x1  }
0xc: {  	s6 =	smul.u32 $0x27100, s6;
	s7 =	sor.u32 s10, s7;
	_ =	strace $0x8000004A  }
0xd: {  	s24 =	sshrl.u32 s8, $0x1;
	s11 =	sshrl.u32 s25, $0x2;
	[dreg:$0x6] =	wrdreg s12  }
0xe: {  	s14 =	sadd.s32 s12, s26;
	[dreg:$0x7] =	wrdreg s13;
	s4 =	ssub.s32 s8, s24  }
0xf: {  	s11 =	sadd.s32 s11, s3;
	[dreg:$0xa] =	wrdreg s14;
	s15 =	smax.u32 s4, $0x1  }
0x10: {  	s12 =	simm.s32 $0x1;
	s17 =	sadd.s32 $0x1800, s11;
	[dreg:$0xc] =	wrdreg s15  }
0x11: {  	s10 =	simm.s32 $0x3;
	s18 =	sadd.s32 $0x3000, s11;
	[dreg:$0xd] =	wrdreg s17  }
0x12: {  	s7 =	smul.u32 $0x2710, s7;
	s19 =	sadd.s32 $0x4800, s11;
	[dreg:$0xe] =	wrdreg s18  }
0x13: {  	s8 =	simm.s32 $0x18800;
	s20 =	sadd.s32 $0x6000, s11;
	[dreg:$0xf] =	wrdreg s19  }
0x14: {  	s14 =	simm.s32 $0x6;
	s21 =	sadd.s32 $0x7800, s11;
	[dreg:$0x10] =	wrdreg s20  }
0x15: {  	s22 =	sadd.s32 $0x9000, s11;
	s23 =	sadd.s32 $0xA800, s11;
	[dreg:$0x11] =	wrdreg s21  }
0x16: {  	s25 =	sadd.s32 $0xC000, s11;
	s28 =	sadd.s32 $0x10800, s11;
	[dreg:$0x12] =	wrdreg s22  }
0x17: {  	s29 =	sadd.s32 $0x12000, s11;
	s7 =	sshrl.u32 s7, $0x3;
	[dreg:$0x13] =	wrdreg s23  }
0x18: {  	[dreg:$0x14] =	wrdreg s25;
	s15 =	simm.s32 $0x2;
	s0 =	sadd.s32 s0, s7  }
0x19: {  	s17 =	simm.s32 $0x0;
	s7 =	sadd.s32 s2, s7;
	[dreg:$0x8] =	wrdreg s0  }
0x1a: {  	[dreg:$0x9] =	wrdreg s7;
	s0 =	sadd.s32 s13, s26;
	s26 =	sadd.s32 $0xD800, s11  }
.Ltmp0:
0x1b: {  	s13 =	simm.s32 $0x1B000;
	[dreg:$0xb] =	wrdreg s0;
	(pc) =	sbr.rel .LBB2_1-.Ltmp0, $4  }
0x1c: {  	s7 =	simm.s32 $0x16000;
	s0 =	sadd.s32 s16, s6;
	[dreg:$0x15] =	wrdreg s26  }
0x1d: {  	s26 =	sadd.s32 $0xF000, s11;
	s6 =	simm.s32 $0x50;
	s24 =	sadd.s32 $0x50, s0  }
0x1e: {  	s16 =	simm.s32 $0x4;
	s4 =	sshrl.u32 s24, $0x3;
	s24 =	sadd.s32 $0xA0, s0  }
0x1f: {  	v0 =	vimm.f32 $0.0e+00;
	s0 =	simm.s32 $0x5;
	s25 =	sadd.s32 s4, s2;
	s4 =	simm.s32 $0x1B080  }
.LBB2_8:
0x20: {  	s19 =	sadd.s32 $0x27000, s19;
	s20 =	sshrl.u32 s9, $0x3  }
0x21: {  	[hbm:s19], [sflag:s18] =	dma.local [spmem:s20], $0x100  }
0x22: {  	_ =	swait.ge [sflag:s14], $0x100  }
0x23: {  	[sflag:s14] =	ssyncset.done $0x0  }
0x24: {  	[sflag:s14] =	ssyncadd.s32 $0xFFFFFF00  }
.LBB2_9:
0x25: {  	s17 =	sadd.s32 $0x1, s17;
	s18 =	rddreg [dreg:$0xc]  }
0x26: {  	p3 =	sne.s32 s17, s18  }
.Ltmp1:
0x27: {  	_ = 	snop;
	(pc) =	sbr.rel @!p3 .LBB2_10-.Ltmp1, $1  }
0x28: {  	_ =	sdelay $0x3  }
.LBB2_1:
0x29: {  	s18 =	rddreg [dreg:$0x8];
	s23 =	sand.u32 $0x7E00, s5  }
0x2a: {  	[tilespmem:s30], [sflag:$0x1] =	stream.linear.gather [hbm4b:s18+s5], $0x2710, $0x38;
	[tilespmem:$0x1C900] =	vst v63  }
0x2b: {  	s19 =	sand.u32 $0x70, s5;
	s20 =	sshrl.u32 s23, $0x2  }
0x2c: {  	s18 =	simm.s32 $0x40;
	s20 =	sor.u32 s19, s20;
	s19 =	simm.s32 $0x0  }
.LBB2_2:
0x2d: {  	p3 =	sne.s32 s18, $0x5FC0  }
0x2e: {  	[tilespmem:s20+$0x1B100] =	vst v0;
	s19 =	sadd.s32 $0x10, s19;
	s20 =	smov.u32 s18;
	s18 =	sadd.s32 $0x40, s18  }
.Ltmp2:
0x2f: {  	(pc) =	sbr.rel @p3 .LBB2_2-.Ltmp2, $4  }
0x30: {  	_ = 	snop  }
0x31: {  	s20 =	sand.u32 $0x7E00, s20  }
0x32: {  	s21 =	sand.u32 $0x70, s19;
	s20 =	sshrl.u32 s20, $0x2  }
0x33: {  	s20 =	sor.u32 s21, s20  }
0x34: {  	[tilespmem:s20+$0x1B100] =	vst v0  }
0x35: {  	[spmem:s11] =	stream.linear.scatter [tilespmem:s31], [sflag:$0x5], $0x1800, $0x38;
	[tilespmem:$0x1C900] =	vst v63  }
0x36: {  	s18 =	rddreg [dreg:$0xd]  }
0x37: {  	[spmem:s18] =	stream.linear.scatter [tilespmem:s31], [sflag:$0x5], $0x1800, $0x38;
	[tilespmem:$0x1C900] =	vst v63  }
0x38: {  	s20 =	rddreg [dreg:$0xe]  }
0x39: {  	[spmem:s20] =	stream.linear.scatter [tilespmem:s31], [sflag:$0x5], $0x1800, $0x38;
	[tilespmem:$0x1C900] =	vst v63  }
0x3a: {  	s21 =	rddreg [dreg:$0xf]  }
0x3b: {  	[spmem:s21] =	stream.linear.scatter [tilespmem:s31], [sflag:$0x5], $0x1800, $0x38;
	[tilespmem:$0x1C900] =	vst v63  }
0x3c: {  	s22 =	rddreg [dreg:$0x10]  }
0x3d: {  	[spmem:s22] =	stream.linear.scatter [tilespmem:s31], [sflag:$0x5], $0x1800, $0x38;
	[tilespmem:$0x1C900] =	vst v63  }
0x3e: {  	s23 =	rddreg [dreg:$0x11]  }
0x3f: {  	[spmem:s23] =	stream.linear.scatter [tilespmem:s31], [sflag:$0x5], $0x1800, $0x38;
	[tilespmem:$0x1C900] =	vst v63  }
0x40: {  	s19 =	rddreg [dreg:$0x12]  }
0x41: {  	[spmem:s19] =	stream.linear.scatter [tilespmem:s31], [sflag:$0x5], $0x1800, $0x38;
	[tilespmem:$0x1C900] =	vst v63  }
0x42: {  	s20 =	rddreg [dreg:$0x13]  }
0x43: {  	[spmem:s20] =	stream.linear.scatter [tilespmem:s31], [sflag:$0x5], $0x1800, $0x38;
	[tilespmem:$0x1C900] =	vst v63  }
0x44: {  	s21 =	rddreg [dreg:$0x14]  }
0x45: {  	[spmem:s21] =	stream.linear.scatter [tilespmem:s31], [sflag:$0x5], $0x1800, $0x38;
	[tilespmem:$0x1C900] =	vst v63  }
0x46: {  	s22 =	rddreg [dreg:$0x15]  }
0x47: {  	[spmem:s22] =	stream.linear.scatter [tilespmem:s31], [sflag:$0x5], $0x1800, $0x38;
	[tilespmem:$0x1C900] =	vst v63  }
0x48: {  	_ = 	snop  }
0x49: {  	[spmem:s26] =	stream.linear.scatter [tilespmem:s31], [sflag:$0x5], $0x1800, $0x38;
	[tilespmem:$0x1C900] =	vst v63  }
0x4a: {  	_ = 	snop  }
0x4b: {  	[spmem:s28] =	stream.linear.scatter [tilespmem:s31], [sflag:$0x5], $0x1800, $0x38;
	[tilespmem:$0x1C900] =	vst v63  }
0x4c: {  	_ = 	snop  }
0x4d: {  	[spmem:s29] =	stream.linear.scatter [tilespmem:s31], [sflag:$0x5], $0x1800, $0x38;
	[tilespmem:$0x1C900] =	vst v63  }
0x4e: {  	_ =	swait.ge [sflag:s0], $0x1800  }
0x4f: {  	[sflag:s0] =	ssyncset.done $0x0  }
0x50: {  	[sflag:s0] =	ssyncadd.s32 $0xFFFFE800  }
0x51: {  	_ =	swait.ge [sflag:s0], $0x1800  }
0x52: {  	[sflag:s0] =	ssyncset.done $0x0  }
0x53: {  	[sflag:s0] =	ssyncadd.s32 $0xFFFFE800  }
0x54: {  	_ =	swait.ge [sflag:s0], $0x1800  }
0x55: {  	[sflag:s0] =	ssyncset.done $0x0  }
0x56: {  	[sflag:s0] =	ssyncadd.s32 $0xFFFFE800  }
0x57: {  	_ =	swait.ge [sflag:s0], $0x1800  }
0x58: {  	[sflag:s0] =	ssyncset.done $0x0  }
0x59: {  	[sflag:s0] =	ssyncadd.s32 $0xFFFFE800  }
0x5a: {  	_ =	swait.ge [sflag:s0], $0x1800  }
0x5b: {  	[sflag:s0] =	ssyncset.done $0x0  }
0x5c: {  	[sflag:s0] =	ssyncadd.s32 $0xFFFFE800  }
0x5d: {  	_ =	swait.ge [sflag:s0], $0x1800  }
0x5e: {  	[sflag:s0] =	ssyncset.done $0x0  }
0x5f: {  	[sflag:s0] =	ssyncadd.s32 $0xFFFFE800  }
0x60: {  	_ =	swait.ge [sflag:s0], $0x1800  }
0x61: {  	[sflag:s0] =	ssyncset.done $0x0  }
0x62: {  	[sflag:s0] =	ssyncadd.s32 $0xFFFFE800  }
0x63: {  	_ =	swait.ge [sflag:s0], $0x1800  }
0x64: {  	[sflag:s0] =	ssyncset.done $0x0  }
0x65: {  	[sflag:s0] =	ssyncadd.s32 $0xFFFFE800  }
0x66: {  	_ =	swait.ge [sflag:s0], $0x1800  }
0x67: {  	[sflag:s0] =	ssyncset.done $0x0  }
0x68: {  	[sflag:s0] =	ssyncadd.s32 $0xFFFFE800  }
0x69: {  	_ =	swait.ge [sflag:s0], $0x1800  }
0x6a: {  	[sflag:s0] =	ssyncset.done $0x0  }
0x6b: {  	[sflag:s0] =	ssyncadd.s32 $0xFFFFE800  }
0x6c: {  	_ =	swait.ge [sflag:s0], $0x1800  }
0x6d: {  	[sflag:s0] =	ssyncset.done $0x0  }
0x6e: {  	[sflag:s0] =	ssyncadd.s32 $0xFFFFE800  }
0x6f: {  	_ =	swait.ge [sflag:s0], $0x1800  }
0x70: {  	[sflag:s0] =	ssyncset.done $0x0  }
0x71: {  	[sflag:s0] =	ssyncadd.s32 $0xFFFFE800  }
0x72: {  	_ =	swait.ge [sflag:s0], $0x1800  }
0x73: {  	[sflag:s0] =	ssyncset.done $0x0  }
0x74: {  	s18 =	simm.s32 @!p1 $0x1B100;
	[sflag:s0] =	ssyncadd.s32 $0xFFFFE800  }
0x75: {  	[spmem:s9] =	stream.linear.scatter @!p1 [tilespmem:s18], [sflag:$0x6], $0x800, $0x38;
	[tilespmem:$0x1C900] =	vst v63  }
0x76: {  	s18 =	simm.s32 @!p1 $0x6  }
0x77: {  	_ =	swait.ge @!p1 [sflag:s18], $0x800  }
0x78: {  	[sflag:s18] =	ssyncset.done @!p1 $0x0  }
0x79: {  	[sflag:s18] =	ssyncadd.s32 @!p1 $0xFFFFF800  }
0x7a: {  	_ =	swait.ge [sflag:s12], $0x2710  }
0x7b: {  	[sflag:s12] =	ssyncset.done $0x0  }
0x7c: {  	[sflag:s12] =	ssyncadd.s32 $0xFFFFD8F0  }
0x7d: {  	[bflag:$0x0] =	sbarrier.arrive $0xFFFF  }
0x7e: {  	s23 =	simm.s32 $0x0;
	s19 =	rddreg [dreg:$0x9]  }
0x7f: {  	[tilespmem:s13], [sflag:$0x3] =	stream.linear.gather [hbm4b:s19+s23], $0x50, $0x38;
	[tilespmem:$0x1C900] =	vst v63  }
0x80: {  	_ = 	snop  }
0x81: {  	[tilespmem:s7], [sflag:$0x1] =	stream.indirect.gather [hbm4b:s1+s6], $0x80, s30, s6, $0xb8;
	[tilespmem:$0x1C900] =	vst v63  }
0x82: {  	s20 =	sadd.s32 $0x0, s25  }
0x83: {  	[tilespmem:s4], [sflag:$0x4] =	stream.linear.gather [hbm4b:s20+s5], $0x50, $0x38;
	[tilespmem:$0x1C900] =	vst v63  }
0x84: {  	s21 =	simm.s32 $0x138D0  }
0x85: {  	[tilespmem:s8], [sflag:$0x2] =	stream.indirect.gather [hbm4b:s1+s6], $0x80, s21, s6, $0xb8;
	[tilespmem:$0x1C900] =	vst v63  }
0x86: {  	_ =	swait.ge [sflag:s12], $0x2800  }
0x87: {  	[sflag:s12] =	ssyncset.done $0x0  }
0x88: {  	[sflag:s12] =	ssyncadd.s32 $0xFFFFD800  }
0x89: {  	_ =	swait.ge [sflag:s10], $0x50  }
0x8a: {  	[sflag:s10] =	ssyncset.done $0x0  }
0x8b: {  	[sflag:s10] =	ssyncadd.s32 $0xFFFFFFB0  }
0x8c: {  	[spmem:s3] =	stream.indirect.scatter.add.f32 [tilespmem:s7], [sflag:$0x6], $0x80, s13, s6, $0xb8;
	[tilespmem:$0x1C900] =	vst v63  }
0x8d: {  	_ =	swait.ge [sflag:s14], $0x2800  }
0x8e: {  	s22 =	sshrl.u32 s24, $0x3;
	[sflag:s14] =	ssyncset.done $0x0  }
0x8f: {  	s18 =	sadd.s32 s2, s22;
	[sflag:s14] =	ssyncadd.s32 $0xFFFFD800  }
0x90: {  	[tilespmem:s13], [sflag:$0x3] =	stream.linear.gather [hbm4b:s18+s5], $0x50, $0x38;
	[tilespmem:$0x1C900] =	vst v63  }
0x91: {  	s23 =	simm.s32 $0x13920  }
0x92: {  	[tilespmem:s7], [sflag:$0x1] =	stream.indirect.gather [hbm4b:s1+s6], $0x80, s23, s6, $0xb8;
	[tilespmem:$0x1C900] =	vst v63  }
0x93: {  	_ =	swait.ge [sflag:s15], $0x2800  }
0x94: {  	[sflag:s15] =	ssyncset.done $0x0  }
0x95: {  	[sflag:s15] =	ssyncadd.s32 $0xFFFFD800  }
0x96: {  	_ =	swait.ge [sflag:s16], $0x50  }
0x97: {  	[sflag:s16] =	ssyncset.done $0x0  }
0x98: {  	[sflag:s16] =	ssyncadd.s32 $0xFFFFFFB0  }
0x99: {  	[spmem:s3] =	stream.indirect.scatter.add.f32 [tilespmem:s8], [sflag:$0x6], $0x80, s4, s6, $0xb8;
	[tilespmem:$0x1C900] =	vst v63  }
0x9a: {  	s19 =	sadd.s32 $0xA0, s24;
	s20 =	simm.s32 $0x14;
	_ =	swait.ge [sflag:s14], $0x2800  }
0x9b: {  	s21 =	simm.s32 $0x28;
	s18 =	simm.s32 $0x139C0;
	[sflag:s14] =	ssyncset.done $0x0  }
.LBB2_4:
0x9c: {  	s22 =	sadd.s32 s20, s25  }
0x9d: {  	[sflag:s14] =	ssyncadd.s32 $0xFFFFD800;
	s20 =	smov.u32 s21;
	s23 =	sadd.s32 $0x14, s21  }
0x9e: {  	[tilespmem:s4], [sflag:$0x4] =	stream.linear.gather [hbm4b:s22+s5], $0x50, $0x38;
	[tilespmem:$0x1C900] =	vst v63  }
0x9f: {  	p3 =	sne.s32 s21, $0x4C4;
	s21 =	sadd.s32 $0xFFFFFFB0, s18  }
0xa0: {  	[tilespmem:s8], [sflag:$0x2] =	stream.indirect.gather [hbm4b:s1+s6], $0x80, s21, s6, $0xb8;
	[tilespmem:$0x1C900] =	vst v63  }
0xa1: {  	_ =	swait.ge [sflag:s12], $0x2800  }
0xa2: {  	[sflag:s12] =	ssyncset.done $0x0  }
0xa3: {  	[sflag:s12] =	ssyncadd.s32 $0xFFFFD800  }
0xa4: {  	_ =	swait.ge [sflag:s10], $0x50  }
0xa5: {  	[sflag:s10] =	ssyncset.done $0x0  }
0xa6: {  	[sflag:s10] =	ssyncadd.s32 $0xFFFFFFB0  }
0xa7: {  	[spmem:s3] =	stream.indirect.scatter.add.f32 [tilespmem:s7], [sflag:$0x6], $0x80, s13, s6, $0xb8;
	[tilespmem:$0x1C900] =	vst v63  }
0xa8: {  	_ =	swait.ge [sflag:s14], $0x2800  }
0xa9: {  	s21 =	sshrl.u32 s19, $0x3;
	[sflag:s14] =	ssyncset.done $0x0  }
0xaa: {  	s21 =	sadd.s32 s2, s21;
	[sflag:s14] =	ssyncadd.s32 $0xFFFFD800  }
0xab: {  	[tilespmem:s13], [sflag:$0x3] =	stream.linear.gather [hbm4b:s21+s5], $0x50, $0x38;
	[tilespmem:$0x1C900] =	vst v63  }
0xac: {  	_ = 	snop  }
0xad: {  	[tilespmem:s7], [sflag:$0x1] =	stream.indirect.gather [hbm4b:s1+s6], $0x80, s18, s6, $0xb8;
	[tilespmem:$0x1C900] =	vst v63  }
0xae: {  	_ =	swait.ge [sflag:s15], $0x2800  }
0xaf: {  	[sflag:s15] =	ssyncset.done $0x0  }
0xb0: {  	[sflag:s15] =	ssyncadd.s32 $0xFFFFD800  }
0xb1: {  	_ =	swait.ge [sflag:s16], $0x50  }
.Ltmp3:
0xb2: {  	[sflag:s16] =	ssyncset.done $0x0;
	(pc) =	sbr.rel @p3 .LBB2_4-.Ltmp3, $4  }
0xb3: {  	[sflag:s16] =	ssyncadd.s32 $0xFFFFFFB0  }
0xb4: {  	[spmem:s3] =	stream.indirect.scatter.add.f32 [tilespmem:s8], [sflag:$0x6], $0x80, s4, s6, $0xb8;
	[tilespmem:$0x1C900] =	vst v63  }
0xb5: {  	s19 =	sadd.s32 $0xA0, s19;
	_ =	swait.ge [sflag:s14], $0x2800  }
0xb6: {  	s21 =	smov.u32 s23;
	s18 =	sadd.s32 $0xA0, s18;
	[sflag:s14] =	ssyncset.done $0x0  }
0xb7: {  	s20 =	sadd.s32 s20, s25;
	[sflag:s14] =	ssyncadd.s32 $0xFFFFD800  }
0xb8: {  	[tilespmem:s4], [sflag:$0x4] =	stream.linear.gather [hbm4b:s20+s5], $0x50, $0x38;
	[tilespmem:$0x1C900] =	vst v63  }
0xb9: {  	s22 =	sadd.s32 $0xFFFFFFB0, s18  }
0xba: {  	[tilespmem:s8], [sflag:$0x2] =	stream.indirect.gather [hbm4b:s1+s6], $0x80, s22, s6, $0xb8;
	[tilespmem:$0x1C900] =	vst v63  }
0xbb: {  	_ =	swait.ge [sflag:s12], $0x2800  }
0xbc: {  	[sflag:s12] =	ssyncset.done $0x0  }
0xbd: {  	[sflag:s12] =	ssyncadd.s32 $0xFFFFD800  }
0xbe: {  	_ =	swait.ge [sflag:s10], $0x50  }
0xbf: {  	[sflag:s10] =	ssyncset.done $0x0  }
0xc0: {  	[sflag:s10] =	ssyncadd.s32 $0xFFFFFFB0  }
0xc1: {  	[spmem:s3] =	stream.indirect.scatter.add.f32 [tilespmem:s7], [sflag:$0x6], $0x80, s13, s6, $0xb8;
	[tilespmem:$0x1C900] =	vst v63  }
0xc2: {  	_ =	swait.ge [sflag:s14], $0x2800  }
0xc3: {  	s19 =	sshrl.u32 s19, $0x3;
	[sflag:s14] =	ssyncset.done $0x0  }
0xc4: {  	s19 =	sadd.s32 s2, s19;
	[sflag:s14] =	ssyncadd.s32 $0xFFFFD800  }
0xc5: {  	[tilespmem:s13], [sflag:$0x3] =	stream.linear.gather [hbm4b:s19+s5], $0x50, $0x38;
	[tilespmem:$0x1C900] =	vst v63  }
0xc6: {  	_ = 	snop  }
0xc7: {  	[tilespmem:s7], [sflag:$0x1] =	stream.indirect.gather [hbm4b:s1+s6], $0x80, s18, s6, $0xb8;
	[tilespmem:$0x1C900] =	vst v63  }
0xc8: {  	_ =	swait.ge [sflag:s15], $0x2800  }
0xc9: {  	[sflag:s15] =	ssyncset.done $0x0  }
0xca: {  	[sflag:s15] =	ssyncadd.s32 $0xFFFFD800  }
0xcb: {  	_ =	swait.ge [sflag:s16], $0x50  }
0xcc: {  	[sflag:s16] =	ssyncset.done $0x0  }
0xcd: {  	[sflag:s16] =	ssyncadd.s32 $0xFFFFFFB0  }
0xce: {  	[spmem:s3] =	stream.indirect.scatter.add.f32 [tilespmem:s8], [sflag:$0x6], $0x80, s4, s6, $0xb8;
	[tilespmem:$0x1C900] =	vst v63  }
0xcf: {  	_ =	swait.ge [sflag:s14], $0x2800  }
0xd0: {  	[sflag:s14] =	ssyncset.done $0x0  }
0xd1: {  	[sflag:s14] =	ssyncadd.s32 $0xFFFFD800  }
0xd2: {  	_ =	swait.ge [sflag:s12], $0x2800  }
0xd3: {  	[sflag:s12] =	ssyncset.done $0x0  }
0xd4: {  	[sflag:s12] =	ssyncadd.s32 $0xFFFFD800  }
0xd5: {  	_ =	swait.ge [sflag:s10], $0x50  }
0xd6: {  	[sflag:s10] =	ssyncset.done $0x0  }
0xd7: {  	[sflag:s10] =	ssyncadd.s32 $0xFFFFFFB0  }
0xd8: {  	[spmem:s3] =	stream.indirect.scatter.add.f32 [tilespmem:s7], [sflag:$0x6], $0x80, s13, s6, $0xb8;
	[tilespmem:$0x1C900] =	vst v63  }
.Ltmp4:
0xd9: {  	_ =	swait.ge [sflag:s14], $0x2800;
	(pc) =	sbr.rel @!p0 .LBB2_6-.Ltmp4, $4  }
0xda: {  	[sflag:s14] =	ssyncset.done $0x0  }
0xdb: {  	s23 =	stileid.u32;
	[sflag:s14] =	ssyncadd.s32 $0xFFFFD800  }
0xdc: {  	s20 =	sshll.u32 s23, $0x6;
	[bflag:$0x0] =	sbarrier.arrive $0xFFFF  }
0xdd: {  	s19 =	sshrl.u32 s11, $0x3;
	s18 =	sor.u32 $0x1C06, s20  }
0xde: {  	s18 =	sor.u32 $0x1C06, s20;
	s23 =	rddreg [dreg:$0xb]  }
0xdf: {  	[hbm:s23], [sflag:s18] =	dma.local [spmem:s19], $0x2700  }
.Ltmp5:
0xe0: {  	_ = 	snop;
	(pc) =	sbr.rel @p1 .LBB2_9-.Ltmp5, $4  }
.Ltmp6:
0xe1: {  	_ = 	snop;
	(pc) =	sbr.rel @!p1 .LBB2_8-.Ltmp6, $4  }
0xe2: {  	_ =	swait.ge [sflag:s14], $0x2700  }
0xe3: {  	[sflag:s14] =	ssyncset.done $0x0  }
0xe4: {  	s19 =	rddreg [dreg:$0x7];
	[sflag:s14] =	ssyncadd.s32 $0xFFFFD900  }
0xe5: {  	_ = 	snop  }
.LBB2_6:
0xe6: {  	s20 =	rddreg [dreg:$0xa]  }
0xe7: {  	[hbm:s20], [sflag:s18] =	dma.local [spmem:s19], $0x2700  }
.Ltmp7:
0xe8: {  	_ = 	snop;
	(pc) =	sbr.rel @p2 .LBB2_8-.Ltmp7, $4  }
.Ltmp8:
0xe9: {  	_ = 	snop;
	(pc) =	sbr.rel @!p2 .LBB2_9-.Ltmp8, $4  }
0xea: {  	_ =	swait.ge [sflag:s14], $0x2700  }
0xeb: {  	[sflag:s14] =	ssyncset.done $0x0  }
0xec: {  	s19 =	rddreg [dreg:$0x6];
	[sflag:s14] =	ssyncadd.s32 $0xFFFFD900  }
0xed: {  	_ = 	snop  }
.LBB2_10:
0xee: {  	_ =	sfence.sel $0x180000  }
0xef: {  	[bflag:$0x0] =	sbarrier.arrive $0xFFFF  }
0xf0: {  	_ =	strace $0x9000004A  }
0xf1: {  	s0 =	stileid.u32;
	[bflag:$0x2] =	sbarrier.arrive $0xFFFF  }
0xf2: {  	p0 =	sne.s32 s0, $0x0;
	s0 =	rddreg [dreg:$0x5]  }
0xf3: {  	s0 =	sadd.s32 @!p0 $0x100000, s0  }
0xf4: {  	[sflag:s0] =	ssyncadd.tile.s32 @!p0 $0x1;
	_ =	shalt  }
.Lfunc_end2:
_tile_overlayer_lowered:
.L_overlay_start_2:
0xf5: {  	(tag) =	ssettag $0x2  }
0xf6: {  	s0 =	rddreg [dreg:$0x0];
	s2 =	stileid.u32  }
0xf7: {  	s1 =	rddreg [dreg:$0x1];
	p0 =	sne.s32 s2, $0x0  }
0xf8: {  	s3 =	rddreg [dreg:$0x2];
	[bflag:$0x3] =	sbarrier.arrive $0xFFFF;
	s2 =	simm.s32 @!p0 $0x1C06  }
0xf9: {  	[timem:s3], [sflag:s2] =	dma.local @!p0 [hbm:s0], s1  }
0xfa: {  	s0 =	simm.s32 @!p0 $0x6  }
0xfb: {  	_ =	swait.ge @!p0 [sflag:s0], s1  }
0xfc: {  	s1 =	ssub.s32 @!p0 $0x0, s1;
	[sflag:s0] =	ssyncset.done @!p0 $0x0  }
0xfd: {  	[sflag:s0] =	ssyncadd.s32 @!p0 s1  }
0xfe: {  	[bflag:$0x3] =	sbarrier.arrive $0xFFFF  }
0xff: {  	_ =	shalt  }

// kernel: kernel.13.cloned.1.call-start
scs
__scs_entry_jumppad:
0x0: {  	(pc) =	sbr.rel $0x88, $3  }
0x1: {  	(tag) =	ssettag $0x0;
	lr =	simm.s32 $0x1  }
0x2: {  	[smem:$0x3F98] =	sst lr;
	_ =	strace $0xD0000000  }
0x3: {  	_ = 	snop  }
0x4: {  	_ = 	snop  }
0x5: {  	_ = 	snop  }
0x6: {  	_ = 	snop  }
0x7: {  	_ = 	snop  }
__scs_overlays_trampoline_lowered:
0x8: {  	[smem:$0x3FA7] =	sst s0  }
0x9: {  	[smem:$0x3FA8] =	sst s1  }
0xa: {  	[smem:$0x3FA9] =	sst s2  }
0xb: {  	[smem:$0x3FAA] =	sst s3  }
0xc: {  	[smem:$0x3FAB] =	sst s4  }
0xd: {  	[smem:$0x3FAC] =	sst s5  }
0xe: {  	[smem:$0x3FAD] =	sst s6  }
0xf: {  	[smem:$0x3FAE] =	sst s7  }
0x10: {  	[smem:$0x3FAF] =	sst s8  }
0x11: {  	[smem:$0x3FB0] =	sst s9;
	s0 =	simm.s32 @!p0 $0x0  }
0x12: {  	s1 =	sld [smem:$0x3F96];
	s0 =	simm.s32 @p0 $0x1  }
0x13: {  	[smem:$0x3FB1] =	sst s0;
	s0 =	simm.s32 @!p1 $0x0  }
0x14: {  	s2 =	sld [smem:$0x3F95];
	s0 =	simm.s32 @p1 $0x1  }
0x15: {  	[smem:$0x3FB2] =	sst s0;
	s0 =	simm.s32 @!p2 $0x0  }
0x16: {  	s3 =	sld [smem:$0x3FDB];
	s0 =	simm.s32 @p2 $0x1  }
0x17: {  	s4 =	simm.s32 $0x1BF5;
	[smem:$0x3FB4] =	sst s0  }
0x18: {  	s0 =	sld [smem:$0x3F97];
	_ =	swait.ge [sflag:s4], $0x0  }
0x19: {  	s7 =	sld [smem:$0x3F98]  }
0x1a: {  	s8 =	sadd.s32 $0xFFFFE003, lr  }
0x1b: {  	s9 =	sadd.s32 $0xFFFFFEF7, lr;
	s5 =	simm.s32 $0xFFFFFFFF;
	p2 =	slt.u32 s8, $0xFFFFF086  }
0x1c: {  	p1 =	slt.u32 s9, $0xF7A;
	s5 =	simm.s32 @!p2 $0x0  }
0x1d: {  	s5 =	simm.s32 @p1 $0x1;
	p0 =	seq.s32 s7, s2  }
0x1e: {  	s7 =	smul.u32 @!p0 $0xF7A, s2;
	p2 =	seq.s32 @!p0 s5, $0x0  }
0x1f: {  	s9 =	smul.u32 $0xF7A, s1;
	s8 =	simm.s32 @!p0 $0x1BF5;
	p2 =	por !p2, p0  }
0x20: {  	[sflag:s8] =	ssyncset.s32 @!p0 $0xFFFFF086;
	s6 =	sadd.s32 @!p0 s3, s7;
	s7 =	simm.s32 @!p0 $0x108  }
0x21: {  	s3 =	sadd.s32 s3, s9;
	s6 =	sadd.s32 @!p0 $0x88, s6;
	s7 =	simm.s32 @p2 $0x1082  }
0x22: {  	[simem:s7], [sflag:s8] =	dma.local @!p0 [hbm:s6], $0xF7A  }
0x23: {  	s9 =	sor.u32 $0xD0000000, s2;
	s6 =	simm.s32 $0x108;
	_ =	swait.ge @!p0 [sflag:s8], $0x0  }
0x24: {  	s3 =	sadd.s32 $0x88, s3;
	s6 =	simm.s32 @!p1 $0x1082;
	[sflag:s4] =	ssyncset.s32 $0xFFFFF086  }
0x25: {  	[simem:s6], [sflag:s4] =	dma.local [hbm:s3], $0xF7A  }
0x26: {  	[smem:$0x3F98] =	sst s1;
	(tag) =	ssettag s2;
	_ =	strace s9  }
0x27: {  	s1 =	sld [smem:$0x3FA8]  }
0x28: {  	s2 =	sld [smem:$0x3FA9]  }
0x29: {  	s4 =	sld [smem:$0x3FAB]  }
0x2a: {  	p0 =	seq.s32 s5, $0x0;
	s5 =	sld [smem:$0x3FAC]  }
0x2b: {  	s6 =	sld [smem:$0x3FAD]  }
0x2c: {  	s7 =	sld [smem:$0x3FAE]  }
0x2d: {  	s3 =	simm.s32 $0x108;
	s8 =	sld [smem:$0x3FAF]  }
0x2e: {  	s3 =	simm.s32 @!p0 $0x1082;
	s9 =	sld [smem:$0x3FB0]  }
0x2f: {  	lr =	sadd.s32 s0, s3;
	s0 =	sld [smem:$0x3FA7]  }
0x30: {  	s3 =	sld [smem:$0x3FAA]  }
0x31: {  	[smem:$0x3FB3] =	sst s10  }
0x32: {  	s10 =	sld [smem:$0x3FB1];
	_ =	sdelay $0x3  }
0x33: {  	p0 =	seq.s32 s10, $0x1;
	s10 =	sld [smem:$0x3FB3];
	_ =	sdelay $0x3  }
0x34: {  	[smem:$0x3FB3] =	sst s10  }
0x35: {  	s10 =	sld [smem:$0x3FB2];
	_ =	sdelay $0x3  }
0x36: {  	p1 =	seq.s32 s10, $0x1;
	s10 =	sld [smem:$0x3FB3];
	_ =	sdelay $0x3  }
0x37: {  	[smem:$0x3FB3] =	sst s10  }
0x38: {  	s10 =	sld [smem:$0x3FB4]  }
0x39: {  	_ = 	snop;
	(pc) =	sbr.ind lr, $3  }
0x3a: {  	_ = 	snop  }
0x3b: {  	_ = 	snop  }
0x3c: {  	p2 =	seq.s32 s10, $0x1;
	s10 =	sld [smem:$0x3FB3]  }
0x3d: {  	_ =	shalt  }
0x3e: {  	_ =	shalt  }
0x3f: {  	_ =	shalt  }
0x40: {  	_ =	shalt  }
0x41: {  	_ =	shalt  }
0x42: {  	_ =	shalt  }
0x43: {  	_ =	shalt  }
0x44: {  	_ =	shalt  }
0x45: {  	_ =	shalt  }
0x46: {  	_ =	shalt  }
0x47: {  	_ =	shalt  }
0x48: {  	_ =	shalt  }
0x49: {  	_ =	shalt  }
0x4a: {  	_ =	shalt  }
0x4b: {  	_ =	shalt  }
0x4c: {  	_ =	shalt  }
0x4d: {  	_ =	shalt  }
0x4e: {  	_ =	shalt  }
0x4f: {  	_ =	shalt  }
0x50: {  	_ =	shalt  }
0x51: {  	_ =	shalt  }
0x52: {  	_ =	shalt  }
0x53: {  	_ =	shalt  }
0x54: {  	_ =	shalt  }
0x55: {  	_ =	shalt  }
0x56: {  	_ =	shalt  }
0x57: {  	_ =	shalt  }
0x58: {  	_ =	shalt  }
0x59: {  	_ =	shalt  }
0x5a: {  	_ =	shalt  }
0x5b: {  	_ =	shalt  }
0x5c: {  	_ =	shalt  }
0x5d: {  	_ =	shalt  }
0x5e: {  	_ =	shalt  }
0x5f: {  	_ =	shalt  }
0x60: {  	_ =	shalt  }
0x61: {  	_ =	shalt  }
0x62: {  	_ =	shalt  }
0x63: {  	_ =	shalt  }
0x64: {  	_ =	shalt  }
0x65: {  	_ =	shalt  }
0x66: {  	_ =	shalt  }
0x67: {  	_ =	shalt  }
0x68: {  	_ =	shalt  }
0x69: {  	_ =	shalt  }
0x6a: {  	_ =	shalt  }
0x6b: {  	_ =	shalt  }
0x6c: {  	_ =	shalt  }
0x6d: {  	_ =	shalt  }
0x6e: {  	_ =	shalt  }
0x6f: {  	_ =	shalt  }
0x70: {  	_ =	shalt  }
0x71: {  	_ =	shalt  }
0x72: {  	_ =	shalt  }
0x73: {  	_ =	shalt  }
0x74: {  	_ =	shalt  }
0x75: {  	_ =	shalt  }
0x76: {  	_ =	shalt  }
0x77: {  	_ =	shalt  }
0x78: {  	_ =	shalt  }
0x79: {  	_ =	shalt  }
0x7a: {  	_ =	shalt  }
0x7b: {  	_ =	shalt  }
0x7c: {  	_ =	shalt  }
0x7d: {  	_ =	shalt  }
0x7e: {  	_ =	shalt  }
0x7f: {  	_ =	shalt  }
0x80: {  	_ =	shalt  }
0x81: {  	_ =	shalt  }
0x82: {  	_ =	shalt  }
0x83: {  	_ =	shalt  }
0x84: {  	_ =	shalt  }
0x85: {  	_ =	shalt  }
0x86: {  	_ =	shalt  }
0x87: {  	_ =	shalt  }
.Lfunc_end0:
.L_simem_size_0:
called_computation.1_lowered:
.L_overlay_start_0:
0x88: {  	s2 =	sld [smem:$0x3FD9]  }
0x89: {  	s3 =	sld [smem:$0x3FFE];
	_ =	sdelay $0x1  }
0x8a: {  	s1 =	srdreg.scid  }
0x8b: {  	s0 =	sand.u32 $0x1, s1  }
0x8c: {  	s17 =	sshll.u32 s0, $0xA;
	s2 =	sadd.s32 s3, s2  }
0x8d: {  	s2 =	sadd.s32 s2, s17  }
0x8e: {  	[smem:$0x3FBF] =	sst s2  }
0x8f: {  	_ = 	snop  }
0x90: {  	s2 =	sld [smem:$0x3FC6]  }
0x91: {  	s18 =	sld [smem:$0x3FC5]  }
0x92: {  	s4 =	sld [smem:$0x3FD0];
	(tm) =	ssettm $0x1  }
0x93: {  	s5 =	sld [smem:$0x3FFB];
	_ =	sdelay $0x3  }
0x94: {  	_ =	strace s5  }
0x95: {  	s5 =	sld [smem:$0x3FFC];
	_ =	sdelay $0x3  }
0x96: {  	_ =	strace s5  }
0x97: {  	s5 =	sld [smem:$0x3FFD];
	_ =	sdelay $0x3  }
0x98: {  	_ =	strace s5  }
0x99: {  	_ =	strace $0x8FFFFFFF  }
0x9a: {  	s19 =	sld [smem:$0x3FDB];
	_ =	sdelay $0x1  }
0x9b: {  	s6 =	simm.s32 $_scs_section_size  }
0x9c: {  	s7 =	simm.s32 $_size__tile_overlayer_lowered;
	s8 =	simm.s32 $_tile_overlayer_lowered  }
0x9d: {  	s22 =	simm.s32 $0x1BFF;
	s21 =	sshll.u32 s8, $0x1;
	s5 =	sadd.s32 s6, s19  }
0x9e: {  	s9 =	simm.s32 $0x0;
	s20 =	sshll.u32 s7, $0x1;
	s7 =	sadd.s32 s21, s5  }
0x9f: {  	[timem:s9], [sflag:s22] =	dma.local [hbm:s7], s20  }
0xa0: {  	_ =	swait.ge [sflag:s22], s20  }
0xa1: {  	s6 =	ssub.s32 $0x0, s20;
	[sflag:s22] =	ssyncset.done $0x0  }
0xa2: {  	[sflag:s22] =	ssyncadd.s32 s6;
	_ =	sdelay $0x1  }
0xa3: {  	s23 =	simm.s32 $0x1B8B  }
0xa4: {  	_ =	swait.ge [sflag:s23], $0x1  }
0xa5: {  	[sflag:s23] =	ssyncset.done $0x0  }
0xa6: {  	s25 =	simm.s32 $0x1B8E;
	s24 =	sld [smem:$0x3FFE];
	[sflag:s23] =	ssyncadd.s32 $0xFFFFFFFF  }
0xa7: {  	s26 =	simm.s32 $execute0_lowered;
	[smem:$0x3FD2] =	sst s25  }
0xa8: {  	s7 =	sshll.u32 s26, $0x1;
	_ =	strace $0x80000046;
	[dreg:$0x1] =	wrdreg $0xFFFFFFFF  }
0xa9: {  	s28 =	simm.s32 $_size_execute0_lowered;
	s5 =	sadd.s32 s5, s7;
	[dreg:$0x0] =	wrdreg $0x0  }
0xaa: {  	s7 =	sshll.u32 s28, $0x1;
	[dreg:$0x2] =	wrdreg s5  }
0xab: {  	[dreg:$0x3] =	wrdreg s7  }
0xac: {  	[dreg:$0x4] =	wrdreg $0xC0  }
0xad: {  	_ =	task [dreg:s9], $0x5FFFF  }
0xae: {  	[dreg:$0x1] =	wrdreg $0xFFFFFFFF  }
0xaf: {  	[dreg:$0x0] =	wrdreg $0x60  }
0xb0: {  	[dreg:$0x2] =	wrdreg s4  }
0xb1: {  	[dreg:$0x3] =	wrdreg s24  }
0xb2: {  	[dreg:$0x4] =	wrdreg s18  }
0xb3: {  	[dreg:$0x5] =	wrdreg s2  }
0xb4: {  	[dreg:$0x6] =	wrdreg $0xA  }
0xb5: {  	_ =	task.clear_ibuf [dreg:s9], $0x7FFFF;
	_ =	strace $0x90000046  }
0xb6: {  	s29 =	simm.s32 $0xA;
	_ =	strace $0x80000048  }
0xb7: {  	_ =	swait.ge [sflag:s29], $0x1  }
0xb8: {  	[sflag:s29] =	ssyncadd.s32 $0xFFFFFFFF  }
0xb9: {  	_ =	strace $0x90000048  }
0xba: {  	_ =	sfence  }
0xbb: {  	s30 =	sld [smem:$0x0];
	_ =	sdelay $0x2  }
0xbc: {  	s31 =	sshll.u32 s1, $0xD;
	s1 =	sshrl.u32 s1, $0x2  }
0xbd: {  	s3 =	sand.u32 $0x4000, s31;
	s1 =	sadd.s32 s1, s30  }
0xbe: {  	s0 =	sor.u32 s3, s0;
	s1 =	sshll.u32 s1, $0x11  }
0xbf: {  	s0 =	sor.u32 s1, s0  }
0xc0: {  	s0 =	sadd.s32 $0x8F2B, s0  }
0xc1: {  	[sflag:s0] =	ssyncadd.remote.s32 $0x1  }
0xc2: {  	_ =	sfence.sel $0xFFFF  }
0xc3: {  	[dreg:$0x0] =	wrdreg $0xFFFFFFFF;
	(pc) =	sbr.abs _section_cstart, $3  }
0xc4: {  	[dreg:$0x1] =	wrdreg $0xFFFFFFFF  }
0xc5: {  	_ =	task.clear_ibuf [dreg:s9], $0x2FFFF;
	_ =	strace $0x9FFFFFFF  }
0xc6: {  	(tm) =	ssettm $0x7FFFFFFF  }
0xc7: {  	_ =	shalt  }
tec
execute0_lowered:
.L_overlay_start_1:
0x0: {  	(tag) =	ssettag $0x1  }
0x1: {  	s1 =	rddreg [dreg:$0x0]  }
0x2: {  	s0 =	rddreg [dreg:$0x1]  }
0x3: {  	s2 =	rddreg [dreg:$0x2]  }
0x4: {  	s5 =	rddreg [dreg:$0x3];
	s3 =	simm.s32 $0x0;
	s6 =	srdreg.scid  }
0x5: {  	s12 =	stileid.u32;
	s18 =	simm.s32 $0x7;
	s19 =	simm.s32 $0x1360  }
0x6: {  	s28 =	simm.s32 $0x5;
	s29 =	simm.s32 $0xA0;
	s7 =	smul.u32 $0x13B0, s12  }
0x7: {  	s30 =	simm.s32 $0x4;
	s31 =	simm.s32 $0x6;
	s9 =	smul.u32 $0x9D800, s12  }
0x8: {  	[smem:$0x7FF] =	sst s3;
	s4 =	sadd.s32 $0x3A00, s0;
	s11 =	smul.u32 $0x1360, s12  }
0x9: {  	s6 =	sand.u32 $0x1, s6;
	s0 =	sadd.s32 $0x2AC00, s0;
	s24 =	smul.u32 $0x13B00, s12  }
0xa: {  	s25 =	smul.u32 $0x13600, s12;
	_ =	strace $0x80000047;
	s8 =	ssub.s32 $0x2, s6  }
0xb: {  	p0 =	seq.s32 s6, $0x1;
	s10 =	sshrl.u32 s8, $0x1;
	s7 =	sshrl.u32 s7, $0x3  }
0xc: {  	s22 =	sshrl.u32 s9, $0x3;
	s13 =	sadd.s32 $0x13B00, s11;
	s11 =	sadd.s32 s0, s24  }
0xd: {  	s24 =	simm.s32 $0x3;
	s10 =	ssub.s32 s8, s10;
	s20 =	sadd.s32 s2, s7  }
0xe: {  	s21 =	sadd.s32 s5, s7;
	s6 =	sadd.s32 s0, s22;
	s23 =	sshrl.u32 s13, $0x3  }
0xf: {  	s12 =	sadd.s32 $0x500, s11;
	s26 =	sshll.u32 s13, $0x4;
	[dreg:$0x5] =	wrdreg s20  }
0x10: {  	s22 =	simm.s32 $0x1;
	[dreg:$0x6] =	wrdreg s21;
	s6 =	sadd.s32 $0x13600, s6  }
0x11: {  	s2 =	sadd.s32 s2, s23;
	s9 =	sadd.s32 s5, s23;
	s10 =	smax.u32 s10, $0x1  }
.Ltmp0:
0x12: {  	s13 =	sadd.s32 s0, s26;
	s20 =	simm.s32 $0x50;
	(pc) =	sbr.rel .LBB2_1-.Ltmp0, $4  }
0x13: {  	s21 =	simm.s32 $0x2780;
	s23 =	simm.s32 $0x4F80;
	[dreg:$0x7] =	wrdreg s6  }
0x14: {  	s26 =	simm.s32 $0x13B0;
	[dreg:$0x8] =	wrdreg s2;
	s2 =	sadd.s32 s25, s0  }
0x15: {  	s6 =	sadd.s32 $0xF00, s11;
	s25 =	simm.s32 $0x2;
	s14 =	sadd.s32 $0x13B500, s2  }
0x16: {  	s0 =	simm.s32 $0x0;
	s15 =	sadd.s32 $0x14DC00, s2;
	s17 =	sadd.s32 $0x13BF00, s2  }
.LBB2_7:
0x17: {  	[hbm4b:s16+s3] =	stream.linear.scatter [tilespmem:s23], [sflag:$0x6], $0x2800, $0x38;
	[tilespmem:$0x7780] =	vst v63  }
0x18: {  	_ =	swait.ge [sflag:s22], $0x2800  }
0x19: {  	s5 =	sshra.s32 s5, $0x2;
	[sflag:s22] =	ssyncset.done $0x0  }
0x1a: {  	s7 =	sadd.s32 $0x1400, s5;
	[sflag:s22] =	ssyncadd.s32 $0xFFFFD800  }
0x1b: {  	[tilespmem:s21], [sflag:$0x3] =	stream.indirect.gather.add.f32 [hbm:s4], $0x80, s7, s20, $0xb8;
	[tilespmem:$0x7780] =	vst v63  }
0x1c: {  	_ =	swait.ge [sflag:s31], $0x2800  }
0x1d: {  	[sflag:s31] =	ssyncset.done $0x0  }
0x1e: {  	s16 =	sadd.s32 $0xF0, s5;
	[sflag:s31] =	ssyncadd.s32 $0xFFFFD800  }
0x1f: {  	[tilespmem:s23], [sflag:$0x2] =	stream.indirect.gather [hbm4b:s1+s20], $0x80, s16, s20, $0xb8;
	[tilespmem:$0x7780] =	vst v63  }
0x20: {  	_ =	swait.ge [sflag:s24], $0x2800  }
0x21: {  	[sflag:s24] =	ssyncset.done $0x0  }
0x22: {  	[sflag:s24] =	ssyncadd.s32 $0xFFFFD800  }
0x23: {  	[hbm4b:s15+s3] =	stream.linear.scatter [tilespmem:s21], [sflag:$0x5], $0x2800, $0x38;
	[tilespmem:$0x7780] =	vst v63  }
0x24: {  	_ =	swait.ge [sflag:s25], $0x2800  }
0x25: {  	[sflag:s25] =	ssyncset.done $0x0  }
0x26: {  	s5 =	sadd.s32 $0x1450, s5;
	[sflag:s25] =	ssyncadd.s32 $0xFFFFD800  }
0x27: {  	[tilespmem:s23], [sflag:$0x4] =	stream.indirect.gather.add.f32 [hbm:s4], $0x80, s5, s20, $0xb8;
	[tilespmem:$0x7780] =	vst v63  }
0x28: {  	_ =	swait.ge [sflag:s30], $0x2800  }
0x29: {  	[sflag:s30] =	ssyncset.done $0x0  }
0x2a: {  	[sflag:s30] =	ssyncadd.s32 $0xFFFFD800  }
0x2b: {  	[hbm4b:s2+s3] =	stream.linear.scatter [tilespmem:s23], [sflag:$0x6], $0x2800, $0x38;
	[tilespmem:$0x7780] =	vst v63  }
.LBB2_8:
0x2c: {  	s0 =	sadd.s32 $0x1, s0  }
0x2d: {  	_ =	swait.ge [sflag:s28], $0x2800;
	p1 =	sne.s32 s0, s10  }
.Ltmp1:
0x2e: {  	[sflag:s28] =	ssyncset.done $0x0;
	(pc) =	sbr.rel @!p1 .LBB2_9-.Ltmp1, $4  }
0x2f: {  	[sflag:s28] =	ssyncadd.s32 $0xFFFFD800  }
0x30: {  	_ =	swait.ge [sflag:s31], $0x2800  }
0x31: {  	[sflag:s31] =	ssyncset.done $0x0  }
0x32: {  	[sflag:s31] =	ssyncadd.s32 $0xFFFFD800  }
.LBB2_1:
.Ltmp2:
0x33: {  	(pc) =	sbr.rel @!p0 .LBB2_2-.Ltmp2, $2  }
0x34: {  	_ =	sdelay $0x2  }
0x35: {  	s2 =	simm.s32 $0x0  }
0x36: {  	s5 =	rddreg [dreg:$0x8]  }
0x37: {  	[tilespmem:s2], [sflag:$0x7] =	stream.linear.gather [hbm4b:s5+s2], $0x1360, $0x38;
	[tilespmem:$0x7780] =	vst v63  }
0x38: {  	_ =	swait.ge [sflag:s18], $0x1360  }
0x39: {  	[sflag:s18] =	ssyncset.done $0x0  }
0x3a: {  	[sflag:s18] =	ssyncadd.s32 $0xFFFFECA0  }
0x3b: {  	[tilespmem:s19], [sflag:$0x7] =	stream.linear.gather [hbm4b:s9+s2], $0x1360, $0x38;
	[tilespmem:$0x7780] =	vst v63  }
0x3c: {  	_ =	swait.ge [sflag:s18], $0x1360  }
0x3d: {  	[sflag:s18] =	ssyncset.done $0x0  }
0x3e: {  	[sflag:s18] =	ssyncadd.s32 $0xFFFFECA0  }
0x3f: {  	[tilespmem:s21], [sflag:$0x1] =	stream.indirect.gather [hbm4b:s1+s20], $0x80, s2, s20, $0xb8;
	[tilespmem:$0x7780] =	vst v63  }
0x40: {  	_ =	swait.ge [sflag:s22], $0x2800  }
0x41: {  	[sflag:s22] =	ssyncset.done $0x0  }
0x42: {  	[sflag:s22] =	ssyncadd.s32 $0xFFFFD800  }
0x43: {  	[tilespmem:s21], [sflag:$0x3] =	stream.indirect.gather.add.f32 [hbm:s4], $0x80, s19, s20, $0xb8;
	[tilespmem:$0x7780] =	vst v63  }
0x44: {  	_ = 	snop  }
0x45: {  	[tilespmem:s23], [sflag:$0x2] =	stream.indirect.gather [hbm4b:s1+s20], $0x80, s20, s20, $0xb8;
	[tilespmem:$0x7780] =	vst v63  }
0x46: {  	_ =	swait.ge [sflag:s24], $0x2800  }
0x47: {  	[sflag:s24] =	ssyncset.done $0x0  }
0x48: {  	[sflag:s24] =	ssyncadd.s32 $0xFFFFD800  }
0x49: {  	[hbm4b:s13+s2] =	stream.linear.scatter [tilespmem:s21], [sflag:$0x5], $0x2800, $0x38;
	[tilespmem:$0x7780] =	vst v63  }
0x4a: {  	_ =	swait.ge [sflag:s25], $0x2800  }
0x4b: {  	[sflag:s25] =	ssyncset.done $0x0  }
0x4c: {  	[sflag:s25] =	ssyncadd.s32 $0xFFFFD800  }
0x4d: {  	[tilespmem:s23], [sflag:$0x4] =	stream.indirect.gather.add.f32 [hbm:s4], $0x80, s26, s20, $0xb8;
	[tilespmem:$0x7780] =	vst v63  }
0x4e: {  	_ =	swait.ge [sflag:s28], $0x2800  }
0x4f: {  	[sflag:s28] =	ssyncset.done $0x0  }
0x50: {  	[sflag:s28] =	ssyncadd.s32 $0xFFFFD800  }
0x51: {  	[tilespmem:s21], [sflag:$0x1] =	stream.indirect.gather [hbm4b:s1+s20], $0x80, s29, s20, $0xb8;
	[tilespmem:$0x7780] =	vst v63  }
0x52: {  	_ =	swait.ge [sflag:s30], $0x2800  }
0x53: {  	[sflag:s30] =	ssyncset.done $0x0  }
0x54: {  	[sflag:s30] =	ssyncadd.s32 $0xFFFFD800  }
0x55: {  	[hbm4b:s14+s2] =	stream.linear.scatter [tilespmem:s23], [sflag:$0x6], $0x2800, $0x38;
	[tilespmem:$0x7780] =	vst v63  }
0x56: {  	_ =	swait.ge [sflag:s22], $0x2800  }
0x57: {  	[sflag:s22] =	ssyncset.done $0x0  }
0x58: {  	s16 =	simm.s32 $0x1400;
	[sflag:s22] =	ssyncadd.s32 $0xFFFFD800  }
0x59: {  	[tilespmem:s21], [sflag:$0x3] =	stream.indirect.gather.add.f32 [hbm:s4], $0x80, s16, s20, $0xb8;
	[tilespmem:$0x7780] =	vst v63  }
0x5a: {  	_ =	swait.ge [sflag:s31], $0x2800  }
0x5b: {  	[sflag:s31] =	ssyncset.done $0x0  }
0x5c: {  	s5 =	simm.s32 $0xF0;
	[sflag:s31] =	ssyncadd.s32 $0xFFFFD800  }
0x5d: {  	[tilespmem:s23], [sflag:$0x2] =	stream.indirect.gather [hbm4b:s1+s20], $0x80, s5, s20, $0xb8;
	[tilespmem:$0x7780] =	vst v63  }
0x5e: {  	_ =	swait.ge [sflag:s24], $0x2800  }
0x5f: {  	[sflag:s24] =	ssyncset.done $0x0  }
0x60: {  	s7 =	sadd.s32 $0xFFFFFB00, s17;
	[sflag:s24] =	ssyncadd.s32 $0xFFFFD800  }
0x61: {  	[hbm4b:s7+s3] =	stream.linear.scatter [tilespmem:s21], [sflag:$0x5], $0x2800, $0x38;
	[tilespmem:$0x7780] =	vst v63  }
0x62: {  	_ =	swait.ge [sflag:s25], $0x2800  }
0x63: {  	[sflag:s25] =	ssyncset.done $0x0  }
0x64: {  	s8 =	simm.s32 $0x1450;
	[sflag:s25] =	ssyncadd.s32 $0xFFFFD800  }
0x65: {  	[tilespmem:s23], [sflag:$0x4] =	stream.indirect.gather.add.f32 [hbm:s4], $0x80, s8, s20, $0xb8;
	[tilespmem:$0x7780] =	vst v63  }
0x66: {  	_ =	swait.ge [sflag:s28], $0x2800  }
0x67: {  	[sflag:s28] =	ssyncset.done $0x0  }
0x68: {  	s16 =	simm.s32 $0x140;
	[sflag:s28] =	ssyncadd.s32 $0xFFFFD800  }
0x69: {  	[tilespmem:s21], [sflag:$0x1] =	stream.indirect.gather [hbm4b:s1+s20], $0x80, s16, s20, $0xb8;
	[tilespmem:$0x7780] =	vst v63  }
0x6a: {  	_ =	swait.ge [sflag:s30], $0x2800  }
0x6b: {  	s2 =	sadd.s32 $0xA00, s17;
	[sflag:s30] =	ssyncset.done $0x0  }
0x6c: {  	s5 =	simm.s32 $0x280;
	s16 =	smov.u32 s17;
	[sflag:s30] =	ssyncadd.s32 $0xFFFFD800  }
.LBB2_6:
0x6d: {  	[hbm4b:s16+s3] =	stream.linear.scatter [tilespmem:s23], [sflag:$0x6], $0x2800, $0x38;
	[tilespmem:$0x7780] =	vst v63  }
0x6e: {  	s7 =	smov.u32 s5;
	s5 =	sadd.s32 $0x280, s5;
	_ =	swait.ge [sflag:s22], $0x2800  }
0x6f: {  	s7 =	sshra.s32 s7, $0x2;
	p1 =	sne.s32 s5, $0x4880;
	[sflag:s22] =	ssyncset.done $0x0  }
0x70: {  	s16 =	smov.u32 s2;
	s8 =	sadd.s32 $0x1400, s7;
	[sflag:s22] =	ssyncadd.s32 $0xFFFFD800  }
0x71: {  	[tilespmem:s21], [sflag:$0x3] =	stream.indirect.gather.add.f32 [hbm:s4], $0x80, s8, s20, $0xb8;
	[tilespmem:$0x7780] =	vst v63  }
0x72: {  	_ =	swait.ge [sflag:s31], $0x2800  }
0x73: {  	[sflag:s31] =	ssyncset.done $0x0  }
0x74: {  	s8 =	sadd.s32 $0xF0, s7;
	[sflag:s31] =	ssyncadd.s32 $0xFFFFD800  }
0x75: {  	[tilespmem:s23], [sflag:$0x2] =	stream.indirect.gather [hbm4b:s1+s20], $0x80, s8, s20, $0xb8;
	[tilespmem:$0x7780] =	vst v63  }
0x76: {  	_ =	swait.ge [sflag:s24], $0x2800  }
0x77: {  	[sflag:s24] =	ssyncset.done $0x0  }
0x78: {  	s8 =	sadd.s32 $0xFFFFFB00, s2;
	[sflag:s24] =	ssyncadd.s32 $0xFFFFD800  }
0x79: {  	[hbm4b:s8+s3] =	stream.linear.scatter [tilespmem:s21], [sflag:$0x5], $0x2800, $0x38;
	[tilespmem:$0x7780] =	vst v63  }
0x7a: {  	_ =	swait.ge [sflag:s25], $0x2800  }
0x7b: {  	[sflag:s25] =	ssyncset.done $0x0  }
0x7c: {  	s8 =	sadd.s32 $0x1450, s7;
	[sflag:s25] =	ssyncadd.s32 $0xFFFFD800  }
0x7d: {  	[tilespmem:s23], [sflag:$0x4] =	stream.indirect.gather.add.f32 [hbm:s4], $0x80, s8, s20, $0xb8;
	[tilespmem:$0x7780] =	vst v63  }
0x7e: {  	_ =	swait.ge [sflag:s28], $0x2800  }
0x7f: {  	[sflag:s28] =	ssyncset.done $0x0  }
.Ltmp3:
0x80: {  	s7 =	sadd.s32 $0x140, s7;
	[sflag:s28] =	ssyncadd.s32 $0xFFFFD800;
	(pc) =	sbr.rel @p1 .LBB2_6-.Ltmp3, $4  }
0x81: {  	[tilespmem:s21], [sflag:$0x1] =	stream.indirect.gather [hbm4b:s1+s20], $0x80, s7, s20, $0xb8;
	[tilespmem:$0x7780] =	vst v63  }
0x82: {  	_ =	swait.ge [sflag:s30], $0x2800  }
0x83: {  	[sflag:s30] =	ssyncset.done $0x0  }
0x84: {  	s2 =	sadd.s32 $0xA00, s2;
	[sflag:s30] =	ssyncadd.s32 $0xFFFFD800  }
.Ltmp4:
0x85: {  	_ = 	snop;
	(pc) =	sbr.rel .LBB2_7-.Ltmp4, $1  }
0x86: {  	_ =	sdelay $0x3  }
.LBB2_2:
0x87: {  	s5 =	rddreg [dreg:$0x5]  }
0x88: {  	[tilespmem:s2], [sflag:$0x7] =	stream.linear.gather [hbm4b:s5+s2], $0x13B0, $0x38;
	[tilespmem:$0x7780] =	vst v63  }
0x89: {  	_ =	swait.ge [sflag:s18], $0x13B0  }
0x8a: {  	[sflag:s18] =	ssyncset.done $0x0  }
0x8b: {  	s7 =	rddreg [dreg:$0x6];
	[sflag:s18] =	ssyncadd.s32 $0xFFFFEC50  }
0x8c: {  	[tilespmem:s26], [sflag:$0x7] =	stream.linear.gather [hbm4b:s7+s2], $0x13B0, $0x38;
	[tilespmem:$0x7780] =	vst v63  }
0x8d: {  	_ =	swait.ge [sflag:s18], $0x13B0  }
0x8e: {  	[sflag:s18] =	ssyncset.done $0x0  }
0x8f: {  	[sflag:s18] =	ssyncadd.s32 $0xFFFFEC50  }
0x90: {  	[tilespmem:s21], [sflag:$0x1] =	stream.indirect.gather [hbm4b:s1+s20], $0x80, s2, s20, $0xb8;
	[tilespmem:$0x7780] =	vst v63  }
0x91: {  	_ =	swait.ge [sflag:s22], $0x2800  }
0x92: {  	[sflag:s22] =	ssyncset.done $0x0  }
0x93: {  	[sflag:s22] =	ssyncadd.s32 $0xFFFFD800  }
0x94: {  	[tilespmem:s21], [sflag:$0x3] =	stream.indirect.gather.add.f32 [hbm:s4], $0x80, s26, s20, $0xb8;
	[tilespmem:$0x7780] =	vst v63  }
0x95: {  	_ = 	snop  }
0x96: {  	[tilespmem:s23], [sflag:$0x2] =	stream.indirect.gather [hbm4b:s1+s20], $0x80, s20, s20, $0xb8;
	[tilespmem:$0x7780] =	vst v63  }
0x97: {  	_ =	swait.ge [sflag:s24], $0x2800  }
0x98: {  	[sflag:s24] =	ssyncset.done $0x0  }
0x99: {  	[sflag:s24] =	ssyncadd.s32 $0xFFFFD800  }
0x9a: {  	[hbm4b:s11+s2] =	stream.linear.scatter [tilespmem:s21], [sflag:$0x5], $0x2800, $0x38;
	[tilespmem:$0x7780] =	vst v63  }
0x9b: {  	_ =	swait.ge [sflag:s25], $0x2800  }
0x9c: {  	[sflag:s25] =	ssyncset.done $0x0  }
0x9d: {  	s8 =	simm.s32 $0x1400;
	[sflag:s25] =	ssyncadd.s32 $0xFFFFD800  }
0x9e: {  	[tilespmem:s23], [sflag:$0x4] =	stream.indirect.gather.add.f32 [hbm:s4], $0x80, s8, s20, $0xb8;
	[tilespmem:$0x7780] =	vst v63  }
0x9f: {  	_ =	swait.ge [sflag:s28], $0x2800  }
0xa0: {  	[sflag:s28] =	ssyncset.done $0x0  }
0xa1: {  	[sflag:s28] =	ssyncadd.s32 $0xFFFFD800  }
0xa2: {  	[tilespmem:s21], [sflag:$0x1] =	stream.indirect.gather [hbm4b:s1+s20], $0x80, s29, s20, $0xb8;
	[tilespmem:$0x7780] =	vst v63  }
0xa3: {  	_ =	swait.ge [sflag:s30], $0x2800  }
0xa4: {  	[sflag:s30] =	ssyncset.done $0x0  }
0xa5: {  	[sflag:s30] =	ssyncadd.s32 $0xFFFFD800  }
0xa6: {  	[hbm4b:s12+s2] =	stream.linear.scatter [tilespmem:s23], [sflag:$0x6], $0x2800, $0x38;
	[tilespmem:$0x7780] =	vst v63  }
0xa7: {  	_ =	swait.ge [sflag:s22], $0x2800  }
0xa8: {  	[sflag:s22] =	ssyncset.done $0x0  }
0xa9: {  	s16 =	simm.s32 $0x1450;
	[sflag:s22] =	ssyncadd.s32 $0xFFFFD800  }
0xaa: {  	[tilespmem:s21], [sflag:$0x3] =	stream.indirect.gather.add.f32 [hbm:s4], $0x80, s16, s20, $0xb8;
	[tilespmem:$0x7780] =	vst v63  }
0xab: {  	_ =	swait.ge [sflag:s31], $0x2800  }
0xac: {  	[sflag:s31] =	ssyncset.done $0x0  }
0xad: {  	s5 =	simm.s32 $0xF0;
	[sflag:s31] =	ssyncadd.s32 $0xFFFFD800  }
0xae: {  	[tilespmem:s23], [sflag:$0x2] =	stream.indirect.gather [hbm4b:s1+s20], $0x80, s5, s20, $0xb8;
	[tilespmem:$0x7780] =	vst v63  }
0xaf: {  	_ =	swait.ge [sflag:s24], $0x2800  }
0xb0: {  	[sflag:s24] =	ssyncset.done $0x0  }
0xb1: {  	s7 =	sadd.s32 $0xFFFFFB00, s6;
	[sflag:s24] =	ssyncadd.s32 $0xFFFFD800  }
0xb2: {  	[hbm4b:s7+s3] =	stream.linear.scatter [tilespmem:s21], [sflag:$0x5], $0x2800, $0x38;
	[tilespmem:$0x7780] =	vst v63  }
0xb3: {  	_ =	swait.ge [sflag:s25], $0x2800  }
0xb4: {  	[sflag:s25] =	ssyncset.done $0x0  }
0xb5: {  	s8 =	simm.s32 $0x14A0;
	[sflag:s25] =	ssyncadd.s32 $0xFFFFD800  }
0xb6: {  	[tilespmem:s23], [sflag:$0x4] =	stream.indirect.gather.add.f32 [hbm:s4], $0x80, s8, s20, $0xb8;
	[tilespmem:$0x7780] =	vst v63  }
0xb7: {  	_ =	swait.ge [sflag:s28], $0x2800  }
0xb8: {  	[sflag:s28] =	ssyncset.done $0x0  }
0xb9: {  	s16 =	simm.s32 $0x140;
	[sflag:s28] =	ssyncadd.s32 $0xFFFFD800  }
0xba: {  	[tilespmem:s21], [sflag:$0x1] =	stream.indirect.gather [hbm4b:s1+s20], $0x80, s16, s20, $0xb8;
	[tilespmem:$0x7780] =	vst v63  }
0xbb: {  	_ =	swait.ge [sflag:s30], $0x2800  }
0xbc: {  	s2 =	simm.s32 $0x280;
	[sflag:s30] =	ssyncset.done $0x0  }
0xbd: {  	s5 =	sadd.s32 $0xA00, s6;
	s16 =	smov.u32 s6;
	[sflag:s30] =	ssyncadd.s32 $0xFFFFD800  }
.LBB2_3:
0xbe: {  	[hbm4b:s16+s3] =	stream.linear.scatter [tilespmem:s23], [sflag:$0x6], $0x2800, $0x38;
	[tilespmem:$0x7780] =	vst v63  }
0xbf: {  	s7 =	smov.u32 s2;
	s16 =	smov.u32 s5  }
0xc0: {  	p1 =	sne.s32 s2, $0x4880;
	s2 =	sadd.s32 $0x280, s2;
	_ =	swait.ge [sflag:s22], $0x2800  }
0xc1: {  	s7 =	sshra.s32 s7, $0x2;
	[sflag:s22] =	ssyncset.done $0x0  }
0xc2: {  	s8 =	sadd.s32 $0x1450, s7;
	[sflag:s22] =	ssyncadd.s32 $0xFFFFD800  }
0xc3: {  	[tilespmem:s21], [sflag:$0x3] =	stream.indirect.gather.add.f32 [hbm:s4], $0x80, s8, s20, $0xb8;
	[tilespmem:$0x7780] =	vst v63  }
0xc4: {  	_ =	swait.ge [sflag:s31], $0x2800  }
0xc5: {  	[sflag:s31] =	ssyncset.done $0x0  }
0xc6: {  	s8 =	sadd.s32 $0xF0, s7;
	[sflag:s31] =	ssyncadd.s32 $0xFFFFD800  }
0xc7: {  	[tilespmem:s23], [sflag:$0x2] =	stream.indirect.gather [hbm4b:s1+s20], $0x80, s8, s20, $0xb8;
	[tilespmem:$0x7780] =	vst v63  }
0xc8: {  	_ =	swait.ge [sflag:s24], $0x2800  }
0xc9: {  	[sflag:s24] =	ssyncset.done $0x0  }
0xca: {  	s8 =	sadd.s32 $0xFFFFFB00, s5;
	[sflag:s24] =	ssyncadd.s32 $0xFFFFD800  }
0xcb: {  	[hbm4b:s8+s3] =	stream.linear.scatter [tilespmem:s21], [sflag:$0x5], $0x2800, $0x38;
	[tilespmem:$0x7780] =	vst v63  }
0xcc: {  	_ =	swait.ge [sflag:s25], $0x2800  }
0xcd: {  	[sflag:s25] =	ssyncset.done $0x0  }
0xce: {  	s8 =	sadd.s32 $0x14A0, s7;
	[sflag:s25] =	ssyncadd.s32 $0xFFFFD800  }
0xcf: {  	[tilespmem:s23], [sflag:$0x4] =	stream.indirect.gather.add.f32 [hbm:s4], $0x80, s8, s20, $0xb8;
	[tilespmem:$0x7780] =	vst v63  }
0xd0: {  	_ =	swait.ge [sflag:s28], $0x2800  }
0xd1: {  	[sflag:s28] =	ssyncset.done $0x0  }
.Ltmp5:
0xd2: {  	s7 =	sadd.s32 $0x140, s7;
	[sflag:s28] =	ssyncadd.s32 $0xFFFFD800;
	(pc) =	sbr.rel @p1 .LBB2_3-.Ltmp5, $4  }
0xd3: {  	[tilespmem:s21], [sflag:$0x1] =	stream.indirect.gather [hbm4b:s1+s20], $0x80, s7, s20, $0xb8;
	[tilespmem:$0x7780] =	vst v63  }
0xd4: {  	_ =	swait.ge [sflag:s30], $0x2800  }
0xd5: {  	[sflag:s30] =	ssyncset.done $0x0  }
0xd6: {  	s5 =	sadd.s32 $0xA00, s5;
	[sflag:s30] =	ssyncadd.s32 $0xFFFFD800  }
0xd7: {  	[hbm4b:s16+s3] =	stream.linear.scatter [tilespmem:s23], [sflag:$0x6], $0x2800, $0x38;
	[tilespmem:$0x7780] =	vst v63  }
0xd8: {  	_ =	swait.ge [sflag:s22], $0x2800  }
0xd9: {  	[sflag:s22] =	ssyncset.done $0x0  }
0xda: {  	s2 =	simm.s32 $0x2710;
	[sflag:s22] =	ssyncadd.s32 $0xFFFFD800  }
0xdb: {  	[tilespmem:s21], [sflag:$0x3] =	stream.indirect.gather.add.f32 [hbm:s4], $0x80, s2, s20, $0xb8;
	[tilespmem:$0x7780] =	vst v63  }
.Ltmp6:
0xdc: {  	_ = 	snop;
	(pc) =	sbr.rel .LBB2_8-.Ltmp6, $4  }
0xdd: {  	_ =	swait.ge [sflag:s24], $0x2800  }
0xde: {  	[sflag:s24] =	ssyncset.done $0x0  }
0xdf: {  	s16 =	rddreg [dreg:$0x7];
	[sflag:s24] =	ssyncadd.s32 $0xFFFFD800  }
0xe0: {  	[hbm4b:s16+s3] =	stream.linear.scatter [tilespmem:s21], [sflag:$0x5], $0x2800, $0x38;
	[tilespmem:$0x7780] =	vst v63  }
.LBB2_9:
0xe1: {  	_ =	sfence.sel $0x180000  }
0xe2: {  	[bflag:$0x0] =	sbarrier.arrive $0xFFFF  }
0xe3: {  	_ =	strace $0x90000047  }
0xe4: {  	s0 =	stileid.u32;
	[bflag:$0x2] =	sbarrier.arrive $0xFFFF  }
0xe5: {  	p0 =	sne.s32 s0, $0x0;
	s0 =	rddreg [dreg:$0x4]  }
0xe6: {  	s0 =	sadd.s32 @!p0 $0x100000, s0  }
0xe7: {  	[sflag:s0] =	ssyncadd.tile.s32 @!p0 $0x1;
	_ =	shalt  }
.Lfunc_end2:
_tile_overlayer_lowered:
.L_overlay_start_2:
0xe8: {  	(tag) =	ssettag $0x2  }
0xe9: {  	s0 =	rddreg [dreg:$0x0];
	s2 =	stileid.u32  }
0xea: {  	s1 =	rddreg [dreg:$0x1];
	p0 =	sne.s32 s2, $0x0  }
0xeb: {  	s3 =	rddreg [dreg:$0x2];
	[bflag:$0x3] =	sbarrier.arrive $0xFFFF;
	s2 =	simm.s32 @!p0 $0x1C07  }
0xec: {  	[timem:s3], [sflag:s2] =	dma.local @!p0 [hbm:s0], s1  }
0xed: {  	s0 =	simm.s32 @!p0 $0x7  }
0xee: {  	_ =	swait.ge @!p0 [sflag:s0], s1  }
0xef: {  	s1 =	ssub.s32 @!p0 $0x0, s1;
	[sflag:s0] =	ssyncset.done @!p0 $0x0  }
0xf0: {  	[sflag:s0] =	ssyncadd.s32 @!p0 s1  }
0xf1: {  	[bflag:$0x3] =	sbarrier.arrive $0xFFFF  }
0xf2: {  	_ =	shalt  }

// kernel: kernel.16.cloned.1.call-start
scs
__scs_entry_jumppad:
0x0: {  	(pc) =	sbr.rel $0x88, $3  }
0x1: {  	(tag) =	ssettag $0x0;
	lr =	simm.s32 $0x1  }
0x2: {  	[smem:$0x3F98] =	sst lr;
	_ =	strace $0xD0000000  }
0x3: {  	_ = 	snop  }
0x4: {  	_ = 	snop  }
0x5: {  	_ = 	snop  }
0x6: {  	_ = 	snop  }
0x7: {  	_ = 	snop  }
__scs_overlays_trampoline_lowered:
0x8: {  	[smem:$0x3FA7] =	sst s0  }
0x9: {  	[smem:$0x3FA8] =	sst s1  }
0xa: {  	[smem:$0x3FA9] =	sst s2  }
0xb: {  	[smem:$0x3FAA] =	sst s3  }
0xc: {  	[smem:$0x3FAB] =	sst s4  }
0xd: {  	[smem:$0x3FAC] =	sst s5  }
0xe: {  	[smem:$0x3FAD] =	sst s6  }
0xf: {  	[smem:$0x3FAE] =	sst s7  }
0x10: {  	[smem:$0x3FAF] =	sst s8  }
0x11: {  	[smem:$0x3FB0] =	sst s9;
	s0 =	simm.s32 @!p0 $0x0  }
0x12: {  	s1 =	sld [smem:$0x3F96];
	s0 =	simm.s32 @p0 $0x1  }
0x13: {  	[smem:$0x3FB1] =	sst s0;
	s0 =	simm.s32 @!p1 $0x0  }
0x14: {  	s2 =	sld [smem:$0x3F95];
	s0 =	simm.s32 @p1 $0x1  }
0x15: {  	[smem:$0x3FB2] =	sst s0;
	s0 =	simm.s32 @!p2 $0x0  }
0x16: {  	s3 =	sld [smem:$0x3FDB];
	s0 =	simm.s32 @p2 $0x1  }
0x17: {  	s4 =	simm.s32 $0x1BF5;
	[smem:$0x3FB4] =	sst s0  }
0x18: {  	s0 =	sld [smem:$0x3F97];
	_ =	swait.ge [sflag:s4], $0x0  }
0x19: {  	s7 =	sld [smem:$0x3F98]  }
0x1a: {  	s8 =	sadd.s32 $0xFFFFE003, lr  }
0x1b: {  	s9 =	sadd.s32 $0xFFFFFEF7, lr;
	s5 =	simm.s32 $0xFFFFFFFF;
	p2 =	slt.u32 s8, $0xFFFFF086  }
0x1c: {  	p1 =	slt.u32 s9, $0xF7A;
	s5 =	simm.s32 @!p2 $0x0  }
0x1d: {  	s5 =	simm.s32 @p1 $0x1;
	p0 =	seq.s32 s7, s2  }
0x1e: {  	s7 =	smul.u32 @!p0 $0xF7A, s2;
	p2 =	seq.s32 @!p0 s5, $0x0  }
0x1f: {  	s9 =	smul.u32 $0xF7A, s1;
	s8 =	simm.s32 @!p0 $0x1BF5;
	p2 =	por !p2, p0  }
0x20: {  	[sflag:s8] =	ssyncset.s32 @!p0 $0xFFFFF086;
	s6 =	sadd.s32 @!p0 s3, s7;
	s7 =	simm.s32 @!p0 $0x108  }
0x21: {  	s3 =	sadd.s32 s3, s9;
	s6 =	sadd.s32 @!p0 $0x88, s6;
	s7 =	simm.s32 @p2 $0x1082  }
0x22: {  	[simem:s7], [sflag:s8] =	dma.local @!p0 [hbm:s6], $0xF7A  }
0x23: {  	s9 =	sor.u32 $0xD0000000, s2;
	s6 =	simm.s32 $0x108;
	_ =	swait.ge @!p0 [sflag:s8], $0x0  }
0x24: {  	s3 =	sadd.s32 $0x88, s3;
	s6 =	simm.s32 @!p1 $0x1082;
	[sflag:s4] =	ssyncset.s32 $0xFFFFF086  }
0x25: {  	[simem:s6], [sflag:s4] =	dma.local [hbm:s3], $0xF7A  }
0x26: {  	[smem:$0x3F98] =	sst s1;
	(tag) =	ssettag s2;
	_ =	strace s9  }
0x27: {  	s1 =	sld [smem:$0x3FA8]  }
0x28: {  	s2 =	sld [smem:$0x3FA9]  }
0x29: {  	s4 =	sld [smem:$0x3FAB]  }
0x2a: {  	p0 =	seq.s32 s5, $0x0;
	s5 =	sld [smem:$0x3FAC]  }
0x2b: {  	s6 =	sld [smem:$0x3FAD]  }
0x2c: {  	s7 =	sld [smem:$0x3FAE]  }
0x2d: {  	s3 =	simm.s32 $0x108;
	s8 =	sld [smem:$0x3FAF]  }
0x2e: {  	s3 =	simm.s32 @!p0 $0x1082;
	s9 =	sld [smem:$0x3FB0]  }
0x2f: {  	lr =	sadd.s32 s0, s3;
	s0 =	sld [smem:$0x3FA7]  }
0x30: {  	s3 =	sld [smem:$0x3FAA]  }
0x31: {  	[smem:$0x3FB3] =	sst s10  }
0x32: {  	s10 =	sld [smem:$0x3FB1];
	_ =	sdelay $0x3  }
0x33: {  	p0 =	seq.s32 s10, $0x1;
	s10 =	sld [smem:$0x3FB3];
	_ =	sdelay $0x3  }
0x34: {  	[smem:$0x3FB3] =	sst s10  }
0x35: {  	s10 =	sld [smem:$0x3FB2];
	_ =	sdelay $0x3  }
0x36: {  	p1 =	seq.s32 s10, $0x1;
	s10 =	sld [smem:$0x3FB3];
	_ =	sdelay $0x3  }
0x37: {  	[smem:$0x3FB3] =	sst s10  }
0x38: {  	s10 =	sld [smem:$0x3FB4]  }
0x39: {  	_ = 	snop;
	(pc) =	sbr.ind lr, $3  }
0x3a: {  	_ = 	snop  }
0x3b: {  	_ = 	snop  }
0x3c: {  	p2 =	seq.s32 s10, $0x1;
	s10 =	sld [smem:$0x3FB3]  }
0x3d: {  	_ =	shalt  }
0x3e: {  	_ =	shalt  }
0x3f: {  	_ =	shalt  }
0x40: {  	_ =	shalt  }
0x41: {  	_ =	shalt  }
0x42: {  	_ =	shalt  }
0x43: {  	_ =	shalt  }
0x44: {  	_ =	shalt  }
0x45: {  	_ =	shalt  }
0x46: {  	_ =	shalt  }
0x47: {  	_ =	shalt  }
0x48: {  	_ =	shalt  }
0x49: {  	_ =	shalt  }
0x4a: {  	_ =	shalt  }
0x4b: {  	_ =	shalt  }
0x4c: {  	_ =	shalt  }
0x4d: {  	_ =	shalt  }
0x4e: {  	_ =	shalt  }
0x4f: {  	_ =	shalt  }
0x50: {  	_ =	shalt  }
0x51: {  	_ =	shalt  }
0x52: {  	_ =	shalt  }
0x53: {  	_ =	shalt  }
0x54: {  	_ =	shalt  }
0x55: {  	_ =	shalt  }
0x56: {  	_ =	shalt  }
0x57: {  	_ =	shalt  }
0x58: {  	_ =	shalt  }
0x59: {  	_ =	shalt  }
0x5a: {  	_ =	shalt  }
0x5b: {  	_ =	shalt  }
0x5c: {  	_ =	shalt  }
0x5d: {  	_ =	shalt  }
0x5e: {  	_ =	shalt  }
0x5f: {  	_ =	shalt  }
0x60: {  	_ =	shalt  }
0x61: {  	_ =	shalt  }
0x62: {  	_ =	shalt  }
0x63: {  	_ =	shalt  }
0x64: {  	_ =	shalt  }
0x65: {  	_ =	shalt  }
0x66: {  	_ =	shalt  }
0x67: {  	_ =	shalt  }
0x68: {  	_ =	shalt  }
0x69: {  	_ =	shalt  }
0x6a: {  	_ =	shalt  }
0x6b: {  	_ =	shalt  }
0x6c: {  	_ =	shalt  }
0x6d: {  	_ =	shalt  }
0x6e: {  	_ =	shalt  }
0x6f: {  	_ =	shalt  }
0x70: {  	_ =	shalt  }
0x71: {  	_ =	shalt  }
0x72: {  	_ =	shalt  }
0x73: {  	_ =	shalt  }
0x74: {  	_ =	shalt  }
0x75: {  	_ =	shalt  }
0x76: {  	_ =	shalt  }
0x77: {  	_ =	shalt  }
0x78: {  	_ =	shalt  }
0x79: {  	_ =	shalt  }
0x7a: {  	_ =	shalt  }
0x7b: {  	_ =	shalt  }
0x7c: {  	_ =	shalt  }
0x7d: {  	_ =	shalt  }
0x7e: {  	_ =	shalt  }
0x7f: {  	_ =	shalt  }
0x80: {  	_ =	shalt  }
0x81: {  	_ =	shalt  }
0x82: {  	_ =	shalt  }
0x83: {  	_ =	shalt  }
0x84: {  	_ =	shalt  }
0x85: {  	_ =	shalt  }
0x86: {  	_ =	shalt  }
0x87: {  	_ =	shalt  }
.Lfunc_end0:
.L_simem_size_0:
called_computation.2_lowered:
.L_overlay_start_0:
0x88: {  	s2 =	sld [smem:$0x3FD9]  }
0x89: {  	s3 =	sld [smem:$0x3FFE];
	_ =	sdelay $0x1  }
0x8a: {  	s1 =	srdreg.scid  }
0x8b: {  	s0 =	sand.u32 $0x1, s1  }
0x8c: {  	s17 =	sshll.u32 s0, $0xA;
	s2 =	sadd.s32 s3, s2  }
0x8d: {  	s2 =	sadd.s32 s2, s17  }
0x8e: {  	[smem:$0x3FBF] =	sst s2  }
0x8f: {  	_ = 	snop  }
0x90: {  	s18 =	sld [smem:$0x3FC8]  }
0x91: {  	s4 =	sld [smem:$0x3FC7]  }
0x92: {  	s5 =	sld [smem:$0x3FD0];
	(tm) =	ssettm $0x1  }
0x93: {  	s19 =	sld [smem:$0x3FFB];
	_ =	sdelay $0x3  }
0x94: {  	_ =	strace s19  }
0x95: {  	s2 =	sld [smem:$0x3FFC];
	_ =	sdelay $0x3  }
0x96: {  	_ =	strace s2  }
0x97: {  	s2 =	sld [smem:$0x3FFD];
	_ =	sdelay $0x3  }
0x98: {  	_ =	strace s2  }
0x99: {  	_ =	strace $0x8FFFFFFF  }
0x9a: {  	s20 =	sld [smem:$0x3FDB];
	_ =	sdelay $0x1  }
0x9b: {  	s6 =	simm.s32 $_scs_section_size  }
0x9c: {  	s7 =	simm.s32 $_size__tile_overlayer_lowered;
	s8 =	simm.s32 $_tile_overlayer_lowered  }
0x9d: {  	s9 =	simm.s32 $0x1BFF;
	s21 =	sshll.u32 s8, $0x1;
	s6 =	sadd.s32 s6, s20  }
0x9e: {  	s22 =	simm.s32 $0x0;
	s7 =	sshll.u32 s7, $0x1;
	s8 =	sadd.s32 s21, s6  }
0x9f: {  	[timem:s22], [sflag:s9] =	dma.local [hbm:s8], s7  }
0xa0: {  	_ =	swait.ge [sflag:s9], s7  }
0xa1: {  	s7 =	ssub.s32 $0x0, s7;
	[sflag:s9] =	ssyncset.done $0x0  }
0xa2: {  	[sflag:s9] =	ssyncadd.s32 s7;
	_ =	sdelay $0x1  }
0xa3: {  	s23 =	simm.s32 $0x1B8B  }
0xa4: {  	_ =	swait.ge [sflag:s23], $0x1  }
0xa5: {  	[sflag:s23] =	ssyncset.done $0x0  }
0xa6: {  	[sflag:s23] =	ssyncadd.s32 $0xFFFFFFFF  }
0xa7: {  	s7 =	sld [smem:$0x0]  }
0xa8: {  	s8 =	sand.u32 $0xFFFFFFFE, s1  }
0xa9: {  	p0 =	sne.s32 s1, s8  }
0xaa: {  	s8 =	sshll.u32 @p0 s8, $0xE  }
0xab: {  	s8 =	sadd.s32 @p0 $0x11B8D, s8;
	s9 =	sshll.u32 @p0 s7, $0x11  }
0xac: {  	s8 =	sor.u32 @p0 s9, s8  }
0xad: {  	[sflag:s8] =	ssyncadd.remote.s32 @p0 $0x1;
	_ =	sdelay $0x1  }
0xae: {  	s8 =	simm.s32 @p0 $0x1B8D  }
0xaf: {  	_ =	swait.eq @p0 [sflag:s8], $0x1  }
0xb0: {  	[sflag:s8] =	ssyncadd.s32 @p0 $0xFFFFFFFF  }
0xb1: {  	s9 =	sshll.u32 @!p0 s1, $0xE  }
0xb2: {  	s9 =	sor.u32 @!p0 $0x4000, s9;
	s8 =	simm.s32 @!p0 $0x1B8D  }
0xb3: {  	s7 =	sshll.u32 @!p0 s7, $0x11;
	s9 =	sadd.s32 @!p0 $0x11B8D, s9;
	_ =	swait.eq @!p0 [sflag:s8], $0x1  }
0xb4: {  	s7 =	sor.u32 @!p0 s7, s9;
	[sflag:s8] =	ssyncadd.s32 @!p0 $0xFFFFFFFF  }
0xb5: {  	s25 =	simm.s32 $0x1B8E;
	s24 =	sld [smem:$0x3FFE];
	[sflag:s7] =	ssyncadd.remote.s32 @!p0 $0x1  }
0xb6: {  	s26 =	simm.s32 $execute0_lowered;
	[smem:$0x3FD2] =	sst s25  }
0xb7: {  	s8 =	sshll.u32 s26, $0x1;
	_ =	strace $0x8000004F;
	[dreg:$0x1] =	wrdreg $0xFFFFFFFF  }
0xb8: {  	s28 =	simm.s32 $_size_execute0_lowered;
	s6 =	sadd.s32 s6, s8;
	[dreg:$0x0] =	wrdreg $0x0  }
0xb9: {  	s8 =	sshll.u32 s28, $0x1;
	[dreg:$0x2] =	wrdreg s6  }
0xba: {  	[dreg:$0x3] =	wrdreg s8  }
0xbb: {  	[dreg:$0x4] =	wrdreg $0xC0  }
0xbc: {  	_ =	task [dreg:s22], $0x5FFFF  }
0xbd: {  	[dreg:$0x1] =	wrdreg $0xFFFFFFFF  }
0xbe: {  	[dreg:$0x0] =	wrdreg $0x60  }
0xbf: {  	[dreg:$0x2] =	wrdreg s5  }
0xc0: {  	[dreg:$0x3] =	wrdreg s18  }
0xc1: {  	[dreg:$0x4] =	wrdreg s4  }
0xc2: {  	[dreg:$0x5] =	wrdreg s24  }
0xc3: {  	[dreg:$0x6] =	wrdreg $0x0  }
0xc4: {  	[dreg:$0x7] =	wrdreg $0x9  }
0xc5: {  	_ =	task.clear_ibuf [dreg:s22], $0x8FFFF;
	_ =	strace $0x9000004F  }
0xc6: {  	s29 =	simm.s32 $0x9;
	_ =	strace $0x80000051  }
0xc7: {  	_ =	swait.ge [sflag:s29], $0x1  }
0xc8: {  	[sflag:s29] =	ssyncadd.s32 $0xFFFFFFFF  }
0xc9: {  	_ =	strace $0x90000051  }
0xca: {  	_ =	sfence  }
0xcb: {  	s30 =	sld [smem:$0x0];
	_ =	sdelay $0x2  }
0xcc: {  	s31 =	sshll.u32 s1, $0xD;
	s1 =	sshrl.u32 s1, $0x2  }
0xcd: {  	s4 =	sand.u32 $0x4000, s31;
	s1 =	sadd.s32 s1, s30  }
0xce: {  	s0 =	sor.u32 s4, s0;
	s1 =	sshll.u32 s1, $0x11  }
0xcf: {  	s0 =	sor.u32 s1, s0  }
0xd0: {  	s0 =	sadd.s32 $0x8F2B, s0  }
0xd1: {  	[sflag:s0] =	ssyncadd.remote.s32 $0x1  }
0xd2: {  	_ =	sfence.sel $0xFFFF  }
0xd3: {  	[dreg:$0x0] =	wrdreg $0xFFFFFFFF;
	(pc) =	sbr.abs _section_cstart, $3  }
0xd4: {  	[dreg:$0x1] =	wrdreg $0xFFFFFFFF  }
0xd5: {  	_ =	task.clear_ibuf [dreg:s22], $0x2FFFF;
	_ =	strace $0x9FFFFFFF  }
0xd6: {  	(tm) =	ssettm $0x7FFFFFFF  }
0xd7: {  	_ =	shalt  }
tec
execute0_lowered:
.L_overlay_start_1:
0x0: {  	(tag) =	ssettag $0x1  }
0x1: {  	s1 =	rddreg [dreg:$0x0]  }
0x2: {  	s0 =	rddreg [dreg:$0x1]  }
0x3: {  	s2 =	rddreg [dreg:$0x2]  }
0x4: {  	s4 =	rddreg [dreg:$0x3]  }
0x5: {  	s3 =	rddreg [dreg:$0x4]  }
0x6: {  	s5 =	srdreg.scid;
	s10 =	stileid.u32;
	s30 =	simm.s32 $0x13880  }
0x7: {  	s31 =	simm.s32 $0x1B100;
	s6 =	sand.u32 $0x1, s5;
	s25 =	smul.u32 $0x4E000, s10  }
0x8: {  	s5 =	simm.s32 $0x0;
	s12 =	sadd.s32 $0x51E00, s4;
	s26 =	smul.u32 $0x2700, s10  }
0x9: {  	s13 =	sadd.s32 $0x79000, s4;
	s9 =	sadd.s32 $0x138000, s3;
	s16 =	smul.u32 $0x2710, s10  }
0xa: {  	p1 =	sne.s32 s10, $0xF;
	p2 =	seq.s32 s10, $0xF;
	s7 =	sshll.u32 s6, $0x4  }
0xb: {  	[smem:$0x7FF] =	sst s5;
	s8 =	ssub.s32 $0x2, s6;
	p0 =	seq.s32 s6, $0x1  }
0xc: {  	s6 =	smul.u32 $0x27100, s6;
	s7 =	sor.u32 s10, s7;
	_ =	strace $0x80000050  }
0xd: {  	s24 =	sshrl.u32 s8, $0x1;
	s11 =	sshrl.u32 s25, $0x2;
	[dreg:$0x6] =	wrdreg s12  }
0xe: {  	s14 =	sadd.s32 s12, s26;
	[dreg:$0x7] =	wrdreg s13;
	s4 =	ssub.s32 s8, s24  }
0xf: {  	s11 =	sadd.s32 s11, s3;
	[dreg:$0xa] =	wrdreg s14;
	s15 =	smax.u32 s4, $0x1  }
0x10: {  	s12 =	simm.s32 $0x1;
	s17 =	sadd.s32 $0x1800, s11;
	[dreg:$0xc] =	wrdreg s15  }
0x11: {  	s10 =	simm.s32 $0x3;
	s18 =	sadd.s32 $0x3000, s11;
	[dreg:$0xd] =	wrdreg s17  }
0x12: {  	s7 =	smul.u32 $0x2710, s7;
	s19 =	sadd.s32 $0x4800, s11;
	[dreg:$0xe] =	wrdreg s18  }
0x13: {  	s8 =	simm.s32 $0x18800;
	s20 =	sadd.s32 $0x6000, s11;
	[dreg:$0xf] =	wrdreg s19  }
0x14: {  	s14 =	simm.s32 $0x6;
	s21 =	sadd.s32 $0x7800, s11;
	[dreg:$0x10] =	wrdreg s20  }
0x15: {  	s22 =	sadd.s32 $0x9000, s11;
	s23 =	sadd.s32 $0xA800, s11;
	[dreg:$0x11] =	wrdreg s21  }
0x16: {  	s25 =	sadd.s32 $0xC000, s11;
	s28 =	sadd.s32 $0x10800, s11;
	[dreg:$0x12] =	wrdreg s22  }
0x17: {  	s29 =	sadd.s32 $0x12000, s11;
	s7 =	sshrl.u32 s7, $0x3;
	[dreg:$0x13] =	wrdreg s23  }
0x18: {  	[dreg:$0x14] =	wrdreg s25;
	s15 =	simm.s32 $0x2;
	s0 =	sadd.s32 s0, s7  }
0x19: {  	s17 =	simm.s32 $0x0;
	s7 =	sadd.s32 s2, s7;
	[dreg:$0x8] =	wrdreg s0  }
0x1a: {  	[dreg:$0x9] =	wrdreg s7;
	s0 =	sadd.s32 s13, s26;
	s26 =	sadd.s32 $0xD800, s11  }
.Ltmp0:
0x1b: {  	s13 =	simm.s32 $0x1B000;
	[dreg:$0xb] =	wrdreg s0;
	(pc) =	sbr.rel .LBB2_1-.Ltmp0, $4  }
0x1c: {  	s7 =	simm.s32 $0x16000;
	s0 =	sadd.s32 s16, s6;
	[dreg:$0x15] =	wrdreg s26  }
0x1d: {  	s26 =	sadd.s32 $0xF000, s11;
	s6 =	simm.s32 $0x50;
	s24 =	sadd.s32 $0x50, s0  }
0x1e: {  	s16 =	simm.s32 $0x4;
	s4 =	sshrl.u32 s24, $0x3;
	s24 =	sadd.s32 $0xA0, s0  }
0x1f: {  	v0 =	vimm.f32 $0.0e+00;
	s0 =	simm.s32 $0x5;
	s25 =	sadd.s32 s4, s2;
	s4 =	simm.s32 $0x1B080  }
.LBB2_8:
0x20: {  	s19 =	sadd.s32 $0x27000, s19;
	s20 =	sshrl.u32 s9, $0x3  }
0x21: {  	[hbm:s19], [sflag:s18] =	dma.local [spmem:s20], $0x100  }
0x22: {  	_ =	swait.ge [sflag:s14], $0x100  }
0x23: {  	[sflag:s14] =	ssyncset.done $0x0  }
0x24: {  	[sflag:s14] =	ssyncadd.s32 $0xFFFFFF00  }
.LBB2_9:
0x25: {  	s17 =	sadd.s32 $0x1, s17;
	s18 =	rddreg [dreg:$0xc]  }
0x26: {  	p3 =	sne.s32 s17, s18  }
.Ltmp1:
0x27: {  	_ = 	snop;
	(pc) =	sbr.rel @!p3 .LBB2_10-.Ltmp1, $1  }
0x28: {  	_ =	sdelay $0x3  }
.LBB2_1:
0x29: {  	s18 =	rddreg [dreg:$0x8];
	s23 =	sand.u32 $0x7E00, s5  }
0x2a: {  	[tilespmem:s30], [sflag:$0x1] =	stream.linear.gather [hbm4b:s18+s5], $0x2710, $0x38;
	[tilespmem:$0x1C900] =	vst v63  }
0x2b: {  	s19 =	sand.u32 $0x70, s5;
	s20 =	sshrl.u32 s23, $0x2  }
0x2c: {  	s18 =	simm.s32 $0x40;
	s20 =	sor.u32 s19, s20;
	s19 =	simm.s32 $0x0  }
.LBB2_2:
0x2d: {  	p3 =	sne.s32 s18, $0x5FC0  }
0x2e: {  	[tilespmem:s20+$0x1B100] =	vst v0;
	s19 =	sadd.s32 $0x10, s19;
	s20 =	smov.u32 s18;
	s18 =	sadd.s32 $0x40, s18  }
.Ltmp2:
0x2f: {  	(pc) =	sbr.rel @p3 .LBB2_2-.Ltmp2, $4  }
0x30: {  	_ = 	snop  }
0x31: {  	s20 =	sand.u32 $0x7E00, s20  }
0x32: {  	s21 =	sand.u32 $0x70, s19;
	s20 =	sshrl.u32 s20, $0x2  }
0x33: {  	s20 =	sor.u32 s21, s20  }
0x34: {  	[tilespmem:s20+$0x1B100] =	vst v0  }
0x35: {  	[spmem:s11] =	stream.linear.scatter [tilespmem:s31], [sflag:$0x5], $0x1800, $0x38;
	[tilespmem:$0x1C900] =	vst v63  }
0x36: {  	s18 =	rddreg [dreg:$0xd]  }
0x37: {  	[spmem:s18] =	stream.linear.scatter [tilespmem:s31], [sflag:$0x5], $0x1800, $0x38;
	[tilespmem:$0x1C900] =	vst v63  }
0x38: {  	s20 =	rddreg [dreg:$0xe]  }
0x39: {  	[spmem:s20] =	stream.linear.scatter [tilespmem:s31], [sflag:$0x5], $0x1800, $0x38;
	[tilespmem:$0x1C900] =	vst v63  }
0x3a: {  	s21 =	rddreg [dreg:$0xf]  }
0x3b: {  	[spmem:s21] =	stream.linear.scatter [tilespmem:s31], [sflag:$0x5], $0x1800, $0x38;
	[tilespmem:$0x1C900] =	vst v63  }
0x3c: {  	s22 =	rddreg [dreg:$0x10]  }
0x3d: {  	[spmem:s22] =	stream.linear.scatter [tilespmem:s31], [sflag:$0x5], $0x1800, $0x38;
	[tilespmem:$0x1C900] =	vst v63  }
0x3e: {  	s23 =	rddreg [dreg:$0x11]  }
0x3f: {  	[spmem:s23] =	stream.linear.scatter [tilespmem:s31], [sflag:$0x5], $0x1800, $0x38;
	[tilespmem:$0x1C900] =	vst v63  }
0x40: {  	s19 =	rddreg [dreg:$0x12]  }
0x41: {  	[spmem:s19] =	stream.linear.scatter [tilespmem:s31], [sflag:$0x5], $0x1800, $0x38;
	[tilespmem:$0x1C900] =	vst v63  }
0x42: {  	s20 =	rddreg [dreg:$0x13]  }
0x43: {  	[spmem:s20] =	stream.linear.scatter [tilespmem:s31], [sflag:$0x5], $0x1800, $0x38;
	[tilespmem:$0x1C900] =	vst v63  }
0x44: {  	s21 =	rddreg [dreg:$0x14]  }
0x45: {  	[spmem:s21] =	stream.linear.scatter [tilespmem:s31], [sflag:$0x5], $0x1800, $0x38;
	[tilespmem:$0x1C900] =	vst v63  }
0x46: {  	s22 =	rddreg [dreg:$0x15]  }
0x47: {  	[spmem:s22] =	stream.linear.scatter [tilespmem:s31], [sflag:$0x5], $0x1800, $0x38;
	[tilespmem:$0x1C900] =	vst v63  }
0x48: {  	_ = 	snop  }
0x49: {  	[spmem:s26] =	stream.linear.scatter [tilespmem:s31], [sflag:$0x5], $0x1800, $0x38;
	[tilespmem:$0x1C900] =	vst v63  }
0x4a: {  	_ = 	snop  }
0x4b: {  	[spmem:s28] =	stream.linear.scatter [tilespmem:s31], [sflag:$0x5], $0x1800, $0x38;
	[tilespmem:$0x1C900] =	vst v63  }
0x4c: {  	_ = 	snop  }
0x4d: {  	[spmem:s29] =	stream.linear.scatter [tilespmem:s31], [sflag:$0x5], $0x1800, $0x38;
	[tilespmem:$0x1C900] =	vst v63  }
0x4e: {  	_ =	swait.ge [sflag:s0], $0x1800  }
0x4f: {  	[sflag:s0] =	ssyncset.done $0x0  }
0x50: {  	[sflag:s0] =	ssyncadd.s32 $0xFFFFE800  }
0x51: {  	_ =	swait.ge [sflag:s0], $0x1800  }
0x52: {  	[sflag:s0] =	ssyncset.done $0x0  }
0x53: {  	[sflag:s0] =	ssyncadd.s32 $0xFFFFE800  }
0x54: {  	_ =	swait.ge [sflag:s0], $0x1800  }
0x55: {  	[sflag:s0] =	ssyncset.done $0x0  }
0x56: {  	[sflag:s0] =	ssyncadd.s32 $0xFFFFE800  }
0x57: {  	_ =	swait.ge [sflag:s0], $0x1800  }
0x58: {  	[sflag:s0] =	ssyncset.done $0x0  }
0x59: {  	[sflag:s0] =	ssyncadd.s32 $0xFFFFE800  }
0x5a: {  	_ =	swait.ge [sflag:s0], $0x1800  }
0x5b: {  	[sflag:s0] =	ssyncset.done $0x0  }
0x5c: {  	[sflag:s0] =	ssyncadd.s32 $0xFFFFE800  }
0x5d: {  	_ =	swait.ge [sflag:s0], $0x1800  }
0x5e: {  	[sflag:s0] =	ssyncset.done $0x0  }
0x5f: {  	[sflag:s0] =	ssyncadd.s32 $0xFFFFE800  }
0x60: {  	_ =	swait.ge [sflag:s0], $0x1800  }
0x61: {  	[sflag:s0] =	ssyncset.done $0x0  }
0x62: {  	[sflag:s0] =	ssyncadd.s32 $0xFFFFE800  }
0x63: {  	_ =	swait.ge [sflag:s0], $0x1800  }
0x64: {  	[sflag:s0] =	ssyncset.done $0x0  }
0x65: {  	[sflag:s0] =	ssyncadd.s32 $0xFFFFE800  }
0x66: {  	_ =	swait.ge [sflag:s0], $0x1800  }
0x67: {  	[sflag:s0] =	ssyncset.done $0x0  }
0x68: {  	[sflag:s0] =	ssyncadd.s32 $0xFFFFE800  }
0x69: {  	_ =	swait.ge [sflag:s0], $0x1800  }
0x6a: {  	[sflag:s0] =	ssyncset.done $0x0  }
0x6b: {  	[sflag:s0] =	ssyncadd.s32 $0xFFFFE800  }
0x6c: {  	_ =	swait.ge [sflag:s0], $0x1800  }
0x6d: {  	[sflag:s0] =	ssyncset.done $0x0  }
0x6e: {  	[sflag:s0] =	ssyncadd.s32 $0xFFFFE800  }
0x6f: {  	_ =	swait.ge [sflag:s0], $0x1800  }
0x70: {  	[sflag:s0] =	ssyncset.done $0x0  }
0x71: {  	[sflag:s0] =	ssyncadd.s32 $0xFFFFE800  }
0x72: {  	_ =	swait.ge [sflag:s0], $0x1800  }
0x73: {  	[sflag:s0] =	ssyncset.done $0x0  }
0x74: {  	s18 =	simm.s32 @!p1 $0x1B100;
	[sflag:s0] =	ssyncadd.s32 $0xFFFFE800  }
0x75: {  	[spmem:s9] =	stream.linear.scatter @!p1 [tilespmem:s18], [sflag:$0x6], $0x800, $0x38;
	[tilespmem:$0x1C900] =	vst v63  }
0x76: {  	s18 =	simm.s32 @!p1 $0x6  }
0x77: {  	_ =	swait.ge @!p1 [sflag:s18], $0x800  }
0x78: {  	[sflag:s18] =	ssyncset.done @!p1 $0x0  }
0x79: {  	[sflag:s18] =	ssyncadd.s32 @!p1 $0xFFFFF800  }
0x7a: {  	_ =	swait.ge [sflag:s12], $0x2710  }
0x7b: {  	[sflag:s12] =	ssyncset.done $0x0  }
0x7c: {  	[sflag:s12] =	ssyncadd.s32 $0xFFFFD8F0  }
0x7d: {  	[bflag:$0x0] =	sbarrier.arrive $0xFFFF  }
0x7e: {  	s23 =	simm.s32 $0x0;
	s19 =	rddreg [dreg:$0x9]  }
0x7f: {  	[tilespmem:s13], [sflag:$0x3] =	stream.linear.gather [hbm4b:s19+s23], $0x50, $0x38;
	[tilespmem:$0x1C900] =	vst v63  }
0x80: {  	_ = 	snop  }
0x81: {  	[tilespmem:s7], [sflag:$0x1] =	stream.indirect.gather [hbm4b:s1+s6], $0x80, s30, s6, $0xb8;
	[tilespmem:$0x1C900] =	vst v63  }
0x82: {  	s20 =	sadd.s32 $0x0, s25  }
0x83: {  	[tilespmem:s4], [sflag:$0x4] =	stream.linear.gather [hbm4b:s20+s5], $0x50, $0x38;
	[tilespmem:$0x1C900] =	vst v63  }
0x84: {  	s21 =	simm.s32 $0x138D0  }
0x85: {  	[tilespmem:s8], [sflag:$0x2] =	stream.indirect.gather [hbm4b:s1+s6], $0x80, s21, s6, $0xb8;
	[tilespmem:$0x1C900] =	vst v63  }
0x86: {  	_ =	swait.ge [sflag:s12], $0x2800  }
0x87: {  	[sflag:s12] =	ssyncset.done $0x0  }
0x88: {  	[sflag:s12] =	ssyncadd.s32 $0xFFFFD800  }
0x89: {  	_ =	swait.ge [sflag:s10], $0x50  }
0x8a: {  	[sflag:s10] =	ssyncset.done $0x0  }
0x8b: {  	[sflag:s10] =	ssyncadd.s32 $0xFFFFFFB0  }
0x8c: {  	[spmem:s3] =	stream.indirect.scatter.add.f32 [tilespmem:s7], [sflag:$0x6], $0x80, s13, s6, $0xb8;
	[tilespmem:$0x1C900] =	vst v63  }
0x8d: {  	_ =	swait.ge [sflag:s14], $0x2800  }
0x8e: {  	s22 =	sshrl.u32 s24, $0x3;
	[sflag:s14] =	ssyncset.done $0x0  }
0x8f: {  	s18 =	sadd.s32 s2, s22;
	[sflag:s14] =	ssyncadd.s32 $0xFFFFD800  }
0x90: {  	[tilespmem:s13], [sflag:$0x3] =	stream.linear.gather [hbm4b:s18+s5], $0x50, $0x38;
	[tilespmem:$0x1C900] =	vst v63  }
0x91: {  	s23 =	simm.s32 $0x13920  }
0x92: {  	[tilespmem:s7], [sflag:$0x1] =	stream.indirect.gather [hbm4b:s1+s6], $0x80, s23, s6, $0xb8;
	[tilespmem:$0x1C900] =	vst v63  }
0x93: {  	_ =	swait.ge [sflag:s15], $0x2800  }
0x94: {  	[sflag:s15] =	ssyncset.done $0x0  }
0x95: {  	[sflag:s15] =	ssyncadd.s32 $0xFFFFD800  }
0x96: {  	_ =	swait.ge [sflag:s16], $0x50  }
0x97: {  	[sflag:s16] =	ssyncset.done $0x0  }
0x98: {  	[sflag:s16] =	ssyncadd.s32 $0xFFFFFFB0  }
0x99: {  	[spmem:s3] =	stream.indirect.scatter.add.f32 [tilespmem:s8], [sflag:$0x6], $0x80, s4, s6, $0xb8;
	[tilespmem:$0x1C900] =	vst v63  }
0x9a: {  	s19 =	sadd.s32 $0xA0, s24;
	s20 =	simm.s32 $0x14;
	_ =	swait.ge [sflag:s14], $0x2800  }
0x9b: {  	s21 =	simm.s32 $0x28;
	s18 =	simm.s32 $0x139C0;
	[sflag:s14] =	ssyncset.done $0x0  }
.LBB2_4:
0x9c: {  	s22 =	sadd.s32 s20, s25  }
0x9d: {  	[sflag:s14] =	ssyncadd.s32 $0xFFFFD800;
	s20 =	smov.u32 s21;
	s23 =	sadd.s32 $0x14, s21  }
0x9e: {  	[tilespmem:s4], [sflag:$0x4] =	stream.linear.gather [hbm4b:s22+s5], $0x50, $0x38;
	[tilespmem:$0x1C900] =	vst v63  }
0x9f: {  	p3 =	sne.s32 s21, $0x4C4;
	s21 =	sadd.s32 $0xFFFFFFB0, s18  }
0xa0: {  	[tilespmem:s8], [sflag:$0x2] =	stream.indirect.gather [hbm4b:s1+s6], $0x80, s21, s6, $0xb8;
	[tilespmem:$0x1C900] =	vst v63  }
0xa1: {  	_ =	swait.ge [sflag:s12], $0x2800  }
0xa2: {  	[sflag:s12] =	ssyncset.done $0x0  }
0xa3: {  	[sflag:s12] =	ssyncadd.s32 $0xFFFFD800  }
0xa4: {  	_ =	swait.ge [sflag:s10], $0x50  }
0xa5: {  	[sflag:s10] =	ssyncset.done $0x0  }
0xa6: {  	[sflag:s10] =	ssyncadd.s32 $0xFFFFFFB0  }
0xa7: {  	[spmem:s3] =	stream.indirect.scatter.add.f32 [tilespmem:s7], [sflag:$0x6], $0x80, s13, s6, $0xb8;
	[tilespmem:$0x1C900] =	vst v63  }
0xa8: {  	_ =	swait.ge [sflag:s14], $0x2800  }
0xa9: {  	s21 =	sshrl.u32 s19, $0x3;
	[sflag:s14] =	ssyncset.done $0x0  }
0xaa: {  	s21 =	sadd.s32 s2, s21;
	[sflag:s14] =	ssyncadd.s32 $0xFFFFD800  }
0xab: {  	[tilespmem:s13], [sflag:$0x3] =	stream.linear.gather [hbm4b:s21+s5], $0x50, $0x38;
	[tilespmem:$0x1C900] =	vst v63  }
0xac: {  	_ = 	snop  }
0xad: {  	[tilespmem:s7], [sflag:$0x1] =	stream.indirect.gather [hbm4b:s1+s6], $0x80, s18, s6, $0xb8;
	[tilespmem:$0x1C900] =	vst v63  }
0xae: {  	_ =	swait.ge [sflag:s15], $0x2800  }
0xaf: {  	[sflag:s15] =	ssyncset.done $0x0  }
0xb0: {  	[sflag:s15] =	ssyncadd.s32 $0xFFFFD800  }
0xb1: {  	_ =	swait.ge [sflag:s16], $0x50  }
.Ltmp3:
0xb2: {  	[sflag:s16] =	ssyncset.done $0x0;
	(pc) =	sbr.rel @p3 .LBB2_4-.Ltmp3, $4  }
0xb3: {  	[sflag:s16] =	ssyncadd.s32 $0xFFFFFFB0  }
0xb4: {  	[spmem:s3] =	stream.indirect.scatter.add.f32 [tilespmem:s8], [sflag:$0x6], $0x80, s4, s6, $0xb8;
	[tilespmem:$0x1C900] =	vst v63  }
0xb5: {  	s19 =	sadd.s32 $0xA0, s19;
	_ =	swait.ge [sflag:s14], $0x2800  }
0xb6: {  	s21 =	smov.u32 s23;
	s18 =	sadd.s32 $0xA0, s18;
	[sflag:s14] =	ssyncset.done $0x0  }
0xb7: {  	s20 =	sadd.s32 s20, s25;
	[sflag:s14] =	ssyncadd.s32 $0xFFFFD800  }
0xb8: {  	[tilespmem:s4], [sflag:$0x4] =	stream.linear.gather [hbm4b:s20+s5], $0x50, $0x38;
	[tilespmem:$0x1C900] =	vst v63  }
0xb9: {  	s22 =	sadd.s32 $0xFFFFFFB0, s18  }
0xba: {  	[tilespmem:s8], [sflag:$0x2] =	stream.indirect.gather [hbm4b:s1+s6], $0x80, s22, s6, $0xb8;
	[tilespmem:$0x1C900] =	vst v63  }
0xbb: {  	_ =	swait.ge [sflag:s12], $0x2800  }
0xbc: {  	[sflag:s12] =	ssyncset.done $0x0  }
0xbd: {  	[sflag:s12] =	ssyncadd.s32 $0xFFFFD800  }
0xbe: {  	_ =	swait.ge [sflag:s10], $0x50  }
0xbf: {  	[sflag:s10] =	ssyncset.done $0x0  }
0xc0: {  	[sflag:s10] =	ssyncadd.s32 $0xFFFFFFB0  }
0xc1: {  	[spmem:s3] =	stream.indirect.scatter.add.f32 [tilespmem:s7], [sflag:$0x6], $0x80, s13, s6, $0xb8;
	[tilespmem:$0x1C900] =	vst v63  }
0xc2: {  	_ =	swait.ge [sflag:s14], $0x2800  }
0xc3: {  	s19 =	sshrl.u32 s19, $0x3;
	[sflag:s14] =	ssyncset.done $0x0  }
0xc4: {  	s19 =	sadd.s32 s2, s19;
	[sflag:s14] =	ssyncadd.s32 $0xFFFFD800  }
0xc5: {  	[tilespmem:s13], [sflag:$0x3] =	stream.linear.gather [hbm4b:s19+s5], $0x50, $0x38;
	[tilespmem:$0x1C900] =	vst v63  }
0xc6: {  	_ = 	snop  }
0xc7: {  	[tilespmem:s7], [sflag:$0x1] =	stream.indirect.gather [hbm4b:s1+s6], $0x80, s18, s6, $0xb8;
	[tilespmem:$0x1C900] =	vst v63  }
0xc8: {  	_ =	swait.ge [sflag:s15], $0x2800  }
0xc9: {  	[sflag:s15] =	ssyncset.done $0x0  }
0xca: {  	[sflag:s15] =	ssyncadd.s32 $0xFFFFD800  }
0xcb: {  	_ =	swait.ge [sflag:s16], $0x50  }
0xcc: {  	[sflag:s16] =	ssyncset.done $0x0  }
0xcd: {  	[sflag:s16] =	ssyncadd.s32 $0xFFFFFFB0  }
0xce: {  	[spmem:s3] =	stream.indirect.scatter.add.f32 [tilespmem:s8], [sflag:$0x6], $0x80, s4, s6, $0xb8;
	[tilespmem:$0x1C900] =	vst v63  }
0xcf: {  	_ =	swait.ge [sflag:s14], $0x2800  }
0xd0: {  	[sflag:s14] =	ssyncset.done $0x0  }
0xd1: {  	[sflag:s14] =	ssyncadd.s32 $0xFFFFD800  }
0xd2: {  	_ =	swait.ge [sflag:s12], $0x2800  }
0xd3: {  	[sflag:s12] =	ssyncset.done $0x0  }
0xd4: {  	[sflag:s12] =	ssyncadd.s32 $0xFFFFD800  }
0xd5: {  	_ =	swait.ge [sflag:s10], $0x50  }
0xd6: {  	[sflag:s10] =	ssyncset.done $0x0  }
0xd7: {  	[sflag:s10] =	ssyncadd.s32 $0xFFFFFFB0  }
0xd8: {  	[spmem:s3] =	stream.indirect.scatter.add.f32 [tilespmem:s7], [sflag:$0x6], $0x80, s13, s6, $0xb8;
	[tilespmem:$0x1C900] =	vst v63  }
.Ltmp4:
0xd9: {  	_ =	swait.ge [sflag:s14], $0x2800;
	(pc) =	sbr.rel @!p0 .LBB2_6-.Ltmp4, $4  }
0xda: {  	[sflag:s14] =	ssyncset.done $0x0  }
0xdb: {  	s23 =	stileid.u32;
	[sflag:s14] =	ssyncadd.s32 $0xFFFFD800  }
0xdc: {  	s20 =	sshll.u32 s23, $0x6;
	[bflag:$0x0] =	sbarrier.arrive $0xFFFF  }
0xdd: {  	s19 =	sshrl.u32 s11, $0x3;
	s18 =	sor.u32 $0x1C06, s20  }
0xde: {  	s18 =	sor.u32 $0x1C06, s20;
	s23 =	rddreg [dreg:$0xb]  }
0xdf: {  	[hbm:s23], [sflag:s18] =	dma.local [spmem:s19], $0x2700  }
.Ltmp5:
0xe0: {  	_ = 	snop;
	(pc) =	sbr.rel @p1 .LBB2_9-.Ltmp5, $4  }
.Ltmp6:
0xe1: {  	_ = 	snop;
	(pc) =	sbr.rel @!p1 .LBB2_8-.Ltmp6, $4  }
0xe2: {  	_ =	swait.ge [sflag:s14], $0x2700  }
0xe3: {  	[sflag:s14] =	ssyncset.done $0x0  }
0xe4: {  	s19 =	rddreg [dreg:$0x7];
	[sflag:s14] =	ssyncadd.s32 $0xFFFFD900  }
0xe5: {  	_ = 	snop  }
.LBB2_6:
0xe6: {  	s20 =	rddreg [dreg:$0xa]  }
0xe7: {  	[hbm:s20], [sflag:s18] =	dma.local [spmem:s19], $0x2700  }
.Ltmp7:
0xe8: {  	_ = 	snop;
	(pc) =	sbr.rel @p2 .LBB2_8-.Ltmp7, $4  }
.Ltmp8:
0xe9: {  	_ = 	snop;
	(pc) =	sbr.rel @!p2 .LBB2_9-.Ltmp8, $4  }
0xea: {  	_ =	swait.ge [sflag:s14], $0x2700  }
0xeb: {  	[sflag:s14] =	ssyncset.done $0x0  }
0xec: {  	s19 =	rddreg [dreg:$0x6];
	[sflag:s14] =	ssyncadd.s32 $0xFFFFD900  }
0xed: {  	_ = 	snop  }
.LBB2_10:
0xee: {  	_ =	sfence.sel $0x180000  }
0xef: {  	[bflag:$0x0] =	sbarrier.arrive $0xFFFF  }
0xf0: {  	_ =	strace $0x90000050  }
0xf1: {  	s0 =	stileid.u32;
	[bflag:$0x2] =	sbarrier.arrive $0xFFFF  }
0xf2: {  	p0 =	sne.s32 s0, $0x0;
	s0 =	rddreg [dreg:$0x5]  }
0xf3: {  	s0 =	sadd.s32 @!p0 $0x100000, s0  }
0xf4: {  	[sflag:s0] =	ssyncadd.tile.s32 @!p0 $0x1;
	_ =	shalt  }
.Lfunc_end2:
_tile_overlayer_lowered:
.L_overlay_start_2:
0xf5: {  	(tag) =	ssettag $0x2  }
0xf6: {  	s0 =	rddreg [dreg:$0x0];
	s2 =	stileid.u32  }
0xf7: {  	s1 =	rddreg [dreg:$0x1];
	p0 =	sne.s32 s2, $0x0  }
0xf8: {  	s3 =	rddreg [dreg:$0x2];
	[bflag:$0x3] =	sbarrier.arrive $0xFFFF;
	s2 =	simm.s32 @!p0 $0x1C06  }
0xf9: {  	[timem:s3], [sflag:s2] =	dma.local @!p0 [hbm:s0], s1  }
0xfa: {  	s0 =	simm.s32 @!p0 $0x6  }
0xfb: {  	_ =	swait.ge @!p0 [sflag:s0], s1  }
0xfc: {  	s1 =	ssub.s32 @!p0 $0x0, s1;
	[sflag:s0] =	ssyncset.done @!p0 $0x0  }
0xfd: {  	[sflag:s0] =	ssyncadd.s32 @!p0 s1  }
0xfe: {  	[bflag:$0x3] =	sbarrier.arrive $0xFFFF  }
0xff: {  	_ =	shalt  }

// kernel: kernel.19.cloned.1.call-start
scs
__scs_entry_jumppad:
0x0: {  	(pc) =	sbr.rel $0x88, $3  }
0x1: {  	(tag) =	ssettag $0x0;
	lr =	simm.s32 $0x1  }
0x2: {  	[smem:$0x3F98] =	sst lr;
	_ =	strace $0xD0000000  }
0x3: {  	_ = 	snop  }
0x4: {  	_ = 	snop  }
0x5: {  	_ = 	snop  }
0x6: {  	_ = 	snop  }
0x7: {  	_ = 	snop  }
__scs_overlays_trampoline_lowered:
0x8: {  	[smem:$0x3FA7] =	sst s0  }
0x9: {  	[smem:$0x3FA8] =	sst s1  }
0xa: {  	[smem:$0x3FA9] =	sst s2  }
0xb: {  	[smem:$0x3FAA] =	sst s3  }
0xc: {  	[smem:$0x3FAB] =	sst s4  }
0xd: {  	[smem:$0x3FAC] =	sst s5  }
0xe: {  	[smem:$0x3FAD] =	sst s6  }
0xf: {  	[smem:$0x3FAE] =	sst s7  }
0x10: {  	[smem:$0x3FAF] =	sst s8  }
0x11: {  	[smem:$0x3FB0] =	sst s9;
	s0 =	simm.s32 @!p0 $0x0  }
0x12: {  	s1 =	sld [smem:$0x3F96];
	s0 =	simm.s32 @p0 $0x1  }
0x13: {  	[smem:$0x3FB1] =	sst s0;
	s0 =	simm.s32 @!p1 $0x0  }
0x14: {  	s2 =	sld [smem:$0x3F95];
	s0 =	simm.s32 @p1 $0x1  }
0x15: {  	[smem:$0x3FB2] =	sst s0;
	s0 =	simm.s32 @!p2 $0x0  }
0x16: {  	s3 =	sld [smem:$0x3FDB];
	s0 =	simm.s32 @p2 $0x1  }
0x17: {  	s4 =	simm.s32 $0x1BF5;
	[smem:$0x3FB4] =	sst s0  }
0x18: {  	s0 =	sld [smem:$0x3F97];
	_ =	swait.ge [sflag:s4], $0x0  }
0x19: {  	s7 =	sld [smem:$0x3F98]  }
0x1a: {  	s8 =	sadd.s32 $0xFFFFE003, lr  }
0x1b: {  	s9 =	sadd.s32 $0xFFFFFEF7, lr;
	s5 =	simm.s32 $0xFFFFFFFF;
	p2 =	slt.u32 s8, $0xFFFFF086  }
0x1c: {  	p1 =	slt.u32 s9, $0xF7A;
	s5 =	simm.s32 @!p2 $0x0  }
0x1d: {  	s5 =	simm.s32 @p1 $0x1;
	p0 =	seq.s32 s7, s2  }
0x1e: {  	s7 =	smul.u32 @!p0 $0xF7A, s2;
	p2 =	seq.s32 @!p0 s5, $0x0  }
0x1f: {  	s9 =	smul.u32 $0xF7A, s1;
	s8 =	simm.s32 @!p0 $0x1BF5;
	p2 =	por !p2, p0  }
0x20: {  	[sflag:s8] =	ssyncset.s32 @!p0 $0xFFFFF086;
	s6 =	sadd.s32 @!p0 s3, s7;
	s7 =	simm.s32 @!p0 $0x108  }
0x21: {  	s3 =	sadd.s32 s3, s9;
	s6 =	sadd.s32 @!p0 $0x88, s6;
	s7 =	simm.s32 @p2 $0x1082  }
0x22: {  	[simem:s7], [sflag:s8] =	dma.local @!p0 [hbm:s6], $0xF7A  }
0x23: {  	s9 =	sor.u32 $0xD0000000, s2;
	s6 =	simm.s32 $0x108;
	_ =	swait.ge @!p0 [sflag:s8], $0x0  }
0x24: {  	s3 =	sadd.s32 $0x88, s3;
	s6 =	simm.s32 @!p1 $0x1082;
	[sflag:s4] =	ssyncset.s32 $0xFFFFF086  }
0x25: {  	[simem:s6], [sflag:s4] =	dma.local [hbm:s3], $0xF7A  }
0x26: {  	[smem:$0x3F98] =	sst s1;
	(tag) =	ssettag s2;
	_ =	strace s9  }
0x27: {  	s1 =	sld [smem:$0x3FA8]  }
0x28: {  	s2 =	sld [smem:$0x3FA9]  }
0x29: {  	s4 =	sld [smem:$0x3FAB]  }
0x2a: {  	p0 =	seq.s32 s5, $0x0;
	s5 =	sld [smem:$0x3FAC]  }
0x2b: {  	s6 =	sld [smem:$0x3FAD]  }
0x2c: {  	s7 =	sld [smem:$0x3FAE]  }
0x2d: {  	s3 =	simm.s32 $0x108;
	s8 =	sld [smem:$0x3FAF]  }
0x2e: {  	s3 =	simm.s32 @!p0 $0x1082;
	s9 =	sld [smem:$0x3FB0]  }
0x2f: {  	lr =	sadd.s32 s0, s3;
	s0 =	sld [smem:$0x3FA7]  }
0x30: {  	s3 =	sld [smem:$0x3FAA]  }
0x31: {  	[smem:$0x3FB3] =	sst s10  }
0x32: {  	s10 =	sld [smem:$0x3FB1];
	_ =	sdelay $0x3  }
0x33: {  	p0 =	seq.s32 s10, $0x1;
	s10 =	sld [smem:$0x3FB3];
	_ =	sdelay $0x3  }
0x34: {  	[smem:$0x3FB3] =	sst s10  }
0x35: {  	s10 =	sld [smem:$0x3FB2];
	_ =	sdelay $0x3  }
0x36: {  	p1 =	seq.s32 s10, $0x1;
	s10 =	sld [smem:$0x3FB3];
	_ =	sdelay $0x3  }
0x37: {  	[smem:$0x3FB3] =	sst s10  }
0x38: {  	s10 =	sld [smem:$0x3FB4]  }
0x39: {  	_ = 	snop;
	(pc) =	sbr.ind lr, $3  }
0x3a: {  	_ = 	snop  }
0x3b: {  	_ = 	snop  }
0x3c: {  	p2 =	seq.s32 s10, $0x1;
	s10 =	sld [smem:$0x3FB3]  }
0x3d: {  	_ =	shalt  }
0x3e: {  	_ =	shalt  }
0x3f: {  	_ =	shalt  }
0x40: {  	_ =	shalt  }
0x41: {  	_ =	shalt  }
0x42: {  	_ =	shalt  }
0x43: {  	_ =	shalt  }
0x44: {  	_ =	shalt  }
0x45: {  	_ =	shalt  }
0x46: {  	_ =	shalt  }
0x47: {  	_ =	shalt  }
0x48: {  	_ =	shalt  }
0x49: {  	_ =	shalt  }
0x4a: {  	_ =	shalt  }
0x4b: {  	_ =	shalt  }
0x4c: {  	_ =	shalt  }
0x4d: {  	_ =	shalt  }
0x4e: {  	_ =	shalt  }
0x4f: {  	_ =	shalt  }
0x50: {  	_ =	shalt  }
0x51: {  	_ =	shalt  }
0x52: {  	_ =	shalt  }
0x53: {  	_ =	shalt  }
0x54: {  	_ =	shalt  }
0x55: {  	_ =	shalt  }
0x56: {  	_ =	shalt  }
0x57: {  	_ =	shalt  }
0x58: {  	_ =	shalt  }
0x59: {  	_ =	shalt  }
0x5a: {  	_ =	shalt  }
0x5b: {  	_ =	shalt  }
0x5c: {  	_ =	shalt  }
0x5d: {  	_ =	shalt  }
0x5e: {  	_ =	shalt  }
0x5f: {  	_ =	shalt  }
0x60: {  	_ =	shalt  }
0x61: {  	_ =	shalt  }
0x62: {  	_ =	shalt  }
0x63: {  	_ =	shalt  }
0x64: {  	_ =	shalt  }
0x65: {  	_ =	shalt  }
0x66: {  	_ =	shalt  }
0x67: {  	_ =	shalt  }
0x68: {  	_ =	shalt  }
0x69: {  	_ =	shalt  }
0x6a: {  	_ =	shalt  }
0x6b: {  	_ =	shalt  }
0x6c: {  	_ =	shalt  }
0x6d: {  	_ =	shalt  }
0x6e: {  	_ =	shalt  }
0x6f: {  	_ =	shalt  }
0x70: {  	_ =	shalt  }
0x71: {  	_ =	shalt  }
0x72: {  	_ =	shalt  }
0x73: {  	_ =	shalt  }
0x74: {  	_ =	shalt  }
0x75: {  	_ =	shalt  }
0x76: {  	_ =	shalt  }
0x77: {  	_ =	shalt  }
0x78: {  	_ =	shalt  }
0x79: {  	_ =	shalt  }
0x7a: {  	_ =	shalt  }
0x7b: {  	_ =	shalt  }
0x7c: {  	_ =	shalt  }
0x7d: {  	_ =	shalt  }
0x7e: {  	_ =	shalt  }
0x7f: {  	_ =	shalt  }
0x80: {  	_ =	shalt  }
0x81: {  	_ =	shalt  }
0x82: {  	_ =	shalt  }
0x83: {  	_ =	shalt  }
0x84: {  	_ =	shalt  }
0x85: {  	_ =	shalt  }
0x86: {  	_ =	shalt  }
0x87: {  	_ =	shalt  }
.Lfunc_end0:
.L_simem_size_0:
called_computation.3_lowered:
.L_overlay_start_0:
0x88: {  	s2 =	sld [smem:$0x3FD9]  }
0x89: {  	s3 =	sld [smem:$0x3FFE];
	_ =	sdelay $0x1  }
0x8a: {  	s1 =	srdreg.scid  }
0x8b: {  	s0 =	sand.u32 $0x1, s1  }
0x8c: {  	s17 =	sshll.u32 s0, $0xA;
	s2 =	sadd.s32 s3, s2  }
0x8d: {  	s2 =	sadd.s32 s2, s17  }
0x8e: {  	[smem:$0x3FBF] =	sst s2  }
0x8f: {  	_ = 	snop  }
0x90: {  	s18 =	sld [smem:$0x3FC6]  }
0x91: {  	s4 =	sld [smem:$0x3FC5];
	(tm) =	ssettm $0x1  }
0x92: {  	s19 =	sld [smem:$0x3FFB];
	_ =	sdelay $0x3  }
0x93: {  	_ =	strace s19  }
0x94: {  	s2 =	sld [smem:$0x3FFC];
	_ =	sdelay $0x3  }
0x95: {  	_ =	strace s2  }
0x96: {  	s2 =	sld [smem:$0x3FFD];
	_ =	sdelay $0x3  }
0x97: {  	_ =	strace s2  }
0x98: {  	_ =	strace $0x8FFFFFFF  }
0x99: {  	s20 =	sld [smem:$0x3FDB];
	_ =	sdelay $0x1  }
0x9a: {  	s5 =	simm.s32 $_scs_section_size  }
0x9b: {  	s6 =	simm.s32 $_size__tile_overlayer_lowered;
	s7 =	simm.s32 $_tile_overlayer_lowered  }
0x9c: {  	s8 =	simm.s32 $0x1BFF;
	s21 =	sshll.u32 s7, $0x1;
	s5 =	sadd.s32 s5, s20  }
0x9d: {  	s22 =	simm.s32 $0x0;
	s6 =	sshll.u32 s6, $0x1;
	s7 =	sadd.s32 s21, s5  }
0x9e: {  	[timem:s22], [sflag:s8] =	dma.local [hbm:s7], s6  }
0x9f: {  	_ =	swait.ge [sflag:s8], s6  }
0xa0: {  	s6 =	ssub.s32 $0x0, s6;
	[sflag:s8] =	ssyncset.done $0x0  }
0xa1: {  	[sflag:s8] =	ssyncadd.s32 s6;
	_ =	sdelay $0x1  }
0xa2: {  	s23 =	simm.s32 $0x1B8B  }
0xa3: {  	_ =	swait.ge [sflag:s23], $0x1  }
0xa4: {  	[sflag:s23] =	ssyncset.done $0x0  }
0xa5: {  	[sflag:s23] =	ssyncadd.s32 $0xFFFFFFFF  }
0xa6: {  	s6 =	sld [smem:$0x0]  }
0xa7: {  	s7 =	sand.u32 $0xFFFFFFFE, s1  }
0xa8: {  	p0 =	sne.s32 s1, s7  }
0xa9: {  	s7 =	sshll.u32 @p0 s7, $0xE  }
0xaa: {  	s7 =	sadd.s32 @p0 $0x11B8D, s7;
	s8 =	sshll.u32 @p0 s6, $0x11  }
0xab: {  	s7 =	sor.u32 @p0 s8, s7  }
0xac: {  	[sflag:s7] =	ssyncadd.remote.s32 @p0 $0x1;
	_ =	sdelay $0x1  }
0xad: {  	s7 =	simm.s32 @p0 $0x1B8D  }
0xae: {  	_ =	swait.eq @p0 [sflag:s7], $0x1  }
0xaf: {  	[sflag:s7] =	ssyncadd.s32 @p0 $0xFFFFFFFF  }
0xb0: {  	s8 =	sshll.u32 @!p0 s1, $0xE  }
0xb1: {  	s8 =	sor.u32 @!p0 $0x4000, s8;
	s7 =	simm.s32 @!p0 $0x1B8D  }
0xb2: {  	s6 =	sshll.u32 @!p0 s6, $0x11;
	s8 =	sadd.s32 @!p0 $0x11B8D, s8;
	_ =	swait.eq @!p0 [sflag:s7], $0x1  }
0xb3: {  	s6 =	sor.u32 @!p0 s6, s8;
	[sflag:s7] =	ssyncadd.s32 @!p0 $0xFFFFFFFF  }
0xb4: {  	s25 =	simm.s32 $0x1B8E;
	s24 =	sld [smem:$0x3FFE];
	[sflag:s6] =	ssyncadd.remote.s32 @!p0 $0x1  }
0xb5: {  	s26 =	simm.s32 $execute0_lowered;
	[smem:$0x3FD2] =	sst s25  }
0xb6: {  	s7 =	sshll.u32 s26, $0x1;
	_ =	strace $0x8000004C;
	[dreg:$0x1] =	wrdreg $0xFFFFFFFF  }
0xb7: {  	s28 =	simm.s32 $_size_execute0_lowered;
	s5 =	sadd.s32 s5, s7;
	[dreg:$0x0] =	wrdreg $0x0  }
0xb8: {  	s7 =	sshll.u32 s28, $0x1;
	[dreg:$0x2] =	wrdreg s5  }
0xb9: {  	[dreg:$0x3] =	wrdreg s7  }
0xba: {  	[dreg:$0x4] =	wrdreg $0xC0  }
0xbb: {  	_ =	task [dreg:s22], $0x5FFFF  }
0xbc: {  	[dreg:$0x1] =	wrdreg $0xFFFFFFFF  }
0xbd: {  	[dreg:$0x0] =	wrdreg $0x60  }
0xbe: {  	[dreg:$0x2] =	wrdreg s24  }
0xbf: {  	[dreg:$0x3] =	wrdreg s4  }
0xc0: {  	[dreg:$0x4] =	wrdreg s18  }
0xc1: {  	[dreg:$0x5] =	wrdreg $0x0  }
0xc2: {  	[dreg:$0x6] =	wrdreg $0xA  }
0xc3: {  	_ =	task.clear_ibuf [dreg:s22], $0x7FFFF;
	_ =	strace $0x9000004C  }
0xc4: {  	s29 =	simm.s32 $0xA;
	_ =	strace $0x8000004E  }
0xc5: {  	_ =	swait.ge [sflag:s29], $0x1  }
0xc6: {  	[sflag:s29] =	ssyncadd.s32 $0xFFFFFFFF  }
0xc7: {  	_ =	strace $0x9000004E  }
0xc8: {  	_ =	sfence  }
0xc9: {  	s30 =	sld [smem:$0x0];
	_ =	sdelay $0x2  }
0xca: {  	s31 =	sshll.u32 s1, $0xD;
	s1 =	sshrl.u32 s1, $0x2  }
0xcb: {  	s4 =	sand.u32 $0x4000, s31;
	s1 =	sadd.s32 s1, s30  }
0xcc: {  	s0 =	sor.u32 s4, s0;
	s1 =	sshll.u32 s1, $0x11  }
0xcd: {  	s0 =	sor.u32 s1, s0  }
0xce: {  	s0 =	sadd.s32 $0x8F2B, s0  }
0xcf: {  	[sflag:s0] =	ssyncadd.remote.s32 $0x1  }
0xd0: {  	_ =	sfence.sel $0xFFFF  }
0xd1: {  	[dreg:$0x0] =	wrdreg $0xFFFFFFFF;
	(pc) =	sbr.abs _section_cstart, $3  }
0xd2: {  	[dreg:$0x1] =	wrdreg $0xFFFFFFFF  }
0xd3: {  	_ =	task.clear_ibuf [dreg:s22], $0x2FFFF;
	_ =	strace $0x9FFFFFFF  }
0xd4: {  	(tm) =	ssettm $0x7FFFFFFF  }
0xd5: {  	_ =	shalt  }
tec
execute0_lowered:
.L_overlay_start_1:
0x0: {  	(tag) =	ssettag $0x1  }
0x1: {  	s0 =	rddreg [dreg:$0x0]  }
0x2: {  	s1 =	rddreg [dreg:$0x1]  }
0x3: {  	s4 =	rddreg [dreg:$0x2]  }
0x4: {  	s2 =	rddreg [dreg:$0x3];
	s12 =	stileid.u32  }
0x5: {  	s3 =	simm.s32 $0x0;
	s6 =	srdreg.scid;
	s5 =	smul.u32 $0x27100, s12  }
0x6: {  	s29 =	simm.s32 $0x18980;
	s30 =	simm.s32 $0x5;
	s8 =	smul.u32 $0x2710, s12  }
0x7: {  	s31 =	simm.s32 $0x18880;
	[smem:$0x7FF] =	sst s3;
	s9 =	smul.u32 $0x4E000, s12  }
0x8: {  	s7 =	sand.u32 $0x1, s6;
	s13 =	sadd.s32 $0x3A00, s0;
	s11 =	smul.u32 $0x2700, s12  }
0x9: {  	s14 =	sadd.s32 $0x2AC00, s0;
	s25 =	smul.u32 $0x4E2, s12;
	p1 =	sne.s32 s12, $0xF  }
0xa: {  	p2 =	seq.s32 s12, $0xF;
	_ =	strace $0x8000004D;
	[dreg:$0x6] =	wrdreg s14  }
0xb: {  	s12 =	simm.s32 $0x3;
	s6 =	ssub.s32 $0x2, s7;
	[dreg:$0x5] =	wrdreg s13  }
0xc: {  	p0 =	sne.s32 s7, $0x0;
	s7 =	simm.s32 $0x18900;
	s5 =	sadd.s32 s5, s0  }
0xd: {  	s16 =	sshrl.u32 s6, $0x1;
	s10 =	sshrl.u32 s8, $0x3;
	s9 =	sshrl.u32 s9, $0x2  }
0xe: {  	s17 =	sadd.s32 s14, s11;
	s19 =	sadd.s32 s13, s11;
	s11 =	simm.s32 $0x1  }
0xf: {  	s13 =	simm.s32 $0x4;
	s14 =	simm.s32 $0x0;
	[dreg:$0x8] =	wrdreg s17  }
0x10: {  	s0 =	ssub.s32 s6, s16;
	s8 =	sadd.s32 s4, s10;
	[dreg:$0xa] =	wrdreg s19  }
0x11: {  	s6 =	sadd.s32 $0x138000, s2;
	s18 =	sadd.s32 s1, s10;
	[dreg:$0x7] =	wrdreg s8  }
0x12: {  	s9 =	sadd.s32 s9, s2;
	[dreg:$0x9] =	wrdreg s18;
	s0 =	smax.u32 s0, $0x1  }
0x13: {  	s4 =	sadd.s32 s25, s4;
	s20 =	sadd.s32 $0x1800, s9;
	[dreg:$0xb] =	wrdreg s0  }
0x14: {  	s10 =	simm.s32 $0x16080;
	s21 =	sadd.s32 $0x3000, s9;
	[dreg:$0xc] =	wrdreg s20  }
0x15: {  	s8 =	sadd.s32 $0x2EA000, s5;
	s22 =	sadd.s32 $0x4800, s9;
	[dreg:$0xd] =	wrdreg s21  }
0x16: {  	s23 =	sadd.s32 $0x6000, s9;
	s24 =	sadd.s32 $0x7800, s9;
	[dreg:$0xe] =	wrdreg s22  }
0x17: {  	s26 =	sadd.s32 $0x9000, s9;
	s28 =	sadd.s32 $0x12000, s9;
	[dreg:$0xf] =	wrdreg s23  }
.Ltmp0:
0x18: {  	s5 =	simm.s32 $0x6;
	[dreg:$0x10] =	wrdreg s24;
	(pc) =	sbr.rel .LBB2_1-.Ltmp0, $4  }
0x19: {  	[dreg:$0x11] =	wrdreg s26;
	s20 =	sadd.s32 $0xA800, s9;
	s21 =	sadd.s32 $0xC000, s9  }
0x1a: {  	s0 =	sadd.s32 s25, s1;
	s22 =	sadd.s32 $0xD800, s9;
	s23 =	sadd.s32 $0xF000, s9  }
0x1b: {  	s24 =	sadd.s32 $0x14, s4;
	s26 =	sadd.s32 $0x10800, s9;
	s4 =	simm.s32 $0x50  }
0x1c: {  	v0 =	vimm.f32 $0.0e+00;
	s1 =	simm.s32 $0x2;
	s25 =	sadd.s32 $0x14, s0;
	s0 =	simm.s32 $0x13880  }
.LBB2_10:
0x1d: {  	s16 =	sadd.s32 $0x27000, s16;
	s17 =	sshrl.u32 s6, $0x3  }
0x1e: {  	[hbm:s16], [sflag:s15] =	dma.local [spmem:s17], $0x100  }
0x1f: {  	_ =	swait.ge [sflag:s5], $0x100  }
0x20: {  	[sflag:s5] =	ssyncset.done $0x0  }
0x21: {  	[sflag:s5] =	ssyncadd.s32 $0xFFFFFF00  }
.LBB2_11:
0x22: {  	s14 =	sadd.s32 $0x1, s14;
	s15 =	rddreg [dreg:$0xb]  }
0x23: {  	p3 =	sne.s32 s14, s15  }
.Ltmp1:
0x24: {  	_ = 	snop;
	(pc) =	sbr.rel @!p3 .LBB2_12-.Ltmp1, $1  }
0x25: {  	_ =	sdelay $0x3  }
.LBB2_1:
0x26: {  	s15 =	sand.u32 $0x7E00, s3  }
0x27: {  	s16 =	sand.u32 $0x70, s3;
	s17 =	sshrl.u32 s15, $0x2  }
0x28: {  	s15 =	simm.s32 $0x40;
	s17 =	sor.u32 s16, s17;
	s16 =	simm.s32 $0x0  }
.LBB2_2:
0x29: {  	p3 =	sne.s32 s15, $0x5FC0  }
0x2a: {  	[tilespmem:s17+$0x18980] =	vst v0;
	s16 =	sadd.s32 $0x10, s16;
	s17 =	smov.u32 s15;
	s15 =	sadd.s32 $0x40, s15  }
.Ltmp2:
0x2b: {  	(pc) =	sbr.rel @p3 .LBB2_2-.Ltmp2, $4  }
0x2c: {  	_ = 	snop  }
0x2d: {  	s17 =	sand.u32 $0x7E00, s17  }
0x2e: {  	s18 =	sand.u32 $0x70, s16;
	s17 =	sshrl.u32 s17, $0x2  }
0x2f: {  	s17 =	sor.u32 s18, s17  }
0x30: {  	[tilespmem:s17+$0x18980] =	vst v0  }
0x31: {  	[spmem:s9] =	stream.linear.scatter [tilespmem:s29], [sflag:$0x5], $0x1800, $0x38;
	[tilespmem:$0x1A180] =	vst v63  }
0x32: {  	s15 =	rddreg [dreg:$0xc]  }
0x33: {  	[spmem:s15] =	stream.linear.scatter [tilespmem:s29], [sflag:$0x5], $0x1800, $0x38;
	[tilespmem:$0x1A180] =	vst v63  }
0x34: {  	s19 =	rddreg [dreg:$0xd]  }
0x35: {  	[spmem:s19] =	stream.linear.scatter [tilespmem:s29], [sflag:$0x5], $0x1800, $0x38;
	[tilespmem:$0x1A180] =	vst v63  }
0x36: {  	s16 =	rddreg [dreg:$0xe]  }
0x37: {  	[spmem:s16] =	stream.linear.scatter [tilespmem:s29], [sflag:$0x5], $0x1800, $0x38;
	[tilespmem:$0x1A180] =	vst v63  }
0x38: {  	s17 =	rddreg [dreg:$0xf]  }
0x39: {  	[spmem:s17] =	stream.linear.scatter [tilespmem:s29], [sflag:$0x5], $0x1800, $0x38;
	[tilespmem:$0x1A180] =	vst v63  }
0x3a: {  	s18 =	rddreg [dreg:$0x10]  }
0x3b: {  	[spmem:s18] =	stream.linear.scatter [tilespmem:s29], [sflag:$0x5], $0x1800, $0x38;
	[tilespmem:$0x1A180] =	vst v63  }
0x3c: {  	s19 =	rddreg [dreg:$0x11]  }
0x3d: {  	[spmem:s19] =	stream.linear.scatter [tilespmem:s29], [sflag:$0x5], $0x1800, $0x38;
	[tilespmem:$0x1A180] =	vst v63  }
0x3e: {  	_ = 	snop  }
0x3f: {  	[spmem:s20] =	stream.linear.scatter [tilespmem:s29], [sflag:$0x5], $0x1800, $0x38;
	[tilespmem:$0x1A180] =	vst v63  }
0x40: {  	_ = 	snop  }
0x41: {  	[spmem:s21] =	stream.linear.scatter [tilespmem:s29], [sflag:$0x5], $0x1800, $0x38;
	[tilespmem:$0x1A180] =	vst v63  }
0x42: {  	_ = 	snop  }
0x43: {  	[spmem:s22] =	stream.linear.scatter [tilespmem:s29], [sflag:$0x5], $0x1800, $0x38;
	[tilespmem:$0x1A180] =	vst v63  }
0x44: {  	_ = 	snop  }
0x45: {  	[spmem:s23] =	stream.linear.scatter [tilespmem:s29], [sflag:$0x5], $0x1800, $0x38;
	[tilespmem:$0x1A180] =	vst v63  }
0x46: {  	_ = 	snop  }
0x47: {  	[spmem:s26] =	stream.linear.scatter [tilespmem:s29], [sflag:$0x5], $0x1800, $0x38;
	[tilespmem:$0x1A180] =	vst v63  }
0x48: {  	_ = 	snop  }
0x49: {  	[spmem:s28] =	stream.linear.scatter [tilespmem:s29], [sflag:$0x5], $0x1800, $0x38;
	[tilespmem:$0x1A180] =	vst v63  }
0x4a: {  	_ =	swait.ge [sflag:s30], $0x1800  }
0x4b: {  	[sflag:s30] =	ssyncset.done $0x0  }
0x4c: {  	[sflag:s30] =	ssyncadd.s32 $0xFFFFE800  }
0x4d: {  	_ =	swait.ge [sflag:s30], $0x1800  }
0x4e: {  	[sflag:s30] =	ssyncset.done $0x0  }
0x4f: {  	[sflag:s30] =	ssyncadd.s32 $0xFFFFE800  }
0x50: {  	_ =	swait.ge [sflag:s30], $0x1800  }
0x51: {  	[sflag:s30] =	ssyncset.done $0x0  }
0x52: {  	[sflag:s30] =	ssyncadd.s32 $0xFFFFE800  }
0x53: {  	_ =	swait.ge [sflag:s30], $0x1800  }
0x54: {  	[sflag:s30] =	ssyncset.done $0x0  }
0x55: {  	[sflag:s30] =	ssyncadd.s32 $0xFFFFE800  }
0x56: {  	_ =	swait.ge [sflag:s30], $0x1800  }
0x57: {  	[sflag:s30] =	ssyncset.done $0x0  }
0x58: {  	[sflag:s30] =	ssyncadd.s32 $0xFFFFE800  }
0x59: {  	_ =	swait.ge [sflag:s30], $0x1800  }
0x5a: {  	[sflag:s30] =	ssyncset.done $0x0  }
0x5b: {  	[sflag:s30] =	ssyncadd.s32 $0xFFFFE800  }
0x5c: {  	_ =	swait.ge [sflag:s30], $0x1800  }
0x5d: {  	[sflag:s30] =	ssyncset.done $0x0  }
0x5e: {  	[sflag:s30] =	ssyncadd.s32 $0xFFFFE800  }
0x5f: {  	_ =	swait.ge [sflag:s30], $0x1800  }
0x60: {  	[sflag:s30] =	ssyncset.done $0x0  }
0x61: {  	[sflag:s30] =	ssyncadd.s32 $0xFFFFE800  }
0x62: {  	_ =	swait.ge [sflag:s30], $0x1800  }
0x63: {  	[sflag:s30] =	ssyncset.done $0x0  }
0x64: {  	[sflag:s30] =	ssyncadd.s32 $0xFFFFE800  }
0x65: {  	_ =	swait.ge [sflag:s30], $0x1800  }
0x66: {  	[sflag:s30] =	ssyncset.done $0x0  }
0x67: {  	[sflag:s30] =	ssyncadd.s32 $0xFFFFE800  }
0x68: {  	_ =	swait.ge [sflag:s30], $0x1800  }
0x69: {  	[sflag:s30] =	ssyncset.done $0x0  }
0x6a: {  	[sflag:s30] =	ssyncadd.s32 $0xFFFFE800  }
0x6b: {  	_ =	swait.ge [sflag:s30], $0x1800  }
0x6c: {  	[sflag:s30] =	ssyncset.done $0x0  }
0x6d: {  	[sflag:s30] =	ssyncadd.s32 $0xFFFFE800  }
0x6e: {  	_ =	swait.ge [sflag:s30], $0x1800  }
0x6f: {  	[sflag:s30] =	ssyncset.done $0x0  }
0x70: {  	s15 =	simm.s32 @!p1 $0x18980;
	[sflag:s30] =	ssyncadd.s32 $0xFFFFE800  }
0x71: {  	[spmem:s6] =	stream.linear.scatter @!p1 [tilespmem:s15], [sflag:$0x6], $0x800, $0x38;
	[tilespmem:$0x1A180] =	vst v63  }
0x72: {  	s15 =	simm.s32 @!p1 $0x6  }
.Ltmp3:
0x73: {  	_ =	swait.ge @!p1 [sflag:s15], $0x800;
	(pc) =	sbr.rel @p0 .LBB2_7-.Ltmp3, $4  }
0x74: {  	[sflag:s15] =	ssyncset.done @!p1 $0x0  }
0x75: {  	[sflag:s15] =	ssyncadd.s32 @!p1 $0xFFFFF800  }
0x76: {  	[bflag:$0x0] =	sbarrier.arrive $0xFFFF  }
0x77: {  	s15 =	simm.s32 $0x0  }
0x78: {  	s16 =	rddreg [dreg:$0x9]  }
0x79: {  	[tilespmem:s31], [sflag:$0x3] =	stream.linear.gather [hbm4b:s16+s15], $0x50, $0x38;
	[tilespmem:$0x1A180] =	vst v63  }
0x7a: {  	_ = 	snop  }
0x7b: {  	[tilespmem:s0], [sflag:$0x1] =	stream.linear.gather [hbm4b:s8+s15], $0x2800, $0x38;
	[tilespmem:$0x1A180] =	vst v63  }
0x7c: {  	s17 =	sadd.s32 $0x0, s8;
	s16 =	sadd.s32 $0xFFFFFFF6, s25  }
0x7d: {  	[tilespmem:s7], [sflag:$0x4] =	stream.linear.gather [hbm4b:s16+s3], $0x50, $0x38;
	[tilespmem:$0x1A180] =	vst v63  }
0x7e: {  	s18 =	sadd.s32 $0x500, s17  }
0x7f: {  	[tilespmem:s10], [sflag:$0x2] =	stream.linear.gather [hbm4b:s18+s3], $0x2800, $0x38;
	[tilespmem:$0x1A180] =	vst v63  }
0x80: {  	_ =	swait.ge [sflag:s11], $0x2800  }
0x81: {  	[sflag:s11] =	ssyncset.done $0x0  }
0x82: {  	[sflag:s11] =	ssyncadd.s32 $0xFFFFD800  }
0x83: {  	_ =	swait.ge [sflag:s12], $0x50  }
0x84: {  	[sflag:s12] =	ssyncset.done $0x0  }
0x85: {  	[sflag:s12] =	ssyncadd.s32 $0xFFFFFFB0  }
0x86: {  	[spmem:s2] =	stream.indirect.scatter.add.f32 [tilespmem:s0], [sflag:$0x6], $0x80, s31, s4, $0xb8;
	[tilespmem:$0x1A180] =	vst v63  }
0x87: {  	_ =	swait.ge [sflag:s5], $0x2800  }
0x88: {  	[sflag:s5] =	ssyncset.done $0x0  }
0x89: {  	[sflag:s5] =	ssyncadd.s32 $0xFFFFD800  }
0x8a: {  	[tilespmem:s31], [sflag:$0x3] =	stream.linear.gather [hbm4b:s25+s3], $0x50, $0x38;
	[tilespmem:$0x1A180] =	vst v63  }
0x8b: {  	s19 =	sadd.s32 $0xA00, s17  }
0x8c: {  	[tilespmem:s0], [sflag:$0x1] =	stream.linear.gather [hbm4b:s19+s3], $0x2800, $0x38;
	[tilespmem:$0x1A180] =	vst v63  }
0x8d: {  	_ =	swait.ge [sflag:s1], $0x2800  }
0x8e: {  	[sflag:s1] =	ssyncset.done $0x0  }
0x8f: {  	[sflag:s1] =	ssyncadd.s32 $0xFFFFD800  }
0x90: {  	_ =	swait.ge [sflag:s13], $0x50  }
0x91: {  	[sflag:s13] =	ssyncset.done $0x0  }
0x92: {  	[sflag:s13] =	ssyncadd.s32 $0xFFFFFFB0  }
0x93: {  	[spmem:s2] =	stream.indirect.scatter.add.f32 [tilespmem:s10], [sflag:$0x6], $0x80, s7, s4, $0xb8;
	[tilespmem:$0x1A180] =	vst v63  }
0x94: {  	s17 =	simm.s32 $0x1400;
	_ =	swait.ge [sflag:s5], $0x2800  }
0x95: {  	s15 =	sadd.s32 $0x14, s25;
	s16 =	simm.s32 $0xA00;
	[sflag:s5] =	ssyncset.done $0x0  }
.LBB2_5:
0x96: {  	s18 =	sadd.s32 $0xFFFFFFF6, s15  }
0x97: {  	s19 =	sadd.s32 s16, s8;
	[sflag:s5] =	ssyncadd.s32 $0xFFFFD800;
	s16 =	smov.u32 s17  }
0x98: {  	[tilespmem:s7], [sflag:$0x4] =	stream.linear.gather [hbm4b:s18+s3], $0x50, $0x38;
	[tilespmem:$0x1A180] =	vst v63  }
0x99: {  	p3 =	sne.s32 s17, $0x26200;
	s17 =	sadd.s32 $0xA00, s17;
	s18 =	sadd.s32 $0x500, s19  }
0x9a: {  	[tilespmem:s10], [sflag:$0x2] =	stream.linear.gather [hbm4b:s18+s3], $0x2800, $0x38;
	[tilespmem:$0x1A180] =	vst v63  }
0x9b: {  	_ =	swait.ge [sflag:s11], $0x2800  }
0x9c: {  	[sflag:s11] =	ssyncset.done $0x0  }
0x9d: {  	[sflag:s11] =	ssyncadd.s32 $0xFFFFD800  }
0x9e: {  	_ =	swait.ge [sflag:s12], $0x50  }
0x9f: {  	[sflag:s12] =	ssyncset.done $0x0  }
0xa0: {  	[sflag:s12] =	ssyncadd.s32 $0xFFFFFFB0  }
0xa1: {  	[spmem:s2] =	stream.indirect.scatter.add.f32 [tilespmem:s0], [sflag:$0x6], $0x80, s31, s4, $0xb8;
	[tilespmem:$0x1A180] =	vst v63  }
0xa2: {  	_ =	swait.ge [sflag:s5], $0x2800  }
0xa3: {  	[sflag:s5] =	ssyncset.done $0x0  }
0xa4: {  	[sflag:s5] =	ssyncadd.s32 $0xFFFFD800  }
0xa5: {  	[tilespmem:s31], [sflag:$0x3] =	stream.linear.gather [hbm4b:s15+s3], $0x50, $0x38;
	[tilespmem:$0x1A180] =	vst v63  }
0xa6: {  	s18 =	sadd.s32 $0xA00, s19  }
0xa7: {  	[tilespmem:s0], [sflag:$0x1] =	stream.linear.gather [hbm4b:s18+s3], $0x2800, $0x38;
	[tilespmem:$0x1A180] =	vst v63  }
0xa8: {  	_ =	swait.ge [sflag:s1], $0x2800  }
0xa9: {  	[sflag:s1] =	ssyncset.done $0x0  }
0xaa: {  	[sflag:s1] =	ssyncadd.s32 $0xFFFFD800  }
0xab: {  	_ =	swait.ge [sflag:s13], $0x50  }
.Ltmp4:
0xac: {  	[sflag:s13] =	ssyncset.done $0x0;
	(pc) =	sbr.rel @p3 .LBB2_5-.Ltmp4, $4  }
0xad: {  	[sflag:s13] =	ssyncadd.s32 $0xFFFFFFB0  }
0xae: {  	[spmem:s2] =	stream.indirect.scatter.add.f32 [tilespmem:s10], [sflag:$0x6], $0x80, s7, s4, $0xb8;
	[tilespmem:$0x1A180] =	vst v63  }
0xaf: {  	_ =	swait.ge [sflag:s5], $0x2800  }
0xb0: {  	s15 =	sadd.s32 $0x14, s15;
	[sflag:s5] =	ssyncset.done $0x0  }
0xb1: {  	s17 =	sadd.s32 $0xFFFFFFF6, s15;
	s16 =	sadd.s32 s16, s8;
	[sflag:s5] =	ssyncadd.s32 $0xFFFFD800  }
0xb2: {  	[tilespmem:s7], [sflag:$0x4] =	stream.linear.gather [hbm4b:s17+s3], $0x50, $0x38;
	[tilespmem:$0x1A180] =	vst v63  }
0xb3: {  	s19 =	sadd.s32 $0x500, s16  }
0xb4: {  	[tilespmem:s10], [sflag:$0x2] =	stream.linear.gather [hbm4b:s19+s3], $0x2800, $0x38;
	[tilespmem:$0x1A180] =	vst v63  }
0xb5: {  	_ =	swait.ge [sflag:s11], $0x2800  }
0xb6: {  	[sflag:s11] =	ssyncset.done $0x0  }
0xb7: {  	[sflag:s11] =	ssyncadd.s32 $0xFFFFD800  }
0xb8: {  	_ =	swait.ge [sflag:s12], $0x50  }
0xb9: {  	[sflag:s12] =	ssyncset.done $0x0  }
0xba: {  	[sflag:s12] =	ssyncadd.s32 $0xFFFFFFB0  }
0xbb: {  	[spmem:s2] =	stream.indirect.scatter.add.f32 [tilespmem:s0], [sflag:$0x6], $0x80, s31, s4, $0xb8;
	[tilespmem:$0x1A180] =	vst v63  }
0xbc: {  	_ =	swait.ge [sflag:s5], $0x2800  }
0xbd: {  	[sflag:s5] =	ssyncset.done $0x0  }
0xbe: {  	[sflag:s5] =	ssyncadd.s32 $0xFFFFD800  }
0xbf: {  	[tilespmem:s31], [sflag:$0x3] =	stream.linear.gather [hbm4b:s15+s3], $0x50, $0x38;
	[tilespmem:$0x1A180] =	vst v63  }
0xc0: {  	s16 =	sadd.s32 $0xA00, s16  }
0xc1: {  	[tilespmem:s0], [sflag:$0x1] =	stream.linear.gather [hbm4b:s16+s3], $0x2800, $0x38;
	[tilespmem:$0x1A180] =	vst v63  }
0xc2: {  	_ =	swait.ge [sflag:s1], $0x2800  }
0xc3: {  	[sflag:s1] =	ssyncset.done $0x0  }
0xc4: {  	[sflag:s1] =	ssyncadd.s32 $0xFFFFD800  }
0xc5: {  	_ =	swait.ge [sflag:s13], $0x50  }
0xc6: {  	[sflag:s13] =	ssyncset.done $0x0  }
0xc7: {  	[sflag:s13] =	ssyncadd.s32 $0xFFFFFFB0  }
0xc8: {  	[spmem:s2] =	stream.indirect.scatter.add.f32 [tilespmem:s10], [sflag:$0x6], $0x80, s7, s4, $0xb8;
	[tilespmem:$0x1A180] =	vst v63  }
0xc9: {  	_ =	swait.ge [sflag:s5], $0x2800  }
0xca: {  	[sflag:s5] =	ssyncset.done $0x0  }
0xcb: {  	[sflag:s5] =	ssyncadd.s32 $0xFFFFD800  }
0xcc: {  	_ =	swait.ge [sflag:s11], $0x2800  }
0xcd: {  	[sflag:s11] =	ssyncset.done $0x0  }
0xce: {  	[sflag:s11] =	ssyncadd.s32 $0xFFFFD800  }
0xcf: {  	_ =	swait.ge [sflag:s12], $0x50  }
0xd0: {  	[sflag:s12] =	ssyncset.done $0x0  }
0xd1: {  	[sflag:s12] =	ssyncadd.s32 $0xFFFFFFB0  }
0xd2: {  	[spmem:s2] =	stream.indirect.scatter.add.f32 [tilespmem:s0], [sflag:$0x6], $0x80, s31, s4, $0xb8;
	[tilespmem:$0x1A180] =	vst v63  }
0xd3: {  	_ =	swait.ge [sflag:s5], $0x2800  }
0xd4: {  	[sflag:s5] =	ssyncset.done $0x0  }
0xd5: {  	s17 =	stileid.u32;
	[sflag:s5] =	ssyncadd.s32 $0xFFFFD800  }
0xd6: {  	s15 =	sshll.u32 s17, $0x6;
	[bflag:$0x0] =	sbarrier.arrive $0xFFFF  }
0xd7: {  	s18 =	sshrl.u32 s9, $0x3;
	s15 =	sor.u32 $0x1C06, s15;
	s19 =	rddreg [dreg:$0xa]  }
0xd8: {  	[hbm:s19], [sflag:s15] =	dma.local [spmem:s18], $0x2700  }
.Ltmp5:
0xd9: {  	_ = 	snop;
	(pc) =	sbr.rel @p2 .LBB2_10-.Ltmp5, $4  }
.Ltmp6:
0xda: {  	_ = 	snop;
	(pc) =	sbr.rel @!p2 .LBB2_11-.Ltmp6, $4  }
0xdb: {  	_ =	swait.ge [sflag:s5], $0x2700  }
0xdc: {  	[sflag:s5] =	ssyncset.done $0x0  }
0xdd: {  	s16 =	rddreg [dreg:$0x5];
	[sflag:s5] =	ssyncadd.s32 $0xFFFFD900  }
0xde: {  	_ = 	snop  }
.LBB2_7:
0xdf: {  	s16 =	rddreg [dreg:$0x7]  }
0xe0: {  	[tilespmem:s31], [sflag:$0x3] =	stream.linear.gather [hbm4b:s16+s15], $0x50, $0x38;
	[tilespmem:$0x1A180] =	vst v63  }
0xe1: {  	_ = 	snop  }
0xe2: {  	[tilespmem:s0], [sflag:$0x1] =	stream.linear.gather [hbm4b:s8+s15], $0x2800, $0x38;
	[tilespmem:$0x1A180] =	vst v63  }
0xe3: {  	s17 =	sadd.s32 $0x0, s8;
	s16 =	sadd.s32 $0xFFFFFFF6, s24  }
0xe4: {  	[tilespmem:s7], [sflag:$0x4] =	stream.linear.gather [hbm4b:s16+s3], $0x50, $0x38;
	[tilespmem:$0x1A180] =	vst v63  }
0xe5: {  	s18 =	sadd.s32 $0x500, s17  }
0xe6: {  	[tilespmem:s10], [sflag:$0x2] =	stream.linear.gather [hbm4b:s18+s3], $0x2800, $0x38;
	[tilespmem:$0x1A180] =	vst v63  }
0xe7: {  	_ =	swait.ge [sflag:s11], $0x2800  }
0xe8: {  	[sflag:s11] =	ssyncset.done $0x0  }
0xe9: {  	[sflag:s11] =	ssyncadd.s32 $0xFFFFD800  }
0xea: {  	_ =	swait.ge [sflag:s12], $0x50  }
0xeb: {  	[sflag:s12] =	ssyncset.done $0x0  }
0xec: {  	[sflag:s12] =	ssyncadd.s32 $0xFFFFFFB0  }
0xed: {  	[spmem:s2] =	stream.indirect.scatter.add.f32 [tilespmem:s0], [sflag:$0x6], $0x80, s31, s4, $0xb8;
	[tilespmem:$0x1A180] =	vst v63  }
0xee: {  	_ =	swait.ge [sflag:s5], $0x2800  }
0xef: {  	[sflag:s5] =	ssyncset.done $0x0  }
0xf0: {  	[sflag:s5] =	ssyncadd.s32 $0xFFFFD800  }
0xf1: {  	[tilespmem:s31], [sflag:$0x3] =	stream.linear.gather [hbm4b:s24+s3], $0x50, $0x38;
	[tilespmem:$0x1A180] =	vst v63  }
0xf2: {  	s19 =	sadd.s32 $0xA00, s17  }
0xf3: {  	[tilespmem:s0], [sflag:$0x1] =	stream.linear.gather [hbm4b:s19+s3], $0x2800, $0x38;
	[tilespmem:$0x1A180] =	vst v63  }
0xf4: {  	_ =	swait.ge [sflag:s1], $0x2800  }
0xf5: {  	[sflag:s1] =	ssyncset.done $0x0  }
0xf6: {  	[sflag:s1] =	ssyncadd.s32 $0xFFFFD800  }
0xf7: {  	_ =	swait.ge [sflag:s13], $0x50  }
0xf8: {  	[sflag:s13] =	ssyncset.done $0x0  }
0xf9: {  	[sflag:s13] =	ssyncadd.s32 $0xFFFFFFB0  }
0xfa: {  	[spmem:s2] =	stream.indirect.scatter.add.f32 [tilespmem:s10], [sflag:$0x6], $0x80, s7, s4, $0xb8;
	[tilespmem:$0x1A180] =	vst v63  }
0xfb: {  	s17 =	simm.s32 $0x1400;
	_ =	swait.ge [sflag:s5], $0x2800  }
0xfc: {  	s15 =	sadd.s32 $0x14, s24;
	s16 =	simm.s32 $0xA00;
	[sflag:s5] =	ssyncset.done $0x0  }
.LBB2_8:
0xfd: {  	s18 =	sadd.s32 $0xFFFFFFF6, s15  }
0xfe: {  	s19 =	sadd.s32 s16, s8;
	[sflag:s5] =	ssyncadd.s32 $0xFFFFD800;
	s16 =	smov.u32 s17  }
0xff: {  	[tilespmem:s7], [sflag:$0x4] =	stream.linear.gather [hbm4b:s18+s3], $0x50, $0x38;
	[tilespmem:$0x1A180] =	vst v63  }
0x100: {  	p3 =	sne.s32 s17, $0x26200;
	s17 =	sadd.s32 $0xA00, s17;
	s18 =	sadd.s32 $0x500, s19  }
0x101: {  	[tilespmem:s10], [sflag:$0x2] =	stream.linear.gather [hbm4b:s18+s3], $0x2800, $0x38;
	[tilespmem:$0x1A180] =	vst v63  }
0x102: {  	_ =	swait.ge [sflag:s11], $0x2800  }
0x103: {  	[sflag:s11] =	ssyncset.done $0x0  }
0x104: {  	[sflag:s11] =	ssyncadd.s32 $0xFFFFD800  }
0x105: {  	_ =	swait.ge [sflag:s12], $0x50  }
0x106: {  	[sflag:s12] =	ssyncset.done $0x0  }
0x107: {  	[sflag:s12] =	ssyncadd.s32 $0xFFFFFFB0  }
0x108: {  	[spmem:s2] =	stream.indirect.scatter.add.f32 [tilespmem:s0], [sflag:$0x6], $0x80, s31, s4, $0xb8;
	[tilespmem:$0x1A180] =	vst v63  }
0x109: {  	_ =	swait.ge [sflag:s5], $0x2800  }
0x10a: {  	[sflag:s5] =	ssyncset.done $0x0  }
0x10b: {  	[sflag:s5] =	ssyncadd.s32 $0xFFFFD800  }
0x10c: {  	[tilespmem:s31], [sflag:$0x3] =	stream.linear.gather [hbm4b:s15+s3], $0x50, $0x38;
	[tilespmem:$0x1A180] =	vst v63  }
0x10d: {  	s18 =	sadd.s32 $0xA00, s19  }
0x10e: {  	[tilespmem:s0], [sflag:$0x1] =	stream.linear.gather [hbm4b:s18+s3], $0x2800, $0x38;
	[tilespmem:$0x1A180] =	vst v63  }
0x10f: {  	_ =	swait.ge [sflag:s1], $0x2800  }
0x110: {  	[sflag:s1] =	ssyncset.done $0x0  }
0x111: {  	[sflag:s1] =	ssyncadd.s32 $0xFFFFD800  }
0x112: {  	_ =	swait.ge [sflag:s13], $0x50  }
.Ltmp7:
0x113: {  	[sflag:s13] =	ssyncset.done $0x0;
	(pc) =	sbr.rel @p3 .LBB2_8-.Ltmp7, $4  }
0x114: {  	[sflag:s13] =	ssyncadd.s32 $0xFFFFFFB0  }
0x115: {  	[spmem:s2] =	stream.indirect.scatter.add.f32 [tilespmem:s10], [sflag:$0x6], $0x80, s7, s4, $0xb8;
	[tilespmem:$0x1A180] =	vst v63  }
0x116: {  	_ =	swait.ge [sflag:s5], $0x2800  }
0x117: {  	s15 =	sadd.s32 $0x14, s15;
	[sflag:s5] =	ssyncset.done $0x0  }
0x118: {  	s17 =	sadd.s32 $0xFFFFFFF6, s15;
	s16 =	sadd.s32 s16, s8;
	[sflag:s5] =	ssyncadd.s32 $0xFFFFD800  }
0x119: {  	[tilespmem:s7], [sflag:$0x4] =	stream.linear.gather [hbm4b:s17+s3], $0x50, $0x38;
	[tilespmem:$0x1A180] =	vst v63  }
0x11a: {  	s19 =	sadd.s32 $0x500, s16  }
0x11b: {  	[tilespmem:s10], [sflag:$0x2] =	stream.linear.gather [hbm4b:s19+s3], $0x2800, $0x38;
	[tilespmem:$0x1A180] =	vst v63  }
0x11c: {  	_ =	swait.ge [sflag:s11], $0x2800  }
0x11d: {  	[sflag:s11] =	ssyncset.done $0x0  }
0x11e: {  	[sflag:s11] =	ssyncadd.s32 $0xFFFFD800  }
0x11f: {  	_ =	swait.ge [sflag:s12], $0x50  }
0x120: {  	[sflag:s12] =	ssyncset.done $0x0  }
0x121: {  	[sflag:s12] =	ssyncadd.s32 $0xFFFFFFB0  }
0x122: {  	[spmem:s2] =	stream.indirect.scatter.add.f32 [tilespmem:s0], [sflag:$0x6], $0x80, s31, s4, $0xb8;
	[tilespmem:$0x1A180] =	vst v63  }
0x123: {  	_ =	swait.ge [sflag:s5], $0x2800  }
0x124: {  	[sflag:s5] =	ssyncset.done $0x0  }
0x125: {  	[sflag:s5] =	ssyncadd.s32 $0xFFFFD800  }
0x126: {  	[tilespmem:s31], [sflag:$0x3] =	stream.linear.gather [hbm4b:s15+s3], $0x50, $0x38;
	[tilespmem:$0x1A180] =	vst v63  }
0x127: {  	s16 =	sadd.s32 $0xA00, s16  }
0x128: {  	[tilespmem:s0], [sflag:$0x1] =	stream.linear.gather [hbm4b:s16+s3], $0x2800, $0x38;
	[tilespmem:$0x1A180] =	vst v63  }
0x129: {  	_ =	swait.ge [sflag:s1], $0x2800  }
0x12a: {  	[sflag:s1] =	ssyncset.done $0x0  }
0x12b: {  	[sflag:s1] =	ssyncadd.s32 $0xFFFFD800  }
0x12c: {  	_ =	swait.ge [sflag:s13], $0x50  }
0x12d: {  	[sflag:s13] =	ssyncset.done $0x0  }
0x12e: {  	[sflag:s13] =	ssyncadd.s32 $0xFFFFFFB0  }
0x12f: {  	[spmem:s2] =	stream.indirect.scatter.add.f32 [tilespmem:s10], [sflag:$0x6], $0x80, s7, s4, $0xb8;
	[tilespmem:$0x1A180] =	vst v63  }
0x130: {  	_ =	swait.ge [sflag:s5], $0x2800  }
0x131: {  	[sflag:s5] =	ssyncset.done $0x0  }
0x132: {  	[sflag:s5] =	ssyncadd.s32 $0xFFFFD800  }
0x133: {  	_ =	swait.ge [sflag:s11], $0x2800  }
0x134: {  	[sflag:s11] =	ssyncset.done $0x0  }
0x135: {  	[sflag:s11] =	ssyncadd.s32 $0xFFFFD800  }
0x136: {  	_ =	swait.ge [sflag:s12], $0x50  }
0x137: {  	[sflag:s12] =	ssyncset.done $0x0  }
0x138: {  	[sflag:s12] =	ssyncadd.s32 $0xFFFFFFB0  }
0x139: {  	[spmem:s2] =	stream.indirect.scatter.add.f32 [tilespmem:s0], [sflag:$0x6], $0x80, s31, s4, $0xb8;
	[tilespmem:$0x1A180] =	vst v63  }
0x13a: {  	_ =	swait.ge [sflag:s5], $0x2800  }
0x13b: {  	[sflag:s5] =	ssyncset.done $0x0  }
0x13c: {  	s17 =	stileid.u32;
	[sflag:s5] =	ssyncadd.s32 $0xFFFFD800  }
0x13d: {  	s15 =	sshll.u32 s17, $0x6;
	[bflag:$0x0] =	sbarrier.arrive $0xFFFF  }
0x13e: {  	s18 =	sshrl.u32 s9, $0x3;
	s15 =	sor.u32 $0x1C06, s15;
	s19 =	rddreg [dreg:$0x8]  }
0x13f: {  	[hbm:s19], [sflag:s15] =	dma.local [spmem:s18], $0x2700  }
.Ltmp8:
0x140: {  	_ = 	snop;
	(pc) =	sbr.rel @p1 .LBB2_11-.Ltmp8, $4  }
.Ltmp9:
0x141: {  	_ = 	snop;
	(pc) =	sbr.rel @!p1 .LBB2_10-.Ltmp9, $4  }
0x142: {  	_ =	swait.ge [sflag:s5], $0x2700  }
0x143: {  	[sflag:s5] =	ssyncset.done $0x0  }
0x144: {  	s16 =	rddreg [dreg:$0x6];
	[sflag:s5] =	ssyncadd.s32 $0xFFFFD900  }
0x145: {  	_ = 	snop  }
.LBB2_12:
0x146: {  	_ =	sfence.sel $0x180000  }
0x147: {  	[bflag:$0x0] =	sbarrier.arrive $0xFFFF  }
0x148: {  	_ =	strace $0x9000004D  }
0x149: {  	s0 =	stileid.u32;
	[bflag:$0x2] =	sbarrier.arrive $0xFFFF  }
0x14a: {  	p0 =	sne.s32 s0, $0x0;
	s0 =	rddreg [dreg:$0x4]  }
0x14b: {  	s0 =	sadd.s32 @!p0 $0x100000, s0  }
0x14c: {  	[sflag:s0] =	ssyncadd.tile.s32 @!p0 $0x1;
	_ =	shalt  }
.Lfunc_end2:
_tile_overlayer_lowered:
.L_overlay_start_2:
0x14d: {  	(tag) =	ssettag $0x2  }
0x14e: {  	s0 =	rddreg [dreg:$0x0];
	s2 =	stileid.u32  }
0x14f: {  	s1 =	rddreg [dreg:$0x1];
	p0 =	sne.s32 s2, $0x0  }
0x150: {  	s3 =	rddreg [dreg:$0x2];
	[bflag:$0x3] =	sbarrier.arrive $0xFFFF;
	s2 =	simm.s32 @!p0 $0x1C06  }
0x151: {  	[timem:s3], [sflag:s2] =	dma.local @!p0 [hbm:s0], s1  }
0x152: {  	s0 =	simm.s32 @!p0 $0x6  }
0x153: {  	_ =	swait.ge @!p0 [sflag:s0], s1  }
0x154: {  	s1 =	ssub.s32 @!p0 $0x0, s1;
	[sflag:s0] =	ssyncset.done @!p0 $0x0  }
0x155: {  	[sflag:s0] =	ssyncadd.s32 @!p0 s1  }
0x156: {  	[bflag:$0x3] =	sbarrier.arrive $0xFFFF  }
0x157: {  	_ =	shalt  }

</sc_bundles>
